<compile_context>
chip_gen: v7x
topology: tpu7x:2x2x1
jax: 0.10.2.dev20260603
libtpu: 0.0.44.dev20260713+nightly
codegen_flags: <defaults>
</compile_context>

<pallas_src>
import functools

import jax
import jax.numpy as jnp
from jax import lax
from jax.experimental import pallas as pl
from jax.experimental.pallas import tpu as pltpu
from jax.experimental.pallas import tpu_sc as plsc

N_NODE = 10000
N_EDGE = 320000
N_MOL = 256
F = 128
NRBF = 16

NC = 2
NS = 16
NW = NC * NS

EPW = N_EDGE // NW
EPT = N_EDGE // NS
ZCH = 80
NZC = N_NODE // ZCH


def _sc_gather_body(src_h, dst_h, code_h, cx_h, cy_h, cz_h,
                    cs_out, d2_out,
                    src_v, dst_v, code_v, cx_v, cy_v, cz_v, cs_v, d2_v):
    c = lax.axis_index("c")
    s = lax.axis_index("s")
    w = s * NC + c
    base = w * EPW
    pltpu.sync_copy(src_h.at[pl.ds(base, EPW)], src_v)
    pltpu.sync_copy(dst_h.at[pl.ds(base, EPW)], dst_v)
    pltpu.sync_copy(code_h, code_v)
    pltpu.sync_copy(cx_h, cx_v)
    pltpu.sync_copy(cy_h, cy_v)
    pltpu.sync_copy(cz_h, cz_v)

    @pl.loop(0, EPW // 16)
    def _(i):
        o = i * 16
        sv = src_v[pl.ds(o, 16)]
        dv = dst_v[pl.ds(o, 16)]
        cs = plsc.load_gather(code_v, [sv])
        xs = plsc.load_gather(cx_v, [sv])
        ys = plsc.load_gather(cy_v, [sv])
        zs = plsc.load_gather(cz_v, [sv])
        xd = plsc.load_gather(cx_v, [dv])
        yd = plsc.load_gather(cy_v, [dv])
        zd = plsc.load_gather(cz_v, [dv])
        dx = xd - xs
        dy = yd - ys
        dz = zd - zs
        d2_v[pl.ds(o, 16)] = dx * dx + dy * dy + dz * dz
        cs_v[pl.ds(o, 16)] = cs

    pltpu.sync_copy(cs_v, cs_out.at[pl.ds(base, EPW)])
    pltpu.sync_copy(d2_v, d2_out.at[pl.ds(base, EPW)])


def _sc_gather(src, dst, code, cx, cy, cz):
    mesh = plsc.VectorSubcoreMesh(core_axis_name="c", subcore_axis_name="s")
    fn = pl.kernel(
        _sc_gather_body,
        out_type=(jax.ShapeDtypeStruct((N_EDGE,), jnp.int32),
                  jax.ShapeDtypeStruct((N_EDGE,), jnp.float32)),
        mesh=mesh,
        scratch_types=[
            pltpu.VMEM((EPW,), jnp.int32),
            pltpu.VMEM((EPW,), jnp.int32),
            pltpu.VMEM((N_NODE,), jnp.int32),
            pltpu.VMEM((N_NODE,), jnp.float32),
            pltpu.VMEM((N_NODE,), jnp.float32),
            pltpu.VMEM((N_NODE,), jnp.float32),
            pltpu.VMEM((EPW,), jnp.int32),
            pltpu.VMEM((EPW,), jnp.float32),
        ],
        compiler_params=pltpu.CompilerParams(needs_layout_passes=False),
    )
    return fn(src, dst, code, cx, cy, cz)


TE = 2560
NBE = N_EDGE // TE


KL = F + 4 + 4 + NRBF + NRBF


def _tc_edge_body(cs_ref, d2_ref, ea_ref, R1_ref, R2_ref, mu_ref,
                  msg_ref, msg3_ref):
    cs = cs_ref[...].reshape(1, TE)
    lane = lax.broadcasted_iota(jnp.int32, (F, 1), 0)
    oh = (lane == cs).astype(jnp.float32)
    eaT = ea_ref[...].reshape(4, TE)
    ea_hi = eaT.astype(jnp.bfloat16).astype(jnp.float32)
    dist = jnp.sqrt(d2_ref[...].reshape(1, TE) + 1e-8)
    diff = dist - mu_ref[...]
    rbfT = jnp.exp(-10.0 * diff * diff)
    rbf_hi = rbfT.astype(jnp.bfloat16).astype(jnp.float32)
    lhs = jnp.concatenate(
        [oh, ea_hi, eaT - ea_hi, rbf_hi, rbfT - rbf_hi], axis=0
    ).astype(jnp.bfloat16)
    dn = (((0,), (0,)), ((), ()))
    out = (lax.dot_general(lhs, R1_ref[...], dn,
                           preferred_element_type=jnp.float32)
           + lax.dot_general(lhs, R2_ref[...], dn,
                             preferred_element_type=jnp.float32))
    msg_ref[...] = jnp.maximum(out[:, :F], 0.0)
    msg3_ref[...] = out[:, F:2 * F] * out[:, 2 * F:]


def _tc_edge(cs3, d23, ea3, R1, R2, mu_col):
    nb = cs3.shape[0]
    grid = (nb,)
    return pl.pallas_call(
        _tc_edge_body,
        grid=grid,
        in_specs=[
            pl.BlockSpec((1, 1, TE), lambda i: (i, 0, 0)),
            pl.BlockSpec((1, 1, TE), lambda i: (i, 0, 0)),
            pl.BlockSpec((1, 4, TE), lambda i: (i, 0, 0)),
            pl.BlockSpec((KL, 3 * F), lambda i: (0, 0)),
            pl.BlockSpec((KL, 3 * F), lambda i: (0, 0)),
            pl.BlockSpec((NRBF, 1), lambda i: (0, 0)),
        ],
        out_specs=[
            pl.BlockSpec((TE, F), lambda i: (i, 0)),
            pl.BlockSpec((TE, F), lambda i: (i, 0)),
        ],
        out_shape=[
            jax.ShapeDtypeStruct((nb * TE, F), jnp.float32),
            jax.ShapeDtypeStruct((nb * TE, F), jnp.float32),
        ],
    )(cs3, d23, ea3, R1, R2, mu_col)


EROW = N_EDGE // 128
RW = 1
NBUF = 3
ROWS_A = 1200
BLKS_A = ROWS_A // 20


def _scatter_phase_body(rowb, rpt, rem, chain, *refs):
    if chain:
        (msg_h, msg3_h, dst_h, a2_in, a3_in, agg2_out, agg3_out,
         buf0, buf1, buf2, idx0, idx1, idx2, agg_sh,
         si0, si1, si2, sx0, sx1, sx2) = refs
    else:
        (msg_h, msg3_h, dst_h, agg2_out, agg3_out,
         buf0, buf1, buf2, idx0, idx1, idx2, agg_sh,
         si0, si1, si2, sx0, sx1, sx2) = refs
    c = lax.axis_index("c")
    s = lax.axis_index("s")
    bufs = (buf0, buf1, buf2)
    idxs = (idx0, idx1, idx2)
    sin = (si0, si1, si2)
    six = (sx0, sx1, sx2)

    if chain:
        def seed(agg_in):
            @pl.loop(s, NZC, step=NS)
            def _(k):
                sl = pl.ds(k * ZCH, ZCH)
                pltpu.sync_copy(agg_in.at[sl], buf0.at[pl.ds(0, ZCH)])
                pltpu.sync_copy(buf0.at[pl.ds(0, ZCH)], agg_sh.at[sl])

        @pl.when(c == 0)
        def _():
            seed(a2_in)

        @pl.when(c == 1)
        def _():
            seed(a3_in)
    else:
        @pl.loop(0, ZCH)
        def _(i):
            for j in range(8):
                buf0[i, pl.ds(j * 16, 16)] = jnp.zeros((16,), jnp.float32)

        @pl.loop(s, NZC, step=NS)
        def _(k):
            pltpu.sync_copy(buf0.at[pl.ds(0, ZCH)],
                            agg_sh.at[pl.ds(k * ZCH, ZCH)])

    plsc.subcore_barrier()

    def scat(src_hbm):
        row0 = s * rpt
        nch = rpt // RW

        def start(j, b):
            r = row0 + j * RW
            pltpu.async_copy(dst_h.at[pl.ds((rowb + r) * 128, RW * 128)],
                             idxs[b], six[b])
            pltpu.async_copy(src_hbm.at[pl.ds(r * 128, RW * 128)], bufs[b],
                             sin[b])

        def wait(j, b):
            r = row0 + j * RW
            pltpu.make_async_copy(dst_h.at[pl.ds((rowb + r) * 128,
                                                 RW * 128)],
                                  idxs[b], six[b]).wait()
            pltpu.make_async_copy(src_hbm.at[pl.ds(r * 128, RW * 128)],
                                  bufs[b], sin[b]).wait()

        def scat_sub(b):
            pltpu.sync_copy(bufs[b], agg_sh.at[idxs[b]], add=True)

        for b in range(NBUF):
            start(b, b)

        @pl.loop(0, nch // NBUF)
        def _(k):
            for b in range(NBUF):
                j = NBUF * k + b
                wait(j, b)
                scat_sub(b)

                @pl.when(j + NBUF < nch)
                def _():
                    start(j + NBUF, b)

        if rem:
            @pl.when(s < rem)
            def _():
                r = NS * rpt + s
                pltpu.sync_copy(dst_h.at[pl.ds((rowb + r) * 128, 128)],
                                idxs[0])
                pltpu.sync_copy(src_hbm.at[pl.ds(r * 128, 128)], bufs[0])
                scat_sub(0)

    @pl.when(c == 0)
    def _():
        scat(msg_h)

    @pl.when(c == 1)
    def _():
        scat(msg3_h)

    plsc.subcore_barrier()

    def wb(out_hbm):
        @pl.loop(s, NZC, step=NS)
        def _(k):
            sl = pl.ds(k * ZCH, ZCH)
            pltpu.sync_copy(agg_sh.at[sl], buf0.at[pl.ds(0, ZCH)])
            pltpu.sync_copy(buf0.at[pl.ds(0, ZCH)], out_hbm.at[sl])

    @pl.when(c == 0)
    def _():
        wb(agg2_out)

    @pl.when(c == 1)
    def _():
        wb(agg3_out)


def _scatter_phase(rowb, rpt, rem, chain, args):
    mesh = plsc.VectorSubcoreMesh(core_axis_name="c", subcore_axis_name="s")
    fn = pl.kernel(
        functools.partial(_scatter_phase_body, rowb, rpt, rem, chain),
        out_type=(jax.ShapeDtypeStruct((N_NODE, F), jnp.float32),
                  jax.ShapeDtypeStruct((N_NODE, F), jnp.float32)),
        mesh=mesh,
        scratch_types=[
            pltpu.VMEM((RW * 128, F), jnp.float32),
            pltpu.VMEM((RW * 128, F), jnp.float32),
            pltpu.VMEM((RW * 128, F), jnp.float32),
            pltpu.VMEM((RW * 128,), jnp.int32),
            pltpu.VMEM((RW * 128,), jnp.int32),
            pltpu.VMEM((RW * 128,), jnp.int32),
            pltpu.MemorySpace.VMEM_SHARED((N_NODE, F), jnp.float32),
            pltpu.SemaphoreType.DMA,
            pltpu.SemaphoreType.DMA,
            pltpu.SemaphoreType.DMA,
            pltpu.SemaphoreType.DMA,
            pltpu.SemaphoreType.DMA,
            pltpu.SemaphoreType.DMA,
        ],
        compiler_params=pltpu.CompilerParams(needs_layout_passes=False),
    )
    return fn(*args)


TN = 2000


def _sp(a):
    hi = a.astype(jnp.bfloat16)
    return hi, (a - hi.astype(jnp.float32)).astype(jnp.bfloat16)


def _dot(a, b):
    return jnp.dot(a, b, preferred_element_type=jnp.float32)


def _mm1(a, w):
    return _dot(a.astype(jnp.bfloat16), w.astype(jnp.bfloat16))


def _ln_mlp(h, g, bln, Wa, ba, Wb, bb):
    m = jnp.mean(h, axis=-1, keepdims=True)
    d = h - m
    v = jnp.mean(d * d, axis=-1, keepdims=True)
    hn = d / jnp.sqrt(v + 1e-5) * g + bln
    a = jnp.maximum(_mm1(hn, Wa) + ba, 0.0)
    return _mm1(a, Wb) + bb


def _tc_node_body(codec_ref, agg2_ref, agg3_ref, batchr_ref,
                  T2_ref, W1_ref, b1_ref, W3_ref, b3_ref, we_ref,
                  g2_ref, be2_ref, pW1_ref, pb1_ref, pW2_ref, pb2_ref,
                  g3_ref, be3_ref, qW1_ref, qb1_ref, qW2_ref, qb2_ref,
                  mol2_ref, mol3_ref, en_ref, cnt_ref):
    i = pl.program_id(0)
    nsteps = pl.num_programs(0)
    code = codec_ref[...]
    lane = lax.broadcasted_iota(jnp.int32, (1, F), 1)
    oh = (code == lane).astype(jnp.bfloat16)
    T2hi, T2lo = _sp(T2_ref[...])
    h = _dot(oh, T2hi) + _dot(oh, T2lo)
    h2d = jnp.maximum(_mm1(h + agg2_ref[...], W1_ref[...]) + b1_ref[...],
                      0.0)
    h3d = jnp.maximum(_mm1(agg3_ref[...], W3_ref[...]) + b3_ref[...],
                      0.0)
    f2 = _ln_mlp(h2d, g2_ref[...], be2_ref[...], pW1_ref[...], pb1_ref[...],
                 pW2_ref[...], pb2_ref[...])
    f3 = _ln_mlp(h3d, g3_ref[...], be3_ref[...], qW1_ref[...], qb1_ref[...],
                 qW2_ref[...], qb2_ref[...])
    en = _mm1(h3d, we_ref[...])

    bt = batchr_ref[...].reshape(1, TN)
    seg = lax.broadcasted_iota(jnp.int32, (N_MOL, 1), 0)
    ohb = (seg == bt).astype(jnp.bfloat16)
    f23 = jnp.concatenate([f2, f3], axis=1)
    fhi, flo = _sp(f23)
    p23 = _dot(ohb, fhi) + _dot(ohb, flo)
    p2 = p23[:, :F]
    p3 = p23[:, F:]
    ehi, elo = _sp(en)
    pe = _dot(ohb, ehi) + _dot(ohb, elo)
    cc = jnp.sum((seg == bt).astype(jnp.float32), axis=1,
                 keepdims=True)

    @pl.when(i == 0)
    def _():
        mol2_ref[...] = p2
        mol3_ref[...] = p3
        en_ref[...] = pe
        cnt_ref[...] = cc

    @pl.when(i > 0)
    def _():
        mol2_ref[...] += p2
        mol3_ref[...] += p3
        en_ref[...] += pe
        cnt_ref[...] += cc

    @pl.when(i == nsteps - 1)
    def _():
        denom = jnp.maximum(cnt_ref[...], 1.0)
        mol2_ref[...] = mol2_ref[...] / denom
        mol3_ref[...] = mol3_ref[...] / denom


def _tc_node(code_col, agg2, agg3, batch_row, T2p, W1, b1, W3, b3, w_energy,
             p2d_g, p2d_b, p2d_W1, p2d_b1, p2d_W2, p2d_b2,
             p3d_g, p3d_b, p3d_W1, p3d_b1, p3d_W2, p3d_b2):
    grid = (N_NODE // TN,)
    full = lambda shape: pl.BlockSpec(shape, lambda i: tuple(0 for _ in shape))
    return pl.pallas_call(
        _tc_node_body,
        grid=grid,
        in_specs=[
            pl.BlockSpec((TN, 1), lambda i: (i, 0)),
            pl.BlockSpec((TN, F), lambda i: (i, 0)),
            pl.BlockSpec((TN, F), lambda i: (i, 0)),
            pl.BlockSpec((1, 1, TN), lambda i: (i, 0, 0)),
            full((F, F)), full((F, F)), full((1, F)),
            full((F, F)), full((1, F)), full((F, 1)),
            full((1, F)), full((1, F)), full((F, F)), full((1, F)),
            full((F, F)), full((1, F)),
            full((1, F)), full((1, F)), full((F, F)), full((1, F)),
            full((F, F)), full((1, F)),
        ],
        out_specs=[
            pl.BlockSpec((N_MOL, F), lambda i: (0, 0)),
            pl.BlockSpec((N_MOL, F), lambda i: (0, 0)),
            pl.BlockSpec((N_MOL, 1), lambda i: (0, 0)),
        ],
        out_shape=[
            jax.ShapeDtypeStruct((N_MOL, F), jnp.float32),
            jax.ShapeDtypeStruct((N_MOL, F), jnp.float32),
            jax.ShapeDtypeStruct((N_MOL, 1), jnp.float32),
        ],
        scratch_shapes=[pltpu.VMEM((N_MOL, 1), jnp.float32)],
    )(code_col, agg2, agg3, batch_row, T2p, W1, b1, W3, b3, w_energy,
      p2d_g, p2d_b, p2d_W1, p2d_b1, p2d_W2, p2d_b2,
      p3d_g, p3d_b, p3d_W1, p3d_b1, p3d_W2, p3d_b2)


def kernel(x, edge_index, edge_attr, mol_coords, batch,
           atom_emb2d, W_e, W1, b1,
           atom_emb3d, mu, W_rbf, W3, b3, w_energy,
           p2d_g, p2d_b, p2d_W1, p2d_b1, p2d_W2, p2d_b2,
           p3d_g, p3d_b, p3d_W1, p3d_b1, p3d_W2, p3d_b2):
    code = x[:, 0].astype(jnp.int32)
    src = edge_index[0].astype(jnp.int32)
    dst = edge_index[1].astype(jnp.int32)
    cx = mol_coords[:, 0].astype(jnp.float32)
    cy = mol_coords[:, 1].astype(jnp.float32)
    cz = mol_coords[:, 2].astype(jnp.float32)
    f32 = jnp.float32
    T2p = jnp.zeros((F, F), f32).at[:atom_emb2d.shape[0]].set(
        atom_emb2d.astype(f32))
    T3p = jnp.zeros((F, F), f32).at[:atom_emb3d.shape[0]].set(
        atom_emb3d.astype(f32))

    def _split(a):
        hi = a.astype(jnp.bfloat16)
        return hi, (a - hi.astype(f32)).astype(jnp.bfloat16)

    bz = lambda r, c: jnp.zeros((r, c), jnp.bfloat16)
    T2hi, T2lo = _split(T2p)
    T3hi, T3lo = _split(T3p)
    Wehi, Welo = _split(W_e.astype(f32))
    Wrhi, Wrlo = _split(W_rbf.astype(f32))
    cat = jnp.concatenate
    R1 = cat([cat([T2hi, T3hi, bz(F, F)], 1),
              cat([Wehi, bz(4, 2 * F)], 1),
              bz(4, 3 * F),
              cat([bz(NRBF, 2 * F), Wrhi], 1),
              bz(NRBF, 3 * F)], 0)
    R2 = cat([cat([T2lo, T3lo, bz(F, F)], 1),
              bz(4, 3 * F),
              bz(4, 3 * F),
              bz(NRBF, 3 * F),
              bz(NRBF, 3 * F)], 0)

    cs_i, d2 = _sc_gather(src, dst, code, cx, cy, cz)
    ea3 = edge_attr.astype(f32).T.reshape(4, NBE, TE).transpose(1, 0, 2)
    cs3 = cs_i.reshape(NBE, 1, TE)
    d23 = d2.reshape(NBE, 1, TE)
    mu_col = mu.astype(f32).reshape(NRBF, 1)
    msgA, msg3A = _tc_edge(cs3[:BLKS_A], d23[:BLKS_A], ea3[:BLKS_A],
                           R1, R2, mu_col)
    a2a, a3a = _scatter_phase(0, ROWS_A // NS, 0, False,
                              (msgA, msg3A, dst))
    msgB, msg3B = _tc_edge(cs3[BLKS_A:], d23[BLKS_A:], ea3[BLKS_A:],
                           R1, R2, mu_col)
    agg2, agg3 = _scatter_phase(ROWS_A, (EROW - ROWS_A) // NS,
                                (EROW - ROWS_A) % NS, True,
                                (msgB, msg3B, dst, a2a, a3a))

    row = lambda a: a.astype(f32).reshape(1, F)
    mol2, mol3, en = _tc_node(
        code.reshape(N_NODE, 1), agg2, agg3,
        batch.astype(jnp.int32).reshape(N_NODE // TN, 1, TN),
        T2p, W1.astype(f32), row(b1), W3.astype(f32), row(b3),
        w_energy.astype(f32).reshape(F, 1),
        row(p2d_g), row(p2d_b), p2d_W1.astype(f32), row(p2d_b1),
        p2d_W2.astype(f32), row(p2d_b2),
        row(p3d_g), row(p3d_b), p3d_W1.astype(f32), row(p3d_b1),
        p3d_W2.astype(f32), row(p3d_b2))
    return (mol2, mol3, en)

# --- scband reference (transcript-rebuilt; emitter-appended) ---
"""Pipeline reference for scband-cl2-d3-dmol-53601191854832 (READ-ONLY COPY).

The authoritative reference and input builder live on the scoring server;
editing this copy changes nothing except your own understanding.
"""

import jax, jax.numpy as jnp
import numpy as np

EMB = 128
DEST = 128
OUT3D = 128
N_NODES = 10000
N_EDGES = 320000
N_GRAPHS = 256
N_RBF = 16


def setup_inputs() -> dict:
    ks = jax.random.split(jax.random.key(0), 24)
    s = 0.05
    inp = {}
    inp['x'] = jax.random.randint(ks[0], (N_NODES, 9), 0, 100)
    inp['edge_index'] = jax.random.randint(ks[1], (2, N_EDGES), 0, N_NODES)
    inp['edge_attr'] = jax.random.normal(ks[2], (N_EDGES, 4), dtype=jnp.float32)
    inp['mol_coords'] = jax.random.normal(ks[3], (N_NODES, 3), dtype=jnp.float32)
    inp['batch'] = jnp.sort(jax.random.randint(ks[4], (N_NODES,), 0, N_GRAPHS))
    inp['atom_emb2d'] = jax.random.normal(ks[5], (120, EMB)) * s
    inp['W_e'] = jax.random.normal(ks[6], (4, EMB)) * s
    inp['W1'] = jax.random.normal(ks[7], (EMB, EMB)) * s
    inp['b1'] = jnp.zeros((EMB,))
    inp['atom_emb3d'] = jax.random.normal(ks[8], (120, OUT3D)) * s
    inp['mu'] = jnp.linspace(0.0, 4.0, N_RBF)
    inp['W_rbf'] = jax.random.normal(ks[9], (N_RBF, OUT3D)) * s
    inp['W3'] = jax.random.normal(ks[10], (OUT3D, OUT3D)) * s
    inp['b3'] = jnp.zeros((OUT3D,))
    inp['w_energy'] = jax.random.normal(ks[11], (OUT3D, 1)) * s
    inp['p2d_g'] = jnp.ones((EMB,))
    inp['p2d_b'] = jnp.zeros((EMB,))
    inp['p2d_W1'] = jax.random.normal(ks[12], (EMB, EMB)) * s
    inp['p2d_b1'] = jnp.zeros((EMB,))
    inp['p2d_W2'] = jax.random.normal(ks[13], (EMB, DEST)) * s
    inp['p2d_b2'] = jnp.zeros((DEST,))
    inp['p3d_g'] = jnp.ones((OUT3D,))
    inp['p3d_b'] = jnp.zeros((OUT3D,))
    inp['p3d_W1'] = jax.random.normal(ks[14], (OUT3D, OUT3D)) * s
    inp['p3d_b1'] = jnp.zeros((OUT3D,))
    inp['p3d_W2'] = jax.random.normal(ks[15], (OUT3D, DEST)) * s
    inp['p3d_b2'] = jnp.zeros((DEST,))
    return inp


def _mlp(h, g, bln, Wa, ba, Wb, bb):
    m = jnp.mean(h, axis=-1, keepdims=True)
    v = jnp.var(h, axis=-1, keepdims=True)
    hn = (h - m) / jnp.sqrt(v + 1e-5) * g + bln
    return jax.nn.relu(hn @ Wa + ba) @ Wb + bb


def reference(x, edge_index, edge_attr, mol_coords, batch,
              atom_emb2d, W_e, W1, b1,
              atom_emb3d, mu, W_rbf, W3, b3, w_energy,
              p2d_g, p2d_b, p2d_W1, p2d_b1, p2d_W2, p2d_b2,
              p3d_g, p3d_b, p3d_W1, p3d_b1, p3d_W2, p3d_b2):
    src = edge_index[0]
    dst = edge_index[1]
    # 2D graph encoder (GIN-style message passing)
    h = atom_emb2d[x[:, 0]]
    msg = jax.nn.relu(h[src] + edge_attr @ W_e)
    agg = jax.ops.segment_sum(msg, dst, num_segments=N_NODES)
    h2d = jax.nn.relu((h + agg) @ W1 + b1)
    # 3D coord encoder (dimenetpp-style RBF message passing on x[:,0] + coords)
    z = atom_emb3d[x[:, 0]]
    rel = mol_coords[dst] - mol_coords[src]
    dist = jnp.sqrt(jnp.sum(rel * rel, axis=-1) + 1e-8)
    rbf = jnp.exp(-10.0 * (dist[:, None] - mu[None, :]) ** 2)
    msg3 = z[src] * (rbf @ W_rbf)
    agg3 = jax.ops.segment_sum(msg3, dst, num_segments=N_NODES)
    h3d = jax.nn.relu(agg3 @ W3 + b3)
    energy_p = jax.ops.segment_sum(h3d @ w_energy, batch, num_segments=N_GRAPHS)
    # projections
    f2 = _mlp(h2d, p2d_g, p2d_b, p2d_W1, p2d_b1, p2d_W2, p2d_b2)
    f3 = _mlp(h3d, p3d_g, p3d_b, p3d_W1, p3d_b1, p3d_W2, p3d_b2)
    # scatter-mean pooling over molecules
    cnt = jnp.maximum(jax.ops.segment_sum(jnp.ones((N_NODES, 1)), batch, num_segments=N_GRAPHS), 1.0)
    mol_feat_from_2d = jax.ops.segment_sum(f2, batch, num_segments=N_GRAPHS) / cnt
    mol_feat_from_3d = jax.ops.segment_sum(f3, batch, num_segments=N_GRAPHS) / cnt
    return (mol_feat_from_2d, mol_feat_from_3d, energy_p)

if __name__ == "__main__":
    import jax
    _d = setup_inputs()
    print(jax.jit(kernel)(*tuple(_d.values())))

</pallas_src>

<mosaic_0001>
#map = affine_map<(d0, d1) -> (0, 0)>
#map1 = affine_map<(d0, d1) -> (0)>
module attributes {stable_mosaic.version = 14 : i64} {
  func.func @_scatter_phase_body(%arg0: i32, %arg1: i32, %arg2: memref<166400x128xf32, #tpu.memory_space<hbm>>, %arg3: memref<166400x128xf32, #tpu.memory_space<hbm>>, %arg4: memref<320000xi32, #tpu.memory_space<hbm>>, %arg5: memref<10000x128xf32, #tpu.memory_space<hbm>>, %arg6: memref<10000x128xf32, #tpu.memory_space<hbm>>, %arg7: memref<10000x128xf32, #tpu.memory_space<hbm>>, %arg8: memref<10000x128xf32, #tpu.memory_space<hbm>>, %arg9: memref<128x128xf32, #tpu.memory_space<vmem>>, %arg10: memref<128x128xf32, #tpu.memory_space<vmem>>, %arg11: memref<128x128xf32, #tpu.memory_space<vmem>>, %arg12: memref<128xi32, #tpu.memory_space<vmem>>, %arg13: memref<128xi32, #tpu.memory_space<vmem>>, %arg14: memref<128xi32, #tpu.memory_space<vmem>>, %arg15: memref<10000x128xf32, #tpu.memory_space<vmem_shared>>, %arg16: memref<!tpu.dma_semaphore, #tpu.memory_space<semaphore_mem>>, %arg17: memref<!tpu.dma_semaphore, #tpu.memory_space<semaphore_mem>>, %arg18: memref<!tpu.dma_semaphore, #tpu.memory_space<semaphore_mem>>, %arg19: memref<!tpu.dma_semaphore, #tpu.memory_space<semaphore_mem>>, %arg20: memref<!tpu.dma_semaphore, #tpu.memory_space<semaphore_mem>>, %arg21: memref<!tpu.dma_semaphore, #tpu.memory_space<semaphore_mem>>) attributes {dimension_semantics = [#tpu.dimension_semantics<core_parallel>, #tpu.dimension_semantics<subcore_parallel>], iteration_bounds = array<i64: 2, 16>, scalar_prefetch = 0 : i64, scratch_operands = 13 : i64, tpu.core_type = #tpu.core_type<sc_vector_subcore>, window_params = [{transform_indices = #map}, {transform_indices = #map}, {transform_indices = #map1}, {transform_indices = #map}, {transform_indices = #map}, {transform_indices = #map}, {transform_indices = #map}]} {
    %eq3A = arith.constant 0 : i32
    %eq3A_0 = arith.cmpi eq, %arg0, %eq3A : i32
    %convert_element_type3A = arith.extui %eq3A_0 : i1 to i32
    %cond3A = arith.constant 0 : i32
    %cond3A_1 = arith.cmpi ne, %convert_element_type3A, %cond3A : i32
    scf.if %cond3A_1 {
      %sub3A = arith.constant 125 : i32
      %sub3A_28 = arith.subi %sub3A, %arg1 : i32
      %sub3A_29 = arith.constant 16 : i32
      %sub3A_30 = arith.constant 1 : i32
      %sub3A_31 = arith.subi %sub3A_29, %sub3A_30 : i32
      %add3A = arith.addi %sub3A_28, %sub3A_31 : i32
      %div3A = arith.constant 16 : i32
      %div3A_32 = arith.divsi %add3A, %div3A : i32
      %while3A = arith.constant 16 : i32
      %while3A_33 = arith.constant 0 : i32
      %while3A_34 = arith.subi %div3A_32, %while3A_33 : i32
      %while3A_35 = arith.addi %while3A_33, %while3A_34 : i32
      %while3A_36 = arith.constant 1 : i32
      %while3A_37 = arith.divsi %while3A_34, %while3A_36 : i32
      %while3A_38 = arith.muli %while3A_37, %while3A_36 : i32
      %while3A_39 = arith.addi %while3A_33, %while3A_38 : i32
      %while3A_40 = arith.constant 1 : i32
      scf.for %while3A_42 = %while3A_33 to %while3A_39 step %while3A_40  : i32 {
        %mul3A = arith.muli %while3A_42, %while3A : i32
        %add3A_43 = arith.addi %arg1, %mul3A : i32
        %mul3A_44 = arith.constant 80 : i32
        %mul3A_45 = arith.muli %add3A_43, %mul3A_44 : i32
        "tpu.region"() ({
          %run_scoped3A = tpu.sem_alloc : memref<!tpu.dma_semaphore, #tpu.memory_space<semaphore_mem>>
          %dma_start3A = arith.constant 0 : i32
          %dma_start3A_46 = arith.constant 0 : i32
          %dma_start3A_47 = tpu.memref_slice %arg9[%dma_start3A, %dma_start3A_46] : memref<128x128xf32, #tpu.memory_space<vmem>> -> memref<80x128xf32, #tpu.memory_space<vmem>>
          %dma_start3A_48 = arith.constant 0 : i32
          %dma_start3A_49 = tpu.memref_slice %arg5[%mul3A_45, %dma_start3A_48] : memref<10000x128xf32, #tpu.memory_space<hbm>> -> memref<80x128xf32, #tpu.memory_space<hbm>>
          %dma_start3A_50 = arith.constant 0 : i32
          %dma_start3A_51 = arith.constant 0 : i32
          %dma_start3A_52 = tpu.memref_slice %arg9[%dma_start3A_50, %dma_start3A_51] : memref<128x128xf32, #tpu.memory_space<vmem>> -> memref<80x128xf32, #tpu.memory_space<vmem>>
          %dma_start3A_53 = arith.constant 0 : i32
          %dma_start3A_54 = tpu.memref_slice %arg5[%mul3A_45, %dma_start3A_53] : memref<10000x128xf32, #tpu.memory_space<hbm>> -> memref<80x128xf32, #tpu.memory_space<hbm>>
          tpu.enqueue_dma source(%dma_start3A_54 : memref<80x128xf32, #tpu.memory_space<hbm>>) target(%dma_start3A_52 : memref<80x128xf32, #tpu.memory_space<vmem>>) target_semaphore(%run_scoped3A : memref<!tpu.dma_semaphore, #tpu.memory_space<semaphore_mem>>)
          %dma_wait3A = arith.constant 0 : i32
          %dma_wait3A_55 = arith.constant 0 : i32
          %dma_wait3A_56 = tpu.memref_slice %arg9[%dma_wait3A, %dma_wait3A_55] : memref<128x128xf32, #tpu.memory_space<vmem>> -> memref<80x128xf32, #tpu.memory_space<vmem>>
          %dma_wait3A_57 = arith.constant 0 : i32
          %dma_wait3A_58 = tpu.memref_slice %arg5[%mul3A_45, %dma_wait3A_57] : memref<10000x128xf32, #tpu.memory_space<hbm>> -> memref<80x128xf32, #tpu.memory_space<hbm>>
          %dma_wait3A_59 = arith.constant 0 : i32
          %dma_wait3A_60 = arith.constant 0 : i32
          %dma_wait3A_61 = tpu.memref_slice %arg9[%dma_wait3A_59, %dma_wait3A_60] : memref<128x128xf32, #tpu.memory_space<vmem>> -> memref<80x128xf32, #tpu.memory_space<vmem>>
          %dma_wait3A_62 = arith.constant 0 : i32
          %dma_wait3A_63 = tpu.memref_slice %arg5[%mul3A_45, %dma_wait3A_62] : memref<10000x128xf32, #tpu.memory_space<hbm>> -> memref<80x128xf32, #tpu.memory_space<hbm>>
          tpu.wait_dma2 semaphore(%run_scoped3A : memref<!tpu.dma_semaphore, #tpu.memory_space<semaphore_mem>>) src(%dma_wait3A_63 : memref<80x128xf32, #tpu.memory_space<hbm>>) dst(%dma_wait3A_61 : memref<80x128xf32, #tpu.memory_space<vmem>>)
          tpu.yield
        }) : () -> ()
        "tpu.region"() ({
          %run_scoped3A = tpu.sem_alloc : memref<!tpu.dma_semaphore, #tpu.memory_space<semaphore_mem>>
          %dma_start3A = arith.constant 0 : i32
          %dma_start3A_46 = arith.constant 0 : i32
          %dma_start3A_47 = tpu.memref_slice %arg9[%dma_start3A, %dma_start3A_46] : memref<128x128xf32, #tpu.memory_space<vmem>> -> memref<80x128xf32, #tpu.memory_space<vmem>>
          %dma_start3A_48 = arith.constant 0 : i32
          %dma_start3A_49 = tpu.memref_slice %arg15[%mul3A_45, %dma_start3A_48] : memref<10000x128xf32, #tpu.memory_space<vmem_shared>> -> memref<80x128xf32, #tpu.memory_space<vmem_shared>>
          %dma_start3A_50 = arith.constant 0 : i32
          %dma_start3A_51 = tpu.memref_slice %arg15[%mul3A_45, %dma_start3A_50] : memref<10000x128xf32, #tpu.memory_space<vmem_shared>> -> memref<80x128xf32, #tpu.memory_space<vmem_shared>>
          %dma_start3A_52 = arith.constant 0 : i32
          %dma_start3A_53 = arith.constant 0 : i32
          %dma_start3A_54 = tpu.memref_slice %arg9[%dma_start3A_52, %dma_start3A_53] : memref<128x128xf32, #tpu.memory_space<vmem>> -> memref<80x128xf32, #tpu.memory_space<vmem>>
          tpu.enqueue_dma source(%dma_start3A_54 : memref<80x128xf32, #tpu.memory_space<vmem>>) target(%dma_start3A_51 : memref<80x128xf32, #tpu.memory_space<vmem_shared>>) target_semaphore(%run_scoped3A : memref<!tpu.dma_semaphore, #tpu.memory_space<semaphore_mem>>)
          %dma_wait3A = arith.constant 0 : i32
          %dma_wait3A_55 = arith.constant 0 : i32
          %dma_wait3A_56 = tpu.memref_slice %arg9[%dma_wait3A, %dma_wait3A_55] : memref<128x128xf32, #tpu.memory_space<vmem>> -> memref<80x128xf32, #tpu.memory_space<vmem>>
          %dma_wait3A_57 = arith.constant 0 : i32
          %dma_wait3A_58 = tpu.memref_slice %arg15[%mul3A_45, %dma_wait3A_57] : memref<10000x128xf32, #tpu.memory_space<vmem_shared>> -> memref<80x128xf32, #tpu.memory_space<vmem_shared>>
          %dma_wait3A_59 = arith.constant 0 : i32
          %dma_wait3A_60 = tpu.memref_slice %arg15[%mul3A_45, %dma_wait3A_59] : memref<10000x128xf32, #tpu.memory_space<vmem_shared>> -> memref<80x128xf32, #tpu.memory_space<vmem_shared>>
          %dma_wait3A_61 = arith.constant 0 : i32
          %dma_wait3A_62 = arith.constant 0 : i32
          %dma_wait3A_63 = tpu.memref_slice %arg9[%dma_wait3A_61, %dma_wait3A_62] : memref<128x128xf32, #tpu.memory_space<vmem>> -> memref<80x128xf32, #tpu.memory_space<vmem>>
          tpu.wait_dma2 semaphore(%run_scoped3A : memref<!tpu.dma_semaphore, #tpu.memory_space<semaphore_mem>>) src(%dma_wait3A_63 : memref<80x128xf32, #tpu.memory_space<vmem>>) dst(%dma_wait3A_60 : memref<80x128xf32, #tpu.memory_space<vmem_shared>>)
          tpu.yield
        }) : () -> ()
      }
      %while3A_41 = arith.constant 1 : i32
      scf.for %while3A_42 = %while3A_39 to %while3A_35 step %while3A_41  : i32 {
        %mul3A = arith.muli %while3A_42, %while3A : i32
        %add3A_43 = arith.addi %arg1, %mul3A : i32
        %mul3A_44 = arith.constant 80 : i32
        %mul3A_45 = arith.muli %add3A_43, %mul3A_44 : i32
        "tpu.region"() ({
          %run_scoped3A = tpu.sem_alloc : memref<!tpu.dma_semaphore, #tpu.memory_space<semaphore_mem>>
          %dma_start3A = arith.constant 0 : i32
          %dma_start3A_46 = arith.constant 0 : i32
          %dma_start3A_47 = tpu.memref_slice %arg9[%dma_start3A, %dma_start3A_46] : memref<128x128xf32, #tpu.memory_space<vmem>> -> memref<80x128xf32, #tpu.memory_space<vmem>>
          %dma_start3A_48 = arith.constant 0 : i32
          %dma_start3A_49 = tpu.memref_slice %arg5[%mul3A_45, %dma_start3A_48] : memref<10000x128xf32, #tpu.memory_space<hbm>> -> memref<80x128xf32, #tpu.memory_space<hbm>>
          %dma_start3A_50 = arith.constant 0 : i32
          %dma_start3A_51 = arith.constant 0 : i32
          %dma_start3A_52 = tpu.memref_slice %arg9[%dma_start3A_50, %dma_start3A_51] : memref<128x128xf32, #tpu.memory_space<vmem>> -> memref<80x128xf32, #tpu.memory_space<vmem>>
          %dma_start3A_53 = arith.constant 0 : i32
          %dma_start3A_54 = tpu.memref_slice %arg5[%mul3A_45, %dma_start3A_53] : memref<10000x128xf32, #tpu.memory_space<hbm>> -> memref<80x128xf32, #tpu.memory_space<hbm>>
          tpu.enqueue_dma source(%dma_start3A_54 : memref<80x128xf32, #tpu.memory_space<hbm>>) target(%dma_start3A_52 : memref<80x128xf32, #tpu.memory_space<vmem>>) target_semaphore(%run_scoped3A : memref<!tpu.dma_semaphore, #tpu.memory_space<semaphore_mem>>)
          %dma_wait3A = arith.constant 0 : i32
          %dma_wait3A_55 = arith.constant 0 : i32
          %dma_wait3A_56 = tpu.memref_slice %arg9[%dma_wait3A, %dma_wait3A_55] : memref<128x128xf32, #tpu.memory_space<vmem>> -> memref<80x128xf32, #tpu.memory_space<vmem>>
          %dma_wait3A_57 = arith.constant 0 : i32
          %dma_wait3A_58 = tpu.memref_slice %arg5[%mul3A_45, %dma_wait3A_57] : memref<10000x128xf32, #tpu.memory_space<hbm>> -> memref<80x128xf32, #tpu.memory_space<hbm>>
          %dma_wait3A_59 = arith.constant 0 : i32
          %dma_wait3A_60 = arith.constant 0 : i32
          %dma_wait3A_61 = tpu.memref_slice %arg9[%dma_wait3A_59, %dma_wait3A_60] : memref<128x128xf32, #tpu.memory_space<vmem>> -> memref<80x128xf32, #tpu.memory_space<vmem>>
          %dma_wait3A_62 = arith.constant 0 : i32
          %dma_wait3A_63 = tpu.memref_slice %arg5[%mul3A_45, %dma_wait3A_62] : memref<10000x128xf32, #tpu.memory_space<hbm>> -> memref<80x128xf32, #tpu.memory_space<hbm>>
          tpu.wait_dma2 semaphore(%run_scoped3A : memref<!tpu.dma_semaphore, #tpu.memory_space<semaphore_mem>>) src(%dma_wait3A_63 : memref<80x128xf32, #tpu.memory_space<hbm>>) dst(%dma_wait3A_61 : memref<80x128xf32, #tpu.memory_space<vmem>>)
          tpu.yield
        }) : () -> ()
        "tpu.region"() ({
          %run_scoped3A = tpu.sem_alloc : memref<!tpu.dma_semaphore, #tpu.memory_space<semaphore_mem>>
          %dma_start3A = arith.constant 0 : i32
          %dma_start3A_46 = arith.constant 0 : i32
          %dma_start3A_47 = tpu.memref_slice %arg9[%dma_start3A, %dma_start3A_46] : memref<128x128xf32, #tpu.memory_space<vmem>> -> memref<80x128xf32, #tpu.memory_space<vmem>>
          %dma_start3A_48 = arith.constant 0 : i32
          %dma_start3A_49 = tpu.memref_slice %arg15[%mul3A_45, %dma_start3A_48] : memref<10000x128xf32, #tpu.memory_space<vmem_shared>> -> memref<80x128xf32, #tpu.memory_space<vmem_shared>>
          %dma_start3A_50 = arith.constant 0 : i32
          %dma_start3A_51 = tpu.memref_slice %arg15[%mul3A_45, %dma_start3A_50] : memref<10000x128xf32, #tpu.memory_space<vmem_shared>> -> memref<80x128xf32, #tpu.memory_space<vmem_shared>>
          %dma_start3A_52 = arith.constant 0 : i32
          %dma_start3A_53 = arith.constant 0 : i32
          %dma_start3A_54 = tpu.memref_slice %arg9[%dma_start3A_52, %dma_start3A_53] : memref<128x128xf32, #tpu.memory_space<vmem>> -> memref<80x128xf32, #tpu.memory_space<vmem>>
          tpu.enqueue_dma source(%dma_start3A_54 : memref<80x128xf32, #tpu.memory_space<vmem>>) target(%dma_start3A_51 : memref<80x128xf32, #tpu.memory_space<vmem_shared>>) target_semaphore(%run_scoped3A : memref<!tpu.dma_semaphore, #tpu.memory_space<semaphore_mem>>)
          %dma_wait3A = arith.constant 0 : i32
          %dma_wait3A_55 = arith.constant 0 : i32
          %dma_wait3A_56 = tpu.memref_slice %arg9[%dma_wait3A, %dma_wait3A_55] : memref<128x128xf32, #tpu.memory_space<vmem>> -> memref<80x128xf32, #tpu.memory_space<vmem>>
          %dma_wait3A_57 = arith.constant 0 : i32
          %dma_wait3A_58 = tpu.memref_slice %arg15[%mul3A_45, %dma_wait3A_57] : memref<10000x128xf32, #tpu.memory_space<vmem_shared>> -> memref<80x128xf32, #tpu.memory_space<vmem_shared>>
          %dma_wait3A_59 = arith.constant 0 : i32
          %dma_wait3A_60 = tpu.memref_slice %arg15[%mul3A_45, %dma_wait3A_59] : memref<10000x128xf32, #tpu.memory_space<vmem_shared>> -> memref<80x128xf32, #tpu.memory_space<vmem_shared>>
          %dma_wait3A_61 = arith.constant 0 : i32
          %dma_wait3A_62 = arith.constant 0 : i32
          %dma_wait3A_63 = tpu.memref_slice %arg9[%dma_wait3A_61, %dma_wait3A_62] : memref<128x128xf32, #tpu.memory_space<vmem>> -> memref<80x128xf32, #tpu.memory_space<vmem>>
          tpu.wait_dma2 semaphore(%run_scoped3A : memref<!tpu.dma_semaphore, #tpu.memory_space<semaphore_mem>>) src(%dma_wait3A_63 : memref<80x128xf32, #tpu.memory_space<vmem>>) dst(%dma_wait3A_60 : memref<80x128xf32, #tpu.memory_space<vmem_shared>>)
          tpu.yield
        }) : () -> ()
      }
    } else {
    }
    %eq3A_2 = arith.constant 1 : i32
    %eq3A_3 = arith.cmpi eq, %arg0, %eq3A_2 : i32
    %convert_element_type3A_4 = arith.extui %eq3A_3 : i1 to i32
    %cond3A_5 = arith.constant 0 : i32
    %cond3A_6 = arith.cmpi ne, %convert_element_type3A_4, %cond3A_5 : i32
    scf.if %cond3A_6 {
      %sub3A = arith.constant 125 : i32
      %sub3A_28 = arith.subi %sub3A, %arg1 : i32
      %sub3A_29 = arith.constant 16 : i32
      %sub3A_30 = arith.constant 1 : i32
      %sub3A_31 = arith.subi %sub3A_29, %sub3A_30 : i32
      %add3A = arith.addi %sub3A_28, %sub3A_31 : i32
      %div3A = arith.constant 16 : i32
      %div3A_32 = arith.divsi %add3A, %div3A : i32
      %while3A = arith.constant 16 : i32
      %while3A_33 = arith.constant 0 : i32
      %while3A_34 = arith.subi %div3A_32, %while3A_33 : i32
      %while3A_35 = arith.addi %while3A_33, %while3A_34 : i32
      %while3A_36 = arith.constant 1 : i32
      %while3A_37 = arith.divsi %while3A_34, %while3A_36 : i32
      %while3A_38 = arith.muli %while3A_37, %while3A_36 : i32
      %while3A_39 = arith.addi %while3A_33, %while3A_38 : i32
      %while3A_40 = arith.constant 1 : i32
      scf.for %while3A_42 = %while3A_33 to %while3A_39 step %while3A_40  : i32 {
        %mul3A = arith.muli %while3A_42, %while3A : i32
        %add3A_43 = arith.addi %arg1, %mul3A : i32
        %mul3A_44 = arith.constant 80 : i32
        %mul3A_45 = arith.muli %add3A_43, %mul3A_44 : i32
        "tpu.region"() ({
          %run_scoped3A = tpu.sem_alloc : memref<!tpu.dma_semaphore, #tpu.memory_space<semaphore_mem>>
          %dma_start3A = arith.constant 0 : i32
          %dma_start3A_46 = arith.constant 0 : i32
          %dma_start3A_47 = tpu.memref_slice %arg9[%dma_start3A, %dma_start3A_46] : memref<128x128xf32, #tpu.memory_space<vmem>> -> memref<80x128xf32, #tpu.memory_space<vmem>>
          %dma_start3A_48 = arith.constant 0 : i32
          %dma_start3A_49 = tpu.memref_slice %arg6[%mul3A_45, %dma_start3A_48] : memref<10000x128xf32, #tpu.memory_space<hbm>> -> memref<80x128xf32, #tpu.memory_space<hbm>>
          %dma_start3A_50 = arith.constant 0 : i32
          %dma_start3A_51 = arith.constant 0 : i32
          %dma_start3A_52 = tpu.memref_slice %arg9[%dma_start3A_50, %dma_start3A_51] : memref<128x128xf32, #tpu.memory_space<vmem>> -> memref<80x128xf32, #tpu.memory_space<vmem>>
          %dma_start3A_53 = arith.constant 0 : i32
          %dma_start3A_54 = tpu.memref_slice %arg6[%mul3A_45, %dma_start3A_53] : memref<10000x128xf32, #tpu.memory_space<hbm>> -> memref<80x128xf32, #tpu.memory_space<hbm>>
          tpu.enqueue_dma source(%dma_start3A_54 : memref<80x128xf32, #tpu.memory_space<hbm>>) target(%dma_start3A_52 : memref<80x128xf32, #tpu.memory_space<vmem>>) target_semaphore(%run_scoped3A : memref<!tpu.dma_semaphore, #tpu.memory_space<semaphore_mem>>)
          %dma_wait3A = arith.constant 0 : i32
          %dma_wait3A_55 = arith.constant 0 : i32
          %dma_wait3A_56 = tpu.memref_slice %arg9[%dma_wait3A, %dma_wait3A_55] : memref<128x128xf32, #tpu.memory_space<vmem>> -> memref<80x128xf32, #tpu.memory_space<vmem>>
          %dma_wait3A_57 = arith.constant 0 : i32
          %dma_wait3A_58 = tpu.memref_slice %arg6[%mul3A_45, %dma_wait3A_57] : memref<10000x128xf32, #tpu.memory_space<hbm>> -> memref<80x128xf32, #tpu.memory_space<hbm>>
          %dma_wait3A_59 = arith.constant 0 : i32
          %dma_wait3A_60 = arith.constant 0 : i32
          %dma_wait3A_61 = tpu.memref_slice %arg9[%dma_wait3A_59, %dma_wait3A_60] : memref<128x128xf32, #tpu.memory_space<vmem>> -> memref<80x128xf32, #tpu.memory_space<vmem>>
          %dma_wait3A_62 = arith.constant 0 : i32
          %dma_wait3A_63 = tpu.memref_slice %arg6[%mul3A_45, %dma_wait3A_62] : memref<10000x128xf32, #tpu.memory_space<hbm>> -> memref<80x128xf32, #tpu.memory_space<hbm>>
          tpu.wait_dma2 semaphore(%run_scoped3A : memref<!tpu.dma_semaphore, #tpu.memory_space<semaphore_mem>>) src(%dma_wait3A_63 : memref<80x128xf32, #tpu.memory_space<hbm>>) dst(%dma_wait3A_61 : memref<80x128xf32, #tpu.memory_space<vmem>>)
          tpu.yield
        }) : () -> ()
        "tpu.region"() ({
          %run_scoped3A = tpu.sem_alloc : memref<!tpu.dma_semaphore, #tpu.memory_space<semaphore_mem>>
          %dma_start3A = arith.constant 0 : i32
          %dma_start3A_46 = arith.constant 0 : i32
          %dma_start3A_47 = tpu.memref_slice %arg9[%dma_start3A, %dma_start3A_46] : memref<128x128xf32, #tpu.memory_space<vmem>> -> memref<80x128xf32, #tpu.memory_space<vmem>>
          %dma_start3A_48 = arith.constant 0 : i32
          %dma_start3A_49 = tpu.memref_slice %arg15[%mul3A_45, %dma_start3A_48] : memref<10000x128xf32, #tpu.memory_space<vmem_shared>> -> memref<80x128xf32, #tpu.memory_space<vmem_shared>>
          %dma_start3A_50 = arith.constant 0 : i32
          %dma_start3A_51 = tpu.memref_slice %arg15[%mul3A_45, %dma_start3A_50] : memref<10000x128xf32, #tpu.memory_space<vmem_shared>> -> memref<80x128xf32, #tpu.memory_space<vmem_shared>>
          %dma_start3A_52 = arith.constant 0 : i32
          %dma_start3A_53 = arith.constant 0 : i32
          %dma_start3A_54 = tpu.memref_slice %arg9[%dma_start3A_52, %dma_start3A_53] : memref<128x128xf32, #tpu.memory_space<vmem>> -> memref<80x128xf32, #tpu.memory_space<vmem>>
          tpu.enqueue_dma source(%dma_start3A_54 : memref<80x128xf32, #tpu.memory_space<vmem>>) target(%dma_start3A_51 : memref<80x128xf32, #tpu.memory_space<vmem_shared>>) target_semaphore(%run_scoped3A : memref<!tpu.dma_semaphore, #tpu.memory_space<semaphore_mem>>)
          %dma_wait3A = arith.constant 0 : i32
          %dma_wait3A_55 = arith.constant 0 : i32
          %dma_wait3A_56 = tpu.memref_slice %arg9[%dma_wait3A, %dma_wait3A_55] : memref<128x128xf32, #tpu.memory_space<vmem>> -> memref<80x128xf32, #tpu.memory_space<vmem>>
          %dma_wait3A_57 = arith.constant 0 : i32
          %dma_wait3A_58 = tpu.memref_slice %arg15[%mul3A_45, %dma_wait3A_57] : memref<10000x128xf32, #tpu.memory_space<vmem_shared>> -> memref<80x128xf32, #tpu.memory_space<vmem_shared>>
          %dma_wait3A_59 = arith.constant 0 : i32
          %dma_wait3A_60 = tpu.memref_slice %arg15[%mul3A_45, %dma_wait3A_59] : memref<10000x128xf32, #tpu.memory_space<vmem_shared>> -> memref<80x128xf32, #tpu.memory_space<vmem_shared>>
          %dma_wait3A_61 = arith.constant 0 : i32
          %dma_wait3A_62 = arith.constant 0 : i32
          %dma_wait3A_63 = tpu.memref_slice %arg9[%dma_wait3A_61, %dma_wait3A_62] : memref<128x128xf32, #tpu.memory_space<vmem>> -> memref<80x128xf32, #tpu.memory_space<vmem>>
          tpu.wait_dma2 semaphore(%run_scoped3A : memref<!tpu.dma_semaphore, #tpu.memory_space<semaphore_mem>>) src(%dma_wait3A_63 : memref<80x128xf32, #tpu.memory_space<vmem>>) dst(%dma_wait3A_60 : memref<80x128xf32, #tpu.memory_space<vmem_shared>>)
          tpu.yield
        }) : () -> ()
      }
      %while3A_41 = arith.constant 1 : i32
      scf.for %while3A_42 = %while3A_39 to %while3A_35 step %while3A_41  : i32 {
        %mul3A = arith.muli %while3A_42, %while3A : i32
        %add3A_43 = arith.addi %arg1, %mul3A : i32
        %mul3A_44 = arith.constant 80 : i32
        %mul3A_45 = arith.muli %add3A_43, %mul3A_44 : i32
        "tpu.region"() ({
          %run_scoped3A = tpu.sem_alloc : memref<!tpu.dma_semaphore, #tpu.memory_space<semaphore_mem>>
          %dma_start3A = arith.constant 0 : i32
          %dma_start3A_46 = arith.constant 0 : i32
          %dma_start3A_47 = tpu.memref_slice %arg9[%dma_start3A, %dma_start3A_46] : memref<128x128xf32, #tpu.memory_space<vmem>> -> memref<80x128xf32, #tpu.memory_space<vmem>>
          %dma_start3A_48 = arith.constant 0 : i32
          %dma_start3A_49 = tpu.memref_slice %arg6[%mul3A_45, %dma_start3A_48] : memref<10000x128xf32, #tpu.memory_space<hbm>> -> memref<80x128xf32, #tpu.memory_space<hbm>>
          %dma_start3A_50 = arith.constant 0 : i32
          %dma_start3A_51 = arith.constant 0 : i32
          %dma_start3A_52 = tpu.memref_slice %arg9[%dma_start3A_50, %dma_start3A_51] : memref<128x128xf32, #tpu.memory_space<vmem>> -> memref<80x128xf32, #tpu.memory_space<vmem>>
          %dma_start3A_53 = arith.constant 0 : i32
          %dma_start3A_54 = tpu.memref_slice %arg6[%mul3A_45, %dma_start3A_53] : memref<10000x128xf32, #tpu.memory_space<hbm>> -> memref<80x128xf32, #tpu.memory_space<hbm>>
          tpu.enqueue_dma source(%dma_start3A_54 : memref<80x128xf32, #tpu.memory_space<hbm>>) target(%dma_start3A_52 : memref<80x128xf32, #tpu.memory_space<vmem>>) target_semaphore(%run_scoped3A : memref<!tpu.dma_semaphore, #tpu.memory_space<semaphore_mem>>)
          %dma_wait3A = arith.constant 0 : i32
          %dma_wait3A_55 = arith.constant 0 : i32
          %dma_wait3A_56 = tpu.memref_slice %arg9[%dma_wait3A, %dma_wait3A_55] : memref<128x128xf32, #tpu.memory_space<vmem>> -> memref<80x128xf32, #tpu.memory_space<vmem>>
          %dma_wait3A_57 = arith.constant 0 : i32
          %dma_wait3A_58 = tpu.memref_slice %arg6[%mul3A_45, %dma_wait3A_57] : memref<10000x128xf32, #tpu.memory_space<hbm>> -> memref<80x128xf32, #tpu.memory_space<hbm>>
          %dma_wait3A_59 = arith.constant 0 : i32
          %dma_wait3A_60 = arith.constant 0 : i32
          %dma_wait3A_61 = tpu.memref_slice %arg9[%dma_wait3A_59, %dma_wait3A_60] : memref<128x128xf32, #tpu.memory_space<vmem>> -> memref<80x128xf32, #tpu.memory_space<vmem>>
          %dma_wait3A_62 = arith.constant 0 : i32
          %dma_wait3A_63 = tpu.memref_slice %arg6[%mul3A_45, %dma_wait3A_62] : memref<10000x128xf32, #tpu.memory_space<hbm>> -> memref<80x128xf32, #tpu.memory_space<hbm>>
          tpu.wait_dma2 semaphore(%run_scoped3A : memref<!tpu.dma_semaphore, #tpu.memory_space<semaphore_mem>>) src(%dma_wait3A_63 : memref<80x128xf32, #tpu.memory_space<hbm>>) dst(%dma_wait3A_61 : memref<80x128xf32, #tpu.memory_space<vmem>>)
          tpu.yield
        }) : () -> ()
        "tpu.region"() ({
          %run_scoped3A = tpu.sem_alloc : memref<!tpu.dma_semaphore, #tpu.memory_space<semaphore_mem>>
          %dma_start3A = arith.constant 0 : i32
          %dma_start3A_46 = arith.constant 0 : i32
          %dma_start3A_47 = tpu.memref_slice %arg9[%dma_start3A, %dma_start3A_46] : memref<128x128xf32, #tpu.memory_space<vmem>> -> memref<80x128xf32, #tpu.memory_space<vmem>>
          %dma_start3A_48 = arith.constant 0 : i32
          %dma_start3A_49 = tpu.memref_slice %arg15[%mul3A_45, %dma_start3A_48] : memref<10000x128xf32, #tpu.memory_space<vmem_shared>> -> memref<80x128xf32, #tpu.memory_space<vmem_shared>>
          %dma_start3A_50 = arith.constant 0 : i32
          %dma_start3A_51 = tpu.memref_slice %arg15[%mul3A_45, %dma_start3A_50] : memref<10000x128xf32, #tpu.memory_space<vmem_shared>> -> memref<80x128xf32, #tpu.memory_space<vmem_shared>>
          %dma_start3A_52 = arith.constant 0 : i32
          %dma_start3A_53 = arith.constant 0 : i32
          %dma_start3A_54 = tpu.memref_slice %arg9[%dma_start3A_52, %dma_start3A_53] : memref<128x128xf32, #tpu.memory_space<vmem>> -> memref<80x128xf32, #tpu.memory_space<vmem>>
          tpu.enqueue_dma source(%dma_start3A_54 : memref<80x128xf32, #tpu.memory_space<vmem>>) target(%dma_start3A_51 : memref<80x128xf32, #tpu.memory_space<vmem_shared>>) target_semaphore(%run_scoped3A : memref<!tpu.dma_semaphore, #tpu.memory_space<semaphore_mem>>)
          %dma_wait3A = arith.constant 0 : i32
          %dma_wait3A_55 = arith.constant 0 : i32
          %dma_wait3A_56 = tpu.memref_slice %arg9[%dma_wait3A, %dma_wait3A_55] : memref<128x128xf32, #tpu.memory_space<vmem>> -> memref<80x128xf32, #tpu.memory_space<vmem>>
          %dma_wait3A_57 = arith.constant 0 : i32
          %dma_wait3A_58 = tpu.memref_slice %arg15[%mul3A_45, %dma_wait3A_57] : memref<10000x128xf32, #tpu.memory_space<vmem_shared>> -> memref<80x128xf32, #tpu.memory_space<vmem_shared>>
          %dma_wait3A_59 = arith.constant 0 : i32
          %dma_wait3A_60 = tpu.memref_slice %arg15[%mul3A_45, %dma_wait3A_59] : memref<10000x128xf32, #tpu.memory_space<vmem_shared>> -> memref<80x128xf32, #tpu.memory_space<vmem_shared>>
          %dma_wait3A_61 = arith.constant 0 : i32
          %dma_wait3A_62 = arith.constant 0 : i32
          %dma_wait3A_63 = tpu.memref_slice %arg9[%dma_wait3A_61, %dma_wait3A_62] : memref<128x128xf32, #tpu.memory_space<vmem>> -> memref<80x128xf32, #tpu.memory_space<vmem>>
          tpu.wait_dma2 semaphore(%run_scoped3A : memref<!tpu.dma_semaphore, #tpu.memory_space<semaphore_mem>>) src(%dma_wait3A_63 : memref<80x128xf32, #tpu.memory_space<vmem>>) dst(%dma_wait3A_60 : memref<80x128xf32, #tpu.memory_space<vmem_shared>>)
          tpu.yield
        }) : () -> ()
      }
    } else {
    }
    %barrier3A = arith.constant 0 : index
    tpu.barrier barrier_id(%barrier3A)
    %eq3A_7 = arith.constant 0 : i32
    %eq3A_8 = arith.cmpi eq, %arg0, %eq3A_7 : i32
    %convert_element_type3A_9 = arith.extui %eq3A_8 : i1 to i32
    %cond3A_10 = arith.constant 0 : i32
    %cond3A_11 = arith.cmpi ne, %convert_element_type3A_9, %cond3A_10 : i32
    scf.if %cond3A_11 {
      %mul3A = arith.constant 81 : i32
      %mul3A_28 = arith.muli %arg1, %mul3A : i32
      %add3A = arith.constant 0 : i32
      %add3A_29 = arith.addi %mul3A_28, %add3A : i32
      %add3A_30 = arith.constant 1200 : i32
      %add3A_31 = arith.addi %add3A_30, %add3A_29 : i32
      %mul3A_32 = arith.constant 128 : i32
      %mul3A_33 = arith.muli %add3A_31, %mul3A_32 : i32
      %dma_start3A = tpu.memref_slice %arg4[%mul3A_33] : memref<320000xi32, #tpu.memory_space<hbm>> -> memref<128xi32, #tpu.memory_space<hbm>>
      %dma_start3A_34 = tpu.memref_slice %arg4[%mul3A_33] : memref<320000xi32, #tpu.memory_space<hbm>> -> memref<128xi32, #tpu.memory_space<hbm>>
      tpu.enqueue_dma source(%dma_start3A_34 : memref<128xi32, #tpu.memory_space<hbm>>) target(%arg12 : memref<128xi32, #tpu.memory_space<vmem>>) target_semaphore(%arg19 : memref<!tpu.dma_semaphore, #tpu.memory_space<semaphore_mem>>)
      %mul3A_35 = arith.constant 128 : i32
      %mul3A_36 = arith.muli %add3A_29, %mul3A_35 : i32
      %dma_start3A_37 = arith.constant 0 : i32
      %dma_start3A_38 = tpu.memref_slice %arg2[%mul3A_36, %dma_start3A_37] : memref<166400x128xf32, #tpu.memory_space<hbm>> -> memref<128x128xf32, #tpu.memory_space<hbm>>
      %dma_start3A_39 = arith.constant 0 : i32
      %dma_start3A_40 = tpu.memref_slice %arg2[%mul3A_36, %dma_start3A_39] : memref<166400x128xf32, #tpu.memory_space<hbm>> -> memref<128x128xf32, #tpu.memory_space<hbm>>
      tpu.enqueue_dma source(%dma_start3A_40 : memref<128x128xf32, #tpu.memory_space<hbm>>) target(%arg9 : memref<128x128xf32, #tpu.memory_space<vmem>>) target_semaphore(%arg16 : memref<!tpu.dma_semaphore, #tpu.memory_space<semaphore_mem>>)
      %add3A_41 = arith.constant 1 : i32
      %add3A_42 = arith.addi %mul3A_28, %add3A_41 : i32
      %add3A_43 = arith.constant 1200 : i32
      %add3A_44 = arith.addi %add3A_43, %add3A_42 : i32
      %mul3A_45 = arith.constant 128 : i32
      %mul3A_46 = arith.muli %add3A_44, %mul3A_45 : i32
      %dma_start3A_47 = tpu.memref_slice %arg4[%mul3A_46] : memref<320000xi32, #tpu.memory_space<hbm>> -> memref<128xi32, #tpu.memory_space<hbm>>
      %dma_start3A_48 = tpu.memref_slice %arg4[%mul3A_46] : memref<320000xi32, #tpu.memory_space<hbm>> -> memref<128xi32, #tpu.memory_space<hbm>>
      tpu.enqueue_dma source(%dma_start3A_48 : memref<128xi32, #tpu.memory_space<hbm>>) target(%arg13 : memref<128xi32, #tpu.memory_space<vmem>>) target_semaphore(%arg20 : memref<!tpu.dma_semaphore, #tpu.memory_space<semaphore_mem>>)
      %mul3A_49 = arith.constant 128 : i32
      %mul3A_50 = arith.muli %add3A_42, %mul3A_49 : i32
      %dma_start3A_51 = arith.constant 0 : i32
      %dma_start3A_52 = tpu.memref_slice %arg2[%mul3A_50, %dma_start3A_51] : memref<166400x128xf32, #tpu.memory_space<hbm>> -> memref<128x128xf32, #tpu.memory_space<hbm>>
      %dma_start3A_53 = arith.constant 0 : i32
      %dma_start3A_54 = tpu.memref_slice %arg2[%mul3A_50, %dma_start3A_53] : memref<166400x128xf32, #tpu.memory_space<hbm>> -> memref<128x128xf32, #tpu.memory_space<hbm>>
      tpu.enqueue_dma source(%dma_start3A_54 : memref<128x128xf32, #tpu.memory_space<hbm>>) target(%arg10 : memref<128x128xf32, #tpu.memory_space<vmem>>) target_semaphore(%arg17 : memref<!tpu.dma_semaphore, #tpu.memory_space<semaphore_mem>>)
      %add3A_55 = arith.constant 2 : i32
      %add3A_56 = arith.addi %mul3A_28, %add3A_55 : i32
      %add3A_57 = arith.constant 1200 : i32
      %add3A_58 = arith.addi %add3A_57, %add3A_56 : i32
      %mul3A_59 = arith.constant 128 : i32
      %mul3A_60 = arith.muli %add3A_58, %mul3A_59 : i32
      %dma_start3A_61 = tpu.memref_slice %arg4[%mul3A_60] : memref<320000xi32, #tpu.memory_space<hbm>> -> memref<128xi32, #tpu.memory_space<hbm>>
      %dma_start3A_62 = tpu.memref_slice %arg4[%mul3A_60] : memref<320000xi32, #tpu.memory_space<hbm>> -> memref<128xi32, #tpu.memory_space<hbm>>
      tpu.enqueue_dma source(%dma_start3A_62 : memref<128xi32, #tpu.memory_space<hbm>>) target(%arg14 : memref<128xi32, #tpu.memory_space<vmem>>) target_semaphore(%arg21 : memref<!tpu.dma_semaphore, #tpu.memory_space<semaphore_mem>>)
      %mul3A_63 = arith.constant 128 : i32
      %mul3A_64 = arith.muli %add3A_56, %mul3A_63 : i32
      %dma_start3A_65 = arith.constant 0 : i32
      %dma_start3A_66 = tpu.memref_slice %arg2[%mul3A_64, %dma_start3A_65] : memref<166400x128xf32, #tpu.memory_space<hbm>> -> memref<128x128xf32, #tpu.memory_space<hbm>>
      %dma_start3A_67 = arith.constant 0 : i32
      %dma_start3A_68 = tpu.memref_slice %arg2[%mul3A_64, %dma_start3A_67] : memref<166400x128xf32, #tpu.memory_space<hbm>> -> memref<128x128xf32, #tpu.memory_space<hbm>>
      tpu.enqueue_dma source(%dma_start3A_68 : memref<128x128xf32, #tpu.memory_space<hbm>>) target(%arg11 : memref<128x128xf32, #tpu.memory_space<vmem>>) target_semaphore(%arg18 : memref<!tpu.dma_semaphore, #tpu.memory_space<semaphore_mem>>)
      %scan3A = arith.constant 0 : i32
      %scan3A_69 = arith.constant 27 : i32
      %scan3A_70 = arith.addi %scan3A, %scan3A_69 : i32
      %scan3A_71 = arith.constant 1 : i32
      scf.for %scan3A_77 = %scan3A to %scan3A_70 step %scan3A_71  : i32 {
        %mul3A_78 = arith.constant 1 : i32
        %mul3A_79 = arith.muli %scan3A_77, %mul3A_78 : i32
        %add3A_80 = arith.constant 0 : i32
        %add3A_81 = arith.addi %add3A_80, %mul3A_79 : i32
        %mul3A_82 = arith.constant 3 : i32
        %mul3A_83 = arith.muli %mul3A_82, %add3A_81 : i32
        %add3A_84 = arith.constant 0 : i32
        %add3A_85 = arith.addi %mul3A_83, %add3A_84 : i32
        %mul3A_86 = arith.constant 1 : i32
        %mul3A_87 = arith.muli %add3A_85, %mul3A_86 : i32
        %add3A_88 = arith.addi %mul3A_28, %mul3A_87 : i32
        %add3A_89 = arith.constant 1200 : i32
        %add3A_90 = arith.addi %add3A_89, %add3A_88 : i32
        %mul3A_91 = arith.constant 128 : i32
        %mul3A_92 = arith.muli %add3A_90, %mul3A_91 : i32
        %dma_wait3A = tpu.memref_slice %arg4[%mul3A_92] : memref<320000xi32, #tpu.memory_space<hbm>> -> memref<128xi32, #tpu.memory_space<hbm>>
        %dma_wait3A_93 = tpu.memref_slice %arg4[%mul3A_92] : memref<320000xi32, #tpu.memory_space<hbm>> -> memref<128xi32, #tpu.memory_space<hbm>>
        tpu.wait_dma2 semaphore(%arg19 : memref<!tpu.dma_semaphore, #tpu.memory_space<semaphore_mem>>) src(%dma_wait3A_93 : memref<128xi32, #tpu.memory_space<hbm>>) dst(%arg12 : memref<128xi32, #tpu.memory_space<vmem>>)
        %mul3A_94 = arith.constant 128 : i32
        %mul3A_95 = arith.muli %add3A_88, %mul3A_94 : i32
        %dma_wait3A_96 = arith.constant 0 : i32
        %dma_wait3A_97 = tpu.memref_slice %arg2[%mul3A_95, %dma_wait3A_96] : memref<166400x128xf32, #tpu.memory_space<hbm>> -> memref<128x128xf32, #tpu.memory_space<hbm>>
        %dma_wait3A_98 = arith.constant 0 : i32
        %dma_wait3A_99 = tpu.memref_slice %arg2[%mul3A_95, %dma_wait3A_98] : memref<166400x128xf32, #tpu.memory_space<hbm>> -> memref<128x128xf32, #tpu.memory_space<hbm>>
        tpu.wait_dma2 semaphore(%arg16 : memref<!tpu.dma_semaphore, #tpu.memory_space<semaphore_mem>>) src(%dma_wait3A_99 : memref<128x128xf32, #tpu.memory_space<hbm>>) dst(%arg9 : memref<128x128xf32, #tpu.memory_space<vmem>>)
        "tpu.region"() ({
          %run_scoped3A = tpu.sem_alloc : memref<!tpu.dma_semaphore, #tpu.memory_space<semaphore_mem>>
          %dma_start3A_159 = arith.constant 0 : i32
          %dma_start3A_160 = arith.constant 0 : i32
          %dma_start3A_161 = tpu.memref_slice %arg15[%dma_start3A_159, %dma_start3A_160] : memref<10000x128xf32, #tpu.memory_space<vmem_shared>> -> memref<10000x128xf32, #tpu.memory_space<vmem_shared>>
          tpu.enqueue_indirect_dma source(%arg9 : memref<128x128xf32, #tpu.memory_space<vmem>>) target(%dma_start3A_161 : memref<10000x128xf32, #tpu.memory_space<vmem_shared>>) offsets(%arg12 : memref<128xi32, #tpu.memory_space<vmem>>) semaphore(%run_scoped3A : memref<!tpu.dma_semaphore, #tpu.memory_space<semaphore_mem>>) {add = true}
          %dma_wait3A_162 = arith.constant 0 : i32
          %dma_wait3A_163 = arith.constant 0 : i32
          %dma_wait3A_164 = tpu.memref_slice %arg15[%dma_wait3A_162, %dma_wait3A_163] : memref<10000x128xf32, #tpu.memory_space<vmem_shared>> -> memref<10000x128xf32, #tpu.memory_space<vmem_shared>>
          tpu.wait_indirect_dma semaphore(%run_scoped3A : memref<!tpu.dma_semaphore, #tpu.memory_space<semaphore_mem>>) src(%arg9 : memref<128x128xf32, #tpu.memory_space<vmem>>) dst(%dma_wait3A_164 : memref<10000x128xf32, #tpu.memory_space<vmem_shared>>)
          tpu.yield
        }) : () -> ()
        %add3A_100 = arith.constant 3 : i32
        %add3A_101 = arith.addi %add3A_85, %add3A_100 : i32
        %lt3A_102 = arith.constant 81 : i32
        %lt3A_103 = arith.cmpi slt, %add3A_101, %lt3A_102 : i32
        %convert_element_type3A_104 = arith.extui %lt3A_103 : i1 to i32
        %cond3A_105 = arith.constant 0 : i32
        %cond3A_106 = arith.cmpi ne, %convert_element_type3A_104, %cond3A_105 : i32
        scf.if %cond3A_106 {
          %add3A_159 = arith.constant 3 : i32
          %add3A_160 = arith.addi %add3A_85, %add3A_159 : i32
          %mul3A_161 = arith.constant 1 : i32
          %mul3A_162 = arith.muli %add3A_160, %mul3A_161 : i32
          %add3A_163 = arith.addi %mul3A_28, %mul3A_162 : i32
          %add3A_164 = arith.constant 1200 : i32
          %add3A_165 = arith.addi %add3A_164, %add3A_163 : i32
          %mul3A_166 = arith.constant 128 : i32
          %mul3A_167 = arith.muli %add3A_165, %mul3A_166 : i32
          %dma_start3A_168 = tpu.memref_slice %arg4[%mul3A_167] : memref<320000xi32, #tpu.memory_space<hbm>> -> memref<128xi32, #tpu.memory_space<hbm>>
          %dma_start3A_169 = tpu.memref_slice %arg4[%mul3A_167] : memref<320000xi32, #tpu.memory_space<hbm>> -> memref<128xi32, #tpu.memory_space<hbm>>
          tpu.enqueue_dma source(%dma_start3A_169 : memref<128xi32, #tpu.memory_space<hbm>>) target(%arg12 : memref<128xi32, #tpu.memory_space<vmem>>) target_semaphore(%arg19 : memref<!tpu.dma_semaphore, #tpu.memory_space<semaphore_mem>>)
          %mul3A_170 = arith.constant 128 : i32
          %mul3A_171 = arith.muli %add3A_163, %mul3A_170 : i32
          %dma_start3A_172 = arith.constant 0 : i32
          %dma_start3A_173 = tpu.memref_slice %arg2[%mul3A_171, %dma_start3A_172] : memref<166400x128xf32, #tpu.memory_space<hbm>> -> memref<128x128xf32, #tpu.memory_space<hbm>>
          %dma_start3A_174 = arith.constant 0 : i32
          %dma_start3A_175 = tpu.memref_slice %arg2[%mul3A_171, %dma_start3A_174] : memref<166400x128xf32, #tpu.memory_space<hbm>> -> memref<128x128xf32, #tpu.memory_space<hbm>>
          tpu.enqueue_dma source(%dma_start3A_175 : memref<128x128xf32, #tpu.memory_space<hbm>>) target(%arg9 : memref<128x128xf32, #tpu.memory_space<vmem>>) target_semaphore(%arg16 : memref<!tpu.dma_semaphore, #tpu.memory_space<semaphore_mem>>)
        } else {
        }
        %mul3A_107 = arith.constant 3 : i32
        %mul3A_108 = arith.muli %mul3A_107, %add3A_81 : i32
        %add3A_109 = arith.constant 1 : i32
        %add3A_110 = arith.addi %mul3A_108, %add3A_109 : i32
        %mul3A_111 = arith.constant 1 : i32
        %mul3A_112 = arith.muli %add3A_110, %mul3A_111 : i32
        %add3A_113 = arith.addi %mul3A_28, %mul3A_112 : i32
        %add3A_114 = arith.constant 1200 : i32
        %add3A_115 = arith.addi %add3A_114, %add3A_113 : i32
        %mul3A_116 = arith.constant 128 : i32
        %mul3A_117 = arith.muli %add3A_115, %mul3A_116 : i32
        %dma_wait3A_118 = tpu.memref_slice %arg4[%mul3A_117] : memref<320000xi32, #tpu.memory_space<hbm>> -> memref<128xi32, #tpu.memory_space<hbm>>
        %dma_wait3A_119 = tpu.memref_slice %arg4[%mul3A_117] : memref<320000xi32, #tpu.memory_space<hbm>> -> memref<128xi32, #tpu.memory_space<hbm>>
        tpu.wait_dma2 semaphore(%arg20 : memref<!tpu.dma_semaphore, #tpu.memory_space<semaphore_mem>>) src(%dma_wait3A_119 : memref<128xi32, #tpu.memory_space<hbm>>) dst(%arg13 : memref<128xi32, #tpu.memory_space<vmem>>)
        %mul3A_120 = arith.constant 128 : i32
        %mul3A_121 = arith.muli %add3A_113, %mul3A_120 : i32
        %dma_wait3A_122 = arith.constant 0 : i32
        %dma_wait3A_123 = tpu.memref_slice %arg2[%mul3A_121, %dma_wait3A_122] : memref<166400x128xf32, #tpu.memory_space<hbm>> -> memref<128x128xf32, #tpu.memory_space<hbm>>
        %dma_wait3A_124 = arith.constant 0 : i32
        %dma_wait3A_125 = tpu.memref_slice %arg2[%mul3A_121, %dma_wait3A_124] : memref<166400x128xf32, #tpu.memory_space<hbm>> -> memref<128x128xf32, #tpu.memory_space<hbm>>
        tpu.wait_dma2 semaphore(%arg17 : memref<!tpu.dma_semaphore, #tpu.memory_space<semaphore_mem>>) src(%dma_wait3A_125 : memref<128x128xf32, #tpu.memory_space<hbm>>) dst(%arg10 : memref<128x128xf32, #tpu.memory_space<vmem>>)
        "tpu.region"() ({
          %run_scoped3A = tpu.sem_alloc : memref<!tpu.dma_semaphore, #tpu.memory_space<semaphore_mem>>
          %dma_start3A_159 = arith.constant 0 : i32
          %dma_start3A_160 = arith.constant 0 : i32
          %dma_start3A_161 = tpu.memref_slice %arg15[%dma_start3A_159, %dma_start3A_160] : memref<10000x128xf32, #tpu.memory_space<vmem_shared>> -> memref<10000x128xf32, #tpu.memory_space<vmem_shared>>
          tpu.enqueue_indirect_dma source(%arg10 : memref<128x128xf32, #tpu.memory_space<vmem>>) target(%dma_start3A_161 : memref<10000x128xf32, #tpu.memory_space<vmem_shared>>) offsets(%arg13 : memref<128xi32, #tpu.memory_space<vmem>>) semaphore(%run_scoped3A : memref<!tpu.dma_semaphore, #tpu.memory_space<semaphore_mem>>) {add = true}
          %dma_wait3A_162 = arith.constant 0 : i32
          %dma_wait3A_163 = arith.constant 0 : i32
          %dma_wait3A_164 = tpu.memref_slice %arg15[%dma_wait3A_162, %dma_wait3A_163] : memref<10000x128xf32, #tpu.memory_space<vmem_shared>> -> memref<10000x128xf32, #tpu.memory_space<vmem_shared>>
          tpu.wait_indirect_dma semaphore(%run_scoped3A : memref<!tpu.dma_semaphore, #tpu.memory_space<semaphore_mem>>) src(%arg10 : memref<128x128xf32, #tpu.memory_space<vmem>>) dst(%dma_wait3A_164 : memref<10000x128xf32, #tpu.memory_space<vmem_shared>>)
          tpu.yield
        }) : () -> ()
        %add3A_126 = arith.constant 3 : i32
        %add3A_127 = arith.addi %add3A_110, %add3A_126 : i32
        %lt3A_128 = arith.constant 81 : i32
        %lt3A_129 = arith.cmpi slt, %add3A_127, %lt3A_128 : i32
        %convert_element_type3A_130 = arith.extui %lt3A_129 : i1 to i32
        %cond3A_131 = arith.constant 0 : i32
        %cond3A_132 = arith.cmpi ne, %convert_element_type3A_130, %cond3A_131 : i32
        scf.if %cond3A_132 {
          %add3A_159 = arith.constant 3 : i32
          %add3A_160 = arith.addi %add3A_110, %add3A_159 : i32
          %mul3A_161 = arith.constant 1 : i32
          %mul3A_162 = arith.muli %add3A_160, %mul3A_161 : i32
          %add3A_163 = arith.addi %mul3A_28, %mul3A_162 : i32
          %add3A_164 = arith.constant 1200 : i32
          %add3A_165 = arith.addi %add3A_164, %add3A_163 : i32
          %mul3A_166 = arith.constant 128 : i32
          %mul3A_167 = arith.muli %add3A_165, %mul3A_166 : i32
          %dma_start3A_168 = tpu.memref_slice %arg4[%mul3A_167] : memref<320000xi32, #tpu.memory_space<hbm>> -> memref<128xi32, #tpu.memory_space<hbm>>
          %dma_start3A_169 = tpu.memref_slice %arg4[%mul3A_167] : memref<320000xi32, #tpu.memory_space<hbm>> -> memref<128xi32, #tpu.memory_space<hbm>>
          tpu.enqueue_dma source(%dma_start3A_169 : memref<128xi32, #tpu.memory_space<hbm>>) target(%arg13 : memref<128xi32, #tpu.memory_space<vmem>>) target_semaphore(%arg20 : memref<!tpu.dma_semaphore, #tpu.memory_space<semaphore_mem>>)
          %mul3A_170 = arith.constant 128 : i32
          %mul3A_171 = arith.muli %add3A_163, %mul3A_170 : i32
          %dma_start3A_172 = arith.constant 0 : i32
          %dma_start3A_173 = tpu.memref_slice %arg2[%mul3A_171, %dma_start3A_172] : memref<166400x128xf32, #tpu.memory_space<hbm>> -> memref<128x128xf32, #tpu.memory_space<hbm>>
          %dma_start3A_174 = arith.constant 0 : i32
          %dma_start3A_175 = tpu.memref_slice %arg2[%mul3A_171, %dma_start3A_174] : memref<166400x128xf32, #tpu.memory_space<hbm>> -> memref<128x128xf32, #tpu.memory_space<hbm>>
          tpu.enqueue_dma source(%dma_start3A_175 : memref<128x128xf32, #tpu.memory_space<hbm>>) target(%arg10 : memref<128x128xf32, #tpu.memory_space<vmem>>) target_semaphore(%arg17 : memref<!tpu.dma_semaphore, #tpu.memory_space<semaphore_mem>>)
        } else {
        }
        %mul3A_133 = arith.constant 3 : i32
        %mul3A_134 = arith.muli %mul3A_133, %add3A_81 : i32
        %add3A_135 = arith.constant 2 : i32
        %add3A_136 = arith.addi %mul3A_134, %add3A_135 : i32
        %mul3A_137 = arith.constant 1 : i32
        %mul3A_138 = arith.muli %add3A_136, %mul3A_137 : i32
        %add3A_139 = arith.addi %mul3A_28, %mul3A_138 : i32
        %add3A_140 = arith.constant 1200 : i32
        %add3A_141 = arith.addi %add3A_140, %add3A_139 : i32
        %mul3A_142 = arith.constant 128 : i32
        %mul3A_143 = arith.muli %add3A_141, %mul3A_142 : i32
        %dma_wait3A_144 = tpu.memref_slice %arg4[%mul3A_143] : memref<320000xi32, #tpu.memory_space<hbm>> -> memref<128xi32, #tpu.memory_space<hbm>>
        %dma_wait3A_145 = tpu.memref_slice %arg4[%mul3A_143] : memref<320000xi32, #tpu.memory_space<hbm>> -> memref<128xi32, #tpu.memory_space<hbm>>
        tpu.wait_dma2 semaphore(%arg21 : memref<!tpu.dma_semaphore, #tpu.memory_space<semaphore_mem>>) src(%dma_wait3A_145 : memref<128xi32, #tpu.memory_space<hbm>>) dst(%arg14 : memref<128xi32, #tpu.memory_space<vmem>>)
        %mul3A_146 = arith.constant 128 : i32
        %mul3A_147 = arith.muli %add3A_139, %mul3A_146 : i32
        %dma_wait3A_148 = arith.constant 0 : i32
        %dma_wait3A_149 = tpu.memref_slice %arg2[%mul3A_147, %dma_wait3A_148] : memref<166400x128xf32, #tpu.memory_space<hbm>> -> memref<128x128xf32, #tpu.memory_space<hbm>>
        %dma_wait3A_150 = arith.constant 0 : i32
        %dma_wait3A_151 = tpu.memref_slice %arg2[%mul3A_147, %dma_wait3A_150] : memref<166400x128xf32, #tpu.memory_space<hbm>> -> memref<128x128xf32, #tpu.memory_space<hbm>>
        tpu.wait_dma2 semaphore(%arg18 : memref<!tpu.dma_semaphore, #tpu.memory_space<semaphore_mem>>) src(%dma_wait3A_151 : memref<128x128xf32, #tpu.memory_space<hbm>>) dst(%arg11 : memref<128x128xf32, #tpu.memory_space<vmem>>)
        "tpu.region"() ({
          %run_scoped3A = tpu.sem_alloc : memref<!tpu.dma_semaphore, #tpu.memory_space<semaphore_mem>>
          %dma_start3A_159 = arith.constant 0 : i32
          %dma_start3A_160 = arith.constant 0 : i32
          %dma_start3A_161 = tpu.memref_slice %arg15[%dma_start3A_159, %dma_start3A_160] : memref<10000x128xf32, #tpu.memory_space<vmem_shared>> -> memref<10000x128xf32, #tpu.memory_space<vmem_shared>>
          tpu.enqueue_indirect_dma source(%arg11 : memref<128x128xf32, #tpu.memory_space<vmem>>) target(%dma_start3A_161 : memref<10000x128xf32, #tpu.memory_space<vmem_shared>>) offsets(%arg14 : memref<128xi32, #tpu.memory_space<vmem>>) semaphore(%run_scoped3A : memref<!tpu.dma_semaphore, #tpu.memory_space<semaphore_mem>>) {add = true}
          %dma_wait3A_162 = arith.constant 0 : i32
          %dma_wait3A_163 = arith.constant 0 : i32
          %dma_wait3A_164 = tpu.memref_slice %arg15[%dma_wait3A_162, %dma_wait3A_163] : memref<10000x128xf32, #tpu.memory_space<vmem_shared>> -> memref<10000x128xf32, #tpu.memory_space<vmem_shared>>
          tpu.wait_indirect_dma semaphore(%run_scoped3A : memref<!tpu.dma_semaphore, #tpu.memory_space<semaphore_mem>>) src(%arg11 : memref<128x128xf32, #tpu.memory_space<vmem>>) dst(%dma_wait3A_164 : memref<10000x128xf32, #tpu.memory_space<vmem_shared>>)
          tpu.yield
        }) : () -> ()
        %add3A_152 = arith.constant 3 : i32
        %add3A_153 = arith.addi %add3A_136, %add3A_152 : i32
        %lt3A_154 = arith.constant 81 : i32
        %lt3A_155 = arith.cmpi slt, %add3A_153, %lt3A_154 : i32
        %convert_element_type3A_156 = arith.extui %lt3A_155 : i1 to i32
        %cond3A_157 = arith.constant 0 : i32
        %cond3A_158 = arith.cmpi ne, %convert_element_type3A_156, %cond3A_157 : i32
        scf.if %cond3A_158 {
          %add3A_159 = arith.constant 3 : i32
          %add3A_160 = arith.addi %add3A_136, %add3A_159 : i32
          %mul3A_161 = arith.constant 1 : i32
          %mul3A_162 = arith.muli %add3A_160, %mul3A_161 : i32
          %add3A_163 = arith.addi %mul3A_28, %mul3A_162 : i32
          %add3A_164 = arith.constant 1200 : i32
          %add3A_165 = arith.addi %add3A_164, %add3A_163 : i32
          %mul3A_166 = arith.constant 128 : i32
          %mul3A_167 = arith.muli %add3A_165, %mul3A_166 : i32
          %dma_start3A_168 = tpu.memref_slice %arg4[%mul3A_167] : memref<320000xi32, #tpu.memory_space<hbm>> -> memref<128xi32, #tpu.memory_space<hbm>>
          %dma_start3A_169 = tpu.memref_slice %arg4[%mul3A_167] : memref<320000xi32, #tpu.memory_space<hbm>> -> memref<128xi32, #tpu.memory_space<hbm>>
          tpu.enqueue_dma source(%dma_start3A_169 : memref<128xi32, #tpu.memory_space<hbm>>) target(%arg14 : memref<128xi32, #tpu.memory_space<vmem>>) target_semaphore(%arg21 : memref<!tpu.dma_semaphore, #tpu.memory_space<semaphore_mem>>)
          %mul3A_170 = arith.constant 128 : i32
          %mul3A_171 = arith.muli %add3A_163, %mul3A_170 : i32
          %dma_start3A_172 = arith.constant 0 : i32
          %dma_start3A_173 = tpu.memref_slice %arg2[%mul3A_171, %dma_start3A_172] : memref<166400x128xf32, #tpu.memory_space<hbm>> -> memref<128x128xf32, #tpu.memory_space<hbm>>
          %dma_start3A_174 = arith.constant 0 : i32
          %dma_start3A_175 = tpu.memref_slice %arg2[%mul3A_171, %dma_start3A_174] : memref<166400x128xf32, #tpu.memory_space<hbm>> -> memref<128x128xf32, #tpu.memory_space<hbm>>
          tpu.enqueue_dma source(%dma_start3A_175 : memref<128x128xf32, #tpu.memory_space<hbm>>) target(%arg11 : memref<128x128xf32, #tpu.memory_space<vmem>>) target_semaphore(%arg18 : memref<!tpu.dma_semaphore, #tpu.memory_space<semaphore_mem>>)
        } else {
        }
      }
      %scan3A_72 = arith.constant 27 : i32
      %lt3A = arith.constant 4 : i32
      %lt3A_73 = arith.cmpi slt, %arg1, %lt3A : i32
      %convert_element_type3A_74 = arith.extui %lt3A_73 : i1 to i32
      %cond3A_75 = arith.constant 0 : i32
      %cond3A_76 = arith.cmpi ne, %convert_element_type3A_74, %cond3A_75 : i32
      scf.if %cond3A_76 {
        %add3A_77 = arith.constant 1296 : i32
        %add3A_78 = arith.addi %add3A_77, %arg1 : i32
        %add3A_79 = arith.constant 1200 : i32
        %add3A_80 = arith.addi %add3A_79, %add3A_78 : i32
        %mul3A_81 = arith.constant 128 : i32
        %mul3A_82 = arith.muli %add3A_80, %mul3A_81 : i32
        "tpu.region"() ({
          %run_scoped3A = tpu.sem_alloc : memref<!tpu.dma_semaphore, #tpu.memory_space<semaphore_mem>>
          %dma_start3A_85 = tpu.memref_slice %arg4[%mul3A_82] : memref<320000xi32, #tpu.memory_space<hbm>> -> memref<128xi32, #tpu.memory_space<hbm>>
          %dma_start3A_86 = tpu.memref_slice %arg4[%mul3A_82] : memref<320000xi32, #tpu.memory_space<hbm>> -> memref<128xi32, #tpu.memory_space<hbm>>
          tpu.enqueue_dma source(%dma_start3A_86 : memref<128xi32, #tpu.memory_space<hbm>>) target(%arg12 : memref<128xi32, #tpu.memory_space<vmem>>) target_semaphore(%run_scoped3A : memref<!tpu.dma_semaphore, #tpu.memory_space<semaphore_mem>>)
          %dma_wait3A = tpu.memref_slice %arg4[%mul3A_82] : memref<320000xi32, #tpu.memory_space<hbm>> -> memref<128xi32, #tpu.memory_space<hbm>>
          %dma_wait3A_87 = tpu.memref_slice %arg4[%mul3A_82] : memref<320000xi32, #tpu.memory_space<hbm>> -> memref<128xi32, #tpu.memory_space<hbm>>
          tpu.wait_dma2 semaphore(%run_scoped3A : memref<!tpu.dma_semaphore, #tpu.memory_space<semaphore_mem>>) src(%dma_wait3A_87 : memref<128xi32, #tpu.memory_space<hbm>>) dst(%arg12 : memref<128xi32, #tpu.memory_space<vmem>>)
          tpu.yield
        }) : () -> ()
        %mul3A_83 = arith.constant 128 : i32
        %mul3A_84 = arith.muli %add3A_78, %mul3A_83 : i32
        "tpu.region"() ({
          %run_scoped3A = tpu.sem_alloc : memref<!tpu.dma_semaphore, #tpu.memory_space<semaphore_mem>>
          %dma_start3A_85 = arith.constant 0 : i32
          %dma_start3A_86 = tpu.memref_slice %arg2[%mul3A_84, %dma_start3A_85] : memref<166400x128xf32, #tpu.memory_space<hbm>> -> memref<128x128xf32, #tpu.memory_space<hbm>>
          %dma_start3A_87 = arith.constant 0 : i32
          %dma_start3A_88 = tpu.memref_slice %arg2[%mul3A_84, %dma_start3A_87] : memref<166400x128xf32, #tpu.memory_space<hbm>> -> memref<128x128xf32, #tpu.memory_space<hbm>>
          tpu.enqueue_dma source(%dma_start3A_88 : memref<128x128xf32, #tpu.memory_space<hbm>>) target(%arg9 : memref<128x128xf32, #tpu.memory_space<vmem>>) target_semaphore(%run_scoped3A : memref<!tpu.dma_semaphore, #tpu.memory_space<semaphore_mem>>)
          %dma_wait3A = arith.constant 0 : i32
          %dma_wait3A_89 = tpu.memref_slice %arg2[%mul3A_84, %dma_wait3A] : memref<166400x128xf32, #tpu.memory_space<hbm>> -> memref<128x128xf32, #tpu.memory_space<hbm>>
          %dma_wait3A_90 = arith.constant 0 : i32
          %dma_wait3A_91 = tpu.memref_slice %arg2[%mul3A_84, %dma_wait3A_90] : memref<166400x128xf32, #tpu.memory_space<hbm>> -> memref<128x128xf32, #tpu.memory_space<hbm>>
          tpu.wait_dma2 semaphore(%run_scoped3A : memref<!tpu.dma_semaphore, #tpu.memory_space<semaphore_mem>>) src(%dma_wait3A_91 : memref<128x128xf32, #tpu.memory_space<hbm>>) dst(%arg9 : memref<128x128xf32, #tpu.memory_space<vmem>>)
          tpu.yield
        }) : () -> ()
        "tpu.region"() ({
          %run_scoped3A = tpu.sem_alloc : memref<!tpu.dma_semaphore, #tpu.memory_space<semaphore_mem>>
          %dma_start3A_85 = arith.constant 0 : i32
          %dma_start3A_86 = arith.constant 0 : i32
          %dma_start3A_87 = tpu.memref_slice %arg15[%dma_start3A_85, %dma_start3A_86] : memref<10000x128xf32, #tpu.memory_space<vmem_shared>> -> memref<10000x128xf32, #tpu.memory_space<vmem_shared>>
          tpu.enqueue_indirect_dma source(%arg9 : memref<128x128xf32, #tpu.memory_space<vmem>>) target(%dma_start3A_87 : memref<10000x128xf32, #tpu.memory_space<vmem_shared>>) offsets(%arg12 : memref<128xi32, #tpu.memory_space<vmem>>) semaphore(%run_scoped3A : memref<!tpu.dma_semaphore, #tpu.memory_space<semaphore_mem>>) {add = true}
          %dma_wait3A = arith.constant 0 : i32
          %dma_wait3A_88 = arith.constant 0 : i32
          %dma_wait3A_89 = tpu.memref_slice %arg15[%dma_wait3A, %dma_wait3A_88] : memref<10000x128xf32, #tpu.memory_space<vmem_shared>> -> memref<10000x128xf32, #tpu.memory_space<vmem_shared>>
          tpu.wait_indirect_dma semaphore(%run_scoped3A : memref<!tpu.dma_semaphore, #tpu.memory_space<semaphore_mem>>) src(%arg9 : memref<128x128xf32, #tpu.memory_space<vmem>>) dst(%dma_wait3A_89 : memref<10000x128xf32, #tpu.memory_space<vmem_shared>>)
          tpu.yield
        }) : () -> ()
      } else {
      }
    } else {
    }
    %eq3A_12 = arith.constant 1 : i32
    %eq3A_13 = arith.cmpi eq, %arg0, %eq3A_12 : i32
    %convert_element_type3A_14 = arith.extui %eq3A_13 : i1 to i32
    %cond3A_15 = arith.constant 0 : i32
    %cond3A_16 = arith.cmpi ne, %convert_element_type3A_14, %cond3A_15 : i32
    scf.if %cond3A_16 {
      %mul3A = arith.constant 81 : i32
      %mul3A_28 = arith.muli %arg1, %mul3A : i32
      %add3A = arith.constant 0 : i32
      %add3A_29 = arith.addi %mul3A_28, %add3A : i32
      %add3A_30 = arith.constant 1200 : i32
      %add3A_31 = arith.addi %add3A_30, %add3A_29 : i32
      %mul3A_32 = arith.constant 128 : i32
      %mul3A_33 = arith.muli %add3A_31, %mul3A_32 : i32
      %dma_start3A = tpu.memref_slice %arg4[%mul3A_33] : memref<320000xi32, #tpu.memory_space<hbm>> -> memref<128xi32, #tpu.memory_space<hbm>>
      %dma_start3A_34 = tpu.memref_slice %arg4[%mul3A_33] : memref<320000xi32, #tpu.memory_space<hbm>> -> memref<128xi32, #tpu.memory_space<hbm>>
      tpu.enqueue_dma source(%dma_start3A_34 : memref<128xi32, #tpu.memory_space<hbm>>) target(%arg12 : memref<128xi32, #tpu.memory_space<vmem>>) target_semaphore(%arg19 : memref<!tpu.dma_semaphore, #tpu.memory_space<semaphore_mem>>)
      %mul3A_35 = arith.constant 128 : i32
      %mul3A_36 = arith.muli %add3A_29, %mul3A_35 : i32
      %dma_start3A_37 = arith.constant 0 : i32
      %dma_start3A_38 = tpu.memref_slice %arg3[%mul3A_36, %dma_start3A_37] : memref<166400x128xf32, #tpu.memory_space<hbm>> -> memref<128x128xf32, #tpu.memory_space<hbm>>
      %dma_start3A_39 = arith.constant 0 : i32
      %dma_start3A_40 = tpu.memref_slice %arg3[%mul3A_36, %dma_start3A_39] : memref<166400x128xf32, #tpu.memory_space<hbm>> -> memref<128x128xf32, #tpu.memory_space<hbm>>
      tpu.enqueue_dma source(%dma_start3A_40 : memref<128x128xf32, #tpu.memory_space<hbm>>) target(%arg9 : memref<128x128xf32, #tpu.memory_space<vmem>>) target_semaphore(%arg16 : memref<!tpu.dma_semaphore, #tpu.memory_space<semaphore_mem>>)
      %add3A_41 = arith.constant 1 : i32
      %add3A_42 = arith.addi %mul3A_28, %add3A_41 : i32
      %add3A_43 = arith.constant 1200 : i32
      %add3A_44 = arith.addi %add3A_43, %add3A_42 : i32
      %mul3A_45 = arith.constant 128 : i32
      %mul3A_46 = arith.muli %add3A_44, %mul3A_45 : i32
      %dma_start3A_47 = tpu.memref_slice %arg4[%mul3A_46] : memref<320000xi32, #tpu.memory_space<hbm>> -> memref<128xi32, #tpu.memory_space<hbm>>
      %dma_start3A_48 = tpu.memref_slice %arg4[%mul3A_46] : memref<320000xi32, #tpu.memory_space<hbm>> -> memref<128xi32, #tpu.memory_space<hbm>>
      tpu.enqueue_dma source(%dma_start3A_48 : memref<128xi32, #tpu.memory_space<hbm>>) target(%arg13 : memref<128xi32, #tpu.memory_space<vmem>>) target_semaphore(%arg20 : memref<!tpu.dma_semaphore, #tpu.memory_space<semaphore_mem>>)
      %mul3A_49 = arith.constant 128 : i32
      %mul3A_50 = arith.muli %add3A_42, %mul3A_49 : i32
      %dma_start3A_51 = arith.constant 0 : i32
      %dma_start3A_52 = tpu.memref_slice %arg3[%mul3A_50, %dma_start3A_51] : memref<166400x128xf32, #tpu.memory_space<hbm>> -> memref<128x128xf32, #tpu.memory_space<hbm>>
      %dma_start3A_53 = arith.constant 0 : i32
      %dma_start3A_54 = tpu.memref_slice %arg3[%mul3A_50, %dma_start3A_53] : memref<166400x128xf32, #tpu.memory_space<hbm>> -> memref<128x128xf32, #tpu.memory_space<hbm>>
      tpu.enqueue_dma source(%dma_start3A_54 : memref<128x128xf32, #tpu.memory_space<hbm>>) target(%arg10 : memref<128x128xf32, #tpu.memory_space<vmem>>) target_semaphore(%arg17 : memref<!tpu.dma_semaphore, #tpu.memory_space<semaphore_mem>>)
      %add3A_55 = arith.constant 2 : i32
      %add3A_56 = arith.addi %mul3A_28, %add3A_55 : i32
      %add3A_57 = arith.constant 1200 : i32
      %add3A_58 = arith.addi %add3A_57, %add3A_56 : i32
      %mul3A_59 = arith.constant 128 : i32
      %mul3A_60 = arith.muli %add3A_58, %mul3A_59 : i32
      %dma_start3A_61 = tpu.memref_slice %arg4[%mul3A_60] : memref<320000xi32, #tpu.memory_space<hbm>> -> memref<128xi32, #tpu.memory_space<hbm>>
      %dma_start3A_62 = tpu.memref_slice %arg4[%mul3A_60] : memref<320000xi32, #tpu.memory_space<hbm>> -> memref<128xi32, #tpu.memory_space<hbm>>
      tpu.enqueue_dma source(%dma_start3A_62 : memref<128xi32, #tpu.memory_space<hbm>>) target(%arg14 : memref<128xi32, #tpu.memory_space<vmem>>) target_semaphore(%arg21 : memref<!tpu.dma_semaphore, #tpu.memory_space<semaphore_mem>>)
      %mul3A_63 = arith.constant 128 : i32
      %mul3A_64 = arith.muli %add3A_56, %mul3A_63 : i32
      %dma_start3A_65 = arith.constant 0 : i32
      %dma_start3A_66 = tpu.memref_slice %arg3[%mul3A_64, %dma_start3A_65] : memref<166400x128xf32, #tpu.memory_space<hbm>> -> memref<128x128xf32, #tpu.memory_space<hbm>>
      %dma_start3A_67 = arith.constant 0 : i32
      %dma_start3A_68 = tpu.memref_slice %arg3[%mul3A_64, %dma_start3A_67] : memref<166400x128xf32, #tpu.memory_space<hbm>> -> memref<128x128xf32, #tpu.memory_space<hbm>>
      tpu.enqueue_dma source(%dma_start3A_68 : memref<128x128xf32, #tpu.memory_space<hbm>>) target(%arg11 : memref<128x128xf32, #tpu.memory_space<vmem>>) target_semaphore(%arg18 : memref<!tpu.dma_semaphore, #tpu.memory_space<semaphore_mem>>)
      %scan3A = arith.constant 0 : i32
      %scan3A_69 = arith.constant 27 : i32
      %scan3A_70 = arith.addi %scan3A, %scan3A_69 : i32
      %scan3A_71 = arith.constant 1 : i32
      scf.for %scan3A_77 = %scan3A to %scan3A_70 step %scan3A_71  : i32 {
        %mul3A_78 = arith.constant 1 : i32
        %mul3A_79 = arith.muli %scan3A_77, %mul3A_78 : i32
        %add3A_80 = arith.constant 0 : i32
        %add3A_81 = arith.addi %add3A_80, %mul3A_79 : i32
        %mul3A_82 = arith.constant 3 : i32
        %mul3A_83 = arith.muli %mul3A_82, %add3A_81 : i32
        %add3A_84 = arith.constant 0 : i32
        %add3A_85 = arith.addi %mul3A_83, %add3A_84 : i32
        %mul3A_86 = arith.constant 1 : i32
        %mul3A_87 = arith.muli %add3A_85, %mul3A_86 : i32
        %add3A_88 = arith.addi %mul3A_28, %mul3A_87 : i32
        %add3A_89 = arith.constant 1200 : i32
        %add3A_90 = arith.addi %add3A_89, %add3A_88 : i32
        %mul3A_91 = arith.constant 128 : i32
        %mul3A_92 = arith.muli %add3A_90, %mul3A_91 : i32
        %dma_wait3A = tpu.memref_slice %arg4[%mul3A_92] : memref<320000xi32, #tpu.memory_space<hbm>> -> memref<128xi32, #tpu.memory_space<hbm>>
        %dma_wait3A_93 = tpu.memref_slice %arg4[%mul3A_92] : memref<320000xi32, #tpu.memory_space<hbm>> -> memref<128xi32, #tpu.memory_space<hbm>>
        tpu.wait_dma2 semaphore(%arg19 : memref<!tpu.dma_semaphore, #tpu.memory_space<semaphore_mem>>) src(%dma_wait3A_93 : memref<128xi32, #tpu.memory_space<hbm>>) dst(%arg12 : memref<128xi32, #tpu.memory_space<vmem>>)
        %mul3A_94 = arith.constant 128 : i32
        %mul3A_95 = arith.muli %add3A_88, %mul3A_94 : i32
        %dma_wait3A_96 = arith.constant 0 : i32
        %dma_wait3A_97 = tpu.memref_slice %arg3[%mul3A_95, %dma_wait3A_96] : memref<166400x128xf32, #tpu.memory_space<hbm>> -> memref<128x128xf32, #tpu.memory_space<hbm>>
        %dma_wait3A_98 = arith.constant 0 : i32
        %dma_wait3A_99 = tpu.memref_slice %arg3[%mul3A_95, %dma_wait3A_98] : memref<166400x128xf32, #tpu.memory_space<hbm>> -> memref<128x128xf32, #tpu.memory_space<hbm>>
        tpu.wait_dma2 semaphore(%arg16 : memref<!tpu.dma_semaphore, #tpu.memory_space<semaphore_mem>>) src(%dma_wait3A_99 : memref<128x128xf32, #tpu.memory_space<hbm>>) dst(%arg9 : memref<128x128xf32, #tpu.memory_space<vmem>>)
        "tpu.region"() ({
          %run_scoped3A = tpu.sem_alloc : memref<!tpu.dma_semaphore, #tpu.memory_space<semaphore_mem>>
          %dma_start3A_159 = arith.constant 0 : i32
          %dma_start3A_160 = arith.constant 0 : i32
          %dma_start3A_161 = tpu.memref_slice %arg15[%dma_start3A_159, %dma_start3A_160] : memref<10000x128xf32, #tpu.memory_space<vmem_shared>> -> memref<10000x128xf32, #tpu.memory_space<vmem_shared>>
          tpu.enqueue_indirect_dma source(%arg9 : memref<128x128xf32, #tpu.memory_space<vmem>>) target(%dma_start3A_161 : memref<10000x128xf32, #tpu.memory_space<vmem_shared>>) offsets(%arg12 : memref<128xi32, #tpu.memory_space<vmem>>) semaphore(%run_scoped3A : memref<!tpu.dma_semaphore, #tpu.memory_space<semaphore_mem>>) {add = true}
          %dma_wait3A_162 = arith.constant 0 : i32
          %dma_wait3A_163 = arith.constant 0 : i32
          %dma_wait3A_164 = tpu.memref_slice %arg15[%dma_wait3A_162, %dma_wait3A_163] : memref<10000x128xf32, #tpu.memory_space<vmem_shared>> -> memref<10000x128xf32, #tpu.memory_space<vmem_shared>>
          tpu.wait_indirect_dma semaphore(%run_scoped3A : memref<!tpu.dma_semaphore, #tpu.memory_space<semaphore_mem>>) src(%arg9 : memref<128x128xf32, #tpu.memory_space<vmem>>) dst(%dma_wait3A_164 : memref<10000x128xf32, #tpu.memory_space<vmem_shared>>)
          tpu.yield
        }) : () -> ()
        %add3A_100 = arith.constant 3 : i32
        %add3A_101 = arith.addi %add3A_85, %add3A_100 : i32
        %lt3A_102 = arith.constant 81 : i32
        %lt3A_103 = arith.cmpi slt, %add3A_101, %lt3A_102 : i32
        %convert_element_type3A_104 = arith.extui %lt3A_103 : i1 to i32
        %cond3A_105 = arith.constant 0 : i32
        %cond3A_106 = arith.cmpi ne, %convert_element_type3A_104, %cond3A_105 : i32
        scf.if %cond3A_106 {
          %add3A_159 = arith.constant 3 : i32
          %add3A_160 = arith.addi %add3A_85, %add3A_159 : i32
          %mul3A_161 = arith.constant 1 : i32
          %mul3A_162 = arith.muli %add3A_160, %mul3A_161 : i32
          %add3A_163 = arith.addi %mul3A_28, %mul3A_162 : i32
          %add3A_164 = arith.constant 1200 : i32
          %add3A_165 = arith.addi %add3A_164, %add3A_163 : i32
          %mul3A_166 = arith.constant 128 : i32
          %mul3A_167 = arith.muli %add3A_165, %mul3A_166 : i32
          %dma_start3A_168 = tpu.memref_slice %arg4[%mul3A_167] : memref<320000xi32, #tpu.memory_space<hbm>> -> memref<128xi32, #tpu.memory_space<hbm>>
          %dma_start3A_169 = tpu.memref_slice %arg4[%mul3A_167] : memref<320000xi32, #tpu.memory_space<hbm>> -> memref<128xi32, #tpu.memory_space<hbm>>
          tpu.enqueue_dma source(%dma_start3A_169 : memref<128xi32, #tpu.memory_space<hbm>>) target(%arg12 : memref<128xi32, #tpu.memory_space<vmem>>) target_semaphore(%arg19 : memref<!tpu.dma_semaphore, #tpu.memory_space<semaphore_mem>>)
          %mul3A_170 = arith.constant 128 : i32
          %mul3A_171 = arith.muli %add3A_163, %mul3A_170 : i32
          %dma_start3A_172 = arith.constant 0 : i32
          %dma_start3A_173 = tpu.memref_slice %arg3[%mul3A_171, %dma_start3A_172] : memref<166400x128xf32, #tpu.memory_space<hbm>> -> memref<128x128xf32, #tpu.memory_space<hbm>>
          %dma_start3A_174 = arith.constant 0 : i32
          %dma_start3A_175 = tpu.memref_slice %arg3[%mul3A_171, %dma_start3A_174] : memref<166400x128xf32, #tpu.memory_space<hbm>> -> memref<128x128xf32, #tpu.memory_space<hbm>>
          tpu.enqueue_dma source(%dma_start3A_175 : memref<128x128xf32, #tpu.memory_space<hbm>>) target(%arg9 : memref<128x128xf32, #tpu.memory_space<vmem>>) target_semaphore(%arg16 : memref<!tpu.dma_semaphore, #tpu.memory_space<semaphore_mem>>)
        } else {
        }
        %mul3A_107 = arith.constant 3 : i32
        %mul3A_108 = arith.muli %mul3A_107, %add3A_81 : i32
        %add3A_109 = arith.constant 1 : i32
        %add3A_110 = arith.addi %mul3A_108, %add3A_109 : i32
        %mul3A_111 = arith.constant 1 : i32
        %mul3A_112 = arith.muli %add3A_110, %mul3A_111 : i32
        %add3A_113 = arith.addi %mul3A_28, %mul3A_112 : i32
        %add3A_114 = arith.constant 1200 : i32
        %add3A_115 = arith.addi %add3A_114, %add3A_113 : i32
        %mul3A_116 = arith.constant 128 : i32
        %mul3A_117 = arith.muli %add3A_115, %mul3A_116 : i32
        %dma_wait3A_118 = tpu.memref_slice %arg4[%mul3A_117] : memref<320000xi32, #tpu.memory_space<hbm>> -> memref<128xi32, #tpu.memory_space<hbm>>
        %dma_wait3A_119 = tpu.memref_slice %arg4[%mul3A_117] : memref<320000xi32, #tpu.memory_space<hbm>> -> memref<128xi32, #tpu.memory_space<hbm>>
        tpu.wait_dma2 semaphore(%arg20 : memref<!tpu.dma_semaphore, #tpu.memory_space<semaphore_mem>>) src(%dma_wait3A_119 : memref<128xi32, #tpu.memory_space<hbm>>) dst(%arg13 : memref<128xi32, #tpu.memory_space<vmem>>)
        %mul3A_120 = arith.constant 128 : i32
        %mul3A_121 = arith.muli %add3A_113, %mul3A_120 : i32
        %dma_wait3A_122 = arith.constant 0 : i32
        %dma_wait3A_123 = tpu.memref_slice %arg3[%mul3A_121, %dma_wait3A_122] : memref<166400x128xf32, #tpu.memory_space<hbm>> -> memref<128x128xf32, #tpu.memory_space<hbm>>
        %dma_wait3A_124 = arith.constant 0 : i32
        %dma_wait3A_125 = tpu.memref_slice %arg3[%mul3A_121, %dma_wait3A_124] : memref<166400x128xf32, #tpu.memory_space<hbm>> -> memref<128x128xf32, #tpu.memory_space<hbm>>
        tpu.wait_dma2 semaphore(%arg17 : memref<!tpu.dma_semaphore, #tpu.memory_space<semaphore_mem>>) src(%dma_wait3A_125 : memref<128x128xf32, #tpu.memory_space<hbm>>) dst(%arg10 : memref<128x128xf32, #tpu.memory_space<vmem>>)
        "tpu.region"() ({
          %run_scoped3A = tpu.sem_alloc : memref<!tpu.dma_semaphore, #tpu.memory_space<semaphore_mem>>
          %dma_start3A_159 = arith.constant 0 : i32
          %dma_start3A_160 = arith.constant 0 : i32
          %dma_start3A_161 = tpu.memref_slice %arg15[%dma_start3A_159, %dma_start3A_160] : memref<10000x128xf32, #tpu.memory_space<vmem_shared>> -> memref<10000x128xf32, #tpu.memory_space<vmem_shared>>
          tpu.enqueue_indirect_dma source(%arg10 : memref<128x128xf32, #tpu.memory_space<vmem>>) target(%dma_start3A_161 : memref<10000x128xf32, #tpu.memory_space<vmem_shared>>) offsets(%arg13 : memref<128xi32, #tpu.memory_space<vmem>>) semaphore(%run_scoped3A : memref<!tpu.dma_semaphore, #tpu.memory_space<semaphore_mem>>) {add = true}
          %dma_wait3A_162 = arith.constant 0 : i32
          %dma_wait3A_163 = arith.constant 0 : i32
          %dma_wait3A_164 = tpu.memref_slice %arg15[%dma_wait3A_162, %dma_wait3A_163] : memref<10000x128xf32, #tpu.memory_space<vmem_shared>> -> memref<10000x128xf32, #tpu.memory_space<vmem_shared>>
          tpu.wait_indirect_dma semaphore(%run_scoped3A : memref<!tpu.dma_semaphore, #tpu.memory_space<semaphore_mem>>) src(%arg10 : memref<128x128xf32, #tpu.memory_space<vmem>>) dst(%dma_wait3A_164 : memref<10000x128xf32, #tpu.memory_space<vmem_shared>>)
          tpu.yield
        }) : () -> ()
        %add3A_126 = arith.constant 3 : i32
        %add3A_127 = arith.addi %add3A_110, %add3A_126 : i32
        %lt3A_128 = arith.constant 81 : i32
        %lt3A_129 = arith.cmpi slt, %add3A_127, %lt3A_128 : i32
        %convert_element_type3A_130 = arith.extui %lt3A_129 : i1 to i32
        %cond3A_131 = arith.constant 0 : i32
        %cond3A_132 = arith.cmpi ne, %convert_element_type3A_130, %cond3A_131 : i32
        scf.if %cond3A_132 {
          %add3A_159 = arith.constant 3 : i32
          %add3A_160 = arith.addi %add3A_110, %add3A_159 : i32
          %mul3A_161 = arith.constant 1 : i32
          %mul3A_162 = arith.muli %add3A_160, %mul3A_161 : i32
          %add3A_163 = arith.addi %mul3A_28, %mul3A_162 : i32
          %add3A_164 = arith.constant 1200 : i32
          %add3A_165 = arith.addi %add3A_164, %add3A_163 : i32
          %mul3A_166 = arith.constant 128 : i32
          %mul3A_167 = arith.muli %add3A_165, %mul3A_166 : i32
          %dma_start3A_168 = tpu.memref_slice %arg4[%mul3A_167] : memref<320000xi32, #tpu.memory_space<hbm>> -> memref<128xi32, #tpu.memory_space<hbm>>
          %dma_start3A_169 = tpu.memref_slice %arg4[%mul3A_167] : memref<320000xi32, #tpu.memory_space<hbm>> -> memref<128xi32, #tpu.memory_space<hbm>>
          tpu.enqueue_dma source(%dma_start3A_169 : memref<128xi32, #tpu.memory_space<hbm>>) target(%arg13 : memref<128xi32, #tpu.memory_space<vmem>>) target_semaphore(%arg20 : memref<!tpu.dma_semaphore, #tpu.memory_space<semaphore_mem>>)
          %mul3A_170 = arith.constant 128 : i32
          %mul3A_171 = arith.muli %add3A_163, %mul3A_170 : i32
          %dma_start3A_172 = arith.constant 0 : i32
          %dma_start3A_173 = tpu.memref_slice %arg3[%mul3A_171, %dma_start3A_172] : memref<166400x128xf32, #tpu.memory_space<hbm>> -> memref<128x128xf32, #tpu.memory_space<hbm>>
          %dma_start3A_174 = arith.constant 0 : i32
          %dma_start3A_175 = tpu.memref_slice %arg3[%mul3A_171, %dma_start3A_174] : memref<166400x128xf32, #tpu.memory_space<hbm>> -> memref<128x128xf32, #tpu.memory_space<hbm>>
          tpu.enqueue_dma source(%dma_start3A_175 : memref<128x128xf32, #tpu.memory_space<hbm>>) target(%arg10 : memref<128x128xf32, #tpu.memory_space<vmem>>) target_semaphore(%arg17 : memref<!tpu.dma_semaphore, #tpu.memory_space<semaphore_mem>>)
        } else {
        }
        %mul3A_133 = arith.constant 3 : i32
        %mul3A_134 = arith.muli %mul3A_133, %add3A_81 : i32
        %add3A_135 = arith.constant 2 : i32
        %add3A_136 = arith.addi %mul3A_134, %add3A_135 : i32
        %mul3A_137 = arith.constant 1 : i32
        %mul3A_138 = arith.muli %add3A_136, %mul3A_137 : i32
        %add3A_139 = arith.addi %mul3A_28, %mul3A_138 : i32
        %add3A_140 = arith.constant 1200 : i32
        %add3A_141 = arith.addi %add3A_140, %add3A_139 : i32
        %mul3A_142 = arith.constant 128 : i32
        %mul3A_143 = arith.muli %add3A_141, %mul3A_142 : i32
        %dma_wait3A_144 = tpu.memref_slice %arg4[%mul3A_143] : memref<320000xi32, #tpu.memory_space<hbm>> -> memref<128xi32, #tpu.memory_space<hbm>>
        %dma_wait3A_145 = tpu.memref_slice %arg4[%mul3A_143] : memref<320000xi32, #tpu.memory_space<hbm>> -> memref<128xi32, #tpu.memory_space<hbm>>
        tpu.wait_dma2 semaphore(%arg21 : memref<!tpu.dma_semaphore, #tpu.memory_space<semaphore_mem>>) src(%dma_wait3A_145 : memref<128xi32, #tpu.memory_space<hbm>>) dst(%arg14 : memref<128xi32, #tpu.memory_space<vmem>>)
        %mul3A_146 = arith.constant 128 : i32
        %mul3A_147 = arith.muli %add3A_139, %mul3A_146 : i32
        %dma_wait3A_148 = arith.constant 0 : i32
        %dma_wait3A_149 = tpu.memref_slice %arg3[%mul3A_147, %dma_wait3A_148] : memref<166400x128xf32, #tpu.memory_space<hbm>> -> memref<128x128xf32, #tpu.memory_space<hbm>>
        %dma_wait3A_150 = arith.constant 0 : i32
        %dma_wait3A_151 = tpu.memref_slice %arg3[%mul3A_147, %dma_wait3A_150] : memref<166400x128xf32, #tpu.memory_space<hbm>> -> memref<128x128xf32, #tpu.memory_space<hbm>>
        tpu.wait_dma2 semaphore(%arg18 : memref<!tpu.dma_semaphore, #tpu.memory_space<semaphore_mem>>) src(%dma_wait3A_151 : memref<128x128xf32, #tpu.memory_space<hbm>>) dst(%arg11 : memref<128x128xf32, #tpu.memory_space<vmem>>)
        "tpu.region"() ({
          %run_scoped3A = tpu.sem_alloc : memref<!tpu.dma_semaphore, #tpu.memory_space<semaphore_mem>>
          %dma_start3A_159 = arith.constant 0 : i32
          %dma_start3A_160 = arith.constant 0 : i32
          %dma_start3A_161 = tpu.memref_slice %arg15[%dma_start3A_159, %dma_start3A_160] : memref<10000x128xf32, #tpu.memory_space<vmem_shared>> -> memref<10000x128xf32, #tpu.memory_space<vmem_shared>>
          tpu.enqueue_indirect_dma source(%arg11 : memref<128x128xf32, #tpu.memory_space<vmem>>) target(%dma_start3A_161 : memref<10000x128xf32, #tpu.memory_space<vmem_shared>>) offsets(%arg14 : memref<128xi32, #tpu.memory_space<vmem>>) semaphore(%run_scoped3A : memref<!tpu.dma_semaphore, #tpu.memory_space<semaphore_mem>>) {add = true}
          %dma_wait3A_162 = arith.constant 0 : i32
          %dma_wait3A_163 = arith.constant 0 : i32
          %dma_wait3A_164 = tpu.memref_slice %arg15[%dma_wait3A_162, %dma_wait3A_163] : memref<10000x128xf32, #tpu.memory_space<vmem_shared>> -> memref<10000x128xf32, #tpu.memory_space<vmem_shared>>
          tpu.wait_indirect_dma semaphore(%run_scoped3A : memref<!tpu.dma_semaphore, #tpu.memory_space<semaphore_mem>>) src(%arg11 : memref<128x128xf32, #tpu.memory_space<vmem>>) dst(%dma_wait3A_164 : memref<10000x128xf32, #tpu.memory_space<vmem_shared>>)
          tpu.yield
        }) : () -> ()
        %add3A_152 = arith.constant 3 : i32
        %add3A_153 = arith.addi %add3A_136, %add3A_152 : i32
        %lt3A_154 = arith.constant 81 : i32
        %lt3A_155 = arith.cmpi slt, %add3A_153, %lt3A_154 : i32
        %convert_element_type3A_156 = arith.extui %lt3A_155 : i1 to i32
        %cond3A_157 = arith.constant 0 : i32
        %cond3A_158 = arith.cmpi ne, %convert_element_type3A_156, %cond3A_157 : i32
        scf.if %cond3A_158 {
          %add3A_159 = arith.constant 3 : i32
          %add3A_160 = arith.addi %add3A_136, %add3A_159 : i32
          %mul3A_161 = arith.constant 1 : i32
          %mul3A_162 = arith.muli %add3A_160, %mul3A_161 : i32
          %add3A_163 = arith.addi %mul3A_28, %mul3A_162 : i32
          %add3A_164 = arith.constant 1200 : i32
          %add3A_165 = arith.addi %add3A_164, %add3A_163 : i32
          %mul3A_166 = arith.constant 128 : i32
          %mul3A_167 = arith.muli %add3A_165, %mul3A_166 : i32
          %dma_start3A_168 = tpu.memref_slice %arg4[%mul3A_167] : memref<320000xi32, #tpu.memory_space<hbm>> -> memref<128xi32, #tpu.memory_space<hbm>>
          %dma_start3A_169 = tpu.memref_slice %arg4[%mul3A_167] : memref<320000xi32, #tpu.memory_space<hbm>> -> memref<128xi32, #tpu.memory_space<hbm>>
          tpu.enqueue_dma source(%dma_start3A_169 : memref<128xi32, #tpu.memory_space<hbm>>) target(%arg14 : memref<128xi32, #tpu.memory_space<vmem>>) target_semaphore(%arg21 : memref<!tpu.dma_semaphore, #tpu.memory_space<semaphore_mem>>)
          %mul3A_170 = arith.constant 128 : i32
          %mul3A_171 = arith.muli %add3A_163, %mul3A_170 : i32
          %dma_start3A_172 = arith.constant 0 : i32
          %dma_start3A_173 = tpu.memref_slice %arg3[%mul3A_171, %dma_start3A_172] : memref<166400x128xf32, #tpu.memory_space<hbm>> -> memref<128x128xf32, #tpu.memory_space<hbm>>
          %dma_start3A_174 = arith.constant 0 : i32
          %dma_start3A_175 = tpu.memref_slice %arg3[%mul3A_171, %dma_start3A_174] : memref<166400x128xf32, #tpu.memory_space<hbm>> -> memref<128x128xf32, #tpu.memory_space<hbm>>
          tpu.enqueue_dma source(%dma_start3A_175 : memref<128x128xf32, #tpu.memory_space<hbm>>) target(%arg11 : memref<128x128xf32, #tpu.memory_space<vmem>>) target_semaphore(%arg18 : memref<!tpu.dma_semaphore, #tpu.memory_space<semaphore_mem>>)
        } else {
        }
      }
      %scan3A_72 = arith.constant 27 : i32
      %lt3A = arith.constant 4 : i32
      %lt3A_73 = arith.cmpi slt, %arg1, %lt3A : i32
      %convert_element_type3A_74 = arith.extui %lt3A_73 : i1 to i32
      %cond3A_75 = arith.constant 0 : i32
      %cond3A_76 = arith.cmpi ne, %convert_element_type3A_74, %cond3A_75 : i32
      scf.if %cond3A_76 {
        %add3A_77 = arith.constant 1296 : i32
        %add3A_78 = arith.addi %add3A_77, %arg1 : i32
        %add3A_79 = arith.constant 1200 : i32
        %add3A_80 = arith.addi %add3A_79, %add3A_78 : i32
        %mul3A_81 = arith.constant 128 : i32
        %mul3A_82 = arith.muli %add3A_80, %mul3A_81 : i32
        "tpu.region"() ({
          %run_scoped3A = tpu.sem_alloc : memref<!tpu.dma_semaphore, #tpu.memory_space<semaphore_mem>>
          %dma_start3A_85 = tpu.memref_slice %arg4[%mul3A_82] : memref<320000xi32, #tpu.memory_space<hbm>> -> memref<128xi32, #tpu.memory_space<hbm>>
          %dma_start3A_86 = tpu.memref_slice %arg4[%mul3A_82] : memref<320000xi32, #tpu.memory_space<hbm>> -> memref<128xi32, #tpu.memory_space<hbm>>
          tpu.enqueue_dma source(%dma_start3A_86 : memref<128xi32, #tpu.memory_space<hbm>>) target(%arg12 : memref<128xi32, #tpu.memory_space<vmem>>) target_semaphore(%run_scoped3A : memref<!tpu.dma_semaphore, #tpu.memory_space<semaphore_mem>>)
          %dma_wait3A = tpu.memref_slice %arg4[%mul3A_82] : memref<320000xi32, #tpu.memory_space<hbm>> -> memref<128xi32, #tpu.memory_space<hbm>>
          %dma_wait3A_87 = tpu.memref_slice %arg4[%mul3A_82] : memref<320000xi32, #tpu.memory_space<hbm>> -> memref<128xi32, #tpu.memory_space<hbm>>
          tpu.wait_dma2 semaphore(%run_scoped3A : memref<!tpu.dma_semaphore, #tpu.memory_space<semaphore_mem>>) src(%dma_wait3A_87 : memref<128xi32, #tpu.memory_space<hbm>>) dst(%arg12 : memref<128xi32, #tpu.memory_space<vmem>>)
          tpu.yield
        }) : () -> ()
        %mul3A_83 = arith.constant 128 : i32
        %mul3A_84 = arith.muli %add3A_78, %mul3A_83 : i32
        "tpu.region"() ({
          %run_scoped3A = tpu.sem_alloc : memref<!tpu.dma_semaphore, #tpu.memory_space<semaphore_mem>>
          %dma_start3A_85 = arith.constant 0 : i32
          %dma_start3A_86 = tpu.memref_slice %arg3[%mul3A_84, %dma_start3A_85] : memref<166400x128xf32, #tpu.memory_space<hbm>> -> memref<128x128xf32, #tpu.memory_space<hbm>>
          %dma_start3A_87 = arith.constant 0 : i32
          %dma_start3A_88 = tpu.memref_slice %arg3[%mul3A_84, %dma_start3A_87] : memref<166400x128xf32, #tpu.memory_space<hbm>> -> memref<128x128xf32, #tpu.memory_space<hbm>>
          tpu.enqueue_dma source(%dma_start3A_88 : memref<128x128xf32, #tpu.memory_space<hbm>>) target(%arg9 : memref<128x128xf32, #tpu.memory_space<vmem>>) target_semaphore(%run_scoped3A : memref<!tpu.dma_semaphore, #tpu.memory_space<semaphore_mem>>)
          %dma_wait3A = arith.constant 0 : i32
          %dma_wait3A_89 = tpu.memref_slice %arg3[%mul3A_84, %dma_wait3A] : memref<166400x128xf32, #tpu.memory_space<hbm>> -> memref<128x128xf32, #tpu.memory_space<hbm>>
          %dma_wait3A_90 = arith.constant 0 : i32
          %dma_wait3A_91 = tpu.memref_slice %arg3[%mul3A_84, %dma_wait3A_90] : memref<166400x128xf32, #tpu.memory_space<hbm>> -> memref<128x128xf32, #tpu.memory_space<hbm>>
          tpu.wait_dma2 semaphore(%run_scoped3A : memref<!tpu.dma_semaphore, #tpu.memory_space<semaphore_mem>>) src(%dma_wait3A_91 : memref<128x128xf32, #tpu.memory_space<hbm>>) dst(%arg9 : memref<128x128xf32, #tpu.memory_space<vmem>>)
          tpu.yield
        }) : () -> ()
        "tpu.region"() ({
          %run_scoped3A = tpu.sem_alloc : memref<!tpu.dma_semaphore, #tpu.memory_space<semaphore_mem>>
          %dma_start3A_85 = arith.constant 0 : i32
          %dma_start3A_86 = arith.constant 0 : i32
          %dma_start3A_87 = tpu.memref_slice %arg15[%dma_start3A_85, %dma_start3A_86] : memref<10000x128xf32, #tpu.memory_space<vmem_shared>> -> memref<10000x128xf32, #tpu.memory_space<vmem_shared>>
          tpu.enqueue_indirect_dma source(%arg9 : memref<128x128xf32, #tpu.memory_space<vmem>>) target(%dma_start3A_87 : memref<10000x128xf32, #tpu.memory_space<vmem_shared>>) offsets(%arg12 : memref<128xi32, #tpu.memory_space<vmem>>) semaphore(%run_scoped3A : memref<!tpu.dma_semaphore, #tpu.memory_space<semaphore_mem>>) {add = true}
          %dma_wait3A = arith.constant 0 : i32
          %dma_wait3A_88 = arith.constant 0 : i32
          %dma_wait3A_89 = tpu.memref_slice %arg15[%dma_wait3A, %dma_wait3A_88] : memref<10000x128xf32, #tpu.memory_space<vmem_shared>> -> memref<10000x128xf32, #tpu.memory_space<vmem_shared>>
          tpu.wait_indirect_dma semaphore(%run_scoped3A : memref<!tpu.dma_semaphore, #tpu.memory_space<semaphore_mem>>) src(%arg9 : memref<128x128xf32, #tpu.memory_space<vmem>>) dst(%dma_wait3A_89 : memref<10000x128xf32, #tpu.memory_space<vmem_shared>>)
          tpu.yield
        }) : () -> ()
      } else {
      }
    } else {
    }
    %barrier3A_17 = arith.constant 0 : index
    tpu.barrier barrier_id(%barrier3A_17)
    %eq3A_18 = arith.constant 0 : i32
    %eq3A_19 = arith.cmpi eq, %arg0, %eq3A_18 : i32
    %convert_element_type3A_20 = arith.extui %eq3A_19 : i1 to i32
    %cond3A_21 = arith.constant 0 : i32
    %cond3A_22 = arith.cmpi ne, %convert_element_type3A_20, %cond3A_21 : i32
    scf.if %cond3A_22 {
      %sub3A = arith.constant 125 : i32
      %sub3A_28 = arith.subi %sub3A, %arg1 : i32
      %sub3A_29 = arith.constant 16 : i32
      %sub3A_30 = arith.constant 1 : i32
      %sub3A_31 = arith.subi %sub3A_29, %sub3A_30 : i32
      %add3A = arith.addi %sub3A_28, %sub3A_31 : i32
      %div3A = arith.constant 16 : i32
      %div3A_32 = arith.divsi %add3A, %div3A : i32
      %while3A = arith.constant 16 : i32
      %while3A_33 = arith.constant 0 : i32
      %while3A_34 = arith.subi %div3A_32, %while3A_33 : i32
      %while3A_35 = arith.addi %while3A_33, %while3A_34 : i32
      %while3A_36 = arith.constant 1 : i32
      %while3A_37 = arith.divsi %while3A_34, %while3A_36 : i32
      %while3A_38 = arith.muli %while3A_37, %while3A_36 : i32
      %while3A_39 = arith.addi %while3A_33, %while3A_38 : i32
      %while3A_40 = arith.constant 1 : i32
      scf.for %while3A_42 = %while3A_33 to %while3A_39 step %while3A_40  : i32 {
        %mul3A = arith.muli %while3A_42, %while3A : i32
        %add3A_43 = arith.addi %arg1, %mul3A : i32
        %mul3A_44 = arith.constant 80 : i32
        %mul3A_45 = arith.muli %add3A_43, %mul3A_44 : i32
        "tpu.region"() ({
          %run_scoped3A = tpu.sem_alloc : memref<!tpu.dma_semaphore, #tpu.memory_space<semaphore_mem>>
          %dma_start3A = arith.constant 0 : i32
          %dma_start3A_46 = arith.constant 0 : i32
          %dma_start3A_47 = tpu.memref_slice %arg9[%dma_start3A, %dma_start3A_46] : memref<128x128xf32, #tpu.memory_space<vmem>> -> memref<80x128xf32, #tpu.memory_space<vmem>>
          %dma_start3A_48 = arith.constant 0 : i32
          %dma_start3A_49 = tpu.memref_slice %arg15[%mul3A_45, %dma_start3A_48] : memref<10000x128xf32, #tpu.memory_space<vmem_shared>> -> memref<80x128xf32, #tpu.memory_space<vmem_shared>>
          %dma_start3A_50 = arith.constant 0 : i32
          %dma_start3A_51 = arith.constant 0 : i32
          %dma_start3A_52 = tpu.memref_slice %arg9[%dma_start3A_50, %dma_start3A_51] : memref<128x128xf32, #tpu.memory_space<vmem>> -> memref<80x128xf32, #tpu.memory_space<vmem>>
          %dma_start3A_53 = arith.constant 0 : i32
          %dma_start3A_54 = tpu.memref_slice %arg15[%mul3A_45, %dma_start3A_53] : memref<10000x128xf32, #tpu.memory_space<vmem_shared>> -> memref<80x128xf32, #tpu.memory_space<vmem_shared>>
          tpu.enqueue_dma source(%dma_start3A_54 : memref<80x128xf32, #tpu.memory_space<vmem_shared>>) target(%dma_start3A_52 : memref<80x128xf32, #tpu.memory_space<vmem>>) target_semaphore(%run_scoped3A : memref<!tpu.dma_semaphore, #tpu.memory_space<semaphore_mem>>)
          %dma_wait3A = arith.constant 0 : i32
          %dma_wait3A_55 = arith.constant 0 : i32
          %dma_wait3A_56 = tpu.memref_slice %arg9[%dma_wait3A, %dma_wait3A_55] : memref<128x128xf32, #tpu.memory_space<vmem>> -> memref<80x128xf32, #tpu.memory_space<vmem>>
          %dma_wait3A_57 = arith.constant 0 : i32
          %dma_wait3A_58 = tpu.memref_slice %arg15[%mul3A_45, %dma_wait3A_57] : memref<10000x128xf32, #tpu.memory_space<vmem_shared>> -> memref<80x128xf32, #tpu.memory_space<vmem_shared>>
          %dma_wait3A_59 = arith.constant 0 : i32
          %dma_wait3A_60 = arith.constant 0 : i32
          %dma_wait3A_61 = tpu.memref_slice %arg9[%dma_wait3A_59, %dma_wait3A_60] : memref<128x128xf32, #tpu.memory_space<vmem>> -> memref<80x128xf32, #tpu.memory_space<vmem>>
          %dma_wait3A_62 = arith.constant 0 : i32
          %dma_wait3A_63 = tpu.memref_slice %arg15[%mul3A_45, %dma_wait3A_62] : memref<10000x128xf32, #tpu.memory_space<vmem_shared>> -> memref<80x128xf32, #tpu.memory_space<vmem_shared>>
          tpu.wait_dma2 semaphore(%run_scoped3A : memref<!tpu.dma_semaphore, #tpu.memory_space<semaphore_mem>>) src(%dma_wait3A_63 : memref<80x128xf32, #tpu.memory_space<vmem_shared>>) dst(%dma_wait3A_61 : memref<80x128xf32, #tpu.memory_space<vmem>>)
          tpu.yield
        }) : () -> ()
        "tpu.region"() ({
          %run_scoped3A = tpu.sem_alloc : memref<!tpu.dma_semaphore, #tpu.memory_space<semaphore_mem>>
          %dma_start3A = arith.constant 0 : i32
          %dma_start3A_46 = arith.constant 0 : i32
          %dma_start3A_47 = tpu.memref_slice %arg9[%dma_start3A, %dma_start3A_46] : memref<128x128xf32, #tpu.memory_space<vmem>> -> memref<80x128xf32, #tpu.memory_space<vmem>>
          %dma_start3A_48 = arith.constant 0 : i32
          %dma_start3A_49 = tpu.memref_slice %arg7[%mul3A_45, %dma_start3A_48] : memref<10000x128xf32, #tpu.memory_space<hbm>> -> memref<80x128xf32, #tpu.memory_space<hbm>>
          %dma_start3A_50 = arith.constant 0 : i32
          %dma_start3A_51 = tpu.memref_slice %arg7[%mul3A_45, %dma_start3A_50] : memref<10000x128xf32, #tpu.memory_space<hbm>> -> memref<80x128xf32, #tpu.memory_space<hbm>>
          %dma_start3A_52 = arith.constant 0 : i32
          %dma_start3A_53 = arith.constant 0 : i32
          %dma_start3A_54 = tpu.memref_slice %arg9[%dma_start3A_52, %dma_start3A_53] : memref<128x128xf32, #tpu.memory_space<vmem>> -> memref<80x128xf32, #tpu.memory_space<vmem>>
          tpu.enqueue_dma source(%dma_start3A_54 : memref<80x128xf32, #tpu.memory_space<vmem>>) target(%dma_start3A_51 : memref<80x128xf32, #tpu.memory_space<hbm>>) target_semaphore(%run_scoped3A : memref<!tpu.dma_semaphore, #tpu.memory_space<semaphore_mem>>)
          %dma_wait3A = arith.constant 0 : i32
          %dma_wait3A_55 = arith.constant 0 : i32
          %dma_wait3A_56 = tpu.memref_slice %arg9[%dma_wait3A, %dma_wait3A_55] : memref<128x128xf32, #tpu.memory_space<vmem>> -> memref<80x128xf32, #tpu.memory_space<vmem>>
          %dma_wait3A_57 = arith.constant 0 : i32
          %dma_wait3A_58 = tpu.memref_slice %arg7[%mul3A_45, %dma_wait3A_57] : memref<10000x128xf32, #tpu.memory_space<hbm>> -> memref<80x128xf32, #tpu.memory_space<hbm>>
          %dma_wait3A_59 = arith.constant 0 : i32
          %dma_wait3A_60 = tpu.memref_slice %arg7[%mul3A_45, %dma_wait3A_59] : memref<10000x128xf32, #tpu.memory_space<hbm>> -> memref<80x128xf32, #tpu.memory_space<hbm>>
          %dma_wait3A_61 = arith.constant 0 : i32
          %dma_wait3A_62 = arith.constant 0 : i32
          %dma_wait3A_63 = tpu.memref_slice %arg9[%dma_wait3A_61, %dma_wait3A_62] : memref<128x128xf32, #tpu.memory_space<vmem>> -> memref<80x128xf32, #tpu.memory_space<vmem>>
          tpu.wait_dma2 semaphore(%run_scoped3A : memref<!tpu.dma_semaphore, #tpu.memory_space<semaphore_mem>>) src(%dma_wait3A_63 : memref<80x128xf32, #tpu.memory_space<vmem>>) dst(%dma_wait3A_60 : memref<80x128xf32, #tpu.memory_space<hbm>>)
          tpu.yield
        }) : () -> ()
      }
      %while3A_41 = arith.constant 1 : i32
      scf.for %while3A_42 = %while3A_39 to %while3A_35 step %while3A_41  : i32 {
        %mul3A = arith.muli %while3A_42, %while3A : i32
        %add3A_43 = arith.addi %arg1, %mul3A : i32
        %mul3A_44 = arith.constant 80 : i32
        %mul3A_45 = arith.muli %add3A_43, %mul3A_44 : i32
        "tpu.region"() ({
          %run_scoped3A = tpu.sem_alloc : memref<!tpu.dma_semaphore, #tpu.memory_space<semaphore_mem>>
          %dma_start3A = arith.constant 0 : i32
          %dma_start3A_46 = arith.constant 0 : i32
          %dma_start3A_47 = tpu.memref_slice %arg9[%dma_start3A, %dma_start3A_46] : memref<128x128xf32, #tpu.memory_space<vmem>> -> memref<80x128xf32, #tpu.memory_space<vmem>>
          %dma_start3A_48 = arith.constant 0 : i32
          %dma_start3A_49 = tpu.memref_slice %arg15[%mul3A_45, %dma_start3A_48] : memref<10000x128xf32, #tpu.memory_space<vmem_shared>> -> memref<80x128xf32, #tpu.memory_space<vmem_shared>>
          %dma_start3A_50 = arith.constant 0 : i32
          %dma_start3A_51 = arith.constant 0 : i32
          %dma_start3A_52 = tpu.memref_slice %arg9[%dma_start3A_50, %dma_start3A_51] : memref<128x128xf32, #tpu.memory_space<vmem>> -> memref<80x128xf32, #tpu.memory_space<vmem>>
          %dma_start3A_53 = arith.constant 0 : i32
          %dma_start3A_54 = tpu.memref_slice %arg15[%mul3A_45, %dma_start3A_53] : memref<10000x128xf32, #tpu.memory_space<vmem_shared>> -> memref<80x128xf32, #tpu.memory_space<vmem_shared>>
          tpu.enqueue_dma source(%dma_start3A_54 : memref<80x128xf32, #tpu.memory_space<vmem_shared>>) target(%dma_start3A_52 : memref<80x128xf32, #tpu.memory_space<vmem>>) target_semaphore(%run_scoped3A : memref<!tpu.dma_semaphore, #tpu.memory_space<semaphore_mem>>)
          %dma_wait3A = arith.constant 0 : i32
          %dma_wait3A_55 = arith.constant 0 : i32
          %dma_wait3A_56 = tpu.memref_slice %arg9[%dma_wait3A, %dma_wait3A_55] : memref<128x128xf32, #tpu.memory_space<vmem>> -> memref<80x128xf32, #tpu.memory_space<vmem>>
          %dma_wait3A_57 = arith.constant 0 : i32
          %dma_wait3A_58 = tpu.memref_slice %arg15[%mul3A_45, %dma_wait3A_57] : memref<10000x128xf32, #tpu.memory_space<vmem_shared>> -> memref<80x128xf32, #tpu.memory_space<vmem_shared>>
          %dma_wait3A_59 = arith.constant 0 : i32
          %dma_wait3A_60 = arith.constant 0 : i32
          %dma_wait3A_61 = tpu.memref_slice %arg9[%dma_wait3A_59, %dma_wait3A_60] : memref<128x128xf32, #tpu.memory_space<vmem>> -> memref<80x128xf32, #tpu.memory_space<vmem>>
          %dma_wait3A_62 = arith.constant 0 : i32
          %dma_wait3A_63 = tpu.memref_slice %arg15[%mul3A_45, %dma_wait3A_62] : memref<10000x128xf32, #tpu.memory_space<vmem_shared>> -> memref<80x128xf32, #tpu.memory_space<vmem_shared>>
          tpu.wait_dma2 semaphore(%run_scoped3A : memref<!tpu.dma_semaphore, #tpu.memory_space<semaphore_mem>>) src(%dma_wait3A_63 : memref<80x128xf32, #tpu.memory_space<vmem_shared>>) dst(%dma_wait3A_61 : memref<80x128xf32, #tpu.memory_space<vmem>>)
          tpu.yield
        }) : () -> ()
        "tpu.region"() ({
          %run_scoped3A = tpu.sem_alloc : memref<!tpu.dma_semaphore, #tpu.memory_space<semaphore_mem>>
          %dma_start3A = arith.constant 0 : i32
          %dma_start3A_46 = arith.constant 0 : i32
          %dma_start3A_47 = tpu.memref_slice %arg9[%dma_start3A, %dma_start3A_46] : memref<128x128xf32, #tpu.memory_space<vmem>> -> memref<80x128xf32, #tpu.memory_space<vmem>>
          %dma_start3A_48 = arith.constant 0 : i32
          %dma_start3A_49 = tpu.memref_slice %arg7[%mul3A_45, %dma_start3A_48] : memref<10000x128xf32, #tpu.memory_space<hbm>> -> memref<80x128xf32, #tpu.memory_space<hbm>>
          %dma_start3A_50 = arith.constant 0 : i32
          %dma_start3A_51 = tpu.memref_slice %arg7[%mul3A_45, %dma_start3A_50] : memref<10000x128xf32, #tpu.memory_space<hbm>> -> memref<80x128xf32, #tpu.memory_space<hbm>>
          %dma_start3A_52 = arith.constant 0 : i32
          %dma_start3A_53 = arith.constant 0 : i32
          %dma_start3A_54 = tpu.memref_slice %arg9[%dma_start3A_52, %dma_start3A_53] : memref<128x128xf32, #tpu.memory_space<vmem>> -> memref<80x128xf32, #tpu.memory_space<vmem>>
          tpu.enqueue_dma source(%dma_start3A_54 : memref<80x128xf32, #tpu.memory_space<vmem>>) target(%dma_start3A_51 : memref<80x128xf32, #tpu.memory_space<hbm>>) target_semaphore(%run_scoped3A : memref<!tpu.dma_semaphore, #tpu.memory_space<semaphore_mem>>)
          %dma_wait3A = arith.constant 0 : i32
          %dma_wait3A_55 = arith.constant 0 : i32
          %dma_wait3A_56 = tpu.memref_slice %arg9[%dma_wait3A, %dma_wait3A_55] : memref<128x128xf32, #tpu.memory_space<vmem>> -> memref<80x128xf32, #tpu.memory_space<vmem>>
          %dma_wait3A_57 = arith.constant 0 : i32
          %dma_wait3A_58 = tpu.memref_slice %arg7[%mul3A_45, %dma_wait3A_57] : memref<10000x128xf32, #tpu.memory_space<hbm>> -> memref<80x128xf32, #tpu.memory_space<hbm>>
          %dma_wait3A_59 = arith.constant 0 : i32
          %dma_wait3A_60 = tpu.memref_slice %arg7[%mul3A_45, %dma_wait3A_59] : memref<10000x128xf32, #tpu.memory_space<hbm>> -> memref<80x128xf32, #tpu.memory_space<hbm>>
          %dma_wait3A_61 = arith.constant 0 : i32
          %dma_wait3A_62 = arith.constant 0 : i32
          %dma_wait3A_63 = tpu.memref_slice %arg9[%dma_wait3A_61, %dma_wait3A_62] : memref<128x128xf32, #tpu.memory_space<vmem>> -> memref<80x128xf32, #tpu.memory_space<vmem>>
          tpu.wait_dma2 semaphore(%run_scoped3A : memref<!tpu.dma_semaphore, #tpu.memory_space<semaphore_mem>>) src(%dma_wait3A_63 : memref<80x128xf32, #tpu.memory_space<vmem>>) dst(%dma_wait3A_60 : memref<80x128xf32, #tpu.memory_space<hbm>>)
          tpu.yield
        }) : () -> ()
      }
    } else {
    }
    %eq3A_23 = arith.constant 1 : i32
    %eq3A_24 = arith.cmpi eq, %arg0, %eq3A_23 : i32
    %convert_element_type3A_25 = arith.extui %eq3A_24 : i1 to i32
    %cond3A_26 = arith.constant 0 : i32
    %cond3A_27 = arith.cmpi ne, %convert_element_type3A_25, %cond3A_26 : i32
    scf.if %cond3A_27 {
      %sub3A = arith.constant 125 : i32
      %sub3A_28 = arith.subi %sub3A, %arg1 : i32
      %sub3A_29 = arith.constant 16 : i32
      %sub3A_30 = arith.constant 1 : i32
      %sub3A_31 = arith.subi %sub3A_29, %sub3A_30 : i32
      %add3A = arith.addi %sub3A_28, %sub3A_31 : i32
      %div3A = arith.constant 16 : i32
      %div3A_32 = arith.divsi %add3A, %div3A : i32
      %while3A = arith.constant 16 : i32
      %while3A_33 = arith.constant 0 : i32
      %while3A_34 = arith.subi %div3A_32, %while3A_33 : i32
      %while3A_35 = arith.addi %while3A_33, %while3A_34 : i32
      %while3A_36 = arith.constant 1 : i32
      %while3A_37 = arith.divsi %while3A_34, %while3A_36 : i32
      %while3A_38 = arith.muli %while3A_37, %while3A_36 : i32
      %while3A_39 = arith.addi %while3A_33, %while3A_38 : i32
      %while3A_40 = arith.constant 1 : i32
      scf.for %while3A_42 = %while3A_33 to %while3A_39 step %while3A_40  : i32 {
        %mul3A = arith.muli %while3A_42, %while3A : i32
        %add3A_43 = arith.addi %arg1, %mul3A : i32
        %mul3A_44 = arith.constant 80 : i32
        %mul3A_45 = arith.muli %add3A_43, %mul3A_44 : i32
        "tpu.region"() ({
          %run_scoped3A = tpu.sem_alloc : memref<!tpu.dma_semaphore, #tpu.memory_space<semaphore_mem>>
          %dma_start3A = arith.constant 0 : i32
          %dma_start3A_46 = arith.constant 0 : i32
          %dma_start3A_47 = tpu.memref_slice %arg9[%dma_start3A, %dma_start3A_46] : memref<128x128xf32, #tpu.memory_space<vmem>> -> memref<80x128xf32, #tpu.memory_space<vmem>>
          %dma_start3A_48 = arith.constant 0 : i32
          %dma_start3A_49 = tpu.memref_slice %arg15[%mul3A_45, %dma_start3A_48] : memref<10000x128xf32, #tpu.memory_space<vmem_shared>> -> memref<80x128xf32, #tpu.memory_space<vmem_shared>>
          %dma_start3A_50 = arith.constant 0 : i32
          %dma_start3A_51 = arith.constant 0 : i32
          %dma_start3A_52 = tpu.memref_slice %arg9[%dma_start3A_50, %dma_start3A_51] : memref<128x128xf32, #tpu.memory_space<vmem>> -> memref<80x128xf32, #tpu.memory_space<vmem>>
          %dma_start3A_53 = arith.constant 0 : i32
          %dma_start3A_54 = tpu.memref_slice %arg15[%mul3A_45, %dma_start3A_53] : memref<10000x128xf32, #tpu.memory_space<vmem_shared>> -> memref<80x128xf32, #tpu.memory_space<vmem_shared>>
          tpu.enqueue_dma source(%dma_start3A_54 : memref<80x128xf32, #tpu.memory_space<vmem_shared>>) target(%dma_start3A_52 : memref<80x128xf32, #tpu.memory_space<vmem>>) target_semaphore(%run_scoped3A : memref<!tpu.dma_semaphore, #tpu.memory_space<semaphore_mem>>)
          %dma_wait3A = arith.constant 0 : i32
          %dma_wait3A_55 = arith.constant 0 : i32
          %dma_wait3A_56 = tpu.memref_slice %arg9[%dma_wait3A, %dma_wait3A_55] : memref<128x128xf32, #tpu.memory_space<vmem>> -> memref<80x128xf32, #tpu.memory_space<vmem>>
          %dma_wait3A_57 = arith.constant 0 : i32
          %dma_wait3A_58 = tpu.memref_slice %arg15[%mul3A_45, %dma_wait3A_57] : memref<10000x128xf32, #tpu.memory_space<vmem_shared>> -> memref<80x128xf32, #tpu.memory_space<vmem_shared>>
          %dma_wait3A_59 = arith.constant 0 : i32
          %dma_wait3A_60 = arith.constant 0 : i32
          %dma_wait3A_61 = tpu.memref_slice %arg9[%dma_wait3A_59, %dma_wait3A_60] : memref<128x128xf32, #tpu.memory_space<vmem>> -> memref<80x128xf32, #tpu.memory_space<vmem>>
          %dma_wait3A_62 = arith.constant 0 : i32
          %dma_wait3A_63 = tpu.memref_slice %arg15[%mul3A_45, %dma_wait3A_62] : memref<10000x128xf32, #tpu.memory_space<vmem_shared>> -> memref<80x128xf32, #tpu.memory_space<vmem_shared>>
          tpu.wait_dma2 semaphore(%run_scoped3A : memref<!tpu.dma_semaphore, #tpu.memory_space<semaphore_mem>>) src(%dma_wait3A_63 : memref<80x128xf32, #tpu.memory_space<vmem_shared>>) dst(%dma_wait3A_61 : memref<80x128xf32, #tpu.memory_space<vmem>>)
          tpu.yield
        }) : () -> ()
        "tpu.region"() ({
          %run_scoped3A = tpu.sem_alloc : memref<!tpu.dma_semaphore, #tpu.memory_space<semaphore_mem>>
          %dma_start3A = arith.constant 0 : i32
          %dma_start3A_46 = arith.constant 0 : i32
          %dma_start3A_47 = tpu.memref_slice %arg9[%dma_start3A, %dma_start3A_46] : memref<128x128xf32, #tpu.memory_space<vmem>> -> memref<80x128xf32, #tpu.memory_space<vmem>>
          %dma_start3A_48 = arith.constant 0 : i32
          %dma_start3A_49 = tpu.memref_slice %arg8[%mul3A_45, %dma_start3A_48] : memref<10000x128xf32, #tpu.memory_space<hbm>> -> memref<80x128xf32, #tpu.memory_space<hbm>>
          %dma_start3A_50 = arith.constant 0 : i32
          %dma_start3A_51 = tpu.memref_slice %arg8[%mul3A_45, %dma_start3A_50] : memref<10000x128xf32, #tpu.memory_space<hbm>> -> memref<80x128xf32, #tpu.memory_space<hbm>>
          %dma_start3A_52 = arith.constant 0 : i32
          %dma_start3A_53 = arith.constant 0 : i32
          %dma_start3A_54 = tpu.memref_slice %arg9[%dma_start3A_52, %dma_start3A_53] : memref<128x128xf32, #tpu.memory_space<vmem>> -> memref<80x128xf32, #tpu.memory_space<vmem>>
          tpu.enqueue_dma source(%dma_start3A_54 : memref<80x128xf32, #tpu.memory_space<vmem>>) target(%dma_start3A_51 : memref<80x128xf32, #tpu.memory_space<hbm>>) target_semaphore(%run_scoped3A : memref<!tpu.dma_semaphore, #tpu.memory_space<semaphore_mem>>)
          %dma_wait3A = arith.constant 0 : i32
          %dma_wait3A_55 = arith.constant 0 : i32
          %dma_wait3A_56 = tpu.memref_slice %arg9[%dma_wait3A, %dma_wait3A_55] : memref<128x128xf32, #tpu.memory_space<vmem>> -> memref<80x128xf32, #tpu.memory_space<vmem>>
          %dma_wait3A_57 = arith.constant 0 : i32
          %dma_wait3A_58 = tpu.memref_slice %arg8[%mul3A_45, %dma_wait3A_57] : memref<10000x128xf32, #tpu.memory_space<hbm>> -> memref<80x128xf32, #tpu.memory_space<hbm>>
          %dma_wait3A_59 = arith.constant 0 : i32
          %dma_wait3A_60 = tpu.memref_slice %arg8[%mul3A_45, %dma_wait3A_59] : memref<10000x128xf32, #tpu.memory_space<hbm>> -> memref<80x128xf32, #tpu.memory_space<hbm>>
          %dma_wait3A_61 = arith.constant 0 : i32
          %dma_wait3A_62 = arith.constant 0 : i32
          %dma_wait3A_63 = tpu.memref_slice %arg9[%dma_wait3A_61, %dma_wait3A_62] : memref<128x128xf32, #tpu.memory_space<vmem>> -> memref<80x128xf32, #tpu.memory_space<vmem>>
          tpu.wait_dma2 semaphore(%run_scoped3A : memref<!tpu.dma_semaphore, #tpu.memory_space<semaphore_mem>>) src(%dma_wait3A_63 : memref<80x128xf32, #tpu.memory_space<vmem>>) dst(%dma_wait3A_60 : memref<80x128xf32, #tpu.memory_space<hbm>>)
          tpu.yield
        }) : () -> ()
      }
      %while3A_41 = arith.constant 1 : i32
      scf.for %while3A_42 = %while3A_39 to %while3A_35 step %while3A_41  : i32 {
        %mul3A = arith.muli %while3A_42, %while3A : i32
        %add3A_43 = arith.addi %arg1, %mul3A : i32
        %mul3A_44 = arith.constant 80 : i32
        %mul3A_45 = arith.muli %add3A_43, %mul3A_44 : i32
        "tpu.region"() ({
          %run_scoped3A = tpu.sem_alloc : memref<!tpu.dma_semaphore, #tpu.memory_space<semaphore_mem>>
          %dma_start3A = arith.constant 0 : i32
          %dma_start3A_46 = arith.constant 0 : i32
          %dma_start3A_47 = tpu.memref_slice %arg9[%dma_start3A, %dma_start3A_46] : memref<128x128xf32, #tpu.memory_space<vmem>> -> memref<80x128xf32, #tpu.memory_space<vmem>>
          %dma_start3A_48 = arith.constant 0 : i32
          %dma_start3A_49 = tpu.memref_slice %arg15[%mul3A_45, %dma_start3A_48] : memref<10000x128xf32, #tpu.memory_space<vmem_shared>> -> memref<80x128xf32, #tpu.memory_space<vmem_shared>>
          %dma_start3A_50 = arith.constant 0 : i32
          %dma_start3A_51 = arith.constant 0 : i32
          %dma_start3A_52 = tpu.memref_slice %arg9[%dma_start3A_50, %dma_start3A_51] : memref<128x128xf32, #tpu.memory_space<vmem>> -> memref<80x128xf32, #tpu.memory_space<vmem>>
          %dma_start3A_53 = arith.constant 0 : i32
          %dma_start3A_54 = tpu.memref_slice %arg15[%mul3A_45, %dma_start3A_53] : memref<10000x128xf32, #tpu.memory_space<vmem_shared>> -> memref<80x128xf32, #tpu.memory_space<vmem_shared>>
          tpu.enqueue_dma source(%dma_start3A_54 : memref<80x128xf32, #tpu.memory_space<vmem_shared>>) target(%dma_start3A_52 : memref<80x128xf32, #tpu.memory_space<vmem>>) target_semaphore(%run_scoped3A : memref<!tpu.dma_semaphore, #tpu.memory_space<semaphore_mem>>)
          %dma_wait3A = arith.constant 0 : i32
          %dma_wait3A_55 = arith.constant 0 : i32
          %dma_wait3A_56 = tpu.memref_slice %arg9[%dma_wait3A, %dma_wait3A_55] : memref<128x128xf32, #tpu.memory_space<vmem>> -> memref<80x128xf32, #tpu.memory_space<vmem>>
          %dma_wait3A_57 = arith.constant 0 : i32
          %dma_wait3A_58 = tpu.memref_slice %arg15[%mul3A_45, %dma_wait3A_57] : memref<10000x128xf32, #tpu.memory_space<vmem_shared>> -> memref<80x128xf32, #tpu.memory_space<vmem_shared>>
          %dma_wait3A_59 = arith.constant 0 : i32
          %dma_wait3A_60 = arith.constant 0 : i32
          %dma_wait3A_61 = tpu.memref_slice %arg9[%dma_wait3A_59, %dma_wait3A_60] : memref<128x128xf32, #tpu.memory_space<vmem>> -> memref<80x128xf32, #tpu.memory_space<vmem>>
          %dma_wait3A_62 = arith.constant 0 : i32
          %dma_wait3A_63 = tpu.memref_slice %arg15[%mul3A_45, %dma_wait3A_62] : memref<10000x128xf32, #tpu.memory_space<vmem_shared>> -> memref<80x128xf32, #tpu.memory_space<vmem_shared>>
          tpu.wait_dma2 semaphore(%run_scoped3A : memref<!tpu.dma_semaphore, #tpu.memory_space<semaphore_mem>>) src(%dma_wait3A_63 : memref<80x128xf32, #tpu.memory_space<vmem_shared>>) dst(%dma_wait3A_61 : memref<80x128xf32, #tpu.memory_space<vmem>>)
          tpu.yield
        }) : () -> ()
        "tpu.region"() ({
          %run_scoped3A = tpu.sem_alloc : memref<!tpu.dma_semaphore, #tpu.memory_space<semaphore_mem>>
          %dma_start3A = arith.constant 0 : i32
          %dma_start3A_46 = arith.constant 0 : i32
          %dma_start3A_47 = tpu.memref_slice %arg9[%dma_start3A, %dma_start3A_46] : memref<128x128xf32, #tpu.memory_space<vmem>> -> memref<80x128xf32, #tpu.memory_space<vmem>>
          %dma_start3A_48 = arith.constant 0 : i32
          %dma_start3A_49 = tpu.memref_slice %arg8[%mul3A_45, %dma_start3A_48] : memref<10000x128xf32, #tpu.memory_space<hbm>> -> memref<80x128xf32, #tpu.memory_space<hbm>>
          %dma_start3A_50 = arith.constant 0 : i32
          %dma_start3A_51 = tpu.memref_slice %arg8[%mul3A_45, %dma_start3A_50] : memref<10000x128xf32, #tpu.memory_space<hbm>> -> memref<80x128xf32, #tpu.memory_space<hbm>>
          %dma_start3A_52 = arith.constant 0 : i32
          %dma_start3A_53 = arith.constant 0 : i32
          %dma_start3A_54 = tpu.memref_slice %arg9[%dma_start3A_52, %dma_start3A_53] : memref<128x128xf32, #tpu.memory_space<vmem>> -> memref<80x128xf32, #tpu.memory_space<vmem>>
          tpu.enqueue_dma source(%dma_start3A_54 : memref<80x128xf32, #tpu.memory_space<vmem>>) target(%dma_start3A_51 : memref<80x128xf32, #tpu.memory_space<hbm>>) target_semaphore(%run_scoped3A : memref<!tpu.dma_semaphore, #tpu.memory_space<semaphore_mem>>)
          %dma_wait3A = arith.constant 0 : i32
          %dma_wait3A_55 = arith.constant 0 : i32
          %dma_wait3A_56 = tpu.memref_slice %arg9[%dma_wait3A, %dma_wait3A_55] : memref<128x128xf32, #tpu.memory_space<vmem>> -> memref<80x128xf32, #tpu.memory_space<vmem>>
          %dma_wait3A_57 = arith.constant 0 : i32
          %dma_wait3A_58 = tpu.memref_slice %arg8[%mul3A_45, %dma_wait3A_57] : memref<10000x128xf32, #tpu.memory_space<hbm>> -> memref<80x128xf32, #tpu.memory_space<hbm>>
          %dma_wait3A_59 = arith.constant 0 : i32
          %dma_wait3A_60 = tpu.memref_slice %arg8[%mul3A_45, %dma_wait3A_59] : memref<10000x128xf32, #tpu.memory_space<hbm>> -> memref<80x128xf32, #tpu.memory_space<hbm>>
          %dma_wait3A_61 = arith.constant 0 : i32
          %dma_wait3A_62 = arith.constant 0 : i32
          %dma_wait3A_63 = tpu.memref_slice %arg9[%dma_wait3A_61, %dma_wait3A_62] : memref<128x128xf32, #tpu.memory_space<vmem>> -> memref<80x128xf32, #tpu.memory_space<vmem>>
          tpu.wait_dma2 semaphore(%run_scoped3A : memref<!tpu.dma_semaphore, #tpu.memory_space<semaphore_mem>>) src(%dma_wait3A_63 : memref<80x128xf32, #tpu.memory_space<vmem>>) dst(%dma_wait3A_60 : memref<80x128xf32, #tpu.memory_space<hbm>>)
          tpu.yield
        }) : () -> ()
      }
    } else {
    }
    return
  }
}

#map = affine_map<(d0, d1) -> (0)>
module attributes {stable_mosaic.version = 14 : i64} {
  func.func @_sc_gather_body(%arg0: i32, %arg1: i32, %arg2: memref<320000xi32, #tpu.memory_space<hbm>>, %arg3: memref<320000xi32, #tpu.memory_space<hbm>>, %arg4: memref<10000xi32, #tpu.memory_space<hbm>>, %arg5: memref<10000xf32, #tpu.memory_space<hbm>>, %arg6: memref<10000xf32, #tpu.memory_space<hbm>>, %arg7: memref<10000xf32, #tpu.memory_space<hbm>>, %arg8: memref<320000xi32, #tpu.memory_space<hbm>>, %arg9: memref<320000xf32, #tpu.memory_space<hbm>>, %arg10: memref<10000xi32, #tpu.memory_space<vmem>>, %arg11: memref<10000xi32, #tpu.memory_space<vmem>>, %arg12: memref<10000xi32, #tpu.memory_space<vmem>>, %arg13: memref<10000xf32, #tpu.memory_space<vmem>>, %arg14: memref<10000xf32, #tpu.memory_space<vmem>>, %arg15: memref<10000xf32, #tpu.memory_space<vmem>>, %arg16: memref<10000xi32, #tpu.memory_space<vmem>>, %arg17: memref<10000xf32, #tpu.memory_space<vmem>>) attributes {dimension_semantics = [#tpu.dimension_semantics<core_parallel>, #tpu.dimension_semantics<subcore_parallel>], iteration_bounds = array<i64: 2, 16>, scalar_prefetch = 0 : i64, scratch_operands = 8 : i64, tpu.core_type = #tpu.core_type<sc_vector_subcore>, window_params = [{transform_indices = #map}, {transform_indices = #map}, {transform_indices = #map}, {transform_indices = #map}, {transform_indices = #map}, {transform_indices = #map}, {transform_indices = #map}, {transform_indices = #map}]} {
    %mul3A = arith.constant 2 : i32
    %mul3A_0 = arith.muli %arg1, %mul3A : i32
    %add3A = arith.addi %mul3A_0, %arg0 : i32
    %mul3A_1 = arith.constant 10000 : i32
    %mul3A_2 = arith.muli %add3A, %mul3A_1 : i32
    "tpu.region"() ({
      %run_scoped3A = tpu.sem_alloc : memref<!tpu.dma_semaphore, #tpu.memory_space<semaphore_mem>>
      %dma_start3A = tpu.memref_slice %arg2[%mul3A_2] : memref<320000xi32, #tpu.memory_space<hbm>> -> memref<10000xi32, #tpu.memory_space<hbm>>
      %dma_start3A_7 = tpu.memref_slice %arg2[%mul3A_2] : memref<320000xi32, #tpu.memory_space<hbm>> -> memref<10000xi32, #tpu.memory_space<hbm>>
      tpu.enqueue_dma source(%dma_start3A_7 : memref<10000xi32, #tpu.memory_space<hbm>>) target(%arg10 : memref<10000xi32, #tpu.memory_space<vmem>>) target_semaphore(%run_scoped3A : memref<!tpu.dma_semaphore, #tpu.memory_space<semaphore_mem>>)
      %dma_wait3A = tpu.memref_slice %arg2[%mul3A_2] : memref<320000xi32, #tpu.memory_space<hbm>> -> memref<10000xi32, #tpu.memory_space<hbm>>
      %dma_wait3A_8 = tpu.memref_slice %arg2[%mul3A_2] : memref<320000xi32, #tpu.memory_space<hbm>> -> memref<10000xi32, #tpu.memory_space<hbm>>
      tpu.wait_dma2 semaphore(%run_scoped3A : memref<!tpu.dma_semaphore, #tpu.memory_space<semaphore_mem>>) src(%dma_wait3A_8 : memref<10000xi32, #tpu.memory_space<hbm>>) dst(%arg10 : memref<10000xi32, #tpu.memory_space<vmem>>)
      tpu.yield
    }) : () -> ()
    "tpu.region"() ({
      %run_scoped3A = tpu.sem_alloc : memref<!tpu.dma_semaphore, #tpu.memory_space<semaphore_mem>>
      %dma_start3A = tpu.memref_slice %arg3[%mul3A_2] : memref<320000xi32, #tpu.memory_space<hbm>> -> memref<10000xi32, #tpu.memory_space<hbm>>
      %dma_start3A_7 = tpu.memref_slice %arg3[%mul3A_2] : memref<320000xi32, #tpu.memory_space<hbm>> -> memref<10000xi32, #tpu.memory_space<hbm>>
      tpu.enqueue_dma source(%dma_start3A_7 : memref<10000xi32, #tpu.memory_space<hbm>>) target(%arg11 : memref<10000xi32, #tpu.memory_space<vmem>>) target_semaphore(%run_scoped3A : memref<!tpu.dma_semaphore, #tpu.memory_space<semaphore_mem>>)
      %dma_wait3A = tpu.memref_slice %arg3[%mul3A_2] : memref<320000xi32, #tpu.memory_space<hbm>> -> memref<10000xi32, #tpu.memory_space<hbm>>
      %dma_wait3A_8 = tpu.memref_slice %arg3[%mul3A_2] : memref<320000xi32, #tpu.memory_space<hbm>> -> memref<10000xi32, #tpu.memory_space<hbm>>
      tpu.wait_dma2 semaphore(%run_scoped3A : memref<!tpu.dma_semaphore, #tpu.memory_space<semaphore_mem>>) src(%dma_wait3A_8 : memref<10000xi32, #tpu.memory_space<hbm>>) dst(%arg11 : memref<10000xi32, #tpu.memory_space<vmem>>)
      tpu.yield
    }) : () -> ()
    "tpu.region"() ({
      %run_scoped3A = tpu.sem_alloc : memref<!tpu.dma_semaphore, #tpu.memory_space<semaphore_mem>>
      tpu.enqueue_dma source(%arg4 : memref<10000xi32, #tpu.memory_space<hbm>>) target(%arg12 : memref<10000xi32, #tpu.memory_space<vmem>>) target_semaphore(%run_scoped3A : memref<!tpu.dma_semaphore, #tpu.memory_space<semaphore_mem>>)
      tpu.wait_dma2 semaphore(%run_scoped3A : memref<!tpu.dma_semaphore, #tpu.memory_space<semaphore_mem>>) src(%arg4 : memref<10000xi32, #tpu.memory_space<hbm>>) dst(%arg12 : memref<10000xi32, #tpu.memory_space<vmem>>)
      tpu.yield
    }) : () -> ()
    "tpu.region"() ({
      %run_scoped3A = tpu.sem_alloc : memref<!tpu.dma_semaphore, #tpu.memory_space<semaphore_mem>>
      tpu.enqueue_dma source(%arg5 : memref<10000xf32, #tpu.memory_space<hbm>>) target(%arg13 : memref<10000xf32, #tpu.memory_space<vmem>>) target_semaphore(%run_scoped3A : memref<!tpu.dma_semaphore, #tpu.memory_space<semaphore_mem>>)
      tpu.wait_dma2 semaphore(%run_scoped3A : memref<!tpu.dma_semaphore, #tpu.memory_space<semaphore_mem>>) src(%arg5 : memref<10000xf32, #tpu.memory_space<hbm>>) dst(%arg13 : memref<10000xf32, #tpu.memory_space<vmem>>)
      tpu.yield
    }) : () -> ()
    "tpu.region"() ({
      %run_scoped3A = tpu.sem_alloc : memref<!tpu.dma_semaphore, #tpu.memory_space<semaphore_mem>>
      tpu.enqueue_dma source(%arg6 : memref<10000xf32, #tpu.memory_space<hbm>>) target(%arg14 : memref<10000xf32, #tpu.memory_space<vmem>>) target_semaphore(%run_scoped3A : memref<!tpu.dma_semaphore, #tpu.memory_space<semaphore_mem>>)
      tpu.wait_dma2 semaphore(%run_scoped3A : memref<!tpu.dma_semaphore, #tpu.memory_space<semaphore_mem>>) src(%arg6 : memref<10000xf32, #tpu.memory_space<hbm>>) dst(%arg14 : memref<10000xf32, #tpu.memory_space<vmem>>)
      tpu.yield
    }) : () -> ()
    "tpu.region"() ({
      %run_scoped3A = tpu.sem_alloc : memref<!tpu.dma_semaphore, #tpu.memory_space<semaphore_mem>>
      tpu.enqueue_dma source(%arg7 : memref<10000xf32, #tpu.memory_space<hbm>>) target(%arg15 : memref<10000xf32, #tpu.memory_space<vmem>>) target_semaphore(%run_scoped3A : memref<!tpu.dma_semaphore, #tpu.memory_space<semaphore_mem>>)
      tpu.wait_dma2 semaphore(%run_scoped3A : memref<!tpu.dma_semaphore, #tpu.memory_space<semaphore_mem>>) src(%arg7 : memref<10000xf32, #tpu.memory_space<hbm>>) dst(%arg15 : memref<10000xf32, #tpu.memory_space<vmem>>)
      tpu.yield
    }) : () -> ()
    %scan3A = arith.constant 0 : i32
    %scan3A_3 = arith.constant 625 : i32
    %scan3A_4 = arith.addi %scan3A, %scan3A_3 : i32
    %scan3A_5 = arith.constant 1 : i32
    scf.for %scan3A_7 = %scan3A to %scan3A_4 step %scan3A_5  : i32 {
      %mul3A_8 = arith.constant 1 : i32
      %mul3A_9 = arith.muli %scan3A_7, %mul3A_8 : i32
      %add3A_10 = arith.constant 0 : i32
      %add3A_11 = arith.addi %add3A_10, %mul3A_9 : i32
      %mul3A_12 = arith.constant 16 : i32
      %mul3A_13 = arith.muli %add3A_11, %mul3A_12 : i32
      %get3A = arith.index_cast %mul3A_13 : i32 to index
      %get3A_14 = tpu.vector_load %arg10[%get3A] {strides = array<i32>} : memref<10000xi32, #tpu.memory_space<vmem>>, vector<16xi32>,
      %get3A_15 = arith.index_cast %mul3A_13 : i32 to index
      %get3A_16 = tpu.vector_load %arg11[%get3A_15] {strides = array<i32>} : memref<10000xi32, #tpu.memory_space<vmem>>, vector<16xi32>,
      %gather3A = tpu.vector_load_idx %arg12[%get3A_14] : memref<10000xi32, #tpu.memory_space<vmem>>[vector<16xi32>], vector<16xi32>,
      %gather3A_17 = tpu.vector_load_idx %arg13[%get3A_14] : memref<10000xf32, #tpu.memory_space<vmem>>[vector<16xi32>], vector<16xf32>,
      %gather3A_18 = tpu.vector_load_idx %arg14[%get3A_14] : memref<10000xf32, #tpu.memory_space<vmem>>[vector<16xi32>], vector<16xf32>,
      %gather3A_19 = tpu.vector_load_idx %arg15[%get3A_14] : memref<10000xf32, #tpu.memory_space<vmem>>[vector<16xi32>], vector<16xf32>,
      %gather3A_20 = tpu.vector_load_idx %arg13[%get3A_16] : memref<10000xf32, #tpu.memory_space<vmem>>[vector<16xi32>], vector<16xf32>,
      %gather3A_21 = tpu.vector_load_idx %arg14[%get3A_16] : memref<10000xf32, #tpu.memory_space<vmem>>[vector<16xi32>], vector<16xf32>,
      %gather3A_22 = tpu.vector_load_idx %arg15[%get3A_16] : memref<10000xf32, #tpu.memory_space<vmem>>[vector<16xi32>], vector<16xf32>,
      %sub3A = arith.subf %gather3A_20, %gather3A_17 : vector<16xf32>
      %sub3A_23 = arith.subf %gather3A_21, %gather3A_18 : vector<16xf32>
      %sub3A_24 = arith.subf %gather3A_22, %gather3A_19 : vector<16xf32>
      %mul3A_25 = arith.mulf %sub3A, %sub3A : vector<16xf32>
      %mul3A_26 = arith.mulf %sub3A_23, %sub3A_23 : vector<16xf32>
      %add3A_27 = arith.addf %mul3A_25, %mul3A_26 : vector<16xf32>
      %mul3A_28 = arith.mulf %sub3A_24, %sub3A_24 : vector<16xf32>
      %add3A_29 = arith.addf %add3A_27, %mul3A_28 : vector<16xf32>
      %swap3A = arith.index_cast %mul3A_13 : i32 to index
      %swap3A_30 = tpu.vector_load %arg17[%swap3A] {strides = array<i32>} : memref<10000xf32, #tpu.memory_space<vmem>>, vector<16xf32>,
      tpu.vector_store %arg17[%swap3A], %add3A_29 {strides = array<i32>} : memref<10000xf32, #tpu.memory_space<vmem>>, vector<16xf32>,
      %swap3A_31 = arith.index_cast %mul3A_13 : i32 to index
      %swap3A_32 = tpu.vector_load %arg16[%swap3A_31] {strides = array<i32>} : memref<10000xi32, #tpu.memory_space<vmem>>, vector<16xi32>,
      tpu.vector_store %arg16[%swap3A_31], %gather3A {strides = array<i32>} : memref<10000xi32, #tpu.memory_space<vmem>>, vector<16xi32>,
    }
    %scan3A_6 = arith.constant 625 : i32
    "tpu.region"() ({
      %run_scoped3A = tpu.sem_alloc : memref<!tpu.dma_semaphore, #tpu.memory_space<semaphore_mem>>
      %dma_start3A = tpu.memref_slice %arg8[%mul3A_2] : memref<320000xi32, #tpu.memory_space<hbm>> -> memref<10000xi32, #tpu.memory_space<hbm>>
      %dma_start3A_7 = tpu.memref_slice %arg8[%mul3A_2] : memref<320000xi32, #tpu.memory_space<hbm>> -> memref<10000xi32, #tpu.memory_space<hbm>>
      tpu.enqueue_dma source(%arg16 : memref<10000xi32, #tpu.memory_space<vmem>>) target(%dma_start3A_7 : memref<10000xi32, #tpu.memory_space<hbm>>) target_semaphore(%run_scoped3A : memref<!tpu.dma_semaphore, #tpu.memory_space<semaphore_mem>>)
      %dma_wait3A = tpu.memref_slice %arg8[%mul3A_2] : memref<320000xi32, #tpu.memory_space<hbm>> -> memref<10000xi32, #tpu.memory_space<hbm>>
      %dma_wait3A_8 = tpu.memref_slice %arg8[%mul3A_2] : memref<320000xi32, #tpu.memory_space<hbm>> -> memref<10000xi32, #tpu.memory_space<hbm>>
      tpu.wait_dma2 semaphore(%run_scoped3A : memref<!tpu.dma_semaphore, #tpu.memory_space<semaphore_mem>>) src(%arg16 : memref<10000xi32, #tpu.memory_space<vmem>>) dst(%dma_wait3A_8 : memref<10000xi32, #tpu.memory_space<hbm>>)
      tpu.yield
    }) : () -> ()
    "tpu.region"() ({
      %run_scoped3A = tpu.sem_alloc : memref<!tpu.dma_semaphore, #tpu.memory_space<semaphore_mem>>
      %dma_start3A = tpu.memref_slice %arg9[%mul3A_2] : memref<320000xf32, #tpu.memory_space<hbm>> -> memref<10000xf32, #tpu.memory_space<hbm>>
      %dma_start3A_7 = tpu.memref_slice %arg9[%mul3A_2] : memref<320000xf32, #tpu.memory_space<hbm>> -> memref<10000xf32, #tpu.memory_space<hbm>>
      tpu.enqueue_dma source(%arg17 : memref<10000xf32, #tpu.memory_space<vmem>>) target(%dma_start3A_7 : memref<10000xf32, #tpu.memory_space<hbm>>) target_semaphore(%run_scoped3A : memref<!tpu.dma_semaphore, #tpu.memory_space<semaphore_mem>>)
      %dma_wait3A = tpu.memref_slice %arg9[%mul3A_2] : memref<320000xf32, #tpu.memory_space<hbm>> -> memref<10000xf32, #tpu.memory_space<hbm>>
      %dma_wait3A_8 = tpu.memref_slice %arg9[%mul3A_2] : memref<320000xf32, #tpu.memory_space<hbm>> -> memref<10000xf32, #tpu.memory_space<hbm>>
      tpu.wait_dma2 semaphore(%run_scoped3A : memref<!tpu.dma_semaphore, #tpu.memory_space<semaphore_mem>>) src(%arg17 : memref<10000xf32, #tpu.memory_space<vmem>>) dst(%dma_wait3A_8 : memref<10000xf32, #tpu.memory_space<hbm>>)
      tpu.yield
    }) : () -> ()
    return
  }
}

#map = affine_map<(d0, d1) -> (0, 0)>
#map1 = affine_map<(d0, d1) -> (0)>
module attributes {stable_mosaic.version = 14 : i64} {
  func.func @_scatter_phase_body(%arg0: i32, %arg1: i32, %arg2: memref<153600x128xf32, #tpu.memory_space<hbm>>, %arg3: memref<153600x128xf32, #tpu.memory_space<hbm>>, %arg4: memref<320000xi32, #tpu.memory_space<hbm>>, %arg5: memref<10000x128xf32, #tpu.memory_space<hbm>>, %arg6: memref<10000x128xf32, #tpu.memory_space<hbm>>, %arg7: memref<128x128xf32, #tpu.memory_space<vmem>>, %arg8: memref<128x128xf32, #tpu.memory_space<vmem>>, %arg9: memref<128x128xf32, #tpu.memory_space<vmem>>, %arg10: memref<128xi32, #tpu.memory_space<vmem>>, %arg11: memref<128xi32, #tpu.memory_space<vmem>>, %arg12: memref<128xi32, #tpu.memory_space<vmem>>, %arg13: memref<10000x128xf32, #tpu.memory_space<vmem_shared>>, %arg14: memref<!tpu.dma_semaphore, #tpu.memory_space<semaphore_mem>>, %arg15: memref<!tpu.dma_semaphore, #tpu.memory_space<semaphore_mem>>, %arg16: memref<!tpu.dma_semaphore, #tpu.memory_space<semaphore_mem>>, %arg17: memref<!tpu.dma_semaphore, #tpu.memory_space<semaphore_mem>>, %arg18: memref<!tpu.dma_semaphore, #tpu.memory_space<semaphore_mem>>, %arg19: memref<!tpu.dma_semaphore, #tpu.memory_space<semaphore_mem>>) attributes {dimension_semantics = [#tpu.dimension_semantics<core_parallel>, #tpu.dimension_semantics<subcore_parallel>], iteration_bounds = array<i64: 2, 16>, scalar_prefetch = 0 : i64, scratch_operands = 13 : i64, tpu.core_type = #tpu.core_type<sc_vector_subcore>, window_params = [{transform_indices = #map}, {transform_indices = #map}, {transform_indices = #map1}, {transform_indices = #map}, {transform_indices = #map}]} {
    %scan3A = arith.constant 0 : i32
    %scan3A_0 = arith.constant 80 : i32
    %scan3A_1 = arith.addi %scan3A, %scan3A_0 : i32
    %scan3A_2 = arith.constant 1 : i32
    scf.for %scan3A_36 = %scan3A to %scan3A_1 step %scan3A_2  : i32 {
      %mul3A = arith.constant 1 : i32
      %mul3A_37 = arith.muli %scan3A_36, %mul3A : i32
      %add3A_38 = arith.constant 0 : i32
      %add3A_39 = arith.addi %add3A_38, %mul3A_37 : i32
      %broadcast_in_dim3A = arith.constant 0.000000e+00 : f32
      %broadcast_in_dim3A_40 = vector.broadcast %broadcast_in_dim3A : f32 to vector<16xf32>
      %swap3A = arith.index_cast %add3A_39 : i32 to index
      %swap3A_41 = arith.constant 0 : index
      %swap3A_42 = tpu.vector_load %arg7[%swap3A, %swap3A_41] {strides = array<i32>} : memref<128x128xf32, #tpu.memory_space<vmem>>, vector<16xf32>,
      tpu.vector_store %arg7[%swap3A, %swap3A_41], %broadcast_in_dim3A_40 {strides = array<i32>} : memref<128x128xf32, #tpu.memory_space<vmem>>, vector<16xf32>,
      %broadcast_in_dim3A_43 = arith.constant 0.000000e+00 : f32
      %broadcast_in_dim3A_44 = vector.broadcast %broadcast_in_dim3A_43 : f32 to vector<16xf32>
      %swap3A_45 = arith.index_cast %add3A_39 : i32 to index
      %swap3A_46 = arith.constant 16 : index
      %swap3A_47 = tpu.vector_load %arg7[%swap3A_45, %swap3A_46] {strides = array<i32>} : memref<128x128xf32, #tpu.memory_space<vmem>>, vector<16xf32>,
      tpu.vector_store %arg7[%swap3A_45, %swap3A_46], %broadcast_in_dim3A_44 {strides = array<i32>} : memref<128x128xf32, #tpu.memory_space<vmem>>, vector<16xf32>,
      %broadcast_in_dim3A_48 = arith.constant 0.000000e+00 : f32
      %broadcast_in_dim3A_49 = vector.broadcast %broadcast_in_dim3A_48 : f32 to vector<16xf32>
      %swap3A_50 = arith.index_cast %add3A_39 : i32 to index
      %swap3A_51 = arith.constant 32 : index
      %swap3A_52 = tpu.vector_load %arg7[%swap3A_50, %swap3A_51] {strides = array<i32>} : memref<128x128xf32, #tpu.memory_space<vmem>>, vector<16xf32>,
      tpu.vector_store %arg7[%swap3A_50, %swap3A_51], %broadcast_in_dim3A_49 {strides = array<i32>} : memref<128x128xf32, #tpu.memory_space<vmem>>, vector<16xf32>,
      %broadcast_in_dim3A_53 = arith.constant 0.000000e+00 : f32
      %broadcast_in_dim3A_54 = vector.broadcast %broadcast_in_dim3A_53 : f32 to vector<16xf32>
      %swap3A_55 = arith.index_cast %add3A_39 : i32 to index
      %swap3A_56 = arith.constant 48 : index
      %swap3A_57 = tpu.vector_load %arg7[%swap3A_55, %swap3A_56] {strides = array<i32>} : memref<128x128xf32, #tpu.memory_space<vmem>>, vector<16xf32>,
      tpu.vector_store %arg7[%swap3A_55, %swap3A_56], %broadcast_in_dim3A_54 {strides = array<i32>} : memref<128x128xf32, #tpu.memory_space<vmem>>, vector<16xf32>,
      %broadcast_in_dim3A_58 = arith.constant 0.000000e+00 : f32
      %broadcast_in_dim3A_59 = vector.broadcast %broadcast_in_dim3A_58 : f32 to vector<16xf32>
      %swap3A_60 = arith.index_cast %add3A_39 : i32 to index
      %swap3A_61 = arith.constant 64 : index
      %swap3A_62 = tpu.vector_load %arg7[%swap3A_60, %swap3A_61] {strides = array<i32>} : memref<128x128xf32, #tpu.memory_space<vmem>>, vector<16xf32>,
      tpu.vector_store %arg7[%swap3A_60, %swap3A_61], %broadcast_in_dim3A_59 {strides = array<i32>} : memref<128x128xf32, #tpu.memory_space<vmem>>, vector<16xf32>,
      %broadcast_in_dim3A_63 = arith.constant 0.000000e+00 : f32
      %broadcast_in_dim3A_64 = vector.broadcast %broadcast_in_dim3A_63 : f32 to vector<16xf32>
      %swap3A_65 = arith.index_cast %add3A_39 : i32 to index
      %swap3A_66 = arith.constant 80 : index
      %swap3A_67 = tpu.vector_load %arg7[%swap3A_65, %swap3A_66] {strides = array<i32>} : memref<128x128xf32, #tpu.memory_space<vmem>>, vector<16xf32>,
      tpu.vector_store %arg7[%swap3A_65, %swap3A_66], %broadcast_in_dim3A_64 {strides = array<i32>} : memref<128x128xf32, #tpu.memory_space<vmem>>, vector<16xf32>,
      %broadcast_in_dim3A_68 = arith.constant 0.000000e+00 : f32
      %broadcast_in_dim3A_69 = vector.broadcast %broadcast_in_dim3A_68 : f32 to vector<16xf32>
      %swap3A_70 = arith.index_cast %add3A_39 : i32 to index
      %swap3A_71 = arith.constant 96 : index
      %swap3A_72 = tpu.vector_load %arg7[%swap3A_70, %swap3A_71] {strides = array<i32>} : memref<128x128xf32, #tpu.memory_space<vmem>>, vector<16xf32>,
      tpu.vector_store %arg7[%swap3A_70, %swap3A_71], %broadcast_in_dim3A_69 {strides = array<i32>} : memref<128x128xf32, #tpu.memory_space<vmem>>, vector<16xf32>,
      %broadcast_in_dim3A_73 = arith.constant 0.000000e+00 : f32
      %broadcast_in_dim3A_74 = vector.broadcast %broadcast_in_dim3A_73 : f32 to vector<16xf32>
      %swap3A_75 = arith.index_cast %add3A_39 : i32 to index
      %swap3A_76 = arith.constant 112 : index
      %swap3A_77 = tpu.vector_load %arg7[%swap3A_75, %swap3A_76] {strides = array<i32>} : memref<128x128xf32, #tpu.memory_space<vmem>>, vector<16xf32>,
      tpu.vector_store %arg7[%swap3A_75, %swap3A_76], %broadcast_in_dim3A_74 {strides = array<i32>} : memref<128x128xf32, #tpu.memory_space<vmem>>, vector<16xf32>,
    }
    %scan3A_3 = arith.constant 80 : i32
    %sub3A = arith.constant 125 : i32
    %sub3A_4 = arith.subi %sub3A, %arg1 : i32
    %sub3A_5 = arith.constant 16 : i32
    %sub3A_6 = arith.constant 1 : i32
    %sub3A_7 = arith.subi %sub3A_5, %sub3A_6 : i32
    %add3A = arith.addi %sub3A_4, %sub3A_7 : i32
    %div3A = arith.constant 16 : i32
    %div3A_8 = arith.divsi %add3A, %div3A : i32
    %while3A = arith.constant 16 : i32
    %while3A_9 = arith.constant 0 : i32
    %while3A_10 = arith.subi %div3A_8, %while3A_9 : i32
    %while3A_11 = arith.addi %while3A_9, %while3A_10 : i32
    %while3A_12 = arith.constant 1 : i32
    %while3A_13 = arith.divsi %while3A_10, %while3A_12 : i32
    %while3A_14 = arith.muli %while3A_13, %while3A_12 : i32
    %while3A_15 = arith.addi %while3A_9, %while3A_14 : i32
    %while3A_16 = arith.constant 1 : i32
    scf.for %while3A_36 = %while3A_9 to %while3A_15 step %while3A_16  : i32 {
      %mul3A = arith.muli %while3A_36, %while3A : i32
      %add3A_37 = arith.addi %arg1, %mul3A : i32
      %mul3A_38 = arith.constant 80 : i32
      %mul3A_39 = arith.muli %add3A_37, %mul3A_38 : i32
      "tpu.region"() ({
        %run_scoped3A = tpu.sem_alloc : memref<!tpu.dma_semaphore, #tpu.memory_space<semaphore_mem>>
        %dma_start3A = arith.constant 0 : i32
        %dma_start3A_40 = arith.constant 0 : i32
        %dma_start3A_41 = tpu.memref_slice %arg7[%dma_start3A, %dma_start3A_40] : memref<128x128xf32, #tpu.memory_space<vmem>> -> memref<80x128xf32, #tpu.memory_space<vmem>>
        %dma_start3A_42 = arith.constant 0 : i32
        %dma_start3A_43 = tpu.memref_slice %arg13[%mul3A_39, %dma_start3A_42] : memref<10000x128xf32, #tpu.memory_space<vmem_shared>> -> memref<80x128xf32, #tpu.memory_space<vmem_shared>>
        %dma_start3A_44 = arith.constant 0 : i32
        %dma_start3A_45 = tpu.memref_slice %arg13[%mul3A_39, %dma_start3A_44] : memref<10000x128xf32, #tpu.memory_space<vmem_shared>> -> memref<80x128xf32, #tpu.memory_space<vmem_shared>>
        %dma_start3A_46 = arith.constant 0 : i32
        %dma_start3A_47 = arith.constant 0 : i32
        %dma_start3A_48 = tpu.memref_slice %arg7[%dma_start3A_46, %dma_start3A_47] : memref<128x128xf32, #tpu.memory_space<vmem>> -> memref<80x128xf32, #tpu.memory_space<vmem>>
        tpu.enqueue_dma source(%dma_start3A_48 : memref<80x128xf32, #tpu.memory_space<vmem>>) target(%dma_start3A_45 : memref<80x128xf32, #tpu.memory_space<vmem_shared>>) target_semaphore(%run_scoped3A : memref<!tpu.dma_semaphore, #tpu.memory_space<semaphore_mem>>)
        %dma_wait3A = arith.constant 0 : i32
        %dma_wait3A_49 = arith.constant 0 : i32
        %dma_wait3A_50 = tpu.memref_slice %arg7[%dma_wait3A, %dma_wait3A_49] : memref<128x128xf32, #tpu.memory_space<vmem>> -> memref<80x128xf32, #tpu.memory_space<vmem>>
        %dma_wait3A_51 = arith.constant 0 : i32
        %dma_wait3A_52 = tpu.memref_slice %arg13[%mul3A_39, %dma_wait3A_51] : memref<10000x128xf32, #tpu.memory_space<vmem_shared>> -> memref<80x128xf32, #tpu.memory_space<vmem_shared>>
        %dma_wait3A_53 = arith.constant 0 : i32
        %dma_wait3A_54 = tpu.memref_slice %arg13[%mul3A_39, %dma_wait3A_53] : memref<10000x128xf32, #tpu.memory_space<vmem_shared>> -> memref<80x128xf32, #tpu.memory_space<vmem_shared>>
        %dma_wait3A_55 = arith.constant 0 : i32
        %dma_wait3A_56 = arith.constant 0 : i32
        %dma_wait3A_57 = tpu.memref_slice %arg7[%dma_wait3A_55, %dma_wait3A_56] : memref<128x128xf32, #tpu.memory_space<vmem>> -> memref<80x128xf32, #tpu.memory_space<vmem>>
        tpu.wait_dma2 semaphore(%run_scoped3A : memref<!tpu.dma_semaphore, #tpu.memory_space<semaphore_mem>>) src(%dma_wait3A_57 : memref<80x128xf32, #tpu.memory_space<vmem>>) dst(%dma_wait3A_54 : memref<80x128xf32, #tpu.memory_space<vmem_shared>>)
        tpu.yield
      }) : () -> ()
    }
    %while3A_17 = arith.constant 1 : i32
    scf.for %while3A_36 = %while3A_15 to %while3A_11 step %while3A_17  : i32 {
      %mul3A = arith.muli %while3A_36, %while3A : i32
      %add3A_37 = arith.addi %arg1, %mul3A : i32
      %mul3A_38 = arith.constant 80 : i32
      %mul3A_39 = arith.muli %add3A_37, %mul3A_38 : i32
      "tpu.region"() ({
        %run_scoped3A = tpu.sem_alloc : memref<!tpu.dma_semaphore, #tpu.memory_space<semaphore_mem>>
        %dma_start3A = arith.constant 0 : i32
        %dma_start3A_40 = arith.constant 0 : i32
        %dma_start3A_41 = tpu.memref_slice %arg7[%dma_start3A, %dma_start3A_40] : memref<128x128xf32, #tpu.memory_space<vmem>> -> memref<80x128xf32, #tpu.memory_space<vmem>>
        %dma_start3A_42 = arith.constant 0 : i32
        %dma_start3A_43 = tpu.memref_slice %arg13[%mul3A_39, %dma_start3A_42] : memref<10000x128xf32, #tpu.memory_space<vmem_shared>> -> memref<80x128xf32, #tpu.memory_space<vmem_shared>>
        %dma_start3A_44 = arith.constant 0 : i32
        %dma_start3A_45 = tpu.memref_slice %arg13[%mul3A_39, %dma_start3A_44] : memref<10000x128xf32, #tpu.memory_space<vmem_shared>> -> memref<80x128xf32, #tpu.memory_space<vmem_shared>>
        %dma_start3A_46 = arith.constant 0 : i32
        %dma_start3A_47 = arith.constant 0 : i32
        %dma_start3A_48 = tpu.memref_slice %arg7[%dma_start3A_46, %dma_start3A_47] : memref<128x128xf32, #tpu.memory_space<vmem>> -> memref<80x128xf32, #tpu.memory_space<vmem>>
        tpu.enqueue_dma source(%dma_start3A_48 : memref<80x128xf32, #tpu.memory_space<vmem>>) target(%dma_start3A_45 : memref<80x128xf32, #tpu.memory_space<vmem_shared>>) target_semaphore(%run_scoped3A : memref<!tpu.dma_semaphore, #tpu.memory_space<semaphore_mem>>)
        %dma_wait3A = arith.constant 0 : i32
        %dma_wait3A_49 = arith.constant 0 : i32
        %dma_wait3A_50 = tpu.memref_slice %arg7[%dma_wait3A, %dma_wait3A_49] : memref<128x128xf32, #tpu.memory_space<vmem>> -> memref<80x128xf32, #tpu.memory_space<vmem>>
        %dma_wait3A_51 = arith.constant 0 : i32
        %dma_wait3A_52 = tpu.memref_slice %arg13[%mul3A_39, %dma_wait3A_51] : memref<10000x128xf32, #tpu.memory_space<vmem_shared>> -> memref<80x128xf32, #tpu.memory_space<vmem_shared>>
        %dma_wait3A_53 = arith.constant 0 : i32
        %dma_wait3A_54 = tpu.memref_slice %arg13[%mul3A_39, %dma_wait3A_53] : memref<10000x128xf32, #tpu.memory_space<vmem_shared>> -> memref<80x128xf32, #tpu.memory_space<vmem_shared>>
        %dma_wait3A_55 = arith.constant 0 : i32
        %dma_wait3A_56 = arith.constant 0 : i32
        %dma_wait3A_57 = tpu.memref_slice %arg7[%dma_wait3A_55, %dma_wait3A_56] : memref<128x128xf32, #tpu.memory_space<vmem>> -> memref<80x128xf32, #tpu.memory_space<vmem>>
        tpu.wait_dma2 semaphore(%run_scoped3A : memref<!tpu.dma_semaphore, #tpu.memory_space<semaphore_mem>>) src(%dma_wait3A_57 : memref<80x128xf32, #tpu.memory_space<vmem>>) dst(%dma_wait3A_54 : memref<80x128xf32, #tpu.memory_space<vmem_shared>>)
        tpu.yield
      }) : () -> ()
    }
    %barrier3A = arith.constant 0 : index
    tpu.barrier barrier_id(%barrier3A)
    %eq3A = arith.constant 0 : i32
    %eq3A_18 = arith.cmpi eq, %arg0, %eq3A : i32
    %convert_element_type3A = arith.extui %eq3A_18 : i1 to i32
    %cond3A = arith.constant 0 : i32
    %cond3A_19 = arith.cmpi ne, %convert_element_type3A, %cond3A : i32
    scf.if %cond3A_19 {
      %mul3A = arith.constant 75 : i32
      %mul3A_36 = arith.muli %arg1, %mul3A : i32
      %add3A_37 = arith.constant 0 : i32
      %add3A_38 = arith.addi %mul3A_36, %add3A_37 : i32
      %add3A_39 = arith.constant 0 : i32
      %add3A_40 = arith.addi %add3A_39, %add3A_38 : i32
      %mul3A_41 = arith.constant 128 : i32
      %mul3A_42 = arith.muli %add3A_40, %mul3A_41 : i32
      %dma_start3A = tpu.memref_slice %arg4[%mul3A_42] : memref<320000xi32, #tpu.memory_space<hbm>> -> memref<128xi32, #tpu.memory_space<hbm>>
      %dma_start3A_43 = tpu.memref_slice %arg4[%mul3A_42] : memref<320000xi32, #tpu.memory_space<hbm>> -> memref<128xi32, #tpu.memory_space<hbm>>
      tpu.enqueue_dma source(%dma_start3A_43 : memref<128xi32, #tpu.memory_space<hbm>>) target(%arg10 : memref<128xi32, #tpu.memory_space<vmem>>) target_semaphore(%arg17 : memref<!tpu.dma_semaphore, #tpu.memory_space<semaphore_mem>>)
      %mul3A_44 = arith.constant 128 : i32
      %mul3A_45 = arith.muli %add3A_38, %mul3A_44 : i32
      %dma_start3A_46 = arith.constant 0 : i32
      %dma_start3A_47 = tpu.memref_slice %arg2[%mul3A_45, %dma_start3A_46] : memref<153600x128xf32, #tpu.memory_space<hbm>> -> memref<128x128xf32, #tpu.memory_space<hbm>>
      %dma_start3A_48 = arith.constant 0 : i32
      %dma_start3A_49 = tpu.memref_slice %arg2[%mul3A_45, %dma_start3A_48] : memref<153600x128xf32, #tpu.memory_space<hbm>> -> memref<128x128xf32, #tpu.memory_space<hbm>>
      tpu.enqueue_dma source(%dma_start3A_49 : memref<128x128xf32, #tpu.memory_space<hbm>>) target(%arg7 : memref<128x128xf32, #tpu.memory_space<vmem>>) target_semaphore(%arg14 : memref<!tpu.dma_semaphore, #tpu.memory_space<semaphore_mem>>)
      %add3A_50 = arith.constant 1 : i32
      %add3A_51 = arith.addi %mul3A_36, %add3A_50 : i32
      %add3A_52 = arith.constant 0 : i32
      %add3A_53 = arith.addi %add3A_52, %add3A_51 : i32
      %mul3A_54 = arith.constant 128 : i32
      %mul3A_55 = arith.muli %add3A_53, %mul3A_54 : i32
      %dma_start3A_56 = tpu.memref_slice %arg4[%mul3A_55] : memref<320000xi32, #tpu.memory_space<hbm>> -> memref<128xi32, #tpu.memory_space<hbm>>
      %dma_start3A_57 = tpu.memref_slice %arg4[%mul3A_55] : memref<320000xi32, #tpu.memory_space<hbm>> -> memref<128xi32, #tpu.memory_space<hbm>>
      tpu.enqueue_dma source(%dma_start3A_57 : memref<128xi32, #tpu.memory_space<hbm>>) target(%arg11 : memref<128xi32, #tpu.memory_space<vmem>>) target_semaphore(%arg18 : memref<!tpu.dma_semaphore, #tpu.memory_space<semaphore_mem>>)
      %mul3A_58 = arith.constant 128 : i32
      %mul3A_59 = arith.muli %add3A_51, %mul3A_58 : i32
      %dma_start3A_60 = arith.constant 0 : i32
      %dma_start3A_61 = tpu.memref_slice %arg2[%mul3A_59, %dma_start3A_60] : memref<153600x128xf32, #tpu.memory_space<hbm>> -> memref<128x128xf32, #tpu.memory_space<hbm>>
      %dma_start3A_62 = arith.constant 0 : i32
      %dma_start3A_63 = tpu.memref_slice %arg2[%mul3A_59, %dma_start3A_62] : memref<153600x128xf32, #tpu.memory_space<hbm>> -> memref<128x128xf32, #tpu.memory_space<hbm>>
      tpu.enqueue_dma source(%dma_start3A_63 : memref<128x128xf32, #tpu.memory_space<hbm>>) target(%arg8 : memref<128x128xf32, #tpu.memory_space<vmem>>) target_semaphore(%arg15 : memref<!tpu.dma_semaphore, #tpu.memory_space<semaphore_mem>>)
      %add3A_64 = arith.constant 2 : i32
      %add3A_65 = arith.addi %mul3A_36, %add3A_64 : i32
      %add3A_66 = arith.constant 0 : i32
      %add3A_67 = arith.addi %add3A_66, %add3A_65 : i32
      %mul3A_68 = arith.constant 128 : i32
      %mul3A_69 = arith.muli %add3A_67, %mul3A_68 : i32
      %dma_start3A_70 = tpu.memref_slice %arg4[%mul3A_69] : memref<320000xi32, #tpu.memory_space<hbm>> -> memref<128xi32, #tpu.memory_space<hbm>>
      %dma_start3A_71 = tpu.memref_slice %arg4[%mul3A_69] : memref<320000xi32, #tpu.memory_space<hbm>> -> memref<128xi32, #tpu.memory_space<hbm>>
      tpu.enqueue_dma source(%dma_start3A_71 : memref<128xi32, #tpu.memory_space<hbm>>) target(%arg12 : memref<128xi32, #tpu.memory_space<vmem>>) target_semaphore(%arg19 : memref<!tpu.dma_semaphore, #tpu.memory_space<semaphore_mem>>)
      %mul3A_72 = arith.constant 128 : i32
      %mul3A_73 = arith.muli %add3A_65, %mul3A_72 : i32
      %dma_start3A_74 = arith.constant 0 : i32
      %dma_start3A_75 = tpu.memref_slice %arg2[%mul3A_73, %dma_start3A_74] : memref<153600x128xf32, #tpu.memory_space<hbm>> -> memref<128x128xf32, #tpu.memory_space<hbm>>
      %dma_start3A_76 = arith.constant 0 : i32
      %dma_start3A_77 = tpu.memref_slice %arg2[%mul3A_73, %dma_start3A_76] : memref<153600x128xf32, #tpu.memory_space<hbm>> -> memref<128x128xf32, #tpu.memory_space<hbm>>
      tpu.enqueue_dma source(%dma_start3A_77 : memref<128x128xf32, #tpu.memory_space<hbm>>) target(%arg9 : memref<128x128xf32, #tpu.memory_space<vmem>>) target_semaphore(%arg16 : memref<!tpu.dma_semaphore, #tpu.memory_space<semaphore_mem>>)
      %scan3A_78 = arith.constant 0 : i32
      %scan3A_79 = arith.constant 25 : i32
      %scan3A_80 = arith.addi %scan3A_78, %scan3A_79 : i32
      %scan3A_81 = arith.constant 1 : i32
      scf.for %scan3A_83 = %scan3A_78 to %scan3A_80 step %scan3A_81  : i32 {
        %mul3A_84 = arith.constant 1 : i32
        %mul3A_85 = arith.muli %scan3A_83, %mul3A_84 : i32
        %add3A_86 = arith.constant 0 : i32
        %add3A_87 = arith.addi %add3A_86, %mul3A_85 : i32
        %mul3A_88 = arith.constant 3 : i32
        %mul3A_89 = arith.muli %mul3A_88, %add3A_87 : i32
        %add3A_90 = arith.constant 0 : i32
        %add3A_91 = arith.addi %mul3A_89, %add3A_90 : i32
        %mul3A_92 = arith.constant 1 : i32
        %mul3A_93 = arith.muli %add3A_91, %mul3A_92 : i32
        %add3A_94 = arith.addi %mul3A_36, %mul3A_93 : i32
        %add3A_95 = arith.constant 0 : i32
        %add3A_96 = arith.addi %add3A_95, %add3A_94 : i32
        %mul3A_97 = arith.constant 128 : i32
        %mul3A_98 = arith.muli %add3A_96, %mul3A_97 : i32
        %dma_wait3A = tpu.memref_slice %arg4[%mul3A_98] : memref<320000xi32, #tpu.memory_space<hbm>> -> memref<128xi32, #tpu.memory_space<hbm>>
        %dma_wait3A_99 = tpu.memref_slice %arg4[%mul3A_98] : memref<320000xi32, #tpu.memory_space<hbm>> -> memref<128xi32, #tpu.memory_space<hbm>>
        tpu.wait_dma2 semaphore(%arg17 : memref<!tpu.dma_semaphore, #tpu.memory_space<semaphore_mem>>) src(%dma_wait3A_99 : memref<128xi32, #tpu.memory_space<hbm>>) dst(%arg10 : memref<128xi32, #tpu.memory_space<vmem>>)
        %mul3A_100 = arith.constant 128 : i32
        %mul3A_101 = arith.muli %add3A_94, %mul3A_100 : i32
        %dma_wait3A_102 = arith.constant 0 : i32
        %dma_wait3A_103 = tpu.memref_slice %arg2[%mul3A_101, %dma_wait3A_102] : memref<153600x128xf32, #tpu.memory_space<hbm>> -> memref<128x128xf32, #tpu.memory_space<hbm>>
        %dma_wait3A_104 = arith.constant 0 : i32
        %dma_wait3A_105 = tpu.memref_slice %arg2[%mul3A_101, %dma_wait3A_104] : memref<153600x128xf32, #tpu.memory_space<hbm>> -> memref<128x128xf32, #tpu.memory_space<hbm>>
        tpu.wait_dma2 semaphore(%arg14 : memref<!tpu.dma_semaphore, #tpu.memory_space<semaphore_mem>>) src(%dma_wait3A_105 : memref<128x128xf32, #tpu.memory_space<hbm>>) dst(%arg7 : memref<128x128xf32, #tpu.memory_space<vmem>>)
        "tpu.region"() ({
          %run_scoped3A = tpu.sem_alloc : memref<!tpu.dma_semaphore, #tpu.memory_space<semaphore_mem>>
          %dma_start3A_164 = arith.constant 0 : i32
          %dma_start3A_165 = arith.constant 0 : i32
          %dma_start3A_166 = tpu.memref_slice %arg13[%dma_start3A_164, %dma_start3A_165] : memref<10000x128xf32, #tpu.memory_space<vmem_shared>> -> memref<10000x128xf32, #tpu.memory_space<vmem_shared>>
          tpu.enqueue_indirect_dma source(%arg7 : memref<128x128xf32, #tpu.memory_space<vmem>>) target(%dma_start3A_166 : memref<10000x128xf32, #tpu.memory_space<vmem_shared>>) offsets(%arg10 : memref<128xi32, #tpu.memory_space<vmem>>) semaphore(%run_scoped3A : memref<!tpu.dma_semaphore, #tpu.memory_space<semaphore_mem>>) {add = true}
          %dma_wait3A_167 = arith.constant 0 : i32
          %dma_wait3A_168 = arith.constant 0 : i32
          %dma_wait3A_169 = tpu.memref_slice %arg13[%dma_wait3A_167, %dma_wait3A_168] : memref<10000x128xf32, #tpu.memory_space<vmem_shared>> -> memref<10000x128xf32, #tpu.memory_space<vmem_shared>>
          tpu.wait_indirect_dma semaphore(%run_scoped3A : memref<!tpu.dma_semaphore, #tpu.memory_space<semaphore_mem>>) src(%arg7 : memref<128x128xf32, #tpu.memory_space<vmem>>) dst(%dma_wait3A_169 : memref<10000x128xf32, #tpu.memory_space<vmem_shared>>)
          tpu.yield
        }) : () -> ()
        %add3A_106 = arith.constant 3 : i32
        %add3A_107 = arith.addi %add3A_91, %add3A_106 : i32
        %lt3A = arith.constant 75 : i32
        %lt3A_108 = arith.cmpi slt, %add3A_107, %lt3A : i32
        %convert_element_type3A_109 = arith.extui %lt3A_108 : i1 to i32
        %cond3A_110 = arith.constant 0 : i32
        %cond3A_111 = arith.cmpi ne, %convert_element_type3A_109, %cond3A_110 : i32
        scf.if %cond3A_111 {
          %add3A_164 = arith.constant 3 : i32
          %add3A_165 = arith.addi %add3A_91, %add3A_164 : i32
          %mul3A_166 = arith.constant 1 : i32
          %mul3A_167 = arith.muli %add3A_165, %mul3A_166 : i32
          %add3A_168 = arith.addi %mul3A_36, %mul3A_167 : i32
          %add3A_169 = arith.constant 0 : i32
          %add3A_170 = arith.addi %add3A_169, %add3A_168 : i32
          %mul3A_171 = arith.constant 128 : i32
          %mul3A_172 = arith.muli %add3A_170, %mul3A_171 : i32
          %dma_start3A_173 = tpu.memref_slice %arg4[%mul3A_172] : memref<320000xi32, #tpu.memory_space<hbm>> -> memref<128xi32, #tpu.memory_space<hbm>>
          %dma_start3A_174 = tpu.memref_slice %arg4[%mul3A_172] : memref<320000xi32, #tpu.memory_space<hbm>> -> memref<128xi32, #tpu.memory_space<hbm>>
          tpu.enqueue_dma source(%dma_start3A_174 : memref<128xi32, #tpu.memory_space<hbm>>) target(%arg10 : memref<128xi32, #tpu.memory_space<vmem>>) target_semaphore(%arg17 : memref<!tpu.dma_semaphore, #tpu.memory_space<semaphore_mem>>)
          %mul3A_175 = arith.constant 128 : i32
          %mul3A_176 = arith.muli %add3A_168, %mul3A_175 : i32
          %dma_start3A_177 = arith.constant 0 : i32
          %dma_start3A_178 = tpu.memref_slice %arg2[%mul3A_176, %dma_start3A_177] : memref<153600x128xf32, #tpu.memory_space<hbm>> -> memref<128x128xf32, #tpu.memory_space<hbm>>
          %dma_start3A_179 = arith.constant 0 : i32
          %dma_start3A_180 = tpu.memref_slice %arg2[%mul3A_176, %dma_start3A_179] : memref<153600x128xf32, #tpu.memory_space<hbm>> -> memref<128x128xf32, #tpu.memory_space<hbm>>
          tpu.enqueue_dma source(%dma_start3A_180 : memref<128x128xf32, #tpu.memory_space<hbm>>) target(%arg7 : memref<128x128xf32, #tpu.memory_space<vmem>>) target_semaphore(%arg14 : memref<!tpu.dma_semaphore, #tpu.memory_space<semaphore_mem>>)
        } else {
        }
        %mul3A_112 = arith.constant 3 : i32
        %mul3A_113 = arith.muli %mul3A_112, %add3A_87 : i32
        %add3A_114 = arith.constant 1 : i32
        %add3A_115 = arith.addi %mul3A_113, %add3A_114 : i32
        %mul3A_116 = arith.constant 1 : i32
        %mul3A_117 = arith.muli %add3A_115, %mul3A_116 : i32
        %add3A_118 = arith.addi %mul3A_36, %mul3A_117 : i32
        %add3A_119 = arith.constant 0 : i32
        %add3A_120 = arith.addi %add3A_119, %add3A_118 : i32
        %mul3A_121 = arith.constant 128 : i32
        %mul3A_122 = arith.muli %add3A_120, %mul3A_121 : i32
        %dma_wait3A_123 = tpu.memref_slice %arg4[%mul3A_122] : memref<320000xi32, #tpu.memory_space<hbm>> -> memref<128xi32, #tpu.memory_space<hbm>>
        %dma_wait3A_124 = tpu.memref_slice %arg4[%mul3A_122] : memref<320000xi32, #tpu.memory_space<hbm>> -> memref<128xi32, #tpu.memory_space<hbm>>
        tpu.wait_dma2 semaphore(%arg18 : memref<!tpu.dma_semaphore, #tpu.memory_space<semaphore_mem>>) src(%dma_wait3A_124 : memref<128xi32, #tpu.memory_space<hbm>>) dst(%arg11 : memref<128xi32, #tpu.memory_space<vmem>>)
        %mul3A_125 = arith.constant 128 : i32
        %mul3A_126 = arith.muli %add3A_118, %mul3A_125 : i32
        %dma_wait3A_127 = arith.constant 0 : i32
        %dma_wait3A_128 = tpu.memref_slice %arg2[%mul3A_126, %dma_wait3A_127] : memref<153600x128xf32, #tpu.memory_space<hbm>> -> memref<128x128xf32, #tpu.memory_space<hbm>>
        %dma_wait3A_129 = arith.constant 0 : i32
        %dma_wait3A_130 = tpu.memref_slice %arg2[%mul3A_126, %dma_wait3A_129] : memref<153600x128xf32, #tpu.memory_space<hbm>> -> memref<128x128xf32, #tpu.memory_space<hbm>>
        tpu.wait_dma2 semaphore(%arg15 : memref<!tpu.dma_semaphore, #tpu.memory_space<semaphore_mem>>) src(%dma_wait3A_130 : memref<128x128xf32, #tpu.memory_space<hbm>>) dst(%arg8 : memref<128x128xf32, #tpu.memory_space<vmem>>)
        "tpu.region"() ({
          %run_scoped3A = tpu.sem_alloc : memref<!tpu.dma_semaphore, #tpu.memory_space<semaphore_mem>>
          %dma_start3A_164 = arith.constant 0 : i32
          %dma_start3A_165 = arith.constant 0 : i32
          %dma_start3A_166 = tpu.memref_slice %arg13[%dma_start3A_164, %dma_start3A_165] : memref<10000x128xf32, #tpu.memory_space<vmem_shared>> -> memref<10000x128xf32, #tpu.memory_space<vmem_shared>>
          tpu.enqueue_indirect_dma source(%arg8 : memref<128x128xf32, #tpu.memory_space<vmem>>) target(%dma_start3A_166 : memref<10000x128xf32, #tpu.memory_space<vmem_shared>>) offsets(%arg11 : memref<128xi32, #tpu.memory_space<vmem>>) semaphore(%run_scoped3A : memref<!tpu.dma_semaphore, #tpu.memory_space<semaphore_mem>>) {add = true}
          %dma_wait3A_167 = arith.constant 0 : i32
          %dma_wait3A_168 = arith.constant 0 : i32
          %dma_wait3A_169 = tpu.memref_slice %arg13[%dma_wait3A_167, %dma_wait3A_168] : memref<10000x128xf32, #tpu.memory_space<vmem_shared>> -> memref<10000x128xf32, #tpu.memory_space<vmem_shared>>
          tpu.wait_indirect_dma semaphore(%run_scoped3A : memref<!tpu.dma_semaphore, #tpu.memory_space<semaphore_mem>>) src(%arg8 : memref<128x128xf32, #tpu.memory_space<vmem>>) dst(%dma_wait3A_169 : memref<10000x128xf32, #tpu.memory_space<vmem_shared>>)
          tpu.yield
        }) : () -> ()
        %add3A_131 = arith.constant 3 : i32
        %add3A_132 = arith.addi %add3A_115, %add3A_131 : i32
        %lt3A_133 = arith.constant 75 : i32
        %lt3A_134 = arith.cmpi slt, %add3A_132, %lt3A_133 : i32
        %convert_element_type3A_135 = arith.extui %lt3A_134 : i1 to i32
        %cond3A_136 = arith.constant 0 : i32
        %cond3A_137 = arith.cmpi ne, %convert_element_type3A_135, %cond3A_136 : i32
        scf.if %cond3A_137 {
          %add3A_164 = arith.constant 3 : i32
          %add3A_165 = arith.addi %add3A_115, %add3A_164 : i32
          %mul3A_166 = arith.constant 1 : i32
          %mul3A_167 = arith.muli %add3A_165, %mul3A_166 : i32
          %add3A_168 = arith.addi %mul3A_36, %mul3A_167 : i32
          %add3A_169 = arith.constant 0 : i32
          %add3A_170 = arith.addi %add3A_169, %add3A_168 : i32
          %mul3A_171 = arith.constant 128 : i32
          %mul3A_172 = arith.muli %add3A_170, %mul3A_171 : i32
          %dma_start3A_173 = tpu.memref_slice %arg4[%mul3A_172] : memref<320000xi32, #tpu.memory_space<hbm>> -> memref<128xi32, #tpu.memory_space<hbm>>
          %dma_start3A_174 = tpu.memref_slice %arg4[%mul3A_172] : memref<320000xi32, #tpu.memory_space<hbm>> -> memref<128xi32, #tpu.memory_space<hbm>>
          tpu.enqueue_dma source(%dma_start3A_174 : memref<128xi32, #tpu.memory_space<hbm>>) target(%arg11 : memref<128xi32, #tpu.memory_space<vmem>>) target_semaphore(%arg18 : memref<!tpu.dma_semaphore, #tpu.memory_space<semaphore_mem>>)
          %mul3A_175 = arith.constant 128 : i32
          %mul3A_176 = arith.muli %add3A_168, %mul3A_175 : i32
          %dma_start3A_177 = arith.constant 0 : i32
          %dma_start3A_178 = tpu.memref_slice %arg2[%mul3A_176, %dma_start3A_177] : memref<153600x128xf32, #tpu.memory_space<hbm>> -> memref<128x128xf32, #tpu.memory_space<hbm>>
          %dma_start3A_179 = arith.constant 0 : i32
          %dma_start3A_180 = tpu.memref_slice %arg2[%mul3A_176, %dma_start3A_179] : memref<153600x128xf32, #tpu.memory_space<hbm>> -> memref<128x128xf32, #tpu.memory_space<hbm>>
          tpu.enqueue_dma source(%dma_start3A_180 : memref<128x128xf32, #tpu.memory_space<hbm>>) target(%arg8 : memref<128x128xf32, #tpu.memory_space<vmem>>) target_semaphore(%arg15 : memref<!tpu.dma_semaphore, #tpu.memory_space<semaphore_mem>>)
        } else {
        }
        %mul3A_138 = arith.constant 3 : i32
        %mul3A_139 = arith.muli %mul3A_138, %add3A_87 : i32
        %add3A_140 = arith.constant 2 : i32
        %add3A_141 = arith.addi %mul3A_139, %add3A_140 : i32
        %mul3A_142 = arith.constant 1 : i32
        %mul3A_143 = arith.muli %add3A_141, %mul3A_142 : i32
        %add3A_144 = arith.addi %mul3A_36, %mul3A_143 : i32
        %add3A_145 = arith.constant 0 : i32
        %add3A_146 = arith.addi %add3A_145, %add3A_144 : i32
        %mul3A_147 = arith.constant 128 : i32
        %mul3A_148 = arith.muli %add3A_146, %mul3A_147 : i32
        %dma_wait3A_149 = tpu.memref_slice %arg4[%mul3A_148] : memref<320000xi32, #tpu.memory_space<hbm>> -> memref<128xi32, #tpu.memory_space<hbm>>
        %dma_wait3A_150 = tpu.memref_slice %arg4[%mul3A_148] : memref<320000xi32, #tpu.memory_space<hbm>> -> memref<128xi32, #tpu.memory_space<hbm>>
        tpu.wait_dma2 semaphore(%arg19 : memref<!tpu.dma_semaphore, #tpu.memory_space<semaphore_mem>>) src(%dma_wait3A_150 : memref<128xi32, #tpu.memory_space<hbm>>) dst(%arg12 : memref<128xi32, #tpu.memory_space<vmem>>)
        %mul3A_151 = arith.constant 128 : i32
        %mul3A_152 = arith.muli %add3A_144, %mul3A_151 : i32
        %dma_wait3A_153 = arith.constant 0 : i32
        %dma_wait3A_154 = tpu.memref_slice %arg2[%mul3A_152, %dma_wait3A_153] : memref<153600x128xf32, #tpu.memory_space<hbm>> -> memref<128x128xf32, #tpu.memory_space<hbm>>
        %dma_wait3A_155 = arith.constant 0 : i32
        %dma_wait3A_156 = tpu.memref_slice %arg2[%mul3A_152, %dma_wait3A_155] : memref<153600x128xf32, #tpu.memory_space<hbm>> -> memref<128x128xf32, #tpu.memory_space<hbm>>
        tpu.wait_dma2 semaphore(%arg16 : memref<!tpu.dma_semaphore, #tpu.memory_space<semaphore_mem>>) src(%dma_wait3A_156 : memref<128x128xf32, #tpu.memory_space<hbm>>) dst(%arg9 : memref<128x128xf32, #tpu.memory_space<vmem>>)
        "tpu.region"() ({
          %run_scoped3A = tpu.sem_alloc : memref<!tpu.dma_semaphore, #tpu.memory_space<semaphore_mem>>
          %dma_start3A_164 = arith.constant 0 : i32
          %dma_start3A_165 = arith.constant 0 : i32
          %dma_start3A_166 = tpu.memref_slice %arg13[%dma_start3A_164, %dma_start3A_165] : memref<10000x128xf32, #tpu.memory_space<vmem_shared>> -> memref<10000x128xf32, #tpu.memory_space<vmem_shared>>
          tpu.enqueue_indirect_dma source(%arg9 : memref<128x128xf32, #tpu.memory_space<vmem>>) target(%dma_start3A_166 : memref<10000x128xf32, #tpu.memory_space<vmem_shared>>) offsets(%arg12 : memref<128xi32, #tpu.memory_space<vmem>>) semaphore(%run_scoped3A : memref<!tpu.dma_semaphore, #tpu.memory_space<semaphore_mem>>) {add = true}
          %dma_wait3A_167 = arith.constant 0 : i32
          %dma_wait3A_168 = arith.constant 0 : i32
          %dma_wait3A_169 = tpu.memref_slice %arg13[%dma_wait3A_167, %dma_wait3A_168] : memref<10000x128xf32, #tpu.memory_space<vmem_shared>> -> memref<10000x128xf32, #tpu.memory_space<vmem_shared>>
          tpu.wait_indirect_dma semaphore(%run_scoped3A : memref<!tpu.dma_semaphore, #tpu.memory_space<semaphore_mem>>) src(%arg9 : memref<128x128xf32, #tpu.memory_space<vmem>>) dst(%dma_wait3A_169 : memref<10000x128xf32, #tpu.memory_space<vmem_shared>>)
          tpu.yield
        }) : () -> ()
        %add3A_157 = arith.constant 3 : i32
        %add3A_158 = arith.addi %add3A_141, %add3A_157 : i32
        %lt3A_159 = arith.constant 75 : i32
        %lt3A_160 = arith.cmpi slt, %add3A_158, %lt3A_159 : i32
        %convert_element_type3A_161 = arith.extui %lt3A_160 : i1 to i32
        %cond3A_162 = arith.constant 0 : i32
        %cond3A_163 = arith.cmpi ne, %convert_element_type3A_161, %cond3A_162 : i32
        scf.if %cond3A_163 {
          %add3A_164 = arith.constant 3 : i32
          %add3A_165 = arith.addi %add3A_141, %add3A_164 : i32
          %mul3A_166 = arith.constant 1 : i32
          %mul3A_167 = arith.muli %add3A_165, %mul3A_166 : i32
          %add3A_168 = arith.addi %mul3A_36, %mul3A_167 : i32
          %add3A_169 = arith.constant 0 : i32
          %add3A_170 = arith.addi %add3A_169, %add3A_168 : i32
          %mul3A_171 = arith.constant 128 : i32
          %mul3A_172 = arith.muli %add3A_170, %mul3A_171 : i32
          %dma_start3A_173 = tpu.memref_slice %arg4[%mul3A_172] : memref<320000xi32, #tpu.memory_space<hbm>> -> memref<128xi32, #tpu.memory_space<hbm>>
          %dma_start3A_174 = tpu.memref_slice %arg4[%mul3A_172] : memref<320000xi32, #tpu.memory_space<hbm>> -> memref<128xi32, #tpu.memory_space<hbm>>
          tpu.enqueue_dma source(%dma_start3A_174 : memref<128xi32, #tpu.memory_space<hbm>>) target(%arg12 : memref<128xi32, #tpu.memory_space<vmem>>) target_semaphore(%arg19 : memref<!tpu.dma_semaphore, #tpu.memory_space<semaphore_mem>>)
          %mul3A_175 = arith.constant 128 : i32
          %mul3A_176 = arith.muli %add3A_168, %mul3A_175 : i32
          %dma_start3A_177 = arith.constant 0 : i32
          %dma_start3A_178 = tpu.memref_slice %arg2[%mul3A_176, %dma_start3A_177] : memref<153600x128xf32, #tpu.memory_space<hbm>> -> memref<128x128xf32, #tpu.memory_space<hbm>>
          %dma_start3A_179 = arith.constant 0 : i32
          %dma_start3A_180 = tpu.memref_slice %arg2[%mul3A_176, %dma_start3A_179] : memref<153600x128xf32, #tpu.memory_space<hbm>> -> memref<128x128xf32, #tpu.memory_space<hbm>>
          tpu.enqueue_dma source(%dma_start3A_180 : memref<128x128xf32, #tpu.memory_space<hbm>>) target(%arg9 : memref<128x128xf32, #tpu.memory_space<vmem>>) target_semaphore(%arg16 : memref<!tpu.dma_semaphore, #tpu.memory_space<semaphore_mem>>)
        } else {
        }
      }
      %scan3A_82 = arith.constant 25 : i32
    } else {
    }
    %eq3A_20 = arith.constant 1 : i32
    %eq3A_21 = arith.cmpi eq, %arg0, %eq3A_20 : i32
    %convert_element_type3A_22 = arith.extui %eq3A_21 : i1 to i32
    %cond3A_23 = arith.constant 0 : i32
    %cond3A_24 = arith.cmpi ne, %convert_element_type3A_22, %cond3A_23 : i32
    scf.if %cond3A_24 {
      %mul3A = arith.constant 75 : i32
      %mul3A_36 = arith.muli %arg1, %mul3A : i32
      %add3A_37 = arith.constant 0 : i32
      %add3A_38 = arith.addi %mul3A_36, %add3A_37 : i32
      %add3A_39 = arith.constant 0 : i32
      %add3A_40 = arith.addi %add3A_39, %add3A_38 : i32
      %mul3A_41 = arith.constant 128 : i32
      %mul3A_42 = arith.muli %add3A_40, %mul3A_41 : i32
      %dma_start3A = tpu.memref_slice %arg4[%mul3A_42] : memref<320000xi32, #tpu.memory_space<hbm>> -> memref<128xi32, #tpu.memory_space<hbm>>
      %dma_start3A_43 = tpu.memref_slice %arg4[%mul3A_42] : memref<320000xi32, #tpu.memory_space<hbm>> -> memref<128xi32, #tpu.memory_space<hbm>>
      tpu.enqueue_dma source(%dma_start3A_43 : memref<128xi32, #tpu.memory_space<hbm>>) target(%arg10 : memref<128xi32, #tpu.memory_space<vmem>>) target_semaphore(%arg17 : memref<!tpu.dma_semaphore, #tpu.memory_space<semaphore_mem>>)
      %mul3A_44 = arith.constant 128 : i32
      %mul3A_45 = arith.muli %add3A_38, %mul3A_44 : i32
      %dma_start3A_46 = arith.constant 0 : i32
      %dma_start3A_47 = tpu.memref_slice %arg3[%mul3A_45, %dma_start3A_46] : memref<153600x128xf32, #tpu.memory_space<hbm>> -> memref<128x128xf32, #tpu.memory_space<hbm>>
      %dma_start3A_48 = arith.constant 0 : i32
      %dma_start3A_49 = tpu.memref_slice %arg3[%mul3A_45, %dma_start3A_48] : memref<153600x128xf32, #tpu.memory_space<hbm>> -> memref<128x128xf32, #tpu.memory_space<hbm>>
      tpu.enqueue_dma source(%dma_start3A_49 : memref<128x128xf32, #tpu.memory_space<hbm>>) target(%arg7 : memref<128x128xf32, #tpu.memory_space<vmem>>) target_semaphore(%arg14 : memref<!tpu.dma_semaphore, #tpu.memory_space<semaphore_mem>>)
      %add3A_50 = arith.constant 1 : i32
      %add3A_51 = arith.addi %mul3A_36, %add3A_50 : i32
      %add3A_52 = arith.constant 0 : i32
      %add3A_53 = arith.addi %add3A_52, %add3A_51 : i32
      %mul3A_54 = arith.constant 128 : i32
      %mul3A_55 = arith.muli %add3A_53, %mul3A_54 : i32
      %dma_start3A_56 = tpu.memref_slice %arg4[%mul3A_55] : memref<320000xi32, #tpu.memory_space<hbm>> -> memref<128xi32, #tpu.memory_space<hbm>>
      %dma_start3A_57 = tpu.memref_slice %arg4[%mul3A_55] : memref<320000xi32, #tpu.memory_space<hbm>> -> memref<128xi32, #tpu.memory_space<hbm>>
      tpu.enqueue_dma source(%dma_start3A_57 : memref<128xi32, #tpu.memory_space<hbm>>) target(%arg11 : memref<128xi32, #tpu.memory_space<vmem>>) target_semaphore(%arg18 : memref<!tpu.dma_semaphore, #tpu.memory_space<semaphore_mem>>)
      %mul3A_58 = arith.constant 128 : i32
      %mul3A_59 = arith.muli %add3A_51, %mul3A_58 : i32
      %dma_start3A_60 = arith.constant 0 : i32
      %dma_start3A_61 = tpu.memref_slice %arg3[%mul3A_59, %dma_start3A_60] : memref<153600x128xf32, #tpu.memory_space<hbm>> -> memref<128x128xf32, #tpu.memory_space<hbm>>
      %dma_start3A_62 = arith.constant 0 : i32
      %dma_start3A_63 = tpu.memref_slice %arg3[%mul3A_59, %dma_start3A_62] : memref<153600x128xf32, #tpu.memory_space<hbm>> -> memref<128x128xf32, #tpu.memory_space<hbm>>
      tpu.enqueue_dma source(%dma_start3A_63 : memref<128x128xf32, #tpu.memory_space<hbm>>) target(%arg8 : memref<128x128xf32, #tpu.memory_space<vmem>>) target_semaphore(%arg15 : memref<!tpu.dma_semaphore, #tpu.memory_space<semaphore_mem>>)
      %add3A_64 = arith.constant 2 : i32
      %add3A_65 = arith.addi %mul3A_36, %add3A_64 : i32
      %add3A_66 = arith.constant 0 : i32
      %add3A_67 = arith.addi %add3A_66, %add3A_65 : i32
      %mul3A_68 = arith.constant 128 : i32
      %mul3A_69 = arith.muli %add3A_67, %mul3A_68 : i32
      %dma_start3A_70 = tpu.memref_slice %arg4[%mul3A_69] : memref<320000xi32, #tpu.memory_space<hbm>> -> memref<128xi32, #tpu.memory_space<hbm>>
      %dma_start3A_71 = tpu.memref_slice %arg4[%mul3A_69] : memref<320000xi32, #tpu.memory_space<hbm>> -> memref<128xi32, #tpu.memory_space<hbm>>
      tpu.enqueue_dma source(%dma_start3A_71 : memref<128xi32, #tpu.memory_space<hbm>>) target(%arg12 : memref<128xi32, #tpu.memory_space<vmem>>) target_semaphore(%arg19 : memref<!tpu.dma_semaphore, #tpu.memory_space<semaphore_mem>>)
      %mul3A_72 = arith.constant 128 : i32
      %mul3A_73 = arith.muli %add3A_65, %mul3A_72 : i32
      %dma_start3A_74 = arith.constant 0 : i32
      %dma_start3A_75 = tpu.memref_slice %arg3[%mul3A_73, %dma_start3A_74] : memref<153600x128xf32, #tpu.memory_space<hbm>> -> memref<128x128xf32, #tpu.memory_space<hbm>>
      %dma_start3A_76 = arith.constant 0 : i32
      %dma_start3A_77 = tpu.memref_slice %arg3[%mul3A_73, %dma_start3A_76] : memref<153600x128xf32, #tpu.memory_space<hbm>> -> memref<128x128xf32, #tpu.memory_space<hbm>>
      tpu.enqueue_dma source(%dma_start3A_77 : memref<128x128xf32, #tpu.memory_space<hbm>>) target(%arg9 : memref<128x128xf32, #tpu.memory_space<vmem>>) target_semaphore(%arg16 : memref<!tpu.dma_semaphore, #tpu.memory_space<semaphore_mem>>)
      %scan3A_78 = arith.constant 0 : i32
      %scan3A_79 = arith.constant 25 : i32
      %scan3A_80 = arith.addi %scan3A_78, %scan3A_79 : i32
      %scan3A_81 = arith.constant 1 : i32
      scf.for %scan3A_83 = %scan3A_78 to %scan3A_80 step %scan3A_81  : i32 {
        %mul3A_84 = arith.constant 1 : i32
        %mul3A_85 = arith.muli %scan3A_83, %mul3A_84 : i32
        %add3A_86 = arith.constant 0 : i32
        %add3A_87 = arith.addi %add3A_86, %mul3A_85 : i32
        %mul3A_88 = arith.constant 3 : i32
        %mul3A_89 = arith.muli %mul3A_88, %add3A_87 : i32
        %add3A_90 = arith.constant 0 : i32
        %add3A_91 = arith.addi %mul3A_89, %add3A_90 : i32
        %mul3A_92 = arith.constant 1 : i32
        %mul3A_93 = arith.muli %add3A_91, %mul3A_92 : i32
        %add3A_94 = arith.addi %mul3A_36, %mul3A_93 : i32
        %add3A_95 = arith.constant 0 : i32
        %add3A_96 = arith.addi %add3A_95, %add3A_94 : i32
        %mul3A_97 = arith.constant 128 : i32
        %mul3A_98 = arith.muli %add3A_96, %mul3A_97 : i32
        %dma_wait3A = tpu.memref_slice %arg4[%mul3A_98] : memref<320000xi32, #tpu.memory_space<hbm>> -> memref<128xi32, #tpu.memory_space<hbm>>
        %dma_wait3A_99 = tpu.memref_slice %arg4[%mul3A_98] : memref<320000xi32, #tpu.memory_space<hbm>> -> memref<128xi32, #tpu.memory_space<hbm>>
        tpu.wait_dma2 semaphore(%arg17 : memref<!tpu.dma_semaphore, #tpu.memory_space<semaphore_mem>>) src(%dma_wait3A_99 : memref<128xi32, #tpu.memory_space<hbm>>) dst(%arg10 : memref<128xi32, #tpu.memory_space<vmem>>)
        %mul3A_100 = arith.constant 128 : i32
        %mul3A_101 = arith.muli %add3A_94, %mul3A_100 : i32
        %dma_wait3A_102 = arith.constant 0 : i32
        %dma_wait3A_103 = tpu.memref_slice %arg3[%mul3A_101, %dma_wait3A_102] : memref<153600x128xf32, #tpu.memory_space<hbm>> -> memref<128x128xf32, #tpu.memory_space<hbm>>
        %dma_wait3A_104 = arith.constant 0 : i32
        %dma_wait3A_105 = tpu.memref_slice %arg3[%mul3A_101, %dma_wait3A_104] : memref<153600x128xf32, #tpu.memory_space<hbm>> -> memref<128x128xf32, #tpu.memory_space<hbm>>
        tpu.wait_dma2 semaphore(%arg14 : memref<!tpu.dma_semaphore, #tpu.memory_space<semaphore_mem>>) src(%dma_wait3A_105 : memref<128x128xf32, #tpu.memory_space<hbm>>) dst(%arg7 : memref<128x128xf32, #tpu.memory_space<vmem>>)
        "tpu.region"() ({
          %run_scoped3A = tpu.sem_alloc : memref<!tpu.dma_semaphore, #tpu.memory_space<semaphore_mem>>
          %dma_start3A_164 = arith.constant 0 : i32
          %dma_start3A_165 = arith.constant 0 : i32
          %dma_start3A_166 = tpu.memref_slice %arg13[%dma_start3A_164, %dma_start3A_165] : memref<10000x128xf32, #tpu.memory_space<vmem_shared>> -> memref<10000x128xf32, #tpu.memory_space<vmem_shared>>
          tpu.enqueue_indirect_dma source(%arg7 : memref<128x128xf32, #tpu.memory_space<vmem>>) target(%dma_start3A_166 : memref<10000x128xf32, #tpu.memory_space<vmem_shared>>) offsets(%arg10 : memref<128xi32, #tpu.memory_space<vmem>>) semaphore(%run_scoped3A : memref<!tpu.dma_semaphore, #tpu.memory_space<semaphore_mem>>) {add = true}
          %dma_wait3A_167 = arith.constant 0 : i32
          %dma_wait3A_168 = arith.constant 0 : i32
          %dma_wait3A_169 = tpu.memref_slice %arg13[%dma_wait3A_167, %dma_wait3A_168] : memref<10000x128xf32, #tpu.memory_space<vmem_shared>> -> memref<10000x128xf32, #tpu.memory_space<vmem_shared>>
          tpu.wait_indirect_dma semaphore(%run_scoped3A : memref<!tpu.dma_semaphore, #tpu.memory_space<semaphore_mem>>) src(%arg7 : memref<128x128xf32, #tpu.memory_space<vmem>>) dst(%dma_wait3A_169 : memref<10000x128xf32, #tpu.memory_space<vmem_shared>>)
          tpu.yield
        }) : () -> ()
        %add3A_106 = arith.constant 3 : i32
        %add3A_107 = arith.addi %add3A_91, %add3A_106 : i32
        %lt3A = arith.constant 75 : i32
        %lt3A_108 = arith.cmpi slt, %add3A_107, %lt3A : i32
        %convert_element_type3A_109 = arith.extui %lt3A_108 : i1 to i32
        %cond3A_110 = arith.constant 0 : i32
        %cond3A_111 = arith.cmpi ne, %convert_element_type3A_109, %cond3A_110 : i32
        scf.if %cond3A_111 {
          %add3A_164 = arith.constant 3 : i32
          %add3A_165 = arith.addi %add3A_91, %add3A_164 : i32
          %mul3A_166 = arith.constant 1 : i32
          %mul3A_167 = arith.muli %add3A_165, %mul3A_166 : i32
          %add3A_168 = arith.addi %mul3A_36, %mul3A_167 : i32
          %add3A_169 = arith.constant 0 : i32
          %add3A_170 = arith.addi %add3A_169, %add3A_168 : i32
          %mul3A_171 = arith.constant 128 : i32
          %mul3A_172 = arith.muli %add3A_170, %mul3A_171 : i32
          %dma_start3A_173 = tpu.memref_slice %arg4[%mul3A_172] : memref<320000xi32, #tpu.memory_space<hbm>> -> memref<128xi32, #tpu.memory_space<hbm>>
          %dma_start3A_174 = tpu.memref_slice %arg4[%mul3A_172] : memref<320000xi32, #tpu.memory_space<hbm>> -> memref<128xi32, #tpu.memory_space<hbm>>
          tpu.enqueue_dma source(%dma_start3A_174 : memref<128xi32, #tpu.memory_space<hbm>>) target(%arg10 : memref<128xi32, #tpu.memory_space<vmem>>) target_semaphore(%arg17 : memref<!tpu.dma_semaphore, #tpu.memory_space<semaphore_mem>>)
          %mul3A_175 = arith.constant 128 : i32
          %mul3A_176 = arith.muli %add3A_168, %mul3A_175 : i32
          %dma_start3A_177 = arith.constant 0 : i32
          %dma_start3A_178 = tpu.memref_slice %arg3[%mul3A_176, %dma_start3A_177] : memref<153600x128xf32, #tpu.memory_space<hbm>> -> memref<128x128xf32, #tpu.memory_space<hbm>>
          %dma_start3A_179 = arith.constant 0 : i32
          %dma_start3A_180 = tpu.memref_slice %arg3[%mul3A_176, %dma_start3A_179] : memref<153600x128xf32, #tpu.memory_space<hbm>> -> memref<128x128xf32, #tpu.memory_space<hbm>>
          tpu.enqueue_dma source(%dma_start3A_180 : memref<128x128xf32, #tpu.memory_space<hbm>>) target(%arg7 : memref<128x128xf32, #tpu.memory_space<vmem>>) target_semaphore(%arg14 : memref<!tpu.dma_semaphore, #tpu.memory_space<semaphore_mem>>)
        } else {
        }
        %mul3A_112 = arith.constant 3 : i32
        %mul3A_113 = arith.muli %mul3A_112, %add3A_87 : i32
        %add3A_114 = arith.constant 1 : i32
        %add3A_115 = arith.addi %mul3A_113, %add3A_114 : i32
        %mul3A_116 = arith.constant 1 : i32
        %mul3A_117 = arith.muli %add3A_115, %mul3A_116 : i32
        %add3A_118 = arith.addi %mul3A_36, %mul3A_117 : i32
        %add3A_119 = arith.constant 0 : i32
        %add3A_120 = arith.addi %add3A_119, %add3A_118 : i32
        %mul3A_121 = arith.constant 128 : i32
        %mul3A_122 = arith.muli %add3A_120, %mul3A_121 : i32
        %dma_wait3A_123 = tpu.memref_slice %arg4[%mul3A_122] : memref<320000xi32, #tpu.memory_space<hbm>> -> memref<128xi32, #tpu.memory_space<hbm>>
        %dma_wait3A_124 = tpu.memref_slice %arg4[%mul3A_122] : memref<320000xi32, #tpu.memory_space<hbm>> -> memref<128xi32, #tpu.memory_space<hbm>>
        tpu.wait_dma2 semaphore(%arg18 : memref<!tpu.dma_semaphore, #tpu.memory_space<semaphore_mem>>) src(%dma_wait3A_124 : memref<128xi32, #tpu.memory_space<hbm>>) dst(%arg11 : memref<128xi32, #tpu.memory_space<vmem>>)
        %mul3A_125 = arith.constant 128 : i32
        %mul3A_126 = arith.muli %add3A_118, %mul3A_125 : i32
        %dma_wait3A_127 = arith.constant 0 : i32
        %dma_wait3A_128 = tpu.memref_slice %arg3[%mul3A_126, %dma_wait3A_127] : memref<153600x128xf32, #tpu.memory_space<hbm>> -> memref<128x128xf32, #tpu.memory_space<hbm>>
        %dma_wait3A_129 = arith.constant 0 : i32
        %dma_wait3A_130 = tpu.memref_slice %arg3[%mul3A_126, %dma_wait3A_129] : memref<153600x128xf32, #tpu.memory_space<hbm>> -> memref<128x128xf32, #tpu.memory_space<hbm>>
        tpu.wait_dma2 semaphore(%arg15 : memref<!tpu.dma_semaphore, #tpu.memory_space<semaphore_mem>>) src(%dma_wait3A_130 : memref<128x128xf32, #tpu.memory_space<hbm>>) dst(%arg8 : memref<128x128xf32, #tpu.memory_space<vmem>>)
        "tpu.region"() ({
          %run_scoped3A = tpu.sem_alloc : memref<!tpu.dma_semaphore, #tpu.memory_space<semaphore_mem>>
          %dma_start3A_164 = arith.constant 0 : i32
          %dma_start3A_165 = arith.constant 0 : i32
          %dma_start3A_166 = tpu.memref_slice %arg13[%dma_start3A_164, %dma_start3A_165] : memref<10000x128xf32, #tpu.memory_space<vmem_shared>> -> memref<10000x128xf32, #tpu.memory_space<vmem_shared>>
          tpu.enqueue_indirect_dma source(%arg8 : memref<128x128xf32, #tpu.memory_space<vmem>>) target(%dma_start3A_166 : memref<10000x128xf32, #tpu.memory_space<vmem_shared>>) offsets(%arg11 : memref<128xi32, #tpu.memory_space<vmem>>) semaphore(%run_scoped3A : memref<!tpu.dma_semaphore, #tpu.memory_space<semaphore_mem>>) {add = true}
          %dma_wait3A_167 = arith.constant 0 : i32
          %dma_wait3A_168 = arith.constant 0 : i32
          %dma_wait3A_169 = tpu.memref_slice %arg13[%dma_wait3A_167, %dma_wait3A_168] : memref<10000x128xf32, #tpu.memory_space<vmem_shared>> -> memref<10000x128xf32, #tpu.memory_space<vmem_shared>>
          tpu.wait_indirect_dma semaphore(%run_scoped3A : memref<!tpu.dma_semaphore, #tpu.memory_space<semaphore_mem>>) src(%arg8 : memref<128x128xf32, #tpu.memory_space<vmem>>) dst(%dma_wait3A_169 : memref<10000x128xf32, #tpu.memory_space<vmem_shared>>)
          tpu.yield
        }) : () -> ()
        %add3A_131 = arith.constant 3 : i32
        %add3A_132 = arith.addi %add3A_115, %add3A_131 : i32
        %lt3A_133 = arith.constant 75 : i32
        %lt3A_134 = arith.cmpi slt, %add3A_132, %lt3A_133 : i32
        %convert_element_type3A_135 = arith.extui %lt3A_134 : i1 to i32
        %cond3A_136 = arith.constant 0 : i32
        %cond3A_137 = arith.cmpi ne, %convert_element_type3A_135, %cond3A_136 : i32
        scf.if %cond3A_137 {
          %add3A_164 = arith.constant 3 : i32
          %add3A_165 = arith.addi %add3A_115, %add3A_164 : i32
          %mul3A_166 = arith.constant 1 : i32
          %mul3A_167 = arith.muli %add3A_165, %mul3A_166 : i32
          %add3A_168 = arith.addi %mul3A_36, %mul3A_167 : i32
          %add3A_169 = arith.constant 0 : i32
          %add3A_170 = arith.addi %add3A_169, %add3A_168 : i32
          %mul3A_171 = arith.constant 128 : i32
          %mul3A_172 = arith.muli %add3A_170, %mul3A_171 : i32
          %dma_start3A_173 = tpu.memref_slice %arg4[%mul3A_172] : memref<320000xi32, #tpu.memory_space<hbm>> -> memref<128xi32, #tpu.memory_space<hbm>>
          %dma_start3A_174 = tpu.memref_slice %arg4[%mul3A_172] : memref<320000xi32, #tpu.memory_space<hbm>> -> memref<128xi32, #tpu.memory_space<hbm>>
          tpu.enqueue_dma source(%dma_start3A_174 : memref<128xi32, #tpu.memory_space<hbm>>) target(%arg11 : memref<128xi32, #tpu.memory_space<vmem>>) target_semaphore(%arg18 : memref<!tpu.dma_semaphore, #tpu.memory_space<semaphore_mem>>)
          %mul3A_175 = arith.constant 128 : i32
          %mul3A_176 = arith.muli %add3A_168, %mul3A_175 : i32
          %dma_start3A_177 = arith.constant 0 : i32
          %dma_start3A_178 = tpu.memref_slice %arg3[%mul3A_176, %dma_start3A_177] : memref<153600x128xf32, #tpu.memory_space<hbm>> -> memref<128x128xf32, #tpu.memory_space<hbm>>
          %dma_start3A_179 = arith.constant 0 : i32
          %dma_start3A_180 = tpu.memref_slice %arg3[%mul3A_176, %dma_start3A_179] : memref<153600x128xf32, #tpu.memory_space<hbm>> -> memref<128x128xf32, #tpu.memory_space<hbm>>
          tpu.enqueue_dma source(%dma_start3A_180 : memref<128x128xf32, #tpu.memory_space<hbm>>) target(%arg8 : memref<128x128xf32, #tpu.memory_space<vmem>>) target_semaphore(%arg15 : memref<!tpu.dma_semaphore, #tpu.memory_space<semaphore_mem>>)
        } else {
        }
        %mul3A_138 = arith.constant 3 : i32
        %mul3A_139 = arith.muli %mul3A_138, %add3A_87 : i32
        %add3A_140 = arith.constant 2 : i32
        %add3A_141 = arith.addi %mul3A_139, %add3A_140 : i32
        %mul3A_142 = arith.constant 1 : i32
        %mul3A_143 = arith.muli %add3A_141, %mul3A_142 : i32
        %add3A_144 = arith.addi %mul3A_36, %mul3A_143 : i32
        %add3A_145 = arith.constant 0 : i32
        %add3A_146 = arith.addi %add3A_145, %add3A_144 : i32
        %mul3A_147 = arith.constant 128 : i32
        %mul3A_148 = arith.muli %add3A_146, %mul3A_147 : i32
        %dma_wait3A_149 = tpu.memref_slice %arg4[%mul3A_148] : memref<320000xi32, #tpu.memory_space<hbm>> -> memref<128xi32, #tpu.memory_space<hbm>>
        %dma_wait3A_150 = tpu.memref_slice %arg4[%mul3A_148] : memref<320000xi32, #tpu.memory_space<hbm>> -> memref<128xi32, #tpu.memory_space<hbm>>
        tpu.wait_dma2 semaphore(%arg19 : memref<!tpu.dma_semaphore, #tpu.memory_space<semaphore_mem>>) src(%dma_wait3A_150 : memref<128xi32, #tpu.memory_space<hbm>>) dst(%arg12 : memref<128xi32, #tpu.memory_space<vmem>>)
        %mul3A_151 = arith.constant 128 : i32
        %mul3A_152 = arith.muli %add3A_144, %mul3A_151 : i32
        %dma_wait3A_153 = arith.constant 0 : i32
        %dma_wait3A_154 = tpu.memref_slice %arg3[%mul3A_152, %dma_wait3A_153] : memref<153600x128xf32, #tpu.memory_space<hbm>> -> memref<128x128xf32, #tpu.memory_space<hbm>>
        %dma_wait3A_155 = arith.constant 0 : i32
        %dma_wait3A_156 = tpu.memref_slice %arg3[%mul3A_152, %dma_wait3A_155] : memref<153600x128xf32, #tpu.memory_space<hbm>> -> memref<128x128xf32, #tpu.memory_space<hbm>>
        tpu.wait_dma2 semaphore(%arg16 : memref<!tpu.dma_semaphore, #tpu.memory_space<semaphore_mem>>) src(%dma_wait3A_156 : memref<128x128xf32, #tpu.memory_space<hbm>>) dst(%arg9 : memref<128x128xf32, #tpu.memory_space<vmem>>)
        "tpu.region"() ({
          %run_scoped3A = tpu.sem_alloc : memref<!tpu.dma_semaphore, #tpu.memory_space<semaphore_mem>>
          %dma_start3A_164 = arith.constant 0 : i32
          %dma_start3A_165 = arith.constant 0 : i32
          %dma_start3A_166 = tpu.memref_slice %arg13[%dma_start3A_164, %dma_start3A_165] : memref<10000x128xf32, #tpu.memory_space<vmem_shared>> -> memref<10000x128xf32, #tpu.memory_space<vmem_shared>>
          tpu.enqueue_indirect_dma source(%arg9 : memref<128x128xf32, #tpu.memory_space<vmem>>) target(%dma_start3A_166 : memref<10000x128xf32, #tpu.memory_space<vmem_shared>>) offsets(%arg12 : memref<128xi32, #tpu.memory_space<vmem>>) semaphore(%run_scoped3A : memref<!tpu.dma_semaphore, #tpu.memory_space<semaphore_mem>>) {add = true}
          %dma_wait3A_167 = arith.constant 0 : i32
          %dma_wait3A_168 = arith.constant 0 : i32
          %dma_wait3A_169 = tpu.memref_slice %arg13[%dma_wait3A_167, %dma_wait3A_168] : memref<10000x128xf32, #tpu.memory_space<vmem_shared>> -> memref<10000x128xf32, #tpu.memory_space<vmem_shared>>
          tpu.wait_indirect_dma semaphore(%run_scoped3A : memref<!tpu.dma_semaphore, #tpu.memory_space<semaphore_mem>>) src(%arg9 : memref<128x128xf32, #tpu.memory_space<vmem>>) dst(%dma_wait3A_169 : memref<10000x128xf32, #tpu.memory_space<vmem_shared>>)
          tpu.yield
        }) : () -> ()
        %add3A_157 = arith.constant 3 : i32
        %add3A_158 = arith.addi %add3A_141, %add3A_157 : i32
        %lt3A_159 = arith.constant 75 : i32
        %lt3A_160 = arith.cmpi slt, %add3A_158, %lt3A_159 : i32
        %convert_element_type3A_161 = arith.extui %lt3A_160 : i1 to i32
        %cond3A_162 = arith.constant 0 : i32
        %cond3A_163 = arith.cmpi ne, %convert_element_type3A_161, %cond3A_162 : i32
        scf.if %cond3A_163 {
          %add3A_164 = arith.constant 3 : i32
          %add3A_165 = arith.addi %add3A_141, %add3A_164 : i32
          %mul3A_166 = arith.constant 1 : i32
          %mul3A_167 = arith.muli %add3A_165, %mul3A_166 : i32
          %add3A_168 = arith.addi %mul3A_36, %mul3A_167 : i32
          %add3A_169 = arith.constant 0 : i32
          %add3A_170 = arith.addi %add3A_169, %add3A_168 : i32
          %mul3A_171 = arith.constant 128 : i32
          %mul3A_172 = arith.muli %add3A_170, %mul3A_171 : i32
          %dma_start3A_173 = tpu.memref_slice %arg4[%mul3A_172] : memref<320000xi32, #tpu.memory_space<hbm>> -> memref<128xi32, #tpu.memory_space<hbm>>
          %dma_start3A_174 = tpu.memref_slice %arg4[%mul3A_172] : memref<320000xi32, #tpu.memory_space<hbm>> -> memref<128xi32, #tpu.memory_space<hbm>>
          tpu.enqueue_dma source(%dma_start3A_174 : memref<128xi32, #tpu.memory_space<hbm>>) target(%arg12 : memref<128xi32, #tpu.memory_space<vmem>>) target_semaphore(%arg19 : memref<!tpu.dma_semaphore, #tpu.memory_space<semaphore_mem>>)
          %mul3A_175 = arith.constant 128 : i32
          %mul3A_176 = arith.muli %add3A_168, %mul3A_175 : i32
          %dma_start3A_177 = arith.constant 0 : i32
          %dma_start3A_178 = tpu.memref_slice %arg3[%mul3A_176, %dma_start3A_177] : memref<153600x128xf32, #tpu.memory_space<hbm>> -> memref<128x128xf32, #tpu.memory_space<hbm>>
          %dma_start3A_179 = arith.constant 0 : i32
          %dma_start3A_180 = tpu.memref_slice %arg3[%mul3A_176, %dma_start3A_179] : memref<153600x128xf32, #tpu.memory_space<hbm>> -> memref<128x128xf32, #tpu.memory_space<hbm>>
          tpu.enqueue_dma source(%dma_start3A_180 : memref<128x128xf32, #tpu.memory_space<hbm>>) target(%arg9 : memref<128x128xf32, #tpu.memory_space<vmem>>) target_semaphore(%arg16 : memref<!tpu.dma_semaphore, #tpu.memory_space<semaphore_mem>>)
        } else {
        }
      }
      %scan3A_82 = arith.constant 25 : i32
    } else {
    }
    %barrier3A_25 = arith.constant 0 : index
    tpu.barrier barrier_id(%barrier3A_25)
    %eq3A_26 = arith.constant 0 : i32
    %eq3A_27 = arith.cmpi eq, %arg0, %eq3A_26 : i32
    %convert_element_type3A_28 = arith.extui %eq3A_27 : i1 to i32
    %cond3A_29 = arith.constant 0 : i32
    %cond3A_30 = arith.cmpi ne, %convert_element_type3A_28, %cond3A_29 : i32
    scf.if %cond3A_30 {
      %sub3A_36 = arith.constant 125 : i32
      %sub3A_37 = arith.subi %sub3A_36, %arg1 : i32
      %sub3A_38 = arith.constant 16 : i32
      %sub3A_39 = arith.constant 1 : i32
      %sub3A_40 = arith.subi %sub3A_38, %sub3A_39 : i32
      %add3A_41 = arith.addi %sub3A_37, %sub3A_40 : i32
      %div3A_42 = arith.constant 16 : i32
      %div3A_43 = arith.divsi %add3A_41, %div3A_42 : i32
      %while3A_44 = arith.constant 16 : i32
      %while3A_45 = arith.constant 0 : i32
      %while3A_46 = arith.subi %div3A_43, %while3A_45 : i32
      %while3A_47 = arith.addi %while3A_45, %while3A_46 : i32
      %while3A_48 = arith.constant 1 : i32
      %while3A_49 = arith.divsi %while3A_46, %while3A_48 : i32
      %while3A_50 = arith.muli %while3A_49, %while3A_48 : i32
      %while3A_51 = arith.addi %while3A_45, %while3A_50 : i32
      %while3A_52 = arith.constant 1 : i32
      scf.for %while3A_54 = %while3A_45 to %while3A_51 step %while3A_52  : i32 {
        %mul3A = arith.muli %while3A_54, %while3A_44 : i32
        %add3A_55 = arith.addi %arg1, %mul3A : i32
        %mul3A_56 = arith.constant 80 : i32
        %mul3A_57 = arith.muli %add3A_55, %mul3A_56 : i32
        "tpu.region"() ({
          %run_scoped3A = tpu.sem_alloc : memref<!tpu.dma_semaphore, #tpu.memory_space<semaphore_mem>>
          %dma_start3A = arith.constant 0 : i32
          %dma_start3A_58 = arith.constant 0 : i32
          %dma_start3A_59 = tpu.memref_slice %arg7[%dma_start3A, %dma_start3A_58] : memref<128x128xf32, #tpu.memory_space<vmem>> -> memref<80x128xf32, #tpu.memory_space<vmem>>
          %dma_start3A_60 = arith.constant 0 : i32
          %dma_start3A_61 = tpu.memref_slice %arg13[%mul3A_57, %dma_start3A_60] : memref<10000x128xf32, #tpu.memory_space<vmem_shared>> -> memref<80x128xf32, #tpu.memory_space<vmem_shared>>
          %dma_start3A_62 = arith.constant 0 : i32
          %dma_start3A_63 = arith.constant 0 : i32
          %dma_start3A_64 = tpu.memref_slice %arg7[%dma_start3A_62, %dma_start3A_63] : memref<128x128xf32, #tpu.memory_space<vmem>> -> memref<80x128xf32, #tpu.memory_space<vmem>>
          %dma_start3A_65 = arith.constant 0 : i32
          %dma_start3A_66 = tpu.memref_slice %arg13[%mul3A_57, %dma_start3A_65] : memref<10000x128xf32, #tpu.memory_space<vmem_shared>> -> memref<80x128xf32, #tpu.memory_space<vmem_shared>>
          tpu.enqueue_dma source(%dma_start3A_66 : memref<80x128xf32, #tpu.memory_space<vmem_shared>>) target(%dma_start3A_64 : memref<80x128xf32, #tpu.memory_space<vmem>>) target_semaphore(%run_scoped3A : memref<!tpu.dma_semaphore, #tpu.memory_space<semaphore_mem>>)
          %dma_wait3A = arith.constant 0 : i32
          %dma_wait3A_67 = arith.constant 0 : i32
          %dma_wait3A_68 = tpu.memref_slice %arg7[%dma_wait3A, %dma_wait3A_67] : memref<128x128xf32, #tpu.memory_space<vmem>> -> memref<80x128xf32, #tpu.memory_space<vmem>>
          %dma_wait3A_69 = arith.constant 0 : i32
          %dma_wait3A_70 = tpu.memref_slice %arg13[%mul3A_57, %dma_wait3A_69] : memref<10000x128xf32, #tpu.memory_space<vmem_shared>> -> memref<80x128xf32, #tpu.memory_space<vmem_shared>>
          %dma_wait3A_71 = arith.constant 0 : i32
          %dma_wait3A_72 = arith.constant 0 : i32
          %dma_wait3A_73 = tpu.memref_slice %arg7[%dma_wait3A_71, %dma_wait3A_72] : memref<128x128xf32, #tpu.memory_space<vmem>> -> memref<80x128xf32, #tpu.memory_space<vmem>>
          %dma_wait3A_74 = arith.constant 0 : i32
          %dma_wait3A_75 = tpu.memref_slice %arg13[%mul3A_57, %dma_wait3A_74] : memref<10000x128xf32, #tpu.memory_space<vmem_shared>> -> memref<80x128xf32, #tpu.memory_space<vmem_shared>>
          tpu.wait_dma2 semaphore(%run_scoped3A : memref<!tpu.dma_semaphore, #tpu.memory_space<semaphore_mem>>) src(%dma_wait3A_75 : memref<80x128xf32, #tpu.memory_space<vmem_shared>>) dst(%dma_wait3A_73 : memref<80x128xf32, #tpu.memory_space<vmem>>)
          tpu.yield
        }) : () -> ()
        "tpu.region"() ({
          %run_scoped3A = tpu.sem_alloc : memref<!tpu.dma_semaphore, #tpu.memory_space<semaphore_mem>>
          %dma_start3A = arith.constant 0 : i32
          %dma_start3A_58 = arith.constant 0 : i32
          %dma_start3A_59 = tpu.memref_slice %arg7[%dma_start3A, %dma_start3A_58] : memref<128x128xf32, #tpu.memory_space<vmem>> -> memref<80x128xf32, #tpu.memory_space<vmem>>
          %dma_start3A_60 = arith.constant 0 : i32
          %dma_start3A_61 = tpu.memref_slice %arg5[%mul3A_57, %dma_start3A_60] : memref<10000x128xf32, #tpu.memory_space<hbm>> -> memref<80x128xf32, #tpu.memory_space<hbm>>
          %dma_start3A_62 = arith.constant 0 : i32
          %dma_start3A_63 = tpu.memref_slice %arg5[%mul3A_57, %dma_start3A_62] : memref<10000x128xf32, #tpu.memory_space<hbm>> -> memref<80x128xf32, #tpu.memory_space<hbm>>
          %dma_start3A_64 = arith.constant 0 : i32
          %dma_start3A_65 = arith.constant 0 : i32
          %dma_start3A_66 = tpu.memref_slice %arg7[%dma_start3A_64, %dma_start3A_65] : memref<128x128xf32, #tpu.memory_space<vmem>> -> memref<80x128xf32, #tpu.memory_space<vmem>>
          tpu.enqueue_dma source(%dma_start3A_66 : memref<80x128xf32, #tpu.memory_space<vmem>>) target(%dma_start3A_63 : memref<80x128xf32, #tpu.memory_space<hbm>>) target_semaphore(%run_scoped3A : memref<!tpu.dma_semaphore, #tpu.memory_space<semaphore_mem>>)
          %dma_wait3A = arith.constant 0 : i32
          %dma_wait3A_67 = arith.constant 0 : i32
          %dma_wait3A_68 = tpu.memref_slice %arg7[%dma_wait3A, %dma_wait3A_67] : memref<128x128xf32, #tpu.memory_space<vmem>> -> memref<80x128xf32, #tpu.memory_space<vmem>>
          %dma_wait3A_69 = arith.constant 0 : i32
          %dma_wait3A_70 = tpu.memref_slice %arg5[%mul3A_57, %dma_wait3A_69] : memref<10000x128xf32, #tpu.memory_space<hbm>> -> memref<80x128xf32, #tpu.memory_space<hbm>>
          %dma_wait3A_71 = arith.constant 0 : i32
          %dma_wait3A_72 = tpu.memref_slice %arg5[%mul3A_57, %dma_wait3A_71] : memref<10000x128xf32, #tpu.memory_space<hbm>> -> memref<80x128xf32, #tpu.memory_space<hbm>>
          %dma_wait3A_73 = arith.constant 0 : i32
          %dma_wait3A_74 = arith.constant 0 : i32
          %dma_wait3A_75 = tpu.memref_slice %arg7[%dma_wait3A_73, %dma_wait3A_74] : memref<128x128xf32, #tpu.memory_space<vmem>> -> memref<80x128xf32, #tpu.memory_space<vmem>>
          tpu.wait_dma2 semaphore(%run_scoped3A : memref<!tpu.dma_semaphore, #tpu.memory_space<semaphore_mem>>) src(%dma_wait3A_75 : memref<80x128xf32, #tpu.memory_space<vmem>>) dst(%dma_wait3A_72 : memref<80x128xf32, #tpu.memory_space<hbm>>)
          tpu.yield
        }) : () -> ()
      }
      %while3A_53 = arith.constant 1 : i32
      scf.for %while3A_54 = %while3A_51 to %while3A_47 step %while3A_53  : i32 {
        %mul3A = arith.muli %while3A_54, %while3A_44 : i32
        %add3A_55 = arith.addi %arg1, %mul3A : i32
        %mul3A_56 = arith.constant 80 : i32
        %mul3A_57 = arith.muli %add3A_55, %mul3A_56 : i32
        "tpu.region"() ({
          %run_scoped3A = tpu.sem_alloc : memref<!tpu.dma_semaphore, #tpu.memory_space<semaphore_mem>>
          %dma_start3A = arith.constant 0 : i32
          %dma_start3A_58 = arith.constant 0 : i32
          %dma_start3A_59 = tpu.memref_slice %arg7[%dma_start3A, %dma_start3A_58] : memref<128x128xf32, #tpu.memory_space<vmem>> -> memref<80x128xf32, #tpu.memory_space<vmem>>
          %dma_start3A_60 = arith.constant 0 : i32
          %dma_start3A_61 = tpu.memref_slice %arg13[%mul3A_57, %dma_start3A_60] : memref<10000x128xf32, #tpu.memory_space<vmem_shared>> -> memref<80x128xf32, #tpu.memory_space<vmem_shared>>
          %dma_start3A_62 = arith.constant 0 : i32
          %dma_start3A_63 = arith.constant 0 : i32
          %dma_start3A_64 = tpu.memref_slice %arg7[%dma_start3A_62, %dma_start3A_63] : memref<128x128xf32, #tpu.memory_space<vmem>> -> memref<80x128xf32, #tpu.memory_space<vmem>>
          %dma_start3A_65 = arith.constant 0 : i32
          %dma_start3A_66 = tpu.memref_slice %arg13[%mul3A_57, %dma_start3A_65] : memref<10000x128xf32, #tpu.memory_space<vmem_shared>> -> memref<80x128xf32, #tpu.memory_space<vmem_shared>>
          tpu.enqueue_dma source(%dma_start3A_66 : memref<80x128xf32, #tpu.memory_space<vmem_shared>>) target(%dma_start3A_64 : memref<80x128xf32, #tpu.memory_space<vmem>>) target_semaphore(%run_scoped3A : memref<!tpu.dma_semaphore, #tpu.memory_space<semaphore_mem>>)
          %dma_wait3A = arith.constant 0 : i32
          %dma_wait3A_67 = arith.constant 0 : i32
          %dma_wait3A_68 = tpu.memref_slice %arg7[%dma_wait3A, %dma_wait3A_67] : memref<128x128xf32, #tpu.memory_space<vmem>> -> memref<80x128xf32, #tpu.memory_space<vmem>>
          %dma_wait3A_69 = arith.constant 0 : i32
          %dma_wait3A_70 = tpu.memref_slice %arg13[%mul3A_57, %dma_wait3A_69] : memref<10000x128xf32, #tpu.memory_space<vmem_shared>> -> memref<80x128xf32, #tpu.memory_space<vmem_shared>>
          %dma_wait3A_71 = arith.constant 0 : i32
          %dma_wait3A_72 = arith.constant 0 : i32
          %dma_wait3A_73 = tpu.memref_slice %arg7[%dma_wait3A_71, %dma_wait3A_72] : memref<128x128xf32, #tpu.memory_space<vmem>> -> memref<80x128xf32, #tpu.memory_space<vmem>>
          %dma_wait3A_74 = arith.constant 0 : i32
          %dma_wait3A_75 = tpu.memref_slice %arg13[%mul3A_57, %dma_wait3A_74] : memref<10000x128xf32, #tpu.memory_space<vmem_shared>> -> memref<80x128xf32, #tpu.memory_space<vmem_shared>>
          tpu.wait_dma2 semaphore(%run_scoped3A : memref<!tpu.dma_semaphore, #tpu.memory_space<semaphore_mem>>) src(%dma_wait3A_75 : memref<80x128xf32, #tpu.memory_space<vmem_shared>>) dst(%dma_wait3A_73 : memref<80x128xf32, #tpu.memory_space<vmem>>)
          tpu.yield
        }) : () -> ()
        "tpu.region"() ({
          %run_scoped3A = tpu.sem_alloc : memref<!tpu.dma_semaphore, #tpu.memory_space<semaphore_mem>>
          %dma_start3A = arith.constant 0 : i32
          %dma_start3A_58 = arith.constant 0 : i32
          %dma_start3A_59 = tpu.memref_slice %arg7[%dma_start3A, %dma_start3A_58] : memref<128x128xf32, #tpu.memory_space<vmem>> -> memref<80x128xf32, #tpu.memory_space<vmem>>
          %dma_start3A_60 = arith.constant 0 : i32
          %dma_start3A_61 = tpu.memref_slice %arg5[%mul3A_57, %dma_start3A_60] : memref<10000x128xf32, #tpu.memory_space<hbm>> -> memref<80x128xf32, #tpu.memory_space<hbm>>
          %dma_start3A_62 = arith.constant 0 : i32
          %dma_start3A_63 = tpu.memref_slice %arg5[%mul3A_57, %dma_start3A_62] : memref<10000x128xf32, #tpu.memory_space<hbm>> -> memref<80x128xf32, #tpu.memory_space<hbm>>
          %dma_start3A_64 = arith.constant 0 : i32
          %dma_start3A_65 = arith.constant 0 : i32
          %dma_start3A_66 = tpu.memref_slice %arg7[%dma_start3A_64, %dma_start3A_65] : memref<128x128xf32, #tpu.memory_space<vmem>> -> memref<80x128xf32, #tpu.memory_space<vmem>>
          tpu.enqueue_dma source(%dma_start3A_66 : memref<80x128xf32, #tpu.memory_space<vmem>>) target(%dma_start3A_63 : memref<80x128xf32, #tpu.memory_space<hbm>>) target_semaphore(%run_scoped3A : memref<!tpu.dma_semaphore, #tpu.memory_space<semaphore_mem>>)
          %dma_wait3A = arith.constant 0 : i32
          %dma_wait3A_67 = arith.constant 0 : i32
          %dma_wait3A_68 = tpu.memref_slice %arg7[%dma_wait3A, %dma_wait3A_67] : memref<128x128xf32, #tpu.memory_space<vmem>> -> memref<80x128xf32, #tpu.memory_space<vmem>>
          %dma_wait3A_69 = arith.constant 0 : i32
          %dma_wait3A_70 = tpu.memref_slice %arg5[%mul3A_57, %dma_wait3A_69] : memref<10000x128xf32, #tpu.memory_space<hbm>> -> memref<80x128xf32, #tpu.memory_space<hbm>>
          %dma_wait3A_71 = arith.constant 0 : i32
          %dma_wait3A_72 = tpu.memref_slice %arg5[%mul3A_57, %dma_wait3A_71] : memref<10000x128xf32, #tpu.memory_space<hbm>> -> memref<80x128xf32, #tpu.memory_space<hbm>>
          %dma_wait3A_73 = arith.constant 0 : i32
          %dma_wait3A_74 = arith.constant 0 : i32
          %dma_wait3A_75 = tpu.memref_slice %arg7[%dma_wait3A_73, %dma_wait3A_74] : memref<128x128xf32, #tpu.memory_space<vmem>> -> memref<80x128xf32, #tpu.memory_space<vmem>>
          tpu.wait_dma2 semaphore(%run_scoped3A : memref<!tpu.dma_semaphore, #tpu.memory_space<semaphore_mem>>) src(%dma_wait3A_75 : memref<80x128xf32, #tpu.memory_space<vmem>>) dst(%dma_wait3A_72 : memref<80x128xf32, #tpu.memory_space<hbm>>)
          tpu.yield
        }) : () -> ()
      }
    } else {
    }
    %eq3A_31 = arith.constant 1 : i32
    %eq3A_32 = arith.cmpi eq, %arg0, %eq3A_31 : i32
    %convert_element_type3A_33 = arith.extui %eq3A_32 : i1 to i32
    %cond3A_34 = arith.constant 0 : i32
    %cond3A_35 = arith.cmpi ne, %convert_element_type3A_33, %cond3A_34 : i32
    scf.if %cond3A_35 {
      %sub3A_36 = arith.constant 125 : i32
      %sub3A_37 = arith.subi %sub3A_36, %arg1 : i32
      %sub3A_38 = arith.constant 16 : i32
      %sub3A_39 = arith.constant 1 : i32
      %sub3A_40 = arith.subi %sub3A_38, %sub3A_39 : i32
      %add3A_41 = arith.addi %sub3A_37, %sub3A_40 : i32
      %div3A_42 = arith.constant 16 : i32
      %div3A_43 = arith.divsi %add3A_41, %div3A_42 : i32
      %while3A_44 = arith.constant 16 : i32
      %while3A_45 = arith.constant 0 : i32
      %while3A_46 = arith.subi %div3A_43, %while3A_45 : i32
      %while3A_47 = arith.addi %while3A_45, %while3A_46 : i32
      %while3A_48 = arith.constant 1 : i32
      %while3A_49 = arith.divsi %while3A_46, %while3A_48 : i32
      %while3A_50 = arith.muli %while3A_49, %while3A_48 : i32
      %while3A_51 = arith.addi %while3A_45, %while3A_50 : i32
      %while3A_52 = arith.constant 1 : i32
      scf.for %while3A_54 = %while3A_45 to %while3A_51 step %while3A_52  : i32 {
        %mul3A = arith.muli %while3A_54, %while3A_44 : i32
        %add3A_55 = arith.addi %arg1, %mul3A : i32
        %mul3A_56 = arith.constant 80 : i32
        %mul3A_57 = arith.muli %add3A_55, %mul3A_56 : i32
        "tpu.region"() ({
          %run_scoped3A = tpu.sem_alloc : memref<!tpu.dma_semaphore, #tpu.memory_space<semaphore_mem>>
          %dma_start3A = arith.constant 0 : i32
          %dma_start3A_58 = arith.constant 0 : i32
          %dma_start3A_59 = tpu.memref_slice %arg7[%dma_start3A, %dma_start3A_58] : memref<128x128xf32, #tpu.memory_space<vmem>> -> memref<80x128xf32, #tpu.memory_space<vmem>>
          %dma_start3A_60 = arith.constant 0 : i32
          %dma_start3A_61 = tpu.memref_slice %arg13[%mul3A_57, %dma_start3A_60] : memref<10000x128xf32, #tpu.memory_space<vmem_shared>> -> memref<80x128xf32, #tpu.memory_space<vmem_shared>>
          %dma_start3A_62 = arith.constant 0 : i32
          %dma_start3A_63 = arith.constant 0 : i32
          %dma_start3A_64 = tpu.memref_slice %arg7[%dma_start3A_62, %dma_start3A_63] : memref<128x128xf32, #tpu.memory_space<vmem>> -> memref<80x128xf32, #tpu.memory_space<vmem>>
          %dma_start3A_65 = arith.constant 0 : i32
          %dma_start3A_66 = tpu.memref_slice %arg13[%mul3A_57, %dma_start3A_65] : memref<10000x128xf32, #tpu.memory_space<vmem_shared>> -> memref<80x128xf32, #tpu.memory_space<vmem_shared>>
          tpu.enqueue_dma source(%dma_start3A_66 : memref<80x128xf32, #tpu.memory_space<vmem_shared>>) target(%dma_start3A_64 : memref<80x128xf32, #tpu.memory_space<vmem>>) target_semaphore(%run_scoped3A : memref<!tpu.dma_semaphore, #tpu.memory_space<semaphore_mem>>)
          %dma_wait3A = arith.constant 0 : i32
          %dma_wait3A_67 = arith.constant 0 : i32
          %dma_wait3A_68 = tpu.memref_slice %arg7[%dma_wait3A, %dma_wait3A_67] : memref<128x128xf32, #tpu.memory_space<vmem>> -> memref<80x128xf32, #tpu.memory_space<vmem>>
          %dma_wait3A_69 = arith.constant 0 : i32
          %dma_wait3A_70 = tpu.memref_slice %arg13[%mul3A_57, %dma_wait3A_69] : memref<10000x128xf32, #tpu.memory_space<vmem_shared>> -> memref<80x128xf32, #tpu.memory_space<vmem_shared>>
          %dma_wait3A_71 = arith.constant 0 : i32
          %dma_wait3A_72 = arith.constant 0 : i32
          %dma_wait3A_73 = tpu.memref_slice %arg7[%dma_wait3A_71, %dma_wait3A_72] : memref<128x128xf32, #tpu.memory_space<vmem>> -> memref<80x128xf32, #tpu.memory_space<vmem>>
          %dma_wait3A_74 = arith.constant 0 : i32
          %dma_wait3A_75 = tpu.memref_slice %arg13[%mul3A_57, %dma_wait3A_74] : memref<10000x128xf32, #tpu.memory_space<vmem_shared>> -> memref<80x128xf32, #tpu.memory_space<vmem_shared>>
          tpu.wait_dma2 semaphore(%run_scoped3A : memref<!tpu.dma_semaphore, #tpu.memory_space<semaphore_mem>>) src(%dma_wait3A_75 : memref<80x128xf32, #tpu.memory_space<vmem_shared>>) dst(%dma_wait3A_73 : memref<80x128xf32, #tpu.memory_space<vmem>>)
          tpu.yield
        }) : () -> ()
        "tpu.region"() ({
          %run_scoped3A = tpu.sem_alloc : memref<!tpu.dma_semaphore, #tpu.memory_space<semaphore_mem>>
          %dma_start3A = arith.constant 0 : i32
          %dma_start3A_58 = arith.constant 0 : i32
          %dma_start3A_59 = tpu.memref_slice %arg7[%dma_start3A, %dma_start3A_58] : memref<128x128xf32, #tpu.memory_space<vmem>> -> memref<80x128xf32, #tpu.memory_space<vmem>>
          %dma_start3A_60 = arith.constant 0 : i32
          %dma_start3A_61 = tpu.memref_slice %arg6[%mul3A_57, %dma_start3A_60] : memref<10000x128xf32, #tpu.memory_space<hbm>> -> memref<80x128xf32, #tpu.memory_space<hbm>>
          %dma_start3A_62 = arith.constant 0 : i32
          %dma_start3A_63 = tpu.memref_slice %arg6[%mul3A_57, %dma_start3A_62] : memref<10000x128xf32, #tpu.memory_space<hbm>> -> memref<80x128xf32, #tpu.memory_space<hbm>>
          %dma_start3A_64 = arith.constant 0 : i32
          %dma_start3A_65 = arith.constant 0 : i32
          %dma_start3A_66 = tpu.memref_slice %arg7[%dma_start3A_64, %dma_start3A_65] : memref<128x128xf32, #tpu.memory_space<vmem>> -> memref<80x128xf32, #tpu.memory_space<vmem>>
          tpu.enqueue_dma source(%dma_start3A_66 : memref<80x128xf32, #tpu.memory_space<vmem>>) target(%dma_start3A_63 : memref<80x128xf32, #tpu.memory_space<hbm>>) target_semaphore(%run_scoped3A : memref<!tpu.dma_semaphore, #tpu.memory_space<semaphore_mem>>)
          %dma_wait3A = arith.constant 0 : i32
          %dma_wait3A_67 = arith.constant 0 : i32
          %dma_wait3A_68 = tpu.memref_slice %arg7[%dma_wait3A, %dma_wait3A_67] : memref<128x128xf32, #tpu.memory_space<vmem>> -> memref<80x128xf32, #tpu.memory_space<vmem>>
          %dma_wait3A_69 = arith.constant 0 : i32
          %dma_wait3A_70 = tpu.memref_slice %arg6[%mul3A_57, %dma_wait3A_69] : memref<10000x128xf32, #tpu.memory_space<hbm>> -> memref<80x128xf32, #tpu.memory_space<hbm>>
          %dma_wait3A_71 = arith.constant 0 : i32
          %dma_wait3A_72 = tpu.memref_slice %arg6[%mul3A_57, %dma_wait3A_71] : memref<10000x128xf32, #tpu.memory_space<hbm>> -> memref<80x128xf32, #tpu.memory_space<hbm>>
          %dma_wait3A_73 = arith.constant 0 : i32
          %dma_wait3A_74 = arith.constant 0 : i32
          %dma_wait3A_75 = tpu.memref_slice %arg7[%dma_wait3A_73, %dma_wait3A_74] : memref<128x128xf32, #tpu.memory_space<vmem>> -> memref<80x128xf32, #tpu.memory_space<vmem>>
          tpu.wait_dma2 semaphore(%run_scoped3A : memref<!tpu.dma_semaphore, #tpu.memory_space<semaphore_mem>>) src(%dma_wait3A_75 : memref<80x128xf32, #tpu.memory_space<vmem>>) dst(%dma_wait3A_72 : memref<80x128xf32, #tpu.memory_space<hbm>>)
          tpu.yield
        }) : () -> ()
      }
      %while3A_53 = arith.constant 1 : i32
      scf.for %while3A_54 = %while3A_51 to %while3A_47 step %while3A_53  : i32 {
        %mul3A = arith.muli %while3A_54, %while3A_44 : i32
        %add3A_55 = arith.addi %arg1, %mul3A : i32
        %mul3A_56 = arith.constant 80 : i32
        %mul3A_57 = arith.muli %add3A_55, %mul3A_56 : i32
        "tpu.region"() ({
          %run_scoped3A = tpu.sem_alloc : memref<!tpu.dma_semaphore, #tpu.memory_space<semaphore_mem>>
          %dma_start3A = arith.constant 0 : i32
          %dma_start3A_58 = arith.constant 0 : i32
          %dma_start3A_59 = tpu.memref_slice %arg7[%dma_start3A, %dma_start3A_58] : memref<128x128xf32, #tpu.memory_space<vmem>> -> memref<80x128xf32, #tpu.memory_space<vmem>>
          %dma_start3A_60 = arith.constant 0 : i32
          %dma_start3A_61 = tpu.memref_slice %arg13[%mul3A_57, %dma_start3A_60] : memref<10000x128xf32, #tpu.memory_space<vmem_shared>> -> memref<80x128xf32, #tpu.memory_space<vmem_shared>>
          %dma_start3A_62 = arith.constant 0 : i32
          %dma_start3A_63 = arith.constant 0 : i32
          %dma_start3A_64 = tpu.memref_slice %arg7[%dma_start3A_62, %dma_start3A_63] : memref<128x128xf32, #tpu.memory_space<vmem>> -> memref<80x128xf32, #tpu.memory_space<vmem>>
          %dma_start3A_65 = arith.constant 0 : i32
          %dma_start3A_66 = tpu.memref_slice %arg13[%mul3A_57, %dma_start3A_65] : memref<10000x128xf32, #tpu.memory_space<vmem_shared>> -> memref<80x128xf32, #tpu.memory_space<vmem_shared>>
          tpu.enqueue_dma source(%dma_start3A_66 : memref<80x128xf32, #tpu.memory_space<vmem_shared>>) target(%dma_start3A_64 : memref<80x128xf32, #tpu.memory_space<vmem>>) target_semaphore(%run_scoped3A : memref<!tpu.dma_semaphore, #tpu.memory_space<semaphore_mem>>)
          %dma_wait3A = arith.constant 0 : i32
          %dma_wait3A_67 = arith.constant 0 : i32
          %dma_wait3A_68 = tpu.memref_slice %arg7[%dma_wait3A, %dma_wait3A_67] : memref<128x128xf32, #tpu.memory_space<vmem>> -> memref<80x128xf32, #tpu.memory_space<vmem>>
          %dma_wait3A_69 = arith.constant 0 : i32
          %dma_wait3A_70 = tpu.memref_slice %arg13[%mul3A_57, %dma_wait3A_69] : memref<10000x128xf32, #tpu.memory_space<vmem_shared>> -> memref<80x128xf32, #tpu.memory_space<vmem_shared>>
          %dma_wait3A_71 = arith.constant 0 : i32
          %dma_wait3A_72 = arith.constant 0 : i32
          %dma_wait3A_73 = tpu.memref_slice %arg7[%dma_wait3A_71, %dma_wait3A_72] : memref<128x128xf32, #tpu.memory_space<vmem>> -> memref<80x128xf32, #tpu.memory_space<vmem>>
          %dma_wait3A_74 = arith.constant 0 : i32
          %dma_wait3A_75 = tpu.memref_slice %arg13[%mul3A_57, %dma_wait3A_74] : memref<10000x128xf32, #tpu.memory_space<vmem_shared>> -> memref<80x128xf32, #tpu.memory_space<vmem_shared>>
          tpu.wait_dma2 semaphore(%run_scoped3A : memref<!tpu.dma_semaphore, #tpu.memory_space<semaphore_mem>>) src(%dma_wait3A_75 : memref<80x128xf32, #tpu.memory_space<vmem_shared>>) dst(%dma_wait3A_73 : memref<80x128xf32, #tpu.memory_space<vmem>>)
          tpu.yield
        }) : () -> ()
        "tpu.region"() ({
          %run_scoped3A = tpu.sem_alloc : memref<!tpu.dma_semaphore, #tpu.memory_space<semaphore_mem>>
          %dma_start3A = arith.constant 0 : i32
          %dma_start3A_58 = arith.constant 0 : i32
          %dma_start3A_59 = tpu.memref_slice %arg7[%dma_start3A, %dma_start3A_58] : memref<128x128xf32, #tpu.memory_space<vmem>> -> memref<80x128xf32, #tpu.memory_space<vmem>>
          %dma_start3A_60 = arith.constant 0 : i32
          %dma_start3A_61 = tpu.memref_slice %arg6[%mul3A_57, %dma_start3A_60] : memref<10000x128xf32, #tpu.memory_space<hbm>> -> memref<80x128xf32, #tpu.memory_space<hbm>>
          %dma_start3A_62 = arith.constant 0 : i32
          %dma_start3A_63 = tpu.memref_slice %arg6[%mul3A_57, %dma_start3A_62] : memref<10000x128xf32, #tpu.memory_space<hbm>> -> memref<80x128xf32, #tpu.memory_space<hbm>>
          %dma_start3A_64 = arith.constant 0 : i32
          %dma_start3A_65 = arith.constant 0 : i32
          %dma_start3A_66 = tpu.memref_slice %arg7[%dma_start3A_64, %dma_start3A_65] : memref<128x128xf32, #tpu.memory_space<vmem>> -> memref<80x128xf32, #tpu.memory_space<vmem>>
          tpu.enqueue_dma source(%dma_start3A_66 : memref<80x128xf32, #tpu.memory_space<vmem>>) target(%dma_start3A_63 : memref<80x128xf32, #tpu.memory_space<hbm>>) target_semaphore(%run_scoped3A : memref<!tpu.dma_semaphore, #tpu.memory_space<semaphore_mem>>)
          %dma_wait3A = arith.constant 0 : i32
          %dma_wait3A_67 = arith.constant 0 : i32
          %dma_wait3A_68 = tpu.memref_slice %arg7[%dma_wait3A, %dma_wait3A_67] : memref<128x128xf32, #tpu.memory_space<vmem>> -> memref<80x128xf32, #tpu.memory_space<vmem>>
          %dma_wait3A_69 = arith.constant 0 : i32
          %dma_wait3A_70 = tpu.memref_slice %arg6[%mul3A_57, %dma_wait3A_69] : memref<10000x128xf32, #tpu.memory_space<hbm>> -> memref<80x128xf32, #tpu.memory_space<hbm>>
          %dma_wait3A_71 = arith.constant 0 : i32
          %dma_wait3A_72 = tpu.memref_slice %arg6[%mul3A_57, %dma_wait3A_71] : memref<10000x128xf32, #tpu.memory_space<hbm>> -> memref<80x128xf32, #tpu.memory_space<hbm>>
          %dma_wait3A_73 = arith.constant 0 : i32
          %dma_wait3A_74 = arith.constant 0 : i32
          %dma_wait3A_75 = tpu.memref_slice %arg7[%dma_wait3A_73, %dma_wait3A_74] : memref<128x128xf32, #tpu.memory_space<vmem>> -> memref<80x128xf32, #tpu.memory_space<vmem>>
          tpu.wait_dma2 semaphore(%run_scoped3A : memref<!tpu.dma_semaphore, #tpu.memory_space<semaphore_mem>>) src(%dma_wait3A_75 : memref<80x128xf32, #tpu.memory_space<vmem>>) dst(%dma_wait3A_72 : memref<80x128xf32, #tpu.memory_space<hbm>>)
          tpu.yield
        }) : () -> ()
      }
    } else {
    }
    return
  }
}

module attributes {stable_mosaic.version = 14 : i64} {
  func.func @_tc_edge_body(%arg0: i32, %arg1: memref<1x1x2560xi32, #tpu.memory_space<vmem>>, %arg2: memref<1x1x2560xf32, #tpu.memory_space<vmem>>, %arg3: memref<1x4x2560xf32, #tpu.memory_space<vmem>>, %arg4: memref<168x384xbf16, #tpu.memory_space<vmem>>, %arg5: memref<168x384xbf16, #tpu.memory_space<vmem>>, %arg6: memref<16x1xf32, #tpu.memory_space<vmem>>, %arg7: memref<2560x128xf32, #tpu.memory_space<vmem>>, %arg8: memref<2560x128xf32, #tpu.memory_space<vmem>>) attributes {dimension_semantics = [#tpu.dimension_semantics<arbitrary>], iteration_bounds = array<i64: 60>, scalar_prefetch = 0 : i64, scratch_operands = 0 : i64, tpu.core_type = #tpu.core_type<tc>, window_params = [{transform_indices = @transform_0, window_bounds = array<i64: 1, 1, 2560>}, {transform_indices = @transform_1, window_bounds = array<i64: 1, 1, 2560>}, {transform_indices = @transform_2, window_bounds = array<i64: 1, 4, 2560>}, {pipeline_mode = #tpu.pipeline_mode<synchronous>, transform_indices = @transform_3, window_bounds = array<i64: 168, 384>}, {pipeline_mode = #tpu.pipeline_mode<synchronous>, transform_indices = @transform_4, window_bounds = array<i64: 168, 384>}, {pipeline_mode = #tpu.pipeline_mode<synchronous>, transform_indices = @transform_5, window_bounds = array<i64: 16, 1>}, {transform_indices = @transform_6, window_bounds = array<i64: 2560, 128>}, {transform_indices = @transform_7, window_bounds = array<i64: 2560, 128>}]} {
    %get3A = arith.constant 0 : index
    %get3A_0 = arith.constant 0 : index
    %get3A_1 = arith.constant 0 : index
    %get3A_2 = vector.load %arg1[%get3A, %get3A_0, %get3A_1] : memref<1x1x2560xi32, #tpu.memory_space<vmem>>, vector<1x1x2560xi32>
    %reshape3A = vector.shape_cast %get3A_2 : vector<1x1x2560xi32> to vector<1x2560xi32>
    %iota3A = tpu.iota {dimensions = array<i32: 0>} : vector<128x1xi32>
    %eq3A = vector.broadcast %iota3A : vector<128x1xi32> to vector<128x2560xi32>
    %eq3A_3 = vector.broadcast %reshape3A : vector<1x2560xi32> to vector<128x2560xi32>
    %eq3A_4 = arith.cmpi eq, %eq3A, %eq3A_3 : vector<128x2560xi32>
    %convert_element_type3A = arith.extui %eq3A_4 : vector<128x2560xi1> to vector<128x2560xi32>
    %convert_element_type3A_5 = arith.sitofp %convert_element_type3A : vector<128x2560xi32> to vector<128x2560xf32>
    %get3A_6 = arith.constant 0 : index
    %get3A_7 = arith.constant 0 : index
    %get3A_8 = arith.constant 0 : index
    %get3A_9 = vector.load %arg3[%get3A_6, %get3A_7, %get3A_8] : memref<1x4x2560xf32, #tpu.memory_space<vmem>>, vector<1x4x2560xf32>
    %reshape3A_10 = vector.shape_cast %get3A_9 : vector<1x4x2560xf32> to vector<4x2560xf32>
    %convert_element_type3A_11 = arith.truncf %reshape3A_10 : vector<4x2560xf32> to vector<4x2560xbf16>
    %convert_element_type3A_12 = arith.extf %convert_element_type3A_11 : vector<4x2560xbf16> to vector<4x2560xf32>
    %get3A_13 = arith.constant 0 : index
    %get3A_14 = arith.constant 0 : index
    %get3A_15 = arith.constant 0 : index
    %get3A_16 = vector.load %arg2[%get3A_13, %get3A_14, %get3A_15] : memref<1x1x2560xf32, #tpu.memory_space<vmem>>, vector<1x1x2560xf32>
    %reshape3A_17 = vector.shape_cast %get3A_16 : vector<1x1x2560xf32> to vector<1x2560xf32>
    %add3A = arith.constant 9.99999993E-9 : f32
    %add3A_18 = vector.broadcast %add3A : f32 to vector<1x2560xf32>
    %add3A_19 = arith.addf %reshape3A_17, %add3A_18 : vector<1x2560xf32>
    %sqrt3A = math.sqrt %add3A_19 : vector<1x2560xf32>
    %get3A_20 = arith.constant 0 : index
    %get3A_21 = arith.constant 0 : index
    %get3A_22 = vector.load %arg6[%get3A_20, %get3A_21] : memref<16x1xf32, #tpu.memory_space<vmem>>, vector<16x1xf32>
    %sub3A = vector.broadcast %sqrt3A : vector<1x2560xf32> to vector<16x2560xf32>
    %sub3A_23 = vector.broadcast %get3A_22 : vector<16x1xf32> to vector<16x2560xf32>
    %sub3A_24 = arith.subf %sub3A, %sub3A_23 : vector<16x2560xf32>
    %mul3A = arith.constant -1.000000e+01 : f32
    %mul3A_25 = vector.broadcast %mul3A : f32 to vector<16x2560xf32>
    %mul3A_26 = arith.mulf %mul3A_25, %sub3A_24 : vector<16x2560xf32>
    %mul3A_27 = arith.mulf %mul3A_26, %sub3A_24 : vector<16x2560xf32>
    %exp3A = math.exp %mul3A_27 : vector<16x2560xf32>
    %convert_element_type3A_28 = arith.truncf %exp3A : vector<16x2560xf32> to vector<16x2560xbf16>
    %convert_element_type3A_29 = arith.extf %convert_element_type3A_28 : vector<16x2560xbf16> to vector<16x2560xf32>
    %sub3A_30 = arith.subf %reshape3A_10, %convert_element_type3A_12 : vector<4x2560xf32>
    %sub3A_31 = arith.subf %exp3A, %convert_element_type3A_29 : vector<16x2560xf32>
    %concatenate3A = tpu.concatenate %convert_element_type3A_5, %convert_element_type3A_12, %sub3A_30, %convert_element_type3A_29, %sub3A_31 in 0 : vector<128x2560xf32>, vector<4x2560xf32>, vector<4x2560xf32>, vector<16x2560xf32>, vector<16x2560xf32> -> vector<168x2560xf32>
    %convert_element_type3A_32 = arith.truncf %concatenate3A : vector<168x2560xf32> to vector<168x2560xbf16>
    %get3A_33 = arith.constant 0 : index
    %get3A_34 = arith.constant 0 : index
    %get3A_35 = vector.load %arg4[%get3A_33, %get3A_34] : memref<168x384xbf16, #tpu.memory_space<vmem>>, vector<168x384xbf16>
    %dot_general3A = arith.constant dense<0.000000e+00> : vector<2560x384xf32>
    %dot_general3A_36 = tpu.matmul %convert_element_type3A_32, %get3A_35, %dot_general3A {dimension_numbers = #tpu.dot_dimension_numbers<[0], [0], [1], [1], [0, 1, 1, 1], [], []>, transpose_lhs_hint = false} : vector<168x2560xbf16>, vector<168x384xbf16>, vector<2560x384xf32> -> vector<2560x384xf32>
    %get3A_37 = arith.constant 0 : index
    %get3A_38 = arith.constant 0 : index
    %get3A_39 = vector.load %arg5[%get3A_37, %get3A_38] : memref<168x384xbf16, #tpu.memory_space<vmem>>, vector<168x384xbf16>
    %dot_general3A_40 = arith.constant dense<0.000000e+00> : vector<2560x384xf32>
    %dot_general3A_41 = tpu.matmul %convert_element_type3A_32, %get3A_39, %dot_general3A_40 {dimension_numbers = #tpu.dot_dimension_numbers<[0], [0], [1], [1], [0, 1, 1, 1], [], []>, transpose_lhs_hint = false} : vector<168x2560xbf16>, vector<168x384xbf16>, vector<2560x384xf32> -> vector<2560x384xf32>
    %add3A_42 = arith.addf %dot_general3A_36, %dot_general3A_41 : vector<2560x384xf32>
    %slice3A = vector.extract_strided_slice %add3A_42 {offsets = [0, 0], sizes = [2560, 128], strides = [1, 1]} : vector<2560x384xf32> to vector<2560x128xf32>
    %max3A = arith.constant 0.000000e+00 : f32
    %max3A_43 = vector.broadcast %max3A : f32 to vector<2560x128xf32>
    %max3A_44 = arith.maximumf %slice3A, %max3A_43 : vector<2560x128xf32>
    %swap3A = arith.constant 0 : index
    %swap3A_45 = arith.constant 0 : index
    %swap3A_46 = vector.load %arg7[%swap3A, %swap3A_45] : memref<2560x128xf32, #tpu.memory_space<vmem>>, vector<2560x128xf32>
    tpu.vector_store %arg7[%swap3A, %swap3A_45], %max3A_44 {strides = array<i32>} : memref<2560x128xf32, #tpu.memory_space<vmem>>, vector<2560x128xf32>,
    %slice3A_47 = vector.extract_strided_slice %add3A_42 {offsets = [0, 128], sizes = [2560, 128], strides = [1, 1]} : vector<2560x384xf32> to vector<2560x128xf32>
    %slice3A_48 = vector.extract_strided_slice %add3A_42 {offsets = [0, 256], sizes = [2560, 128], strides = [1, 1]} : vector<2560x384xf32> to vector<2560x128xf32>
    %mul3A_49 = arith.mulf %slice3A_47, %slice3A_48 : vector<2560x128xf32>
    %swap3A_50 = arith.constant 0 : index
    %swap3A_51 = arith.constant 0 : index
    %swap3A_52 = vector.load %arg8[%swap3A_50, %swap3A_51] : memref<2560x128xf32, #tpu.memory_space<vmem>>, vector<2560x128xf32>
    tpu.vector_store %arg8[%swap3A_50, %swap3A_51], %mul3A_49 {strides = array<i32>} : memref<2560x128xf32, #tpu.memory_space<vmem>>, vector<2560x128xf32>,
    return
  }
  func.func @transform_0(%arg0: i32) -> (i32, i32, i32) {
    %c0_i32 = arith.constant 0 : i32
    %c0_i32_0 = arith.constant 0 : i32
    %c0_i32_1 = arith.constant 0 : i32
    return %arg0, %c0_i32, %c0_i32_0 : i32, i32, i32
  }
  func.func @transform_1(%arg0: i32) -> (i32, i32, i32) {
    %c0_i32 = arith.constant 0 : i32
    %c0_i32_0 = arith.constant 0 : i32
    %c0_i32_1 = arith.constant 0 : i32
    return %arg0, %c0_i32, %c0_i32_0 : i32, i32, i32
  }
  func.func @transform_2(%arg0: i32) -> (i32, i32, i32) {
    %c0_i32 = arith.constant 0 : i32
    %c0_i32_0 = arith.constant 0 : i32
    %c0_i32_1 = arith.constant 0 : i32
    return %arg0, %c0_i32, %c0_i32_0 : i32, i32, i32
  }
  func.func @transform_3(%arg0: i32) -> (i32, i32) {
    %c0_i32 = arith.constant 0 : i32
    %c0_i32_0 = arith.constant 0 : i32
    %c0_i32_1 = arith.constant 0 : i32
    return %c0_i32, %c0_i32_0 : i32, i32
  }
  func.func @transform_4(%arg0: i32) -> (i32, i32) {
    %c0_i32 = arith.constant 0 : i32
    %c0_i32_0 = arith.constant 0 : i32
    %c0_i32_1 = arith.constant 0 : i32
    return %c0_i32, %c0_i32_0 : i32, i32
  }
  func.func @transform_5(%arg0: i32) -> (i32, i32) {
    %c0_i32 = arith.constant 0 : i32
    %c0_i32_0 = arith.constant 0 : i32
    %c0_i32_1 = arith.constant 0 : i32
    return %c0_i32, %c0_i32_0 : i32, i32
  }
  func.func @transform_6(%arg0: i32) -> (i32, i32) {
    %c0_i32 = arith.constant 0 : i32
    %c0_i32_0 = arith.constant 0 : i32
    return %arg0, %c0_i32 : i32, i32
  }
  func.func @transform_7(%arg0: i32) -> (i32, i32) {
    %c0_i32 = arith.constant 0 : i32
    %c0_i32_0 = arith.constant 0 : i32
    return %arg0, %c0_i32 : i32, i32
  }
}

module attributes {stable_mosaic.version = 14 : i64} {
  func.func @_tc_edge_body(%arg0: i32, %arg1: memref<1x1x2560xi32, #tpu.memory_space<vmem>>, %arg2: memref<1x1x2560xf32, #tpu.memory_space<vmem>>, %arg3: memref<1x4x2560xf32, #tpu.memory_space<vmem>>, %arg4: memref<168x384xbf16, #tpu.memory_space<vmem>>, %arg5: memref<168x384xbf16, #tpu.memory_space<vmem>>, %arg6: memref<16x1xf32, #tpu.memory_space<vmem>>, %arg7: memref<2560x128xf32, #tpu.memory_space<vmem>>, %arg8: memref<2560x128xf32, #tpu.memory_space<vmem>>) attributes {dimension_semantics = [#tpu.dimension_semantics<arbitrary>], iteration_bounds = array<i64: 65>, scalar_prefetch = 0 : i64, scratch_operands = 0 : i64, tpu.core_type = #tpu.core_type<tc>, window_params = [{transform_indices = @transform_0, window_bounds = array<i64: 1, 1, 2560>}, {transform_indices = @transform_1, window_bounds = array<i64: 1, 1, 2560>}, {transform_indices = @transform_2, window_bounds = array<i64: 1, 4, 2560>}, {pipeline_mode = #tpu.pipeline_mode<synchronous>, transform_indices = @transform_3, window_bounds = array<i64: 168, 384>}, {pipeline_mode = #tpu.pipeline_mode<synchronous>, transform_indices = @transform_4, window_bounds = array<i64: 168, 384>}, {pipeline_mode = #tpu.pipeline_mode<synchronous>, transform_indices = @transform_5, window_bounds = array<i64: 16, 1>}, {transform_indices = @transform_6, window_bounds = array<i64: 2560, 128>}, {transform_indices = @transform_7, window_bounds = array<i64: 2560, 128>}]} {
    %get3A = arith.constant 0 : index
    %get3A_0 = arith.constant 0 : index
    %get3A_1 = arith.constant 0 : index
    %get3A_2 = vector.load %arg1[%get3A, %get3A_0, %get3A_1] : memref<1x1x2560xi32, #tpu.memory_space<vmem>>, vector<1x1x2560xi32>
    %reshape3A = vector.shape_cast %get3A_2 : vector<1x1x2560xi32> to vector<1x2560xi32>
    %iota3A = tpu.iota {dimensions = array<i32: 0>} : vector<128x1xi32>
    %eq3A = vector.broadcast %iota3A : vector<128x1xi32> to vector<128x2560xi32>
    %eq3A_3 = vector.broadcast %reshape3A : vector<1x2560xi32> to vector<128x2560xi32>
    %eq3A_4 = arith.cmpi eq, %eq3A, %eq3A_3 : vector<128x2560xi32>
    %convert_element_type3A = arith.extui %eq3A_4 : vector<128x2560xi1> to vector<128x2560xi32>
    %convert_element_type3A_5 = arith.sitofp %convert_element_type3A : vector<128x2560xi32> to vector<128x2560xf32>
    %get3A_6 = arith.constant 0 : index
    %get3A_7 = arith.constant 0 : index
    %get3A_8 = arith.constant 0 : index
    %get3A_9 = vector.load %arg3[%get3A_6, %get3A_7, %get3A_8] : memref<1x4x2560xf32, #tpu.memory_space<vmem>>, vector<1x4x2560xf32>
    %reshape3A_10 = vector.shape_cast %get3A_9 : vector<1x4x2560xf32> to vector<4x2560xf32>
    %convert_element_type3A_11 = arith.truncf %reshape3A_10 : vector<4x2560xf32> to vector<4x2560xbf16>
    %convert_element_type3A_12 = arith.extf %convert_element_type3A_11 : vector<4x2560xbf16> to vector<4x2560xf32>
    %get3A_13 = arith.constant 0 : index
    %get3A_14 = arith.constant 0 : index
    %get3A_15 = arith.constant 0 : index
    %get3A_16 = vector.load %arg2[%get3A_13, %get3A_14, %get3A_15] : memref<1x1x2560xf32, #tpu.memory_space<vmem>>, vector<1x1x2560xf32>
    %reshape3A_17 = vector.shape_cast %get3A_16 : vector<1x1x2560xf32> to vector<1x2560xf32>
    %add3A = arith.constant 9.99999993E-9 : f32
    %add3A_18 = vector.broadcast %add3A : f32 to vector<1x2560xf32>
    %add3A_19 = arith.addf %reshape3A_17, %add3A_18 : vector<1x2560xf32>
    %sqrt3A = math.sqrt %add3A_19 : vector<1x2560xf32>
    %get3A_20 = arith.constant 0 : index
    %get3A_21 = arith.constant 0 : index
    %get3A_22 = vector.load %arg6[%get3A_20, %get3A_21] : memref<16x1xf32, #tpu.memory_space<vmem>>, vector<16x1xf32>
    %sub3A = vector.broadcast %sqrt3A : vector<1x2560xf32> to vector<16x2560xf32>
    %sub3A_23 = vector.broadcast %get3A_22 : vector<16x1xf32> to vector<16x2560xf32>
    %sub3A_24 = arith.subf %sub3A, %sub3A_23 : vector<16x2560xf32>
    %mul3A = arith.constant -1.000000e+01 : f32
    %mul3A_25 = vector.broadcast %mul3A : f32 to vector<16x2560xf32>
    %mul3A_26 = arith.mulf %mul3A_25, %sub3A_24 : vector<16x2560xf32>
    %mul3A_27 = arith.mulf %mul3A_26, %sub3A_24 : vector<16x2560xf32>
    %exp3A = math.exp %mul3A_27 : vector<16x2560xf32>
    %convert_element_type3A_28 = arith.truncf %exp3A : vector<16x2560xf32> to vector<16x2560xbf16>
    %convert_element_type3A_29 = arith.extf %convert_element_type3A_28 : vector<16x2560xbf16> to vector<16x2560xf32>
    %sub3A_30 = arith.subf %reshape3A_10, %convert_element_type3A_12 : vector<4x2560xf32>
    %sub3A_31 = arith.subf %exp3A, %convert_element_type3A_29 : vector<16x2560xf32>
    %concatenate3A = tpu.concatenate %convert_element_type3A_5, %convert_element_type3A_12, %sub3A_30, %convert_element_type3A_29, %sub3A_31 in 0 : vector<128x2560xf32>, vector<4x2560xf32>, vector<4x2560xf32>, vector<16x2560xf32>, vector<16x2560xf32> -> vector<168x2560xf32>
    %convert_element_type3A_32 = arith.truncf %concatenate3A : vector<168x2560xf32> to vector<168x2560xbf16>
    %get3A_33 = arith.constant 0 : index
    %get3A_34 = arith.constant 0 : index
    %get3A_35 = vector.load %arg4[%get3A_33, %get3A_34] : memref<168x384xbf16, #tpu.memory_space<vmem>>, vector<168x384xbf16>
    %dot_general3A = arith.constant dense<0.000000e+00> : vector<2560x384xf32>
    %dot_general3A_36 = tpu.matmul %convert_element_type3A_32, %get3A_35, %dot_general3A {dimension_numbers = #tpu.dot_dimension_numbers<[0], [0], [1], [1], [0, 1, 1, 1], [], []>, transpose_lhs_hint = false} : vector<168x2560xbf16>, vector<168x384xbf16>, vector<2560x384xf32> -> vector<2560x384xf32>
    %get3A_37 = arith.constant 0 : index
    %get3A_38 = arith.constant 0 : index
    %get3A_39 = vector.load %arg5[%get3A_37, %get3A_38] : memref<168x384xbf16, #tpu.memory_space<vmem>>, vector<168x384xbf16>
    %dot_general3A_40 = arith.constant dense<0.000000e+00> : vector<2560x384xf32>
    %dot_general3A_41 = tpu.matmul %convert_element_type3A_32, %get3A_39, %dot_general3A_40 {dimension_numbers = #tpu.dot_dimension_numbers<[0], [0], [1], [1], [0, 1, 1, 1], [], []>, transpose_lhs_hint = false} : vector<168x2560xbf16>, vector<168x384xbf16>, vector<2560x384xf32> -> vector<2560x384xf32>
    %add3A_42 = arith.addf %dot_general3A_36, %dot_general3A_41 : vector<2560x384xf32>
    %slice3A = vector.extract_strided_slice %add3A_42 {offsets = [0, 0], sizes = [2560, 128], strides = [1, 1]} : vector<2560x384xf32> to vector<2560x128xf32>
    %max3A = arith.constant 0.000000e+00 : f32
    %max3A_43 = vector.broadcast %max3A : f32 to vector<2560x128xf32>
    %max3A_44 = arith.maximumf %slice3A, %max3A_43 : vector<2560x128xf32>
    %swap3A = arith.constant 0 : index
    %swap3A_45 = arith.constant 0 : index
    %swap3A_46 = vector.load %arg7[%swap3A, %swap3A_45] : memref<2560x128xf32, #tpu.memory_space<vmem>>, vector<2560x128xf32>
    tpu.vector_store %arg7[%swap3A, %swap3A_45], %max3A_44 {strides = array<i32>} : memref<2560x128xf32, #tpu.memory_space<vmem>>, vector<2560x128xf32>,
    %slice3A_47 = vector.extract_strided_slice %add3A_42 {offsets = [0, 128], sizes = [2560, 128], strides = [1, 1]} : vector<2560x384xf32> to vector<2560x128xf32>
    %slice3A_48 = vector.extract_strided_slice %add3A_42 {offsets = [0, 256], sizes = [2560, 128], strides = [1, 1]} : vector<2560x384xf32> to vector<2560x128xf32>
    %mul3A_49 = arith.mulf %slice3A_47, %slice3A_48 : vector<2560x128xf32>
    %swap3A_50 = arith.constant 0 : index
    %swap3A_51 = arith.constant 0 : index
    %swap3A_52 = vector.load %arg8[%swap3A_50, %swap3A_51] : memref<2560x128xf32, #tpu.memory_space<vmem>>, vector<2560x128xf32>
    tpu.vector_store %arg8[%swap3A_50, %swap3A_51], %mul3A_49 {strides = array<i32>} : memref<2560x128xf32, #tpu.memory_space<vmem>>, vector<2560x128xf32>,
    return
  }
  func.func @transform_0(%arg0: i32) -> (i32, i32, i32) {
    %c0_i32 = arith.constant 0 : i32
    %c0_i32_0 = arith.constant 0 : i32
    %c0_i32_1 = arith.constant 0 : i32
    return %arg0, %c0_i32, %c0_i32_0 : i32, i32, i32
  }
  func.func @transform_1(%arg0: i32) -> (i32, i32, i32) {
    %c0_i32 = arith.constant 0 : i32
    %c0_i32_0 = arith.constant 0 : i32
    %c0_i32_1 = arith.constant 0 : i32
    return %arg0, %c0_i32, %c0_i32_0 : i32, i32, i32
  }
  func.func @transform_2(%arg0: i32) -> (i32, i32, i32) {
    %c0_i32 = arith.constant 0 : i32
    %c0_i32_0 = arith.constant 0 : i32
    %c0_i32_1 = arith.constant 0 : i32
    return %arg0, %c0_i32, %c0_i32_0 : i32, i32, i32
  }
  func.func @transform_3(%arg0: i32) -> (i32, i32) {
    %c0_i32 = arith.constant 0 : i32
    %c0_i32_0 = arith.constant 0 : i32
    %c0_i32_1 = arith.constant 0 : i32
    return %c0_i32, %c0_i32_0 : i32, i32
  }
  func.func @transform_4(%arg0: i32) -> (i32, i32) {
    %c0_i32 = arith.constant 0 : i32
    %c0_i32_0 = arith.constant 0 : i32
    %c0_i32_1 = arith.constant 0 : i32
    return %c0_i32, %c0_i32_0 : i32, i32
  }
  func.func @transform_5(%arg0: i32) -> (i32, i32) {
    %c0_i32 = arith.constant 0 : i32
    %c0_i32_0 = arith.constant 0 : i32
    %c0_i32_1 = arith.constant 0 : i32
    return %c0_i32, %c0_i32_0 : i32, i32
  }
  func.func @transform_6(%arg0: i32) -> (i32, i32) {
    %c0_i32 = arith.constant 0 : i32
    %c0_i32_0 = arith.constant 0 : i32
    return %arg0, %c0_i32 : i32, i32
  }
  func.func @transform_7(%arg0: i32) -> (i32, i32) {
    %c0_i32 = arith.constant 0 : i32
    %c0_i32_0 = arith.constant 0 : i32
    return %arg0, %c0_i32 : i32, i32
  }
}

module attributes {stable_mosaic.version = 14 : i64} {
  func.func @_tc_node_body(%arg0: i32, %arg1: memref<2000x1xi32, #tpu.memory_space<vmem>>, %arg2: memref<2000x128xf32, #tpu.memory_space<vmem>>, %arg3: memref<2000x128xf32, #tpu.memory_space<vmem>>, %arg4: memref<1x1x2000xi32, #tpu.memory_space<vmem>>, %arg5: memref<128x128xf32, #tpu.memory_space<vmem>>, %arg6: memref<128x128xf32, #tpu.memory_space<vmem>>, %arg7: memref<1x128xf32, #tpu.memory_space<vmem>>, %arg8: memref<128x128xf32, #tpu.memory_space<vmem>>, %arg9: memref<1x128xf32, #tpu.memory_space<vmem>>, %arg10: memref<128x1xf32, #tpu.memory_space<vmem>>, %arg11: memref<1x128xf32, #tpu.memory_space<vmem>>, %arg12: memref<1x128xf32, #tpu.memory_space<vmem>>, %arg13: memref<128x128xf32, #tpu.memory_space<vmem>>, %arg14: memref<1x128xf32, #tpu.memory_space<vmem>>, %arg15: memref<128x128xf32, #tpu.memory_space<vmem>>, %arg16: memref<1x128xf32, #tpu.memory_space<vmem>>, %arg17: memref<1x128xf32, #tpu.memory_space<vmem>>, %arg18: memref<1x128xf32, #tpu.memory_space<vmem>>, %arg19: memref<128x128xf32, #tpu.memory_space<vmem>>, %arg20: memref<1x128xf32, #tpu.memory_space<vmem>>, %arg21: memref<128x128xf32, #tpu.memory_space<vmem>>, %arg22: memref<1x128xf32, #tpu.memory_space<vmem>>, %arg23: memref<256x128xf32, #tpu.memory_space<vmem>>, %arg24: memref<256x128xf32, #tpu.memory_space<vmem>>, %arg25: memref<256x1xf32, #tpu.memory_space<vmem>>, %arg26: memref<256x1xf32, #tpu.memory_space<vmem>>) attributes {dimension_semantics = [#tpu.dimension_semantics<arbitrary>], iteration_bounds = array<i64: 5>, scalar_prefetch = 0 : i64, scratch_operands = 1 : i64, tpu.core_type = #tpu.core_type<tc>, window_params = [{transform_indices = @transform_0, window_bounds = array<i64: 2000, 1>}, {transform_indices = @transform_1, window_bounds = array<i64: 2000, 128>}, {transform_indices = @transform_2, window_bounds = array<i64: 2000, 128>}, {transform_indices = @transform_3, window_bounds = array<i64: 1, 1, 2000>}, {pipeline_mode = #tpu.pipeline_mode<synchronous>, transform_indices = @transform_4, window_bounds = array<i64: 128, 128>}, {pipeline_mode = #tpu.pipeline_mode<synchronous>, transform_indices = @transform_5, window_bounds = array<i64: 128, 128>}, {pipeline_mode = #tpu.pipeline_mode<synchronous>, transform_indices = @transform_6, window_bounds = array<i64: 1, 128>}, {pipeline_mode = #tpu.pipeline_mode<synchronous>, transform_indices = @transform_7, window_bounds = array<i64: 128, 128>}, {pipeline_mode = #tpu.pipeline_mode<synchronous>, transform_indices = @transform_8, window_bounds = array<i64: 1, 128>}, {pipeline_mode = #tpu.pipeline_mode<synchronous>, transform_indices = @transform_9, window_bounds = array<i64: 128, 1>}, {pipeline_mode = #tpu.pipeline_mode<synchronous>, transform_indices = @transform_10, window_bounds = array<i64: 1, 128>}, {pipeline_mode = #tpu.pipeline_mode<synchronous>, transform_indices = @transform_11, window_bounds = array<i64: 1, 128>}, {pipeline_mode = #tpu.pipeline_mode<synchronous>, transform_indices = @transform_12, window_bounds = array<i64: 128, 128>}, {pipeline_mode = #tpu.pipeline_mode<synchronous>, transform_indices = @transform_13, window_bounds = array<i64: 1, 128>}, {pipeline_mode = #tpu.pipeline_mode<synchronous>, transform_indices = @transform_14, window_bounds = array<i64: 128, 128>}, {pipeline_mode = #tpu.pipeline_mode<synchronous>, transform_indices = @transform_15, window_bounds = array<i64: 1, 128>}, {pipeline_mode = #tpu.pipeline_mode<synchronous>, transform_indices = @transform_16, window_bounds = array<i64: 1, 128>}, {pipeline_mode = #tpu.pipeline_mode<synchronous>, transform_indices = @transform_17, window_bounds = array<i64: 1, 128>}, {pipeline_mode = #tpu.pipeline_mode<synchronous>, transform_indices = @transform_18, window_bounds = array<i64: 128, 128>}, {pipeline_mode = #tpu.pipeline_mode<synchronous>, transform_indices = @transform_19, window_bounds = array<i64: 1, 128>}, {pipeline_mode = #tpu.pipeline_mode<synchronous>, transform_indices = @transform_20, window_bounds = array<i64: 128, 128>}, {pipeline_mode = #tpu.pipeline_mode<synchronous>, transform_indices = @transform_21, window_bounds = array<i64: 1, 128>}, {pipeline_mode = #tpu.pipeline_mode<synchronous>, transform_indices = @transform_22, window_bounds = array<i64: 256, 128>}, {pipeline_mode = #tpu.pipeline_mode<synchronous>, transform_indices = @transform_23, window_bounds = array<i64: 256, 128>}, {pipeline_mode = #tpu.pipeline_mode<synchronous>, transform_indices = @transform_24, window_bounds = array<i64: 256, 1>}]} {
    %get3A = arith.constant 0 : index
    %get3A_0 = arith.constant 0 : index
    %get3A_1 = vector.load %arg1[%get3A, %get3A_0] : memref<2000x1xi32, #tpu.memory_space<vmem>>, vector<2000x1xi32>
    %iota3A = tpu.iota {dimensions = array<i32: 1>} : vector<1x128xi32>
    %eq3A = vector.broadcast %get3A_1 : vector<2000x1xi32> to vector<2000x128xi32>
    %eq3A_2 = vector.broadcast %iota3A : vector<1x128xi32> to vector<2000x128xi32>
    %eq3A_3 = arith.cmpi eq, %eq3A, %eq3A_2 : vector<2000x128xi32>
    %convert_element_type3A = arith.extui %eq3A_3 : vector<2000x128xi1> to vector<2000x128xi32>
    %convert_element_type3A_4 = arith.sitofp %convert_element_type3A : vector<2000x128xi32> to vector<2000x128xf32>
    %convert_element_type3A_5 = arith.truncf %convert_element_type3A_4 : vector<2000x128xf32> to vector<2000x128xbf16>
    %get3A_6 = arith.constant 0 : index
    %get3A_7 = arith.constant 0 : index
    %get3A_8 = vector.load %arg5[%get3A_6, %get3A_7] : memref<128x128xf32, #tpu.memory_space<vmem>>, vector<128x128xf32>
    %convert_element_type3A_9 = arith.truncf %get3A_8 : vector<128x128xf32> to vector<128x128xbf16>
    %convert_element_type3A_10 = arith.extf %convert_element_type3A_9 : vector<128x128xbf16> to vector<128x128xf32>
    %sub3A = arith.subf %get3A_8, %convert_element_type3A_10 : vector<128x128xf32>
    %convert_element_type3A_11 = arith.truncf %sub3A : vector<128x128xf32> to vector<128x128xbf16>
    %dot_general3A = arith.constant dense<0.000000e+00> : vector<2000x128xf32>
    %dot_general3A_12 = tpu.matmul %convert_element_type3A_5, %convert_element_type3A_9, %dot_general3A {dimension_numbers = #tpu.dot_dimension_numbers<[1], [0], [0], [1], [0, 0, 1, 1], [], []>, transpose_lhs_hint = false} : vector<2000x128xbf16>, vector<128x128xbf16>, vector<2000x128xf32> -> vector<2000x128xf32>
    %dot_general3A_13 = arith.constant dense<0.000000e+00> : vector<2000x128xf32>
    %dot_general3A_14 = tpu.matmul %convert_element_type3A_5, %convert_element_type3A_11, %dot_general3A_13 {dimension_numbers = #tpu.dot_dimension_numbers<[1], [0], [0], [1], [0, 0, 1, 1], [], []>, transpose_lhs_hint = false} : vector<2000x128xbf16>, vector<128x128xbf16>, vector<2000x128xf32> -> vector<2000x128xf32>
    %add3A = arith.addf %dot_general3A_12, %dot_general3A_14 : vector<2000x128xf32>
    %get3A_15 = arith.constant 0 : index
    %get3A_16 = arith.constant 0 : index
    %get3A_17 = vector.load %arg2[%get3A_15, %get3A_16] : memref<2000x128xf32, #tpu.memory_space<vmem>>, vector<2000x128xf32>
    %add3A_18 = arith.addf %add3A, %get3A_17 : vector<2000x128xf32>
    %get3A_19 = arith.constant 0 : index
    %get3A_20 = arith.constant 0 : index
    %get3A_21 = vector.load %arg6[%get3A_19, %get3A_20] : memref<128x128xf32, #tpu.memory_space<vmem>>, vector<128x128xf32>
    %convert_element_type3A_22 = arith.truncf %add3A_18 : vector<2000x128xf32> to vector<2000x128xbf16>
    %convert_element_type3A_23 = arith.truncf %get3A_21 : vector<128x128xf32> to vector<128x128xbf16>
    %dot_general3A_24 = arith.constant dense<0.000000e+00> : vector<2000x128xf32>
    %dot_general3A_25 = tpu.matmul %convert_element_type3A_22, %convert_element_type3A_23, %dot_general3A_24 {dimension_numbers = #tpu.dot_dimension_numbers<[1], [0], [0], [1], [0, 0, 1, 1], [], []>, transpose_lhs_hint = false} : vector<2000x128xbf16>, vector<128x128xbf16>, vector<2000x128xf32> -> vector<2000x128xf32>
    %get3A_26 = arith.constant 0 : index
    %get3A_27 = arith.constant 0 : index
    %get3A_28 = vector.load %arg7[%get3A_26, %get3A_27] : memref<1x128xf32, #tpu.memory_space<vmem>>, vector<1x128xf32>
    %add3A_29 = vector.broadcast %get3A_28 : vector<1x128xf32> to vector<2000x128xf32>
    %add3A_30 = arith.addf %dot_general3A_25, %add3A_29 : vector<2000x128xf32>
    %max3A = arith.constant 0.000000e+00 : f32
    %max3A_31 = vector.broadcast %max3A : f32 to vector<2000x128xf32>
    %max3A_32 = arith.maximumf %add3A_30, %max3A_31 : vector<2000x128xf32>
    %get3A_33 = arith.constant 0 : index
    %get3A_34 = arith.constant 0 : index
    %get3A_35 = vector.load %arg3[%get3A_33, %get3A_34] : memref<2000x128xf32, #tpu.memory_space<vmem>>, vector<2000x128xf32>
    %get3A_36 = arith.constant 0 : index
    %get3A_37 = arith.constant 0 : index
    %get3A_38 = vector.load %arg8[%get3A_36, %get3A_37] : memref<128x128xf32, #tpu.memory_space<vmem>>, vector<128x128xf32>
    %convert_element_type3A_39 = arith.truncf %get3A_35 : vector<2000x128xf32> to vector<2000x128xbf16>
    %convert_element_type3A_40 = arith.truncf %get3A_38 : vector<128x128xf32> to vector<128x128xbf16>
    %dot_general3A_41 = arith.constant dense<0.000000e+00> : vector<2000x128xf32>
    %dot_general3A_42 = tpu.matmul %convert_element_type3A_39, %convert_element_type3A_40, %dot_general3A_41 {dimension_numbers = #tpu.dot_dimension_numbers<[1], [0], [0], [1], [0, 0, 1, 1], [], []>, transpose_lhs_hint = false} : vector<2000x128xbf16>, vector<128x128xbf16>, vector<2000x128xf32> -> vector<2000x128xf32>
    %get3A_43 = arith.constant 0 : index
    %get3A_44 = arith.constant 0 : index
    %get3A_45 = vector.load %arg9[%get3A_43, %get3A_44] : memref<1x128xf32, #tpu.memory_space<vmem>>, vector<1x128xf32>
    %add3A_46 = vector.broadcast %get3A_45 : vector<1x128xf32> to vector<2000x128xf32>
    %add3A_47 = arith.addf %dot_general3A_42, %add3A_46 : vector<2000x128xf32>
    %max3A_48 = arith.constant 0.000000e+00 : f32
    %max3A_49 = vector.broadcast %max3A_48 : f32 to vector<2000x128xf32>
    %max3A_50 = arith.maximumf %add3A_47, %max3A_49 : vector<2000x128xf32>
    %get3A_51 = arith.constant 0 : index
    %get3A_52 = arith.constant 0 : index
    %get3A_53 = vector.load %arg11[%get3A_51, %get3A_52] : memref<1x128xf32, #tpu.memory_space<vmem>>, vector<1x128xf32>
    %get3A_54 = arith.constant 0 : index
    %get3A_55 = arith.constant 0 : index
    %get3A_56 = vector.load %arg12[%get3A_54, %get3A_55] : memref<1x128xf32, #tpu.memory_space<vmem>>, vector<1x128xf32>
    %get3A_57 = arith.constant 0 : index
    %get3A_58 = arith.constant 0 : index
    %get3A_59 = vector.load %arg13[%get3A_57, %get3A_58] : memref<128x128xf32, #tpu.memory_space<vmem>>, vector<128x128xf32>
    %get3A_60 = arith.constant 0 : index
    %get3A_61 = arith.constant 0 : index
    %get3A_62 = vector.load %arg14[%get3A_60, %get3A_61] : memref<1x128xf32, #tpu.memory_space<vmem>>, vector<1x128xf32>
    %get3A_63 = arith.constant 0 : index
    %get3A_64 = arith.constant 0 : index
    %get3A_65 = vector.load %arg15[%get3A_63, %get3A_64] : memref<128x128xf32, #tpu.memory_space<vmem>>, vector<128x128xf32>
    %get3A_66 = arith.constant 0 : index
    %get3A_67 = arith.constant 0 : index
    %get3A_68 = vector.load %arg16[%get3A_66, %get3A_67] : memref<1x128xf32, #tpu.memory_space<vmem>>, vector<1x128xf32>
    %reduce_sum3A = arith.constant dense<0.000000e+00> : vector<2000xf32>
    %reduce_sum3A_69 = vector.multi_reduction <add>, %max3A_32, %reduce_sum3A [1] : vector<2000x128xf32> to vector<2000xf32>
    %broadcast_in_dim3A = vector.shape_cast %reduce_sum3A_69 : vector<2000xf32> to vector<2000x1xf32>
    %div3A = arith.constant 1.280000e+02 : f32
    %div3A_70 = vector.broadcast %div3A : f32 to vector<2000x1xf32>
    %div3A_71 = arith.divf %broadcast_in_dim3A, %div3A_70 : vector<2000x1xf32>
    %sub3A_72 = vector.broadcast %div3A_71 : vector<2000x1xf32> to vector<2000x128xf32>
    %sub3A_73 = arith.subf %max3A_32, %sub3A_72 : vector<2000x128xf32>
    %mul3A = arith.mulf %sub3A_73, %sub3A_73 : vector<2000x128xf32>
    %reduce_sum3A_74 = arith.constant dense<0.000000e+00> : vector<2000xf32>
    %reduce_sum3A_75 = vector.multi_reduction <add>, %mul3A, %reduce_sum3A_74 [1] : vector<2000x128xf32> to vector<2000xf32>
    %broadcast_in_dim3A_76 = vector.shape_cast %reduce_sum3A_75 : vector<2000xf32> to vector<2000x1xf32>
    %div3A_77 = arith.constant 1.280000e+02 : f32
    %div3A_78 = vector.broadcast %div3A_77 : f32 to vector<2000x1xf32>
    %div3A_79 = arith.divf %broadcast_in_dim3A_76, %div3A_78 : vector<2000x1xf32>
    %add3A_80 = arith.constant 9.99999974E-6 : f32
    %add3A_81 = vector.broadcast %add3A_80 : f32 to vector<2000x1xf32>
    %add3A_82 = arith.addf %div3A_79, %add3A_81 : vector<2000x1xf32>
    %sqrt3A = math.sqrt %add3A_82 : vector<2000x1xf32>
    %div3A_83 = vector.broadcast %sqrt3A : vector<2000x1xf32> to vector<2000x128xf32>
    %div3A_84 = arith.divf %sub3A_73, %div3A_83 : vector<2000x128xf32>
    %mul3A_85 = vector.broadcast %get3A_53 : vector<1x128xf32> to vector<2000x128xf32>
    %mul3A_86 = arith.mulf %div3A_84, %mul3A_85 : vector<2000x128xf32>
    %add3A_87 = vector.broadcast %get3A_56 : vector<1x128xf32> to vector<2000x128xf32>
    %add3A_88 = arith.addf %mul3A_86, %add3A_87 : vector<2000x128xf32>
    %convert_element_type3A_89 = arith.truncf %add3A_88 : vector<2000x128xf32> to vector<2000x128xbf16>
    %convert_element_type3A_90 = arith.truncf %get3A_59 : vector<128x128xf32> to vector<128x128xbf16>
    %dot_general3A_91 = arith.constant dense<0.000000e+00> : vector<2000x128xf32>
    %dot_general3A_92 = tpu.matmul %convert_element_type3A_89, %convert_element_type3A_90, %dot_general3A_91 {dimension_numbers = #tpu.dot_dimension_numbers<[1], [0], [0], [1], [0, 0, 1, 1], [], []>, transpose_lhs_hint = false} : vector<2000x128xbf16>, vector<128x128xbf16>, vector<2000x128xf32> -> vector<2000x128xf32>
    %add3A_93 = vector.broadcast %get3A_62 : vector<1x128xf32> to vector<2000x128xf32>
    %add3A_94 = arith.addf %dot_general3A_92, %add3A_93 : vector<2000x128xf32>
    %max3A_95 = arith.constant 0.000000e+00 : f32
    %max3A_96 = vector.broadcast %max3A_95 : f32 to vector<2000x128xf32>
    %max3A_97 = arith.maximumf %add3A_94, %max3A_96 : vector<2000x128xf32>
    %convert_element_type3A_98 = arith.truncf %max3A_97 : vector<2000x128xf32> to vector<2000x128xbf16>
    %convert_element_type3A_99 = arith.truncf %get3A_65 : vector<128x128xf32> to vector<128x128xbf16>
    %dot_general3A_100 = arith.constant dense<0.000000e+00> : vector<2000x128xf32>
    %dot_general3A_101 = tpu.matmul %convert_element_type3A_98, %convert_element_type3A_99, %dot_general3A_100 {dimension_numbers = #tpu.dot_dimension_numbers<[1], [0], [0], [1], [0, 0, 1, 1], [], []>, transpose_lhs_hint = false} : vector<2000x128xbf16>, vector<128x128xbf16>, vector<2000x128xf32> -> vector<2000x128xf32>
    %add3A_102 = vector.broadcast %get3A_68 : vector<1x128xf32> to vector<2000x128xf32>
    %add3A_103 = arith.addf %dot_general3A_101, %add3A_102 : vector<2000x128xf32>
    %get3A_104 = arith.constant 0 : index
    %get3A_105 = arith.constant 0 : index
    %get3A_106 = vector.load %arg17[%get3A_104, %get3A_105] : memref<1x128xf32, #tpu.memory_space<vmem>>, vector<1x128xf32>
    %get3A_107 = arith.constant 0 : index
    %get3A_108 = arith.constant 0 : index
    %get3A_109 = vector.load %arg18[%get3A_107, %get3A_108] : memref<1x128xf32, #tpu.memory_space<vmem>>, vector<1x128xf32>
    %get3A_110 = arith.constant 0 : index
    %get3A_111 = arith.constant 0 : index
    %get3A_112 = vector.load %arg19[%get3A_110, %get3A_111] : memref<128x128xf32, #tpu.memory_space<vmem>>, vector<128x128xf32>
    %get3A_113 = arith.constant 0 : index
    %get3A_114 = arith.constant 0 : index
    %get3A_115 = vector.load %arg20[%get3A_113, %get3A_114] : memref<1x128xf32, #tpu.memory_space<vmem>>, vector<1x128xf32>
    %get3A_116 = arith.constant 0 : index
    %get3A_117 = arith.constant 0 : index
    %get3A_118 = vector.load %arg21[%get3A_116, %get3A_117] : memref<128x128xf32, #tpu.memory_space<vmem>>, vector<128x128xf32>
    %get3A_119 = arith.constant 0 : index
    %get3A_120 = arith.constant 0 : index
    %get3A_121 = vector.load %arg22[%get3A_119, %get3A_120] : memref<1x128xf32, #tpu.memory_space<vmem>>, vector<1x128xf32>
    %reduce_sum3A_122 = arith.constant dense<0.000000e+00> : vector<2000xf32>
    %reduce_sum3A_123 = vector.multi_reduction <add>, %max3A_50, %reduce_sum3A_122 [1] : vector<2000x128xf32> to vector<2000xf32>
    %broadcast_in_dim3A_124 = vector.shape_cast %reduce_sum3A_123 : vector<2000xf32> to vector<2000x1xf32>
    %div3A_125 = arith.constant 1.280000e+02 : f32
    %div3A_126 = vector.broadcast %div3A_125 : f32 to vector<2000x1xf32>
    %div3A_127 = arith.divf %broadcast_in_dim3A_124, %div3A_126 : vector<2000x1xf32>
    %sub3A_128 = vector.broadcast %div3A_127 : vector<2000x1xf32> to vector<2000x128xf32>
    %sub3A_129 = arith.subf %max3A_50, %sub3A_128 : vector<2000x128xf32>
    %mul3A_130 = arith.mulf %sub3A_129, %sub3A_129 : vector<2000x128xf32>
    %reduce_sum3A_131 = arith.constant dense<0.000000e+00> : vector<2000xf32>
    %reduce_sum3A_132 = vector.multi_reduction <add>, %mul3A_130, %reduce_sum3A_131 [1] : vector<2000x128xf32> to vector<2000xf32>
    %broadcast_in_dim3A_133 = vector.shape_cast %reduce_sum3A_132 : vector<2000xf32> to vector<2000x1xf32>
    %div3A_134 = arith.constant 1.280000e+02 : f32
    %div3A_135 = vector.broadcast %div3A_134 : f32 to vector<2000x1xf32>
    %div3A_136 = arith.divf %broadcast_in_dim3A_133, %div3A_135 : vector<2000x1xf32>
    %add3A_137 = arith.constant 9.99999974E-6 : f32
    %add3A_138 = vector.broadcast %add3A_137 : f32 to vector<2000x1xf32>
    %add3A_139 = arith.addf %div3A_136, %add3A_138 : vector<2000x1xf32>
    %sqrt3A_140 = math.sqrt %add3A_139 : vector<2000x1xf32>
    %div3A_141 = vector.broadcast %sqrt3A_140 : vector<2000x1xf32> to vector<2000x128xf32>
    %div3A_142 = arith.divf %sub3A_129, %div3A_141 : vector<2000x128xf32>
    %mul3A_143 = vector.broadcast %get3A_106 : vector<1x128xf32> to vector<2000x128xf32>
    %mul3A_144 = arith.mulf %div3A_142, %mul3A_143 : vector<2000x128xf32>
    %add3A_145 = vector.broadcast %get3A_109 : vector<1x128xf32> to vector<2000x128xf32>
    %add3A_146 = arith.addf %mul3A_144, %add3A_145 : vector<2000x128xf32>
    %convert_element_type3A_147 = arith.truncf %add3A_146 : vector<2000x128xf32> to vector<2000x128xbf16>
    %convert_element_type3A_148 = arith.truncf %get3A_112 : vector<128x128xf32> to vector<128x128xbf16>
    %dot_general3A_149 = arith.constant dense<0.000000e+00> : vector<2000x128xf32>
    %dot_general3A_150 = tpu.matmul %convert_element_type3A_147, %convert_element_type3A_148, %dot_general3A_149 {dimension_numbers = #tpu.dot_dimension_numbers<[1], [0], [0], [1], [0, 0, 1, 1], [], []>, transpose_lhs_hint = false} : vector<2000x128xbf16>, vector<128x128xbf16>, vector<2000x128xf32> -> vector<2000x128xf32>
    %add3A_151 = vector.broadcast %get3A_115 : vector<1x128xf32> to vector<2000x128xf32>
    %add3A_152 = arith.addf %dot_general3A_150, %add3A_151 : vector<2000x128xf32>
    %max3A_153 = arith.constant 0.000000e+00 : f32
    %max3A_154 = vector.broadcast %max3A_153 : f32 to vector<2000x128xf32>
    %max3A_155 = arith.maximumf %add3A_152, %max3A_154 : vector<2000x128xf32>
    %convert_element_type3A_156 = arith.truncf %max3A_155 : vector<2000x128xf32> to vector<2000x128xbf16>
    %convert_element_type3A_157 = arith.truncf %get3A_118 : vector<128x128xf32> to vector<128x128xbf16>
    %dot_general3A_158 = arith.constant dense<0.000000e+00> : vector<2000x128xf32>
    %dot_general3A_159 = tpu.matmul %convert_element_type3A_156, %convert_element_type3A_157, %dot_general3A_158 {dimension_numbers = #tpu.dot_dimension_numbers<[1], [0], [0], [1], [0, 0, 1, 1], [], []>, transpose_lhs_hint = false} : vector<2000x128xbf16>, vector<128x128xbf16>, vector<2000x128xf32> -> vector<2000x128xf32>
    %add3A_160 = vector.broadcast %get3A_121 : vector<1x128xf32> to vector<2000x128xf32>
    %add3A_161 = arith.addf %dot_general3A_159, %add3A_160 : vector<2000x128xf32>
    %get3A_162 = arith.constant 0 : index
    %get3A_163 = arith.constant 0 : index
    %get3A_164 = vector.load %arg10[%get3A_162, %get3A_163] : memref<128x1xf32, #tpu.memory_space<vmem>>, vector<128x1xf32>
    %convert_element_type3A_165 = arith.truncf %max3A_50 : vector<2000x128xf32> to vector<2000x128xbf16>
    %convert_element_type3A_166 = arith.truncf %get3A_164 : vector<128x1xf32> to vector<128x1xbf16>
    %dot_general3A_167 = arith.constant dense<0.000000e+00> : vector<2000x1xf32>
    %dot_general3A_168 = tpu.matmul %convert_element_type3A_165, %convert_element_type3A_166, %dot_general3A_167 {dimension_numbers = #tpu.dot_dimension_numbers<[1], [0], [0], [1], [0, 0, 1, 1], [], []>, transpose_lhs_hint = false} : vector<2000x128xbf16>, vector<128x1xbf16>, vector<2000x1xf32> -> vector<2000x1xf32>
    %get3A_169 = arith.constant 0 : index
    %get3A_170 = arith.constant 0 : index
    %get3A_171 = arith.constant 0 : index
    %get3A_172 = vector.load %arg4[%get3A_169, %get3A_170, %get3A_171] : memref<1x1x2000xi32, #tpu.memory_space<vmem>>, vector<1x1x2000xi32>
    %reshape3A = vector.shape_cast %get3A_172 : vector<1x1x2000xi32> to vector<1x2000xi32>
    %iota3A_173 = tpu.iota {dimensions = array<i32: 0>} : vector<256x1xi32>
    %eq3A_174 = vector.broadcast %iota3A_173 : vector<256x1xi32> to vector<256x2000xi32>
    %eq3A_175 = vector.broadcast %reshape3A : vector<1x2000xi32> to vector<256x2000xi32>
    %eq3A_176 = arith.cmpi eq, %eq3A_174, %eq3A_175 : vector<256x2000xi32>
    %convert_element_type3A_177 = arith.extui %eq3A_176 : vector<256x2000xi1> to vector<256x2000xi32>
    %convert_element_type3A_178 = arith.sitofp %convert_element_type3A_177 : vector<256x2000xi32> to vector<256x2000xf32>
    %convert_element_type3A_179 = arith.truncf %convert_element_type3A_178 : vector<256x2000xf32> to vector<256x2000xbf16>
    %concatenate3A = tpu.concatenate %add3A_103, %add3A_161 in 1 : vector<2000x128xf32>, vector<2000x128xf32> -> vector<2000x256xf32>
    %convert_element_type3A_180 = arith.truncf %concatenate3A : vector<2000x256xf32> to vector<2000x256xbf16>
    %convert_element_type3A_181 = arith.extf %convert_element_type3A_180 : vector<2000x256xbf16> to vector<2000x256xf32>
    %sub3A_182 = arith.subf %concatenate3A, %convert_element_type3A_181 : vector<2000x256xf32>
    %convert_element_type3A_183 = arith.truncf %sub3A_182 : vector<2000x256xf32> to vector<2000x256xbf16>
    %dot_general3A_184 = arith.constant dense<0.000000e+00> : vector<256x256xf32>
    %dot_general3A_185 = tpu.matmul %convert_element_type3A_179, %convert_element_type3A_180, %dot_general3A_184 {dimension_numbers = #tpu.dot_dimension_numbers<[1], [0], [0], [1], [0, 0, 1, 1], [], []>, transpose_lhs_hint = false} : vector<256x2000xbf16>, vector<2000x256xbf16>, vector<256x256xf32> -> vector<256x256xf32>
    %dot_general3A_186 = arith.constant dense<0.000000e+00> : vector<256x256xf32>
    %dot_general3A_187 = tpu.matmul %convert_element_type3A_179, %convert_element_type3A_183, %dot_general3A_186 {dimension_numbers = #tpu.dot_dimension_numbers<[1], [0], [0], [1], [0, 0, 1, 1], [], []>, transpose_lhs_hint = false} : vector<256x2000xbf16>, vector<2000x256xbf16>, vector<256x256xf32> -> vector<256x256xf32>
    %add3A_188 = arith.addf %dot_general3A_185, %dot_general3A_187 : vector<256x256xf32>
    %slice3A = vector.extract_strided_slice %add3A_188 {offsets = [0, 0], sizes = [256, 128], strides = [1, 1]} : vector<256x256xf32> to vector<256x128xf32>
    %slice3A_189 = vector.extract_strided_slice %add3A_188 {offsets = [0, 128], sizes = [256, 128], strides = [1, 1]} : vector<256x256xf32> to vector<256x128xf32>
    %convert_element_type3A_190 = arith.truncf %dot_general3A_168 : vector<2000x1xf32> to vector<2000x1xbf16>
    %convert_element_type3A_191 = arith.extf %convert_element_type3A_190 : vector<2000x1xbf16> to vector<2000x1xf32>
    %sub3A_192 = arith.subf %dot_general3A_168, %convert_element_type3A_191 : vector<2000x1xf32>
    %convert_element_type3A_193 = arith.truncf %sub3A_192 : vector<2000x1xf32> to vector<2000x1xbf16>
    %dot_general3A_194 = arith.constant dense<0.000000e+00> : vector<256x1xf32>
    %dot_general3A_195 = tpu.matmul %convert_element_type3A_179, %convert_element_type3A_190, %dot_general3A_194 {dimension_numbers = #tpu.dot_dimension_numbers<[1], [0], [0], [1], [0, 0, 1, 1], [], []>, transpose_lhs_hint = false} : vector<256x2000xbf16>, vector<2000x1xbf16>, vector<256x1xf32> -> vector<256x1xf32>
    %dot_general3A_196 = arith.constant dense<0.000000e+00> : vector<256x1xf32>
    %dot_general3A_197 = tpu.matmul %convert_element_type3A_179, %convert_element_type3A_193, %dot_general3A_196 {dimension_numbers = #tpu.dot_dimension_numbers<[1], [0], [0], [1], [0, 0, 1, 1], [], []>, transpose_lhs_hint = false} : vector<256x2000xbf16>, vector<2000x1xbf16>, vector<256x1xf32> -> vector<256x1xf32>
    %add3A_198 = arith.addf %dot_general3A_195, %dot_general3A_197 : vector<256x1xf32>
    %eq3A_199 = vector.broadcast %iota3A_173 : vector<256x1xi32> to vector<256x2000xi32>
    %eq3A_200 = vector.broadcast %reshape3A : vector<1x2000xi32> to vector<256x2000xi32>
    %eq3A_201 = arith.cmpi eq, %eq3A_199, %eq3A_200 : vector<256x2000xi32>
    %convert_element_type3A_202 = arith.extui %eq3A_201 : vector<256x2000xi1> to vector<256x2000xi32>
    %convert_element_type3A_203 = arith.sitofp %convert_element_type3A_202 : vector<256x2000xi32> to vector<256x2000xf32>
    %reduce_sum3A_204 = arith.constant dense<0.000000e+00> : vector<256xf32>
    %reduce_sum3A_205 = vector.multi_reduction <add>, %convert_element_type3A_203, %reduce_sum3A_204 [1] : vector<256x2000xf32> to vector<256xf32>
    %broadcast_in_dim3A_206 = vector.shape_cast %reduce_sum3A_205 : vector<256xf32> to vector<256x1xf32>
    %eq3A_207 = arith.constant 0 : i32
    %eq3A_208 = arith.cmpi eq, %arg0, %eq3A_207 : i32
    %convert_element_type3A_209 = arith.extui %eq3A_208 : i1 to i32
    %cond3A = arith.constant 0 : i32
    %cond3A_210 = arith.cmpi ne, %convert_element_type3A_209, %cond3A : i32
    scf.if %cond3A_210 {
      %swap3A = arith.constant 0 : index
      %swap3A_220 = arith.constant 0 : index
      %swap3A_221 = vector.load %arg23[%swap3A, %swap3A_220] : memref<256x128xf32, #tpu.memory_space<vmem>>, vector<256x128xf32>
      tpu.vector_store %arg23[%swap3A, %swap3A_220], %slice3A {strides = array<i32>} : memref<256x128xf32, #tpu.memory_space<vmem>>, vector<256x128xf32>,
      %swap3A_222 = arith.constant 0 : index
      %swap3A_223 = arith.constant 0 : index
      %swap3A_224 = vector.load %arg24[%swap3A_222, %swap3A_223] : memref<256x128xf32, #tpu.memory_space<vmem>>, vector<256x128xf32>
      tpu.vector_store %arg24[%swap3A_222, %swap3A_223], %slice3A_189 {strides = array<i32>} : memref<256x128xf32, #tpu.memory_space<vmem>>, vector<256x128xf32>,
      %swap3A_225 = arith.constant 0 : index
      %swap3A_226 = arith.constant 0 : index
      %swap3A_227 = vector.load %arg25[%swap3A_225, %swap3A_226] : memref<256x1xf32, #tpu.memory_space<vmem>>, vector<256x1xf32>
      tpu.vector_store %arg25[%swap3A_225, %swap3A_226], %add3A_198 {strides = array<i32>} : memref<256x1xf32, #tpu.memory_space<vmem>>, vector<256x1xf32>,
      %swap3A_228 = arith.constant 0 : index
      %swap3A_229 = arith.constant 0 : index
      %swap3A_230 = vector.load %arg26[%swap3A_228, %swap3A_229] : memref<256x1xf32, #tpu.memory_space<vmem>>, vector<256x1xf32>
      tpu.vector_store %arg26[%swap3A_228, %swap3A_229], %broadcast_in_dim3A_206 {strides = array<i32>} : memref<256x1xf32, #tpu.memory_space<vmem>>, vector<256x1xf32>,
    } else {
    }
    %gt3A = arith.constant 0 : i32
    %gt3A_211 = arith.cmpi sgt, %arg0, %gt3A : i32
    %convert_element_type3A_212 = arith.extui %gt3A_211 : i1 to i32
    %cond3A_213 = arith.constant 0 : i32
    %cond3A_214 = arith.cmpi ne, %convert_element_type3A_212, %cond3A_213 : i32
    scf.if %cond3A_214 {
      %get3A_220 = arith.constant 0 : index
      %get3A_221 = arith.constant 0 : index
      %get3A_222 = vector.load %arg23[%get3A_220, %get3A_221] : memref<256x128xf32, #tpu.memory_space<vmem>>, vector<256x128xf32>
      %add3A_223 = arith.addf %get3A_222, %slice3A : vector<256x128xf32>
      %swap3A = arith.constant 0 : index
      %swap3A_224 = arith.constant 0 : index
      %swap3A_225 = vector.load %arg23[%swap3A, %swap3A_224] : memref<256x128xf32, #tpu.memory_space<vmem>>, vector<256x128xf32>
      tpu.vector_store %arg23[%swap3A, %swap3A_224], %add3A_223 {strides = array<i32>} : memref<256x128xf32, #tpu.memory_space<vmem>>, vector<256x128xf32>,
      %get3A_226 = arith.constant 0 : index
      %get3A_227 = arith.constant 0 : index
      %get3A_228 = vector.load %arg24[%get3A_226, %get3A_227] : memref<256x128xf32, #tpu.memory_space<vmem>>, vector<256x128xf32>
      %add3A_229 = arith.addf %get3A_228, %slice3A_189 : vector<256x128xf32>
      %swap3A_230 = arith.constant 0 : index
      %swap3A_231 = arith.constant 0 : index
      %swap3A_232 = vector.load %arg24[%swap3A_230, %swap3A_231] : memref<256x128xf32, #tpu.memory_space<vmem>>, vector<256x128xf32>
      tpu.vector_store %arg24[%swap3A_230, %swap3A_231], %add3A_229 {strides = array<i32>} : memref<256x128xf32, #tpu.memory_space<vmem>>, vector<256x128xf32>,
      %get3A_233 = arith.constant 0 : index
      %get3A_234 = arith.constant 0 : index
      %get3A_235 = vector.load %arg25[%get3A_233, %get3A_234] : memref<256x1xf32, #tpu.memory_space<vmem>>, vector<256x1xf32>
      %add3A_236 = arith.addf %get3A_235, %add3A_198 : vector<256x1xf32>
      %swap3A_237 = arith.constant 0 : index
      %swap3A_238 = arith.constant 0 : index
      %swap3A_239 = vector.load %arg25[%swap3A_237, %swap3A_238] : memref<256x1xf32, #tpu.memory_space<vmem>>, vector<256x1xf32>
      tpu.vector_store %arg25[%swap3A_237, %swap3A_238], %add3A_236 {strides = array<i32>} : memref<256x1xf32, #tpu.memory_space<vmem>>, vector<256x1xf32>,
      %get3A_240 = arith.constant 0 : index
      %get3A_241 = arith.constant 0 : index
      %get3A_242 = vector.load %arg26[%get3A_240, %get3A_241] : memref<256x1xf32, #tpu.memory_space<vmem>>, vector<256x1xf32>
      %add3A_243 = arith.addf %get3A_242, %broadcast_in_dim3A_206 : vector<256x1xf32>
      %swap3A_244 = arith.constant 0 : index
      %swap3A_245 = arith.constant 0 : index
      %swap3A_246 = vector.load %arg26[%swap3A_244, %swap3A_245] : memref<256x1xf32, #tpu.memory_space<vmem>>, vector<256x1xf32>
      tpu.vector_store %arg26[%swap3A_244, %swap3A_245], %add3A_243 {strides = array<i32>} : memref<256x1xf32, #tpu.memory_space<vmem>>, vector<256x1xf32>,
    } else {
    }
    %eq3A_215 = arith.constant 4 : i32
    %eq3A_216 = arith.cmpi eq, %arg0, %eq3A_215 : i32
    %convert_element_type3A_217 = arith.extui %eq3A_216 : i1 to i32
    %cond3A_218 = arith.constant 0 : i32
    %cond3A_219 = arith.cmpi ne, %convert_element_type3A_217, %cond3A_218 : i32
    scf.if %cond3A_219 {
      %get3A_220 = arith.constant 0 : index
      %get3A_221 = arith.constant 0 : index
      %get3A_222 = vector.load %arg26[%get3A_220, %get3A_221] : memref<256x1xf32, #tpu.memory_space<vmem>>, vector<256x1xf32>
      %max3A_223 = arith.constant 1.000000e+00 : f32
      %max3A_224 = vector.broadcast %max3A_223 : f32 to vector<256x1xf32>
      %max3A_225 = arith.maximumf %get3A_222, %max3A_224 : vector<256x1xf32>
      %get3A_226 = arith.constant 0 : index
      %get3A_227 = arith.constant 0 : index
      %get3A_228 = vector.load %arg23[%get3A_226, %get3A_227] : memref<256x128xf32, #tpu.memory_space<vmem>>, vector<256x128xf32>
      %div3A_229 = vector.broadcast %max3A_225 : vector<256x1xf32> to vector<256x128xf32>
      %div3A_230 = arith.divf %get3A_228, %div3A_229 : vector<256x128xf32>
      %swap3A = arith.constant 0 : index
      %swap3A_231 = arith.constant 0 : index
      %swap3A_232 = vector.load %arg23[%swap3A, %swap3A_231] : memref<256x128xf32, #tpu.memory_space<vmem>>, vector<256x128xf32>
      tpu.vector_store %arg23[%swap3A, %swap3A_231], %div3A_230 {strides = array<i32>} : memref<256x128xf32, #tpu.memory_space<vmem>>, vector<256x128xf32>,
      %get3A_233 = arith.constant 0 : index
      %get3A_234 = arith.constant 0 : index
      %get3A_235 = vector.load %arg24[%get3A_233, %get3A_234] : memref<256x128xf32, #tpu.memory_space<vmem>>, vector<256x128xf32>
      %div3A_236 = vector.broadcast %max3A_225 : vector<256x1xf32> to vector<256x128xf32>
      %div3A_237 = arith.divf %get3A_235, %div3A_236 : vector<256x128xf32>
      %swap3A_238 = arith.constant 0 : index
      %swap3A_239 = arith.constant 0 : index
      %swap3A_240 = vector.load %arg24[%swap3A_238, %swap3A_239] : memref<256x128xf32, #tpu.memory_space<vmem>>, vector<256x128xf32>
      tpu.vector_store %arg24[%swap3A_238, %swap3A_239], %div3A_237 {strides = array<i32>} : memref<256x128xf32, #tpu.memory_space<vmem>>, vector<256x128xf32>,
    } else {
    }
    return
  }
  func.func @transform_0(%arg0: i32) -> (i32, i32) {
    %c0_i32 = arith.constant 0 : i32
    %c0_i32_0 = arith.constant 0 : i32
    return %arg0, %c0_i32 : i32, i32
  }
  func.func @transform_1(%arg0: i32) -> (i32, i32) {
    %c0_i32 = arith.constant 0 : i32
    %c0_i32_0 = arith.constant 0 : i32
    return %arg0, %c0_i32 : i32, i32
  }
  func.func @transform_2(%arg0: i32) -> (i32, i32) {
    %c0_i32 = arith.constant 0 : i32
    %c0_i32_0 = arith.constant 0 : i32
    return %arg0, %c0_i32 : i32, i32
  }
  func.func @transform_3(%arg0: i32) -> (i32, i32, i32) {
    %c0_i32 = arith.constant 0 : i32
    %c0_i32_0 = arith.constant 0 : i32
    %c0_i32_1 = arith.constant 0 : i32
    return %arg0, %c0_i32, %c0_i32_0 : i32, i32, i32
  }
  func.func @transform_4(%arg0: i32) -> (i32, i32) {
    %c0_i32 = arith.constant 0 : i32
    %c0_i32_0 = arith.constant 0 : i32
    %c0_i32_1 = arith.constant 0 : i32
    return %c0_i32, %c0_i32_0 : i32, i32
  }
  func.func @transform_5(%arg0: i32) -> (i32, i32) {
    %c0_i32 = arith.constant 0 : i32
    %c0_i32_0 = arith.constant 0 : i32
    %c0_i32_1 = arith.constant 0 : i32
    return %c0_i32, %c0_i32_0 : i32, i32
  }
  func.func @transform_6(%arg0: i32) -> (i32, i32) {
    %c0_i32 = arith.constant 0 : i32
    %c0_i32_0 = arith.constant 0 : i32
    %c0_i32_1 = arith.constant 0 : i32
    return %c0_i32, %c0_i32_0 : i32, i32
  }
  func.func @transform_7(%arg0: i32) -> (i32, i32) {
    %c0_i32 = arith.constant 0 : i32
    %c0_i32_0 = arith.constant 0 : i32
    %c0_i32_1 = arith.constant 0 : i32
    return %c0_i32, %c0_i32_0 : i32, i32
  }
  func.func @transform_8(%arg0: i32) -> (i32, i32) {
    %c0_i32 = arith.constant 0 : i32
    %c0_i32_0 = arith.constant 0 : i32
    %c0_i32_1 = arith.constant 0 : i32
    return %c0_i32, %c0_i32_0 : i32, i32
  }
  func.func @transform_9(%arg0: i32) -> (i32, i32) {
    %c0_i32 = arith.constant 0 : i32
    %c0_i32_0 = arith.constant 0 : i32
    %c0_i32_1 = arith.constant 0 : i32
    return %c0_i32, %c0_i32_0 : i32, i32
  }
  func.func @transform_10(%arg0: i32) -> (i32, i32) {
    %c0_i32 = arith.constant 0 : i32
    %c0_i32_0 = arith.constant 0 : i32
    %c0_i32_1 = arith.constant 0 : i32
    return %c0_i32, %c0_i32_0 : i32, i32
  }
  func.func @transform_11(%arg0: i32) -> (i32, i32) {
    %c0_i32 = arith.constant 0 : i32
    %c0_i32_0 = arith.constant 0 : i32
    %c0_i32_1 = arith.constant 0 : i32
    return %c0_i32, %c0_i32_0 : i32, i32
  }
  func.func @transform_12(%arg0: i32) -> (i32, i32) {
    %c0_i32 = arith.constant 0 : i32
    %c0_i32_0 = arith.constant 0 : i32
    %c0_i32_1 = arith.constant 0 : i32
    return %c0_i32, %c0_i32_0 : i32, i32
  }
  func.func @transform_13(%arg0: i32) -> (i32, i32) {
    %c0_i32 = arith.constant 0 : i32
    %c0_i32_0 = arith.constant 0 : i32
    %c0_i32_1 = arith.constant 0 : i32
    return %c0_i32, %c0_i32_0 : i32, i32
  }
  func.func @transform_14(%arg0: i32) -> (i32, i32) {
    %c0_i32 = arith.constant 0 : i32
    %c0_i32_0 = arith.constant 0 : i32
    %c0_i32_1 = arith.constant 0 : i32
    return %c0_i32, %c0_i32_0 : i32, i32
  }
  func.func @transform_15(%arg0: i32) -> (i32, i32) {
    %c0_i32 = arith.constant 0 : i32
    %c0_i32_0 = arith.constant 0 : i32
    %c0_i32_1 = arith.constant 0 : i32
    return %c0_i32, %c0_i32_0 : i32, i32
  }
  func.func @transform_16(%arg0: i32) -> (i32, i32) {
    %c0_i32 = arith.constant 0 : i32
    %c0_i32_0 = arith.constant 0 : i32
    %c0_i32_1 = arith.constant 0 : i32
    return %c0_i32, %c0_i32_0 : i32, i32
  }
  func.func @transform_17(%arg0: i32) -> (i32, i32) {
    %c0_i32 = arith.constant 0 : i32
    %c0_i32_0 = arith.constant 0 : i32
    %c0_i32_1 = arith.constant 0 : i32
    return %c0_i32, %c0_i32_0 : i32, i32
  }
  func.func @transform_18(%arg0: i32) -> (i32, i32) {
    %c0_i32 = arith.constant 0 : i32
    %c0_i32_0 = arith.constant 0 : i32
    %c0_i32_1 = arith.constant 0 : i32
    return %c0_i32, %c0_i32_0 : i32, i32
  }
  func.func @transform_19(%arg0: i32) -> (i32, i32) {
    %c0_i32 = arith.constant 0 : i32
    %c0_i32_0 = arith.constant 0 : i32
    %c0_i32_1 = arith.constant 0 : i32
    return %c0_i32, %c0_i32_0 : i32, i32
  }
  func.func @transform_20(%arg0: i32) -> (i32, i32) {
    %c0_i32 = arith.constant 0 : i32
    %c0_i32_0 = arith.constant 0 : i32
    %c0_i32_1 = arith.constant 0 : i32
    return %c0_i32, %c0_i32_0 : i32, i32
  }
  func.func @transform_21(%arg0: i32) -> (i32, i32) {
    %c0_i32 = arith.constant 0 : i32
    %c0_i32_0 = arith.constant 0 : i32
    %c0_i32_1 = arith.constant 0 : i32
    return %c0_i32, %c0_i32_0 : i32, i32
  }
  func.func @transform_22(%arg0: i32) -> (i32, i32) {
    %c0_i32 = arith.constant 0 : i32
    %c0_i32_0 = arith.constant 0 : i32
    %c0_i32_1 = arith.constant 0 : i32
    return %c0_i32, %c0_i32_0 : i32, i32
  }
  func.func @transform_23(%arg0: i32) -> (i32, i32) {
    %c0_i32 = arith.constant 0 : i32
    %c0_i32_0 = arith.constant 0 : i32
    %c0_i32_1 = arith.constant 0 : i32
    return %c0_i32, %c0_i32_0 : i32, i32
  }
  func.func @transform_24(%arg0: i32) -> (i32, i32) {
    %c0_i32 = arith.constant 0 : i32
    %c0_i32_0 = arith.constant 0 : i32
    %c0_i32_1 = arith.constant 0 : i32
    return %c0_i32, %c0_i32_0 : i32, i32
  }
}

</mosaic_0001>

<sc_bundles>
// kernel: kernel.11.cloned.1.call-start
scs
__scs_entry_jumppad:
0x0: {  	(pc) =	sbr.rel $0x88, $3  }
0x1: {  	(tag) =	ssettag $0x0;
	lr =	simm.s32 $0x1  }
0x2: {  	[smem:$0x3F86] =	sst lr;
	_ =	strace $0xD0000000  }
0x3: {  	_ = 	snop  }
0x4: {  	_ = 	snop  }
0x5: {  	_ = 	snop  }
0x6: {  	_ = 	snop  }
0x7: {  	_ = 	snop  }
__scs_overlays_trampoline_lowered:
0x8: {  	[smem:$0x3F95] =	sst s0  }
0x9: {  	[smem:$0x3F96] =	sst s1  }
0xa: {  	[smem:$0x3F97] =	sst s2  }
0xb: {  	[smem:$0x3F98] =	sst s3  }
0xc: {  	[smem:$0x3F99] =	sst s4  }
0xd: {  	[smem:$0x3F9A] =	sst s5  }
0xe: {  	[smem:$0x3F9B] =	sst s6  }
0xf: {  	[smem:$0x3F9C] =	sst s7  }
0x10: {  	[smem:$0x3F9D] =	sst s8  }
0x11: {  	[smem:$0x3F9E] =	sst s9;
	s0 =	simm.s32 @!p0 $0x0  }
0x12: {  	s1 =	sld [smem:$0x3F84];
	s0 =	simm.s32 @p0 $0x1  }
0x13: {  	[smem:$0x3F9F] =	sst s0;
	s0 =	simm.s32 @!p1 $0x0  }
0x14: {  	s2 =	sld [smem:$0x3F83];
	s0 =	simm.s32 @p1 $0x1  }
0x15: {  	[smem:$0x3FA0] =	sst s0;
	s0 =	simm.s32 @!p2 $0x0  }
0x16: {  	s3 =	sld [smem:$0x3FDB];
	s0 =	simm.s32 @p2 $0x1  }
0x17: {  	s4 =	simm.s32 $0x1BF5;
	[smem:$0x3FA2] =	sst s0  }
0x18: {  	s0 =	sld [smem:$0x3F85];
	_ =	swait.ge [sflag:s4], $0x0  }
0x19: {  	s7 =	sld [smem:$0x3F86]  }
0x1a: {  	s8 =	sadd.s32 $0xFFFFE003, lr  }
0x1b: {  	s9 =	sadd.s32 $0xFFFFFEF7, lr;
	s5 =	simm.s32 $0xFFFFFFFF;
	p2 =	slt.u32 s8, $0xFFFFF086  }
0x1c: {  	p1 =	slt.u32 s9, $0xF7A;
	s5 =	simm.s32 @!p2 $0x0  }
0x1d: {  	s5 =	simm.s32 @p1 $0x1;
	p0 =	seq.s32 s7, s2  }
0x1e: {  	s7 =	smul.u32 @!p0 $0xF7A, s2;
	p2 =	seq.s32 @!p0 s5, $0x0  }
0x1f: {  	s9 =	smul.u32 $0xF7A, s1;
	s8 =	simm.s32 @!p0 $0x1BF5;
	p2 =	por !p2, p0  }
0x20: {  	[sflag:s8] =	ssyncset.s32 @!p0 $0xFFFFF086;
	s6 =	sadd.s32 @!p0 s3, s7;
	s7 =	simm.s32 @!p0 $0x108  }
0x21: {  	s3 =	sadd.s32 s3, s9;
	s6 =	sadd.s32 @!p0 $0x88, s6;
	s7 =	simm.s32 @p2 $0x1082  }
0x22: {  	[simem:s7], [sflag:s8] =	dma.local @!p0 [hbm:s6], $0xF7A  }
0x23: {  	s9 =	sor.u32 $0xD0000000, s2;
	s6 =	simm.s32 $0x108;
	_ =	swait.ge @!p0 [sflag:s8], $0x0  }
0x24: {  	s3 =	sadd.s32 $0x88, s3;
	s6 =	simm.s32 @!p1 $0x1082;
	[sflag:s4] =	ssyncset.s32 $0xFFFFF086  }
0x25: {  	[simem:s6], [sflag:s4] =	dma.local [hbm:s3], $0xF7A  }
0x26: {  	[smem:$0x3F86] =	sst s1;
	(tag) =	ssettag s2;
	_ =	strace s9  }
0x27: {  	s1 =	sld [smem:$0x3F96]  }
0x28: {  	s2 =	sld [smem:$0x3F97]  }
0x29: {  	s4 =	sld [smem:$0x3F99]  }
0x2a: {  	p0 =	seq.s32 s5, $0x0;
	s5 =	sld [smem:$0x3F9A]  }
0x2b: {  	s6 =	sld [smem:$0x3F9B]  }
0x2c: {  	s7 =	sld [smem:$0x3F9C]  }
0x2d: {  	s3 =	simm.s32 $0x108;
	s8 =	sld [smem:$0x3F9D]  }
0x2e: {  	s3 =	simm.s32 @!p0 $0x1082;
	s9 =	sld [smem:$0x3F9E]  }
0x2f: {  	lr =	sadd.s32 s0, s3;
	s0 =	sld [smem:$0x3F95]  }
0x30: {  	s3 =	sld [smem:$0x3F98]  }
0x31: {  	[smem:$0x3FA1] =	sst s10  }
0x32: {  	s10 =	sld [smem:$0x3F9F];
	_ =	sdelay $0x3  }
0x33: {  	p0 =	seq.s32 s10, $0x1;
	s10 =	sld [smem:$0x3FA1];
	_ =	sdelay $0x3  }
0x34: {  	[smem:$0x3FA1] =	sst s10  }
0x35: {  	s10 =	sld [smem:$0x3FA0];
	_ =	sdelay $0x3  }
0x36: {  	p1 =	seq.s32 s10, $0x1;
	s10 =	sld [smem:$0x3FA1];
	_ =	sdelay $0x3  }
0x37: {  	[smem:$0x3FA1] =	sst s10  }
0x38: {  	s10 =	sld [smem:$0x3FA2]  }
0x39: {  	_ = 	snop;
	(pc) =	sbr.ind lr, $3  }
0x3a: {  	_ = 	snop  }
0x3b: {  	_ = 	snop  }
0x3c: {  	p2 =	seq.s32 s10, $0x1;
	s10 =	sld [smem:$0x3FA1]  }
0x3d: {  	_ =	shalt  }
0x3e: {  	_ =	shalt  }
0x3f: {  	_ =	shalt  }
0x40: {  	_ =	shalt  }
0x41: {  	_ =	shalt  }
0x42: {  	_ =	shalt  }
0x43: {  	_ =	shalt  }
0x44: {  	_ =	shalt  }
0x45: {  	_ =	shalt  }
0x46: {  	_ =	shalt  }
0x47: {  	_ =	shalt  }
0x48: {  	_ =	shalt  }
0x49: {  	_ =	shalt  }
0x4a: {  	_ =	shalt  }
0x4b: {  	_ =	shalt  }
0x4c: {  	_ =	shalt  }
0x4d: {  	_ =	shalt  }
0x4e: {  	_ =	shalt  }
0x4f: {  	_ =	shalt  }
0x50: {  	_ =	shalt  }
0x51: {  	_ =	shalt  }
0x52: {  	_ =	shalt  }
0x53: {  	_ =	shalt  }
0x54: {  	_ =	shalt  }
0x55: {  	_ =	shalt  }
0x56: {  	_ =	shalt  }
0x57: {  	_ =	shalt  }
0x58: {  	_ =	shalt  }
0x59: {  	_ =	shalt  }
0x5a: {  	_ =	shalt  }
0x5b: {  	_ =	shalt  }
0x5c: {  	_ =	shalt  }
0x5d: {  	_ =	shalt  }
0x5e: {  	_ =	shalt  }
0x5f: {  	_ =	shalt  }
0x60: {  	_ =	shalt  }
0x61: {  	_ =	shalt  }
0x62: {  	_ =	shalt  }
0x63: {  	_ =	shalt  }
0x64: {  	_ =	shalt  }
0x65: {  	_ =	shalt  }
0x66: {  	_ =	shalt  }
0x67: {  	_ =	shalt  }
0x68: {  	_ =	shalt  }
0x69: {  	_ =	shalt  }
0x6a: {  	_ =	shalt  }
0x6b: {  	_ =	shalt  }
0x6c: {  	_ =	shalt  }
0x6d: {  	_ =	shalt  }
0x6e: {  	_ =	shalt  }
0x6f: {  	_ =	shalt  }
0x70: {  	_ =	shalt  }
0x71: {  	_ =	shalt  }
0x72: {  	_ =	shalt  }
0x73: {  	_ =	shalt  }
0x74: {  	_ =	shalt  }
0x75: {  	_ =	shalt  }
0x76: {  	_ =	shalt  }
0x77: {  	_ =	shalt  }
0x78: {  	_ =	shalt  }
0x79: {  	_ =	shalt  }
0x7a: {  	_ =	shalt  }
0x7b: {  	_ =	shalt  }
0x7c: {  	_ =	shalt  }
0x7d: {  	_ =	shalt  }
0x7e: {  	_ =	shalt  }
0x7f: {  	_ =	shalt  }
0x80: {  	_ =	shalt  }
0x81: {  	_ =	shalt  }
0x82: {  	_ =	shalt  }
0x83: {  	_ =	shalt  }
0x84: {  	_ =	shalt  }
0x85: {  	_ =	shalt  }
0x86: {  	_ =	shalt  }
0x87: {  	_ =	shalt  }
.Lfunc_end0:
.L_simem_size_0:
called_computation.1_lowered:
.L_overlay_start_0:
0x88: {  	s2 =	sld [smem:$0x3FD9]  }
0x89: {  	s3 =	sld [smem:$0x3FFE];
	_ =	sdelay $0x1  }
0x8a: {  	s1 =	srdreg.scid  }
0x8b: {  	s0 =	sand.u32 $0x1, s1  }
0x8c: {  	s16 =	sshll.u32 s0, $0xA;
	s2 =	sadd.s32 s3, s2  }
0x8d: {  	s2 =	sadd.s32 s2, s16  }
0x8e: {  	[smem:$0x3FAD] =	sst s2  }
0x8f: {  	_ = 	snop  }
0x90: {  	(tm) =	ssettm $0x1  }
0x91: {  	s17 =	sld [smem:$0x3FFB];
	_ =	sdelay $0x3  }
0x92: {  	_ =	strace s17  }
0x93: {  	s2 =	sld [smem:$0x3FFC];
	_ =	sdelay $0x3  }
0x94: {  	_ =	strace s2  }
0x95: {  	s2 =	sld [smem:$0x3FFD];
	_ =	sdelay $0x3  }
0x96: {  	_ =	strace s2  }
0x97: {  	_ =	strace $0x8FFFFFFF  }
0x98: {  	s18 =	sld [smem:$0x3FDB];
	_ =	sdelay $0x1  }
0x99: {  	s19 =	simm.s32 $_scs_section_size  }
0x9a: {  	s4 =	simm.s32 $_size__tile_overlayer_lowered;
	s5 =	simm.s32 $_tile_overlayer_lowered  }
0x9b: {  	s22 =	simm.s32 $0x1BFF;
	s21 =	sshll.u32 s5, $0x1;
	s2 =	sadd.s32 s19, s18  }
0x9c: {  	s6 =	simm.s32 $0x0;
	s20 =	sshll.u32 s4, $0x1;
	s4 =	sadd.s32 s21, s2  }
0x9d: {  	[timem:s6], [sflag:s22] =	dma.local [hbm:s4], s20  }
0x9e: {  	_ =	swait.ge [sflag:s22], s20  }
0x9f: {  	s3 =	ssub.s32 $0x0, s20;
	[sflag:s22] =	ssyncset.done $0x0  }
0xa0: {  	[sflag:s22] =	ssyncadd.s32 s3;
	_ =	sdelay $0x1  }
0xa1: {  	s23 =	simm.s32 $0x1B8B  }
0xa2: {  	_ =	swait.ge [sflag:s23], $0x1  }
0xa3: {  	[sflag:s23] =	ssyncset.done $0x0  }
0xa4: {  	s25 =	simm.s32 $0x1B8E;
	s24 =	sld [smem:$0x3FFE];
	[sflag:s23] =	ssyncadd.s32 $0xFFFFFFFF  }
0xa5: {  	s26 =	simm.s32 $execute0_lowered;
	[smem:$0x3FD2] =	sst s25  }
0xa6: {  	s4 =	sshll.u32 s26, $0x1;
	_ =	strace $0x80000049;
	[dreg:$0x1] =	wrdreg $0xFFFFFFFF  }
0xa7: {  	s28 =	simm.s32 $_size_execute0_lowered;
	s2 =	sadd.s32 s2, s4;
	[dreg:$0x0] =	wrdreg $0x0  }
0xa8: {  	s4 =	sshll.u32 s28, $0x1;
	[dreg:$0x2] =	wrdreg s2  }
0xa9: {  	[dreg:$0x3] =	wrdreg s4  }
0xaa: {  	[dreg:$0x4] =	wrdreg $0xC0  }
0xab: {  	_ =	task [dreg:s6], $0x5FFFF  }
0xac: {  	[dreg:$0x1] =	wrdreg $0xFFFFFFFF  }
0xad: {  	[dreg:$0x0] =	wrdreg $0x60  }
0xae: {  	[dreg:$0x2] =	wrdreg s24  }
0xaf: {  	[dreg:$0x3] =	wrdreg $0xC1800  }
0xb0: {  	[dreg:$0x4] =	wrdreg $0x9  }
0xb1: {  	_ =	task.clear_ibuf [dreg:s6], $0x5FFFF;
	_ =	strace $0x90000049  }
0xb2: {  	s29 =	simm.s32 $0x9;
	_ =	strace $0x8000004B  }
0xb3: {  	_ =	swait.ge [sflag:s29], $0x1  }
0xb4: {  	[sflag:s29] =	ssyncadd.s32 $0xFFFFFFFF  }
0xb5: {  	_ =	strace $0x9000004B  }
0xb6: {  	_ =	sfence  }
0xb7: {  	s30 =	sld [smem:$0x0];
	_ =	sdelay $0x2  }
0xb8: {  	s31 =	sshll.u32 s1, $0xD;
	s1 =	sshrl.u32 s1, $0x2  }
0xb9: {  	s3 =	sand.u32 $0x4000, s31;
	s1 =	sadd.s32 s1, s30  }
0xba: {  	s0 =	sor.u32 s3, s0;
	s1 =	sshll.u32 s1, $0x11  }
0xbb: {  	s0 =	sor.u32 s1, s0  }
0xbc: {  	s0 =	sadd.s32 $0x8F2B, s0  }
0xbd: {  	[sflag:s0] =	ssyncadd.remote.s32 $0x1  }
0xbe: {  	_ =	sfence.sel $0xFFFF  }
0xbf: {  	[dreg:$0x0] =	wrdreg $0xFFFFFFFF;
	(pc) =	sbr.abs _section_cstart, $3  }
0xc0: {  	[dreg:$0x1] =	wrdreg $0xFFFFFFFF  }
0xc1: {  	_ =	task.clear_ibuf [dreg:s6], $0x2FFFF;
	_ =	strace $0x9FFFFFFF  }
0xc2: {  	(tm) =	ssettm $0x7FFFFFFF  }
0xc3: {  	_ =	shalt  }
tec
execute0_lowered:
.L_overlay_start_1:
0x0: {  	(tag) =	ssettag $0x1  }
0x1: {  	s0 =	rddreg [dreg:$0x0]  }
0x2: {  	s1 =	rddreg [dreg:$0x1];
	s3 =	simm.s32 $0x0  }
0x3: {  	s17 =	stileid.u32;
	s4 =	srdreg.scid;
	s19 =	simm.s32 $0x7  }
0x4: {  	s20 =	simm.s32 $0xC000;
	s28 =	simm.s32 $0x80;
	s29 =	simm.s32 $0x6  }
0x5: {  	s30 =	simm.s32 $0x3;
	s31 =	simm.s32 $0x0;
	s5 =	smul.u32 $0x500, s17  }
0x6: {  	[smem:$0x7FF] =	sst s3;
	s2 =	sadd.s32 $0x2D800, s0;
	s6 =	smul.u32 $0x4B0, s17  }
0x7: {  	s8 =	sadd.s32 $0x285800, s0;
	s15 =	sand.u32 $0x1, s4;
	s10 =	smul.u32 $0x2580, s17  }
0x8: {  	s9 =	sadd.s32 $0xE600, s0;
	s22 =	ssub.s32 $0x8C, s17;
	s11 =	smul.u32 $0x25800, s17  }
0x9: {  	s17 =	smul.u32 $0xA000, s17;
	_ =	strace $0x8000004A;
	s4 =	ssub.s32 $0x2, s15  }
0xa: {  	p0 =	sne.s32 s15, $0x0;
	s0 =	sadd.s32 s5, s0;
	s21 =	sshrl.u32 s4, $0x1  }
0xb: {  	s5 =	sadd.s32 s9, s6;
	s7 =	sadd.s32 $0x80, s10;
	s6 =	sadd.s32 s8, s11  }
0xc: {  	s10 =	sadd.s32 $0x100, s10;
	s11 =	sadd.s32 s2, s11;
	s26 =	sshrl.u32 s17, $0x2  }
0xd: {  	s14 =	ssub.s32 s4, s21;
	s4 =	sshrl.u32 s22, $0x4;
	s12 =	sshrl.u32 s7, $0x3  }
0xe: {  	s13 =	sshll.u32 s7, $0x4;
	s24 =	sshrl.u32 s10, $0x3;
	s17 =	sadd.s32 $0x504A00, s0  }
0xf: {  	s16 =	sshll.u32 s10, $0x4;
	s18 =	sadd.s32 $0x4DD800, s0;
	s22 =	simm.s32 $0x4000  }
0x10: {  	s7 =	sadd.s32 s9, s12;
	s23 =	sadd.s32 s8, s13;
	s9 =	sadd.s32 s9, s24  }
.Ltmp0:
0x11: {  	s8 =	sadd.s32 s8, s16;
	[dreg:$0x3] =	wrdreg s23;
	(pc) =	sbr.rel .LBB2_1-.Ltmp0, $4  }
0x12: {  	s25 =	sadd.s32 s2, s13;
	s2 =	sadd.s32 s2, s16;
	[dreg:$0x4] =	wrdreg s8  }
0x13: {  	s14 =	smax.u32 s14, $0x1;
	s24 =	simm.s32 $0x8000;
	[dreg:$0x5] =	wrdreg s25  }
0x14: {  	[dreg:$0x6] =	wrdreg s2;
	s8 =	sadd.s32 s26, s1;
	s2 =	sadd.s32 $0x50, s5  }
0x15: {  	v0 =	vimm.f32 $0.0e+00;
	s23 =	simm.s32 $0xC100;
	s25 =	simm.s32 $0x4;
	s26 =	simm.s32 $0x1  }
.LBB2_17:
0x16: {  	[sflag:s19] =	ssyncadd.s32 $0xFFFFD800  }
.LBB2_18:
0x17: {  	s31 =	sadd.s32 $0x1, s31  }
0x18: {  	p1 =	sne.s32 s31, s14  }
.Ltmp1:
0x19: {  	_ = 	snop;
	(pc) =	sbr.rel @!p1 .LBB2_19-.Ltmp1, $1  }
0x1a: {  	_ =	sdelay $0x3  }
.LBB2_1:
0x1b: {  	s0 =	simm.s32 $0x0;
	s15 =	simm.s32 $0x200  }
.LBB2_2:
0x1c: {  	p1 =	sne.s32 s15, $0x9E00;
	[tilespmem:s0+$0x70] =	vst v0  }
0x1d: {  	[tilespmem:s0+$0x0] =	vst v0  }
0x1e: {  	[tilespmem:s0+$0x10] =	vst v0  }
.Ltmp2:
0x1f: {  	[tilespmem:s0+$0x20] =	vst v0;
	(pc) =	sbr.rel @p1 .LBB2_2-.Ltmp2, $4  }
0x20: {  	[tilespmem:s0+$0x30] =	vst v0  }
0x21: {  	[tilespmem:s0+$0x40] =	vst v0  }
0x22: {  	[tilespmem:s0+$0x50] =	vst v0  }
0x23: {  	[tilespmem:s0+$0x60] =	vst v0;
	s0 =	sshra.s32 s15, $0x2;
	s15 =	sadd.s32 $0x200, s15  }
0x24: {  	[tilespmem:s0+$0x70] =	vst v0  }
0x25: {  	[tilespmem:s0+$0x0] =	vst v0  }
0x26: {  	[tilespmem:s0+$0x10] =	vst v0  }
0x27: {  	[tilespmem:s0+$0x20] =	vst v0  }
0x28: {  	[tilespmem:s0+$0x30] =	vst v0  }
0x29: {  	[tilespmem:s0+$0x40] =	vst v0;
	p1 =	sne.s32 s4, $0x1  }
.Ltmp3:
0x2a: {  	[tilespmem:s0+$0x50] =	vst v0;
	(pc) =	sbr.rel @!p1 .LBB2_5-.Ltmp3, $4  }
0x2b: {  	[tilespmem:s0+$0x60] =	vst v0  }
0x2c: {  	[spmem:s8] =	stream.linear.scatter [tilespmem:s3], [sflag:$0x7], $0x2800, $0x38;
	[tilespmem:$0x1FA00] =	vst v63  }
0x2d: {  	_ =	swait.ge [sflag:s19], $0x2800  }
0x2e: {  	s0 =	sadd.s32 $0xFFFFFFFF, s4;
	s15 =	smov.u32 s8;
	[sflag:s19] =	ssyncset.done $0x0  }
.LBB2_4:
0x2f: {  	p2 =	sne.s32 s0, $0x1;
	[sflag:s19] =	ssyncadd.s32 $0xFFFFD800;
	s15 =	sadd.s32 $0x28000, s15  }
.Ltmp4:
0x30: {  	s0 =	sadd.s32 $0xFFFFFFFF, s0;
	(pc) =	sbr.rel @p2 .LBB2_4-.Ltmp4, $4  }
0x31: {  	_ = 	snop  }
0x32: {  	[spmem:s15] =	stream.linear.scatter [tilespmem:s3], [sflag:$0x7], $0x2800, $0x38;
	[tilespmem:$0x1FA00] =	vst v63  }
0x33: {  	_ =	swait.ge [sflag:s19], $0x2800  }
0x34: {  	[sflag:s19] =	ssyncset.done $0x0  }
.LBB2_5:
.Ltmp5:
0x35: {  	(pc) =	sbr.rel @p0 .LBB2_9-.Ltmp5, $4  }
0x36: {  	_ = 	snop  }
0x37: {  	[sflag:s19] =	ssyncadd.s32 $0xFFFFD800  }
0x38: {  	s0 =	simm.s32 $0x0;
	[bflag:$0x0] =	sbarrier.arrive $0xFFFF  }
0x39: {  	[tilespmem:s20], [sflag:$0x4] =	stream.linear.gather [hbm4b:s5+s3], $0x80, $0x38;
	[tilespmem:$0x1FA00] =	vst v63  }
0x3a: {  	[tilespmem:s0], [sflag:$0x1] =	stream.linear.gather [hbm4b:s11+s0], $0x4000, $0x38;
	[tilespmem:$0x1FA00] =	vst v63  }
0x3b: {  	s10 =	simm.s32 $0xC080  }
0x3c: {  	[tilespmem:s10], [sflag:$0x5] =	stream.linear.gather [hbm4b:s7+s0], $0x80, $0x38;
	[tilespmem:$0x1FA00] =	vst v63  }
0x3d: {  	s16 =	rddreg [dreg:$0x5]  }
0x3e: {  	[tilespmem:s22], [sflag:$0x2] =	stream.linear.gather [hbm4b:s16+s0], $0x4000, $0x38;
	[tilespmem:$0x1FA00] =	vst v63  }
0x3f: {  	_ = 	snop  }
0x40: {  	[tilespmem:s23], [sflag:$0x6] =	stream.linear.gather [hbm4b:s9+s0], $0x80, $0x38;
	[tilespmem:$0x1FA00] =	vst v63  }
0x41: {  	s21 =	rddreg [dreg:$0x6];
	s16 =	smov.u32 s2  }
0x42: {  	[tilespmem:s24], [sflag:$0x3] =	stream.linear.gather [hbm4b:s21+s0], $0x4000, $0x38;
	[tilespmem:$0x1FA00] =	vst v63  }
.LBB2_7:
0x43: {  	_ =	swait.ge [sflag:s25], $0x80  }
0x44: {  	[sflag:s25] =	ssyncset.done $0x0  }
0x45: {  	[sflag:s25] =	ssyncadd.s32 $0xFFFFFF80  }
0x46: {  	_ =	swait.ge [sflag:s26], $0x4000  }
0x47: {  	[sflag:s26] =	ssyncset.done $0x0  }
0x48: {  	[sflag:s26] =	ssyncadd.s32 $0xFFFFC000  }
0x49: {  	[spmem:s1] =	stream.indirect.scatter.add.f32 [tilespmem:s3], [sflag:$0x7], $0x80, s20, s28, $0xb8;
	[tilespmem:$0x1FA00] =	vst v63  }
0x4a: {  	_ =	swait.ge [sflag:s19], $0x4000  }
0x4b: {  	p1 =	seq.s32 s0, $0x24000;
	[sflag:s19] =	ssyncset.done $0x0  }
0x4c: {  	s15 =	simm.s32 @p1 $0x5;
	[sflag:s19] =	ssyncadd.s32 $0xFFFFC000  }
0x4d: {  	_ =	swait.ge @p1 [sflag:s15], $0x80  }
0x4e: {  	[sflag:s15] =	ssyncset.done @p1 $0x0  }
0x4f: {  	[sflag:s15] =	ssyncadd.s32 @p1 $0xFFFFFF80;
	s15 =	simm.s32 @p1 $0x2  }
0x50: {  	_ =	swait.ge @p1 [sflag:s15], $0x4000  }
0x51: {  	s10 =	simm.s32 @p1 $0xC080;
	[sflag:s15] =	ssyncset.done @p1 $0x0  }
0x52: {  	s12 =	simm.s32 @p1 $0x4000;
	[sflag:s15] =	ssyncadd.s32 @p1 $0xFFFFC000;
	s15 =	simm.s32 @p1 $0x80  }
0x53: {  	[spmem:s1] =	stream.indirect.scatter.add.f32 @p1 [tilespmem:s12], [sflag:$0x7], $0x80, s10, s15, $0xb8;
	[tilespmem:$0x1FA00] =	vst v63  }
0x54: {  	s10 =	simm.s32 @p1 $0x7  }
0x55: {  	_ =	swait.ge @p1 [sflag:s10], $0x4000  }
0x56: {  	s12 =	simm.s32 @!p1 $0x0;
	[sflag:s10] =	ssyncset.done @p1 $0x0  }
0x57: {  	s15 =	simm.s32 @!p1 $0xC000;
	[sflag:s10] =	ssyncadd.s32 @p1 $0xFFFFC000;
	s10 =	sadd.s32 @!p1 $0xFFFFFFE0, s16  }
0x58: {  	[tilespmem:s15], [sflag:$0x4] =	stream.linear.gather @!p1 [hbm4b:s10+s12], $0x80, $0x38;
	[tilespmem:$0x1FA00] =	vst v63  }
0x59: {  	s10 =	sadd.s32 @!p1 s0, s11  }
0x5a: {  	s15 =	sadd.s32 @!p1 $0x1800, s10  }
0x5b: {  	[tilespmem:s12], [sflag:$0x1] =	stream.linear.gather @!p1 [hbm4b:s15+s12], $0x4000, $0x38;
	[tilespmem:$0x1FA00] =	vst v63  }
0x5c: {  	s15 =	simm.s32 @!p1 $0x5  }
0x5d: {  	_ =	swait.ge @!p1 [sflag:s15], $0x80  }
0x5e: {  	[sflag:s15] =	ssyncset.done @!p1 $0x0  }
0x5f: {  	[sflag:s15] =	ssyncadd.s32 @!p1 $0xFFFFFF80;
	s15 =	simm.s32 @!p1 $0x2  }
0x60: {  	_ =	swait.ge @!p1 [sflag:s15], $0x4000  }
0x61: {  	s21 =	simm.s32 @!p1 $0xC080;
	[sflag:s15] =	ssyncset.done @!p1 $0x0  }
0x62: {  	s13 =	simm.s32 @!p1 $0x4000;
	[sflag:s15] =	ssyncadd.s32 @!p1 $0xFFFFC000;
	s15 =	simm.s32 @!p1 $0x80  }
0x63: {  	[spmem:s1] =	stream.indirect.scatter.add.f32 @!p1 [tilespmem:s13], [sflag:$0x7], $0x80, s21, s15, $0xb8;
	[tilespmem:$0x1FA00] =	vst v63  }
0x64: {  	s15 =	simm.s32 @!p1 $0x7  }
0x65: {  	_ =	swait.ge @!p1 [sflag:s15], $0x4000  }
0x66: {  	[sflag:s15] =	ssyncset.done @!p1 $0x0  }
0x67: {  	[sflag:s15] =	ssyncadd.s32 @!p1 $0xFFFFC000;
	s15 =	sadd.s32 @!p1 $0xFFFFFFF0, s16  }
0x68: {  	[tilespmem:s21], [sflag:$0x5] =	stream.linear.gather @!p1 [hbm4b:s15+s12], $0x80, $0x38;
	[tilespmem:$0x1FA00] =	vst v63  }
0x69: {  	s10 =	sadd.s32 @!p1 $0x2000, s10  }
0x6a: {  	[tilespmem:s13], [sflag:$0x2] =	stream.linear.gather @!p1 [hbm4b:s10+s12], $0x4000, $0x38;
	[tilespmem:$0x1FA00] =	vst v63  }
0x6b: {  	_ =	swait.ge [sflag:s29], $0x80  }
0x6c: {  	[sflag:s29] =	ssyncset.done $0x0  }
0x6d: {  	[sflag:s29] =	ssyncadd.s32 $0xFFFFFF80  }
0x6e: {  	_ =	swait.ge [sflag:s30], $0x4000  }
0x6f: {  	[sflag:s30] =	ssyncset.done $0x0  }
.Ltmp6:
0x70: {  	[sflag:s30] =	ssyncadd.s32 $0xFFFFC000;
	(pc) =	sbr.rel @p1 .LBB2_12-.Ltmp6, $4  }
0x71: {  	[spmem:s1] =	stream.indirect.scatter.add.f32 [tilespmem:s24], [sflag:$0x7], $0x80, s23, s28, $0xb8;
	[tilespmem:$0x1FA00] =	vst v63  }
0x72: {  	_ =	swait.ge [sflag:s19], $0x4000  }
0x73: {  	[sflag:s19] =	ssyncset.done $0x0  }
0x74: {  	[sflag:s19] =	ssyncadd.s32 $0xFFFFC000  }
.Ltmp7:
0x75: {  	(pc) =	sbr.rel .LBB2_7-.Ltmp7, $4  }
0x76: {  	[tilespmem:s23], [sflag:$0x6] =	stream.linear.gather [hbm4b:s16+s3], $0x80, $0x38;
	[tilespmem:$0x1FA00] =	vst v63  }
0x77: {  	s10 =	sadd.s32 s0, s11  }
0x78: {  	s0 =	sadd.s32 $0x1800, s0;
	s16 =	sadd.s32 $0x30, s16;
	s10 =	sadd.s32 $0x2800, s10  }
0x79: {  	[tilespmem:s24], [sflag:$0x3] =	stream.linear.gather [hbm4b:s10+s3], $0x4000, $0x38;
	[tilespmem:$0x1FA00] =	vst v63  }
.LBB2_9:
0x7a: {  	[tilespmem:s0], [sflag:$0x1] =	stream.linear.gather [hbm4b:s6+s0], $0x4000, $0x38;
	[tilespmem:$0x1FA00] =	vst v63  }
0x7b: {  	s10 =	simm.s32 $0xC080  }
0x7c: {  	[tilespmem:s10], [sflag:$0x5] =	stream.linear.gather [hbm4b:s7+s0], $0x80, $0x38;
	[tilespmem:$0x1FA00] =	vst v63  }
0x7d: {  	s16 =	rddreg [dreg:$0x3]  }
0x7e: {  	[tilespmem:s22], [sflag:$0x2] =	stream.linear.gather [hbm4b:s16+s0], $0x4000, $0x38;
	[tilespmem:$0x1FA00] =	vst v63  }
0x7f: {  	_ = 	snop  }
0x80: {  	[tilespmem:s23], [sflag:$0x6] =	stream.linear.gather [hbm4b:s9+s0], $0x80, $0x38;
	[tilespmem:$0x1FA00] =	vst v63  }
0x81: {  	s21 =	rddreg [dreg:$0x4];
	s16 =	smov.u32 s2  }
0x82: {  	[tilespmem:s24], [sflag:$0x3] =	stream.linear.gather [hbm4b:s21+s0], $0x4000, $0x38;
	[tilespmem:$0x1FA00] =	vst v63  }
.LBB2_10:
0x83: {  	_ =	swait.ge [sflag:s25], $0x80  }
0x84: {  	[sflag:s25] =	ssyncset.done $0x0  }
0x85: {  	[sflag:s25] =	ssyncadd.s32 $0xFFFFFF80  }
0x86: {  	_ =	swait.ge [sflag:s26], $0x4000  }
0x87: {  	[sflag:s26] =	ssyncset.done $0x0  }
0x88: {  	[sflag:s26] =	ssyncadd.s32 $0xFFFFC000  }
0x89: {  	[spmem:s1] =	stream.indirect.scatter.add.f32 [tilespmem:s3], [sflag:$0x7], $0x80, s20, s28, $0xb8;
	[tilespmem:$0x1FA00] =	vst v63  }
0x8a: {  	_ =	swait.ge [sflag:s19], $0x4000  }
0x8b: {  	p2 =	seq.s32 s0, $0x24000;
	[sflag:s19] =	ssyncset.done $0x0  }
0x8c: {  	s10 =	simm.s32 @p2 $0x5;
	[sflag:s19] =	ssyncadd.s32 $0xFFFFC000  }
0x8d: {  	_ =	swait.ge @p2 [sflag:s10], $0x80  }
0x8e: {  	[sflag:s10] =	ssyncset.done @p2 $0x0  }
0x8f: {  	[sflag:s10] =	ssyncadd.s32 @p2 $0xFFFFFF80;
	s10 =	simm.s32 @p2 $0x2  }
0x90: {  	_ =	swait.ge @p2 [sflag:s10], $0x4000  }
0x91: {  	s12 =	simm.s32 @p2 $0xC080;
	[sflag:s10] =	ssyncset.done @p2 $0x0  }
0x92: {  	s13 =	simm.s32 @p2 $0x4000;
	[sflag:s10] =	ssyncadd.s32 @p2 $0xFFFFC000;
	s10 =	simm.s32 @p2 $0x80  }
0x93: {  	[spmem:s1] =	stream.indirect.scatter.add.f32 @p2 [tilespmem:s13], [sflag:$0x7], $0x80, s12, s10, $0xb8;
	[tilespmem:$0x1FA00] =	vst v63  }
0x94: {  	s10 =	simm.s32 @p2 $0x7  }
0x95: {  	_ =	swait.ge @p2 [sflag:s10], $0x4000  }
0x96: {  	s12 =	simm.s32 @!p2 $0x0;
	[sflag:s10] =	ssyncset.done @p2 $0x0  }
0x97: {  	s13 =	simm.s32 @!p2 $0xC000;
	[sflag:s10] =	ssyncadd.s32 @p2 $0xFFFFC000;
	s10 =	sadd.s32 @!p2 $0xFFFFFFE0, s16  }
0x98: {  	[tilespmem:s13], [sflag:$0x4] =	stream.linear.gather @!p2 [hbm4b:s10+s12], $0x80, $0x38;
	[tilespmem:$0x1FA00] =	vst v63  }
0x99: {  	s10 =	sadd.s32 @!p2 s0, s6  }
0x9a: {  	s13 =	sadd.s32 @!p2 $0x1800, s10  }
0x9b: {  	[tilespmem:s12], [sflag:$0x1] =	stream.linear.gather @!p2 [hbm4b:s13+s12], $0x4000, $0x38;
	[tilespmem:$0x1FA00] =	vst v63  }
0x9c: {  	s13 =	simm.s32 @!p2 $0x5  }
0x9d: {  	_ =	swait.ge @!p2 [sflag:s13], $0x80  }
0x9e: {  	[sflag:s13] =	ssyncset.done @!p2 $0x0  }
0x9f: {  	[sflag:s13] =	ssyncadd.s32 @!p2 $0xFFFFFF80;
	s13 =	simm.s32 @!p2 $0x2  }
0xa0: {  	_ =	swait.ge @!p2 [sflag:s13], $0x4000  }
0xa1: {  	s15 =	simm.s32 @!p2 $0xC080;
	[sflag:s13] =	ssyncset.done @!p2 $0x0  }
0xa2: {  	s21 =	simm.s32 @!p2 $0x4000;
	[sflag:s13] =	ssyncadd.s32 @!p2 $0xFFFFC000;
	s13 =	simm.s32 @!p2 $0x80  }
0xa3: {  	[spmem:s1] =	stream.indirect.scatter.add.f32 @!p2 [tilespmem:s21], [sflag:$0x7], $0x80, s15, s13, $0xb8;
	[tilespmem:$0x1FA00] =	vst v63  }
0xa4: {  	s13 =	simm.s32 @!p2 $0x7  }
0xa5: {  	_ =	swait.ge @!p2 [sflag:s13], $0x4000  }
0xa6: {  	[sflag:s13] =	ssyncset.done @!p2 $0x0  }
0xa7: {  	[sflag:s13] =	ssyncadd.s32 @!p2 $0xFFFFC000;
	s13 =	sadd.s32 @!p2 $0xFFFFFFF0, s16  }
0xa8: {  	[tilespmem:s15], [sflag:$0x5] =	stream.linear.gather @!p2 [hbm4b:s13+s12], $0x80, $0x38;
	[tilespmem:$0x1FA00] =	vst v63  }
0xa9: {  	s10 =	sadd.s32 @!p2 $0x2000, s10  }
0xaa: {  	[tilespmem:s21], [sflag:$0x2] =	stream.linear.gather @!p2 [hbm4b:s10+s12], $0x4000, $0x38;
	[tilespmem:$0x1FA00] =	vst v63  }
0xab: {  	_ =	swait.ge [sflag:s29], $0x80  }
0xac: {  	[sflag:s29] =	ssyncset.done $0x0  }
0xad: {  	[sflag:s29] =	ssyncadd.s32 $0xFFFFFF80  }
0xae: {  	_ =	swait.ge [sflag:s30], $0x4000  }
0xaf: {  	[sflag:s30] =	ssyncset.done $0x0  }
.Ltmp8:
0xb0: {  	[sflag:s30] =	ssyncadd.s32 $0xFFFFC000;
	(pc) =	sbr.rel @p2 .LBB2_15-.Ltmp8, $4  }
0xb1: {  	[spmem:s1] =	stream.indirect.scatter.add.f32 [tilespmem:s24], [sflag:$0x7], $0x80, s23, s28, $0xb8;
	[tilespmem:$0x1FA00] =	vst v63  }
0xb2: {  	_ =	swait.ge [sflag:s19], $0x4000  }
0xb3: {  	[sflag:s19] =	ssyncset.done $0x0  }
0xb4: {  	[sflag:s19] =	ssyncadd.s32 $0xFFFFC000  }
.Ltmp9:
0xb5: {  	(pc) =	sbr.rel .LBB2_10-.Ltmp9, $4  }
0xb6: {  	[tilespmem:s23], [sflag:$0x6] =	stream.linear.gather [hbm4b:s16+s3], $0x80, $0x38;
	[tilespmem:$0x1FA00] =	vst v63  }
0xb7: {  	s10 =	sadd.s32 s0, s6  }
0xb8: {  	s0 =	sadd.s32 $0x1800, s0;
	s16 =	sadd.s32 $0x30, s16;
	s10 =	sadd.s32 $0x2800, s10  }
0xb9: {  	[tilespmem:s24], [sflag:$0x3] =	stream.linear.gather [hbm4b:s10+s3], $0x4000, $0x38;
	[tilespmem:$0x1FA00] =	vst v63  }
.LBB2_12:
0xba: {  	[bflag:$0x0] =	sbarrier.arrive $0xFFFF  }
0xbb: {  	[tilespmem:s3], [sflag:$0x7] =	stream.linear.gather [spmem:s8], $0x2800, $0x38;
	[tilespmem:$0x1FA00] =	vst v63  }
0xbc: {  	p1 =	seq.s32 s4, $0x1;
	_ =	swait.ge [sflag:s19], $0x2800  }
.Ltmp10:
0xbd: {  	[sflag:s19] =	ssyncset.done $0x0;
	(pc) =	sbr.rel @p1 .LBB2_14-.Ltmp10, $4  }
0xbe: {  	[sflag:s19] =	ssyncadd.s32 $0xFFFFD800  }
0xbf: {  	[hbm4b:s18+s3] =	stream.linear.scatter [tilespmem:s3], [sflag:$0x7], $0x2800, $0x38;
	[tilespmem:$0x1FA00] =	vst v63  }
0xc0: {  	s0 =	sadd.s32 $0xFFFFFFFF, s4;
	_ =	swait.ge [sflag:s19], $0x2800  }
0xc1: {  	s16 =	smov.u32 s18;
	s15 =	smov.u32 s8;
	[sflag:s19] =	ssyncset.done $0x0  }
.LBB2_13:
0xc2: {  	[sflag:s19] =	ssyncadd.s32 $0xFFFFD800;
	s16 =	sadd.s32 $0x5000, s16;
	s15 =	sadd.s32 $0x28000, s15  }
0xc3: {  	[tilespmem:s3], [sflag:$0x7] =	stream.linear.gather [spmem:s15], $0x2800, $0x38;
	[tilespmem:$0x1FA00] =	vst v63  }
0xc4: {  	p1 =	seq.s32 s0, $0x1;
	s0 =	sadd.s32 $0xFFFFFFFF, s0;
	_ =	swait.ge [sflag:s19], $0x2800  }
.Ltmp11:
0xc5: {  	[sflag:s19] =	ssyncset.done $0x0;
	(pc) =	sbr.rel @!p1 .LBB2_13-.Ltmp11, $4  }
0xc6: {  	[sflag:s19] =	ssyncadd.s32 $0xFFFFD800  }
0xc7: {  	[hbm4b:s16+s3] =	stream.linear.scatter [tilespmem:s3], [sflag:$0x7], $0x2800, $0x38;
	[tilespmem:$0x1FA00] =	vst v63  }
0xc8: {  	_ =	swait.ge [sflag:s19], $0x2800  }
0xc9: {  	[sflag:s19] =	ssyncset.done $0x0  }
.LBB2_14:
.Ltmp12:
0xca: {  	(pc) =	sbr.rel .LBB2_18-.Ltmp12, $2  }
0xcb: {  	_ =	sdelay $0x2  }
0xcc: {  	[sflag:s19] =	ssyncadd.s32 $0xFFFFD800  }
.LBB2_15:
0xcd: {  	[bflag:$0x0] =	sbarrier.arrive $0xFFFF  }
0xce: {  	[tilespmem:s3], [sflag:$0x7] =	stream.linear.gather [spmem:s8], $0x2800, $0x38;
	[tilespmem:$0x1FA00] =	vst v63  }
0xcf: {  	_ =	swait.ge [sflag:s19], $0x2800  }
.Ltmp13:
0xd0: {  	[sflag:s19] =	ssyncset.done $0x0;
	(pc) =	sbr.rel @!p1 .LBB2_17-.Ltmp13, $4  }
0xd1: {  	[sflag:s19] =	ssyncadd.s32 $0xFFFFD800  }
0xd2: {  	[hbm4b:s17+s3] =	stream.linear.scatter [tilespmem:s3], [sflag:$0x7], $0x2800, $0x38;
	[tilespmem:$0x1FA00] =	vst v63  }
0xd3: {  	s0 =	sadd.s32 $0xFFFFFFFF, s4;
	_ =	swait.ge [sflag:s19], $0x2800  }
0xd4: {  	s16 =	smov.u32 s17;
	s15 =	smov.u32 s8;
	[sflag:s19] =	ssyncset.done $0x0  }
.LBB2_16:
0xd5: {  	[sflag:s19] =	ssyncadd.s32 $0xFFFFD800;
	s16 =	sadd.s32 $0x5000, s16;
	s15 =	sadd.s32 $0x28000, s15  }
0xd6: {  	[tilespmem:s3], [sflag:$0x7] =	stream.linear.gather [spmem:s15], $0x2800, $0x38;
	[tilespmem:$0x1FA00] =	vst v63  }
0xd7: {  	p1 =	sne.s32 s0, $0x1;
	s0 =	sadd.s32 $0xFFFFFFFF, s0;
	_ =	swait.ge [sflag:s19], $0x2800  }
.Ltmp14:
0xd8: {  	[sflag:s19] =	ssyncset.done $0x0;
	(pc) =	sbr.rel @p1 .LBB2_16-.Ltmp14, $4  }
0xd9: {  	[sflag:s19] =	ssyncadd.s32 $0xFFFFD800  }
0xda: {  	[hbm4b:s16+s3] =	stream.linear.scatter [tilespmem:s3], [sflag:$0x7], $0x2800, $0x38;
	[tilespmem:$0x1FA00] =	vst v63  }
0xdb: {  	_ =	swait.ge [sflag:s19], $0x2800  }
0xdc: {  	[sflag:s19] =	ssyncset.done $0x0  }
.Ltmp15:
0xdd: {  	_ = 	snop;
	(pc) =	sbr.rel .LBB2_17-.Ltmp15, $1  }
0xde: {  	_ =	sdelay $0x3  }
.LBB2_19:
0xdf: {  	_ =	sfence.sel $0x180000  }
0xe0: {  	[bflag:$0x0] =	sbarrier.arrive $0xFFFF  }
0xe1: {  	_ =	strace $0x9000004A  }
0xe2: {  	s0 =	stileid.u32;
	[bflag:$0x2] =	sbarrier.arrive $0xFFFF  }
0xe3: {  	p0 =	sne.s32 s0, $0x0;
	s0 =	rddreg [dreg:$0x2]  }
0xe4: {  	s0 =	sadd.s32 @!p0 $0x100000, s0  }
0xe5: {  	[sflag:s0] =	ssyncadd.tile.s32 @!p0 $0x1;
	_ =	shalt  }
.Lfunc_end2:
_tile_overlayer_lowered:
.L_overlay_start_2:
0xe6: {  	(tag) =	ssettag $0x2  }
0xe7: {  	s0 =	rddreg [dreg:$0x0];
	s2 =	stileid.u32  }
0xe8: {  	s1 =	rddreg [dreg:$0x1];
	p0 =	sne.s32 s2, $0x0  }
0xe9: {  	s3 =	rddreg [dreg:$0x2];
	[bflag:$0x3] =	sbarrier.arrive $0xFFFF;
	s2 =	simm.s32 @!p0 $0x1C07  }
0xea: {  	[timem:s3], [sflag:s2] =	dma.local @!p0 [hbm:s0], s1  }
0xeb: {  	s0 =	simm.s32 @!p0 $0x7  }
0xec: {  	_ =	swait.ge @!p0 [sflag:s0], s1  }
0xed: {  	s1 =	ssub.s32 @!p0 $0x0, s1;
	[sflag:s0] =	ssyncset.done @!p0 $0x0  }
0xee: {  	[sflag:s0] =	ssyncadd.s32 @!p0 s1  }
0xef: {  	[bflag:$0x3] =	sbarrier.arrive $0xFFFF  }
0xf0: {  	_ =	shalt  }

// kernel: kernel.14.cloned.1.call-start
scs
__scs_entry_jumppad:
0x0: {  	(pc) =	sbr.rel $0x88, $3  }
0x1: {  	(tag) =	ssettag $0x0;
	lr =	simm.s32 $0x1  }
0x2: {  	[smem:$0x3F86] =	sst lr;
	_ =	strace $0xD0000000  }
0x3: {  	_ = 	snop  }
0x4: {  	_ = 	snop  }
0x5: {  	_ = 	snop  }
0x6: {  	_ = 	snop  }
0x7: {  	_ = 	snop  }
__scs_overlays_trampoline_lowered:
0x8: {  	[smem:$0x3F95] =	sst s0  }
0x9: {  	[smem:$0x3F96] =	sst s1  }
0xa: {  	[smem:$0x3F97] =	sst s2  }
0xb: {  	[smem:$0x3F98] =	sst s3  }
0xc: {  	[smem:$0x3F99] =	sst s4  }
0xd: {  	[smem:$0x3F9A] =	sst s5  }
0xe: {  	[smem:$0x3F9B] =	sst s6  }
0xf: {  	[smem:$0x3F9C] =	sst s7  }
0x10: {  	[smem:$0x3F9D] =	sst s8  }
0x11: {  	[smem:$0x3F9E] =	sst s9;
	s0 =	simm.s32 @!p0 $0x0  }
0x12: {  	s1 =	sld [smem:$0x3F84];
	s0 =	simm.s32 @p0 $0x1  }
0x13: {  	[smem:$0x3F9F] =	sst s0;
	s0 =	simm.s32 @!p1 $0x0  }
0x14: {  	s2 =	sld [smem:$0x3F83];
	s0 =	simm.s32 @p1 $0x1  }
0x15: {  	[smem:$0x3FA0] =	sst s0;
	s0 =	simm.s32 @!p2 $0x0  }
0x16: {  	s3 =	sld [smem:$0x3FDB];
	s0 =	simm.s32 @p2 $0x1  }
0x17: {  	s4 =	simm.s32 $0x1BF5;
	[smem:$0x3FA2] =	sst s0  }
0x18: {  	s0 =	sld [smem:$0x3F85];
	_ =	swait.ge [sflag:s4], $0x0  }
0x19: {  	s7 =	sld [smem:$0x3F86]  }
0x1a: {  	s8 =	sadd.s32 $0xFFFFE003, lr  }
0x1b: {  	s9 =	sadd.s32 $0xFFFFFEF7, lr;
	s5 =	simm.s32 $0xFFFFFFFF;
	p2 =	slt.u32 s8, $0xFFFFF086  }
0x1c: {  	p1 =	slt.u32 s9, $0xF7A;
	s5 =	simm.s32 @!p2 $0x0  }
0x1d: {  	s5 =	simm.s32 @p1 $0x1;
	p0 =	seq.s32 s7, s2  }
0x1e: {  	s7 =	smul.u32 @!p0 $0xF7A, s2;
	p2 =	seq.s32 @!p0 s5, $0x0  }
0x1f: {  	s9 =	smul.u32 $0xF7A, s1;
	s8 =	simm.s32 @!p0 $0x1BF5;
	p2 =	por !p2, p0  }
0x20: {  	[sflag:s8] =	ssyncset.s32 @!p0 $0xFFFFF086;
	s6 =	sadd.s32 @!p0 s3, s7;
	s7 =	simm.s32 @!p0 $0x108  }
0x21: {  	s3 =	sadd.s32 s3, s9;
	s6 =	sadd.s32 @!p0 $0x88, s6;
	s7 =	simm.s32 @p2 $0x1082  }
0x22: {  	[simem:s7], [sflag:s8] =	dma.local @!p0 [hbm:s6], $0xF7A  }
0x23: {  	s9 =	sor.u32 $0xD0000000, s2;
	s6 =	simm.s32 $0x108;
	_ =	swait.ge @!p0 [sflag:s8], $0x0  }
0x24: {  	s3 =	sadd.s32 $0x88, s3;
	s6 =	simm.s32 @!p1 $0x1082;
	[sflag:s4] =	ssyncset.s32 $0xFFFFF086  }
0x25: {  	[simem:s6], [sflag:s4] =	dma.local [hbm:s3], $0xF7A  }
0x26: {  	[smem:$0x3F86] =	sst s1;
	(tag) =	ssettag s2;
	_ =	strace s9  }
0x27: {  	s1 =	sld [smem:$0x3F96]  }
0x28: {  	s2 =	sld [smem:$0x3F97]  }
0x29: {  	s4 =	sld [smem:$0x3F99]  }
0x2a: {  	p0 =	seq.s32 s5, $0x0;
	s5 =	sld [smem:$0x3F9A]  }
0x2b: {  	s6 =	sld [smem:$0x3F9B]  }
0x2c: {  	s7 =	sld [smem:$0x3F9C]  }
0x2d: {  	s3 =	simm.s32 $0x108;
	s8 =	sld [smem:$0x3F9D]  }
0x2e: {  	s3 =	simm.s32 @!p0 $0x1082;
	s9 =	sld [smem:$0x3F9E]  }
0x2f: {  	lr =	sadd.s32 s0, s3;
	s0 =	sld [smem:$0x3F95]  }
0x30: {  	s3 =	sld [smem:$0x3F98]  }
0x31: {  	[smem:$0x3FA1] =	sst s10  }
0x32: {  	s10 =	sld [smem:$0x3F9F];
	_ =	sdelay $0x3  }
0x33: {  	p0 =	seq.s32 s10, $0x1;
	s10 =	sld [smem:$0x3FA1];
	_ =	sdelay $0x3  }
0x34: {  	[smem:$0x3FA1] =	sst s10  }
0x35: {  	s10 =	sld [smem:$0x3FA0];
	_ =	sdelay $0x3  }
0x36: {  	p1 =	seq.s32 s10, $0x1;
	s10 =	sld [smem:$0x3FA1];
	_ =	sdelay $0x3  }
0x37: {  	[smem:$0x3FA1] =	sst s10  }
0x38: {  	s10 =	sld [smem:$0x3FA2]  }
0x39: {  	_ = 	snop;
	(pc) =	sbr.ind lr, $3  }
0x3a: {  	_ = 	snop  }
0x3b: {  	_ = 	snop  }
0x3c: {  	p2 =	seq.s32 s10, $0x1;
	s10 =	sld [smem:$0x3FA1]  }
0x3d: {  	_ =	shalt  }
0x3e: {  	_ =	shalt  }
0x3f: {  	_ =	shalt  }
0x40: {  	_ =	shalt  }
0x41: {  	_ =	shalt  }
0x42: {  	_ =	shalt  }
0x43: {  	_ =	shalt  }
0x44: {  	_ =	shalt  }
0x45: {  	_ =	shalt  }
0x46: {  	_ =	shalt  }
0x47: {  	_ =	shalt  }
0x48: {  	_ =	shalt  }
0x49: {  	_ =	shalt  }
0x4a: {  	_ =	shalt  }
0x4b: {  	_ =	shalt  }
0x4c: {  	_ =	shalt  }
0x4d: {  	_ =	shalt  }
0x4e: {  	_ =	shalt  }
0x4f: {  	_ =	shalt  }
0x50: {  	_ =	shalt  }
0x51: {  	_ =	shalt  }
0x52: {  	_ =	shalt  }
0x53: {  	_ =	shalt  }
0x54: {  	_ =	shalt  }
0x55: {  	_ =	shalt  }
0x56: {  	_ =	shalt  }
0x57: {  	_ =	shalt  }
0x58: {  	_ =	shalt  }
0x59: {  	_ =	shalt  }
0x5a: {  	_ =	shalt  }
0x5b: {  	_ =	shalt  }
0x5c: {  	_ =	shalt  }
0x5d: {  	_ =	shalt  }
0x5e: {  	_ =	shalt  }
0x5f: {  	_ =	shalt  }
0x60: {  	_ =	shalt  }
0x61: {  	_ =	shalt  }
0x62: {  	_ =	shalt  }
0x63: {  	_ =	shalt  }
0x64: {  	_ =	shalt  }
0x65: {  	_ =	shalt  }
0x66: {  	_ =	shalt  }
0x67: {  	_ =	shalt  }
0x68: {  	_ =	shalt  }
0x69: {  	_ =	shalt  }
0x6a: {  	_ =	shalt  }
0x6b: {  	_ =	shalt  }
0x6c: {  	_ =	shalt  }
0x6d: {  	_ =	shalt  }
0x6e: {  	_ =	shalt  }
0x6f: {  	_ =	shalt  }
0x70: {  	_ =	shalt  }
0x71: {  	_ =	shalt  }
0x72: {  	_ =	shalt  }
0x73: {  	_ =	shalt  }
0x74: {  	_ =	shalt  }
0x75: {  	_ =	shalt  }
0x76: {  	_ =	shalt  }
0x77: {  	_ =	shalt  }
0x78: {  	_ =	shalt  }
0x79: {  	_ =	shalt  }
0x7a: {  	_ =	shalt  }
0x7b: {  	_ =	shalt  }
0x7c: {  	_ =	shalt  }
0x7d: {  	_ =	shalt  }
0x7e: {  	_ =	shalt  }
0x7f: {  	_ =	shalt  }
0x80: {  	_ =	shalt  }
0x81: {  	_ =	shalt  }
0x82: {  	_ =	shalt  }
0x83: {  	_ =	shalt  }
0x84: {  	_ =	shalt  }
0x85: {  	_ =	shalt  }
0x86: {  	_ =	shalt  }
0x87: {  	_ =	shalt  }
.Lfunc_end0:
.L_simem_size_0:
called_computation.2_lowered:
.L_overlay_start_0:
0x88: {  	s2 =	sld [smem:$0x3FD9]  }
0x89: {  	s3 =	sld [smem:$0x3FFE];
	_ =	sdelay $0x1  }
0x8a: {  	s1 =	srdreg.scid  }
0x8b: {  	s0 =	sand.u32 $0x1, s1  }
0x8c: {  	s16 =	sshll.u32 s0, $0xA;
	s2 =	sadd.s32 s3, s2  }
0x8d: {  	s2 =	sadd.s32 s2, s16  }
0x8e: {  	[smem:$0x3FAD] =	sst s2  }
0x8f: {  	_ = 	snop  }
0x90: {  	(tm) =	ssettm $0x1  }
0x91: {  	s17 =	sld [smem:$0x3FFB];
	_ =	sdelay $0x3  }
0x92: {  	_ =	strace s17  }
0x93: {  	s2 =	sld [smem:$0x3FFC];
	_ =	sdelay $0x3  }
0x94: {  	_ =	strace s2  }
0x95: {  	s2 =	sld [smem:$0x3FFD];
	_ =	sdelay $0x3  }
0x96: {  	_ =	strace s2  }
0x97: {  	_ =	strace $0x8FFFFFFF  }
0x98: {  	s18 =	sld [smem:$0x3FDB];
	_ =	sdelay $0x1  }
0x99: {  	s19 =	simm.s32 $_scs_section_size  }
0x9a: {  	s4 =	simm.s32 $_size__tile_overlayer_lowered;
	s5 =	simm.s32 $_tile_overlayer_lowered  }
0x9b: {  	s22 =	simm.s32 $0x1BFF;
	s21 =	sshll.u32 s5, $0x1;
	s2 =	sadd.s32 s19, s18  }
0x9c: {  	s6 =	simm.s32 $0x0;
	s20 =	sshll.u32 s4, $0x1;
	s4 =	sadd.s32 s21, s2  }
0x9d: {  	[timem:s6], [sflag:s22] =	dma.local [hbm:s4], s20  }
0x9e: {  	_ =	swait.ge [sflag:s22], s20  }
0x9f: {  	s3 =	ssub.s32 $0x0, s20;
	[sflag:s22] =	ssyncset.done $0x0  }
0xa0: {  	[sflag:s22] =	ssyncadd.s32 s3;
	_ =	sdelay $0x1  }
0xa1: {  	s23 =	simm.s32 $0x1B8B  }
0xa2: {  	_ =	swait.ge [sflag:s23], $0x1  }
0xa3: {  	[sflag:s23] =	ssyncset.done $0x0  }
0xa4: {  	s25 =	simm.s32 $0x1B8E;
	s24 =	sld [smem:$0x3FFE];
	[sflag:s23] =	ssyncadd.s32 $0xFFFFFFFF  }
0xa5: {  	s26 =	simm.s32 $execute0_lowered;
	[smem:$0x3FD2] =	sst s25  }
0xa6: {  	s4 =	sshll.u32 s26, $0x1;
	_ =	strace $0x8000004C;
	[dreg:$0x1] =	wrdreg $0xFFFFFFFF  }
0xa7: {  	s28 =	simm.s32 $_size_execute0_lowered;
	s2 =	sadd.s32 s2, s4;
	[dreg:$0x0] =	wrdreg $0x0  }
0xa8: {  	s4 =	sshll.u32 s28, $0x1;
	[dreg:$0x2] =	wrdreg s2  }
0xa9: {  	[dreg:$0x3] =	wrdreg s4  }
0xaa: {  	[dreg:$0x4] =	wrdreg $0xC0  }
0xab: {  	_ =	task [dreg:s6], $0x5FFFF  }
0xac: {  	[dreg:$0x1] =	wrdreg $0xFFFFFFFF  }
0xad: {  	[dreg:$0x0] =	wrdreg $0x60  }
0xae: {  	[dreg:$0x2] =	wrdreg s24  }
0xaf: {  	[dreg:$0x3] =	wrdreg $0xC1800  }
0xb0: {  	[dreg:$0x4] =	wrdreg $0x9  }
0xb1: {  	_ =	task.clear_ibuf [dreg:s6], $0x5FFFF;
	_ =	strace $0x9000004C  }
0xb2: {  	s29 =	simm.s32 $0x9;
	_ =	strace $0x8000004E  }
0xb3: {  	_ =	swait.ge [sflag:s29], $0x1  }
0xb4: {  	[sflag:s29] =	ssyncadd.s32 $0xFFFFFFFF  }
0xb5: {  	_ =	strace $0x9000004E  }
0xb6: {  	_ =	sfence  }
0xb7: {  	s30 =	sld [smem:$0x0];
	_ =	sdelay $0x2  }
0xb8: {  	s31 =	sshll.u32 s1, $0xD;
	s1 =	sshrl.u32 s1, $0x2  }
0xb9: {  	s3 =	sand.u32 $0x4000, s31;
	s1 =	sadd.s32 s1, s30  }
0xba: {  	s0 =	sor.u32 s3, s0;
	s1 =	sshll.u32 s1, $0x11  }
0xbb: {  	s0 =	sor.u32 s1, s0  }
0xbc: {  	s0 =	sadd.s32 $0x8F2B, s0  }
0xbd: {  	[sflag:s0] =	ssyncadd.remote.s32 $0x1  }
0xbe: {  	_ =	sfence.sel $0xFFFF  }
0xbf: {  	[dreg:$0x0] =	wrdreg $0xFFFFFFFF;
	(pc) =	sbr.abs _section_cstart, $3  }
0xc0: {  	[dreg:$0x1] =	wrdreg $0xFFFFFFFF  }
0xc1: {  	_ =	task.clear_ibuf [dreg:s6], $0x2FFFF;
	_ =	strace $0x9FFFFFFF  }
0xc2: {  	(tm) =	ssettm $0x7FFFFFFF  }
0xc3: {  	_ =	shalt  }
tec
execute0_lowered:
.L_overlay_start_1:
0x0: {  	(tag) =	ssettag $0x1  }
0x1: {  	s0 =	rddreg [dreg:$0x0]  }
0x2: {  	s1 =	rddreg [dreg:$0x1];
	s3 =	simm.s32 $0x0  }
0x3: {  	s19 =	stileid.u32;
	s4 =	srdreg.scid;
	s29 =	simm.s32 $0xC100  }
0x4: {  	s30 =	simm.s32 $0x8000;
	s31 =	simm.s32 $0x4;
	s5 =	smul.u32 $0x500, s19  }
0x5: {  	[smem:$0x7FF] =	sst s3;
	s2 =	sadd.s32 $0x52BC00, s0;
	s6 =	smul.u32 $0x2880, s19  }
0x6: {  	s8 =	sadd.s32 $0x7B5C00, s0;
	s10 =	sand.u32 $0x1, s4;
	s7 =	smul.u32 $0x144000, s19  }
0x7: {  	s12 =	sadd.s32 $0xE600, s0;
	s25 =	ssub.s32 $0x8C, s19;
	s13 =	smul.u32 $0x28800, s19  }
0x8: {  	s16 =	sshll.u32 s19, $0x4;
	s17 =	sshll.u32 s19, $0xB;
	s23 =	smul.u32 $0xA000, s19  }
0x9: {  	p1 =	sgt.u32 s19, $0x3;
	_ =	strace $0x8000004D;
	s4 =	ssub.s32 $0x2, s10  }
0xa: {  	s16 =	sadd.s32 s16, s12;
	s20 =	sadd.s32 s17, s2;
	p0 =	sne.s32 s10, $0x0  }
0xb: {  	s10 =	simm.s32 $0x3;
	s0 =	sadd.s32 s5, s0;
	s24 =	sshrl.u32 s4, $0x1  }
0xc: {  	s26 =	sshrl.u32 s6, $0x3;
	s11 =	sshrl.u32 s7, $0x3;
	s6 =	sadd.s32 s2, s13  }
0xd: {  	s21 =	sadd.s32 $0x288000, s20;
	s13 =	sadd.s32 s8, s13;
	s14 =	ssub.s32 s4, s24  }
0xe: {  	s9 =	sadd.s32 s12, s26;
	s4 =	sshrl.u32 s25, $0x4;
	s15 =	sadd.s32 $0x800, s11  }
0xf: {  	s18 =	sadd.s32 $0x1000, s11;
	[dreg:$0x7] =	wrdreg s21;
	s5 =	sadd.s32 $0x4B00, s9  }
0x10: {  	s11 =	sadd.s32 $0x9C00, s16;
	s28 =	sadd.s32 $0x4B10, s9;
	[dreg:$0x3] =	wrdreg s5  }
0x11: {  	s25 =	smul.u32 $0x510, s19;
	s7 =	sadd.s32 s2, s15;
	[dreg:$0x4] =	wrdreg s28  }
0x12: {  	s21 =	sadd.s32 $0x40E00, s0;
	s2 =	sadd.s32 s2, s18;
	[dreg:$0x5] =	wrdreg s7  }
0x13: {  	s9 =	sadd.s32 $0x4B20, s9;
	s22 =	sadd.s32 s8, s15;
	[dreg:$0x6] =	wrdreg s2  }
0x14: {  	s24 =	sadd.s32 s8, s18;
	s8 =	sadd.s32 s17, s8;
	[dreg:$0x8] =	wrdreg s22  }
0x15: {  	s17 =	smax.u32 s14, $0x1;
	s18 =	sadd.s32 $0x504A00, s0;
	[dreg:$0x9] =	wrdreg s24  }
.Ltmp0:
0x16: {  	s26 =	sadd.s32 $0x288000, s8;
	s2 =	sshrl.u32 s23, $0x2;
	(pc) =	sbr.rel .LBB2_1-.Ltmp0, $4  }
0x17: {  	s28 =	sadd.s32 s25, s12;
	s22 =	sadd.s32 $0x4DD800, s0;
	s23 =	sadd.s32 $0x19C00, s0  }
0x18: {  	s24 =	simm.s32 $0x7;
	s25 =	simm.s32 $0xC000;
	s0 =	simm.s32 $0x1  }
0x19: {  	s8 =	simm.s32 $0x6;
	s12 =	simm.s32 $0x0;
	[dreg:$0xa] =	wrdreg s26  }
0x1a: {  	s16 =	sadd.s32 s2, s1;
	s15 =	sadd.s32 $0x4B50, s28;
	s2 =	simm.s32 $0x80  }
.LBB2_17:
0x1b: {  	[sflag:s24] =	ssyncadd.s32 $0xFFFFD800  }
.LBB2_18:
0x1c: {  	s12 =	sadd.s32 $0x1, s12  }
0x1d: {  	p2 =	sne.s32 s12, s17  }
.Ltmp1:
0x1e: {  	_ = 	snop;
	(pc) =	sbr.rel @!p2 .LBB2_19-.Ltmp1, $1  }
0x1f: {  	_ =	sdelay $0x3  }
.LBB2_1:
.Ltmp2:
0x20: {  	(pc) =	sbr.rel @p0 .LBB2_7-.Ltmp2, $1  }
0x21: {  	_ =	sdelay $0x3  }
0x22: {  	[tilespmem:s3], [sflag:$0x7] =	stream.linear.gather [hbm4b:s22+s3], $0x2800, $0x38;
	[tilespmem:$0x1FA00] =	vst v63  }
0x23: {  	p2 =	sne.s32 s4, $0x1;
	_ =	swait.ge [sflag:s24], $0x2800  }
.Ltmp3:
0x24: {  	[sflag:s24] =	ssyncset.done $0x0;
	(pc) =	sbr.rel @!p2 .LBB2_4-.Ltmp3, $4  }
0x25: {  	[sflag:s24] =	ssyncadd.s32 $0xFFFFD800  }
0x26: {  	[spmem:s16] =	stream.linear.scatter [tilespmem:s3], [sflag:$0x7], $0x2800, $0x38;
	[tilespmem:$0x1FA00] =	vst v63  }
0x27: {  	s14 =	sadd.s32 $0xFFFFFFFF, s4;
	_ =	swait.ge [sflag:s24], $0x2800  }
0x28: {  	s20 =	smov.u32 s22;
	s19 =	smov.u32 s16;
	[sflag:s24] =	ssyncset.done $0x0  }
.LBB2_3:
0x29: {  	[sflag:s24] =	ssyncadd.s32 $0xFFFFD800;
	s20 =	sadd.s32 $0x5000, s20;
	s19 =	sadd.s32 $0x28000, s19  }
0x2a: {  	[tilespmem:s3], [sflag:$0x7] =	stream.linear.gather [hbm4b:s20+s3], $0x2800, $0x38;
	[tilespmem:$0x1FA00] =	vst v63  }
0x2b: {  	p2 =	sne.s32 s14, $0x1;
	s14 =	sadd.s32 $0xFFFFFFFF, s14;
	_ =	swait.ge [sflag:s24], $0x2800  }
.Ltmp4:
0x2c: {  	[sflag:s24] =	ssyncset.done $0x0;
	(pc) =	sbr.rel @p2 .LBB2_3-.Ltmp4, $4  }
0x2d: {  	[sflag:s24] =	ssyncadd.s32 $0xFFFFD800  }
0x2e: {  	[spmem:s19] =	stream.linear.scatter [tilespmem:s3], [sflag:$0x7], $0x2800, $0x38;
	[tilespmem:$0x1FA00] =	vst v63  }
0x2f: {  	_ =	swait.ge [sflag:s24], $0x2800  }
0x30: {  	[sflag:s24] =	ssyncset.done $0x0  }
.LBB2_4:
0x31: {  	[sflag:s24] =	ssyncadd.s32 $0xFFFFD800  }
0x32: {  	[bflag:$0x0] =	sbarrier.arrive $0xFFFF  }
0x33: {  	s14 =	simm.s32 $0x0;
	s5 =	rddreg [dreg:$0x3]  }
0x34: {  	[tilespmem:s25], [sflag:$0x4] =	stream.linear.gather [hbm4b:s5+s14], $0x80, $0x38;
	[tilespmem:$0x1FA00] =	vst v63  }
0x35: {  	_ = 	snop  }
0x36: {  	[tilespmem:s14], [sflag:$0x1] =	stream.linear.gather [hbm4b:s6+s14], $0x4000, $0x38;
	[tilespmem:$0x1FA00] =	vst v63  }
0x37: {  	s7 =	simm.s32 $0xC080;
	s19 =	rddreg [dreg:$0x4]  }
0x38: {  	[tilespmem:s7], [sflag:$0x5] =	stream.linear.gather [hbm4b:s19+s14], $0x80, $0x38;
	[tilespmem:$0x1FA00] =	vst v63  }
0x39: {  	s26 =	simm.s32 $0x4000;
	s20 =	rddreg [dreg:$0x5]  }
0x3a: {  	[tilespmem:s26], [sflag:$0x2] =	stream.linear.gather [hbm4b:s20+s14], $0x4000, $0x38;
	[tilespmem:$0x1FA00] =	vst v63  }
0x3b: {  	_ = 	snop  }
0x3c: {  	[tilespmem:s29], [sflag:$0x6] =	stream.linear.gather [hbm4b:s9+s14], $0x80, $0x38;
	[tilespmem:$0x1FA00] =	vst v63  }
0x3d: {  	s28 =	rddreg [dreg:$0x6];
	s20 =	smov.u32 s15  }
0x3e: {  	[tilespmem:s30], [sflag:$0x3] =	stream.linear.gather [hbm4b:s28+s14], $0x4000, $0x38;
	[tilespmem:$0x1FA00] =	vst v63  }
.LBB2_5:
0x3f: {  	_ =	swait.ge [sflag:s31], $0x80  }
0x40: {  	[sflag:s31] =	ssyncset.done $0x0  }
0x41: {  	[sflag:s31] =	ssyncadd.s32 $0xFFFFFF80  }
0x42: {  	_ =	swait.ge [sflag:s0], $0x4000  }
0x43: {  	[sflag:s0] =	ssyncset.done $0x0  }
0x44: {  	[sflag:s0] =	ssyncadd.s32 $0xFFFFC000  }
0x45: {  	[spmem:s1] =	stream.indirect.scatter.add.f32 [tilespmem:s3], [sflag:$0x7], $0x80, s25, s2, $0xb8;
	[tilespmem:$0x1FA00] =	vst v63  }
0x46: {  	_ =	swait.ge [sflag:s24], $0x4000  }
0x47: {  	p2 =	seq.s32 s14, $0x27000;
	[sflag:s24] =	ssyncset.done $0x0  }
0x48: {  	s19 =	simm.s32 @p2 $0x5;
	[sflag:s24] =	ssyncadd.s32 $0xFFFFC000  }
0x49: {  	_ =	swait.ge @p2 [sflag:s19], $0x80  }
0x4a: {  	[sflag:s19] =	ssyncset.done @p2 $0x0  }
0x4b: {  	[sflag:s19] =	ssyncadd.s32 @p2 $0xFFFFFF80;
	s19 =	simm.s32 @p2 $0x2  }
0x4c: {  	_ =	swait.ge @p2 [sflag:s19], $0x4000  }
0x4d: {  	s26 =	simm.s32 @p2 $0xC080;
	[sflag:s19] =	ssyncset.done @p2 $0x0  }
0x4e: {  	s28 =	simm.s32 @p2 $0x4000;
	[sflag:s19] =	ssyncadd.s32 @p2 $0xFFFFC000;
	s19 =	simm.s32 @p2 $0x80  }
0x4f: {  	[spmem:s1] =	stream.indirect.scatter.add.f32 @p2 [tilespmem:s28], [sflag:$0x7], $0x80, s26, s19, $0xb8;
	[tilespmem:$0x1FA00] =	vst v63  }
0x50: {  	s19 =	simm.s32 @p2 $0x7  }
0x51: {  	_ =	swait.ge @p2 [sflag:s19], $0x4000  }
0x52: {  	s26 =	simm.s32 @!p2 $0x0;
	[sflag:s19] =	ssyncset.done @p2 $0x0  }
0x53: {  	s28 =	simm.s32 @!p2 $0xC000;
	[sflag:s19] =	ssyncadd.s32 @p2 $0xFFFFC000;
	s19 =	sadd.s32 @!p2 $0xFFFFFFE0, s20  }
0x54: {  	[tilespmem:s28], [sflag:$0x4] =	stream.linear.gather @!p2 [hbm4b:s19+s26], $0x80, $0x38;
	[tilespmem:$0x1FA00] =	vst v63  }
0x55: {  	s19 =	sadd.s32 @!p2 s14, s6  }
0x56: {  	s28 =	sadd.s32 @!p2 $0x1800, s19  }
0x57: {  	[tilespmem:s26], [sflag:$0x1] =	stream.linear.gather @!p2 [hbm4b:s28+s26], $0x4000, $0x38;
	[tilespmem:$0x1FA00] =	vst v63  }
0x58: {  	s28 =	simm.s32 @!p2 $0x5  }
0x59: {  	_ =	swait.ge @!p2 [sflag:s28], $0x80  }
0x5a: {  	[sflag:s28] =	ssyncset.done @!p2 $0x0  }
0x5b: {  	[sflag:s28] =	ssyncadd.s32 @!p2 $0xFFFFFF80;
	s28 =	simm.s32 @!p2 $0x2  }
0x5c: {  	_ =	swait.ge @!p2 [sflag:s28], $0x4000  }
0x5d: {  	s5 =	simm.s32 @!p2 $0xC080;
	[sflag:s28] =	ssyncset.done @!p2 $0x0  }
0x5e: {  	s7 =	simm.s32 @!p2 $0x4000;
	[sflag:s28] =	ssyncadd.s32 @!p2 $0xFFFFC000;
	s28 =	simm.s32 @!p2 $0x80  }
0x5f: {  	[spmem:s1] =	stream.indirect.scatter.add.f32 @!p2 [tilespmem:s7], [sflag:$0x7], $0x80, s5, s28, $0xb8;
	[tilespmem:$0x1FA00] =	vst v63  }
0x60: {  	s28 =	simm.s32 @!p2 $0x7  }
0x61: {  	_ =	swait.ge @!p2 [sflag:s28], $0x4000  }
0x62: {  	[sflag:s28] =	ssyncset.done @!p2 $0x0  }
0x63: {  	[sflag:s28] =	ssyncadd.s32 @!p2 $0xFFFFC000;
	s28 =	sadd.s32 @!p2 $0xFFFFFFF0, s20  }
0x64: {  	[tilespmem:s5], [sflag:$0x5] =	stream.linear.gather @!p2 [hbm4b:s28+s26], $0x80, $0x38;
	[tilespmem:$0x1FA00] =	vst v63  }
0x65: {  	s5 =	sadd.s32 @!p2 $0x2000, s19  }
0x66: {  	[tilespmem:s7], [sflag:$0x2] =	stream.linear.gather @!p2 [hbm4b:s5+s26], $0x4000, $0x38;
	[tilespmem:$0x1FA00] =	vst v63  }
0x67: {  	_ =	swait.ge [sflag:s8], $0x80  }
0x68: {  	[sflag:s8] =	ssyncset.done $0x0  }
0x69: {  	[sflag:s8] =	ssyncadd.s32 $0xFFFFFF80  }
0x6a: {  	_ =	swait.ge [sflag:s10], $0x4000  }
0x6b: {  	[sflag:s10] =	ssyncset.done $0x0  }
.Ltmp5:
0x6c: {  	[sflag:s10] =	ssyncadd.s32 $0xFFFFC000;
	(pc) =	sbr.rel @p2 .LBB2_12-.Ltmp5, $4  }
0x6d: {  	[spmem:s1] =	stream.indirect.scatter.add.f32 [tilespmem:s30], [sflag:$0x7], $0x80, s29, s2, $0xb8;
	[tilespmem:$0x1FA00] =	vst v63  }
0x6e: {  	_ =	swait.ge [sflag:s24], $0x4000  }
0x6f: {  	[sflag:s24] =	ssyncset.done $0x0  }
0x70: {  	[sflag:s24] =	ssyncadd.s32 $0xFFFFC000  }
.Ltmp6:
0x71: {  	(pc) =	sbr.rel .LBB2_5-.Ltmp6, $4  }
0x72: {  	[tilespmem:s29], [sflag:$0x6] =	stream.linear.gather [hbm4b:s20+s3], $0x80, $0x38;
	[tilespmem:$0x1FA00] =	vst v63  }
0x73: {  	s5 =	sadd.s32 s14, s6  }
0x74: {  	s14 =	sadd.s32 $0x1800, s14;
	s20 =	sadd.s32 $0x30, s20;
	s5 =	sadd.s32 $0x2800, s5  }
0x75: {  	[tilespmem:s30], [sflag:$0x3] =	stream.linear.gather [hbm4b:s5+s3], $0x4000, $0x38;
	[tilespmem:$0x1FA00] =	vst v63  }
.LBB2_7:
0x76: {  	[tilespmem:s3], [sflag:$0x7] =	stream.linear.gather [hbm4b:s18+s3], $0x2800, $0x38;
	[tilespmem:$0x1FA00] =	vst v63  }
0x77: {  	p2 =	seq.s32 s4, $0x1;
	_ =	swait.ge [sflag:s24], $0x2800  }
.Ltmp7:
0x78: {  	[sflag:s24] =	ssyncset.done $0x0;
	(pc) =	sbr.rel @p2 .LBB2_9-.Ltmp7, $4  }
0x79: {  	[sflag:s24] =	ssyncadd.s32 $0xFFFFD800  }
0x7a: {  	[spmem:s16] =	stream.linear.scatter [tilespmem:s3], [sflag:$0x7], $0x2800, $0x38;
	[tilespmem:$0x1FA00] =	vst v63  }
0x7b: {  	s14 =	sadd.s32 $0xFFFFFFFF, s4;
	_ =	swait.ge [sflag:s24], $0x2800  }
0x7c: {  	s20 =	smov.u32 s18;
	s19 =	smov.u32 s16;
	[sflag:s24] =	ssyncset.done $0x0  }
.LBB2_8:
0x7d: {  	[sflag:s24] =	ssyncadd.s32 $0xFFFFD800;
	s20 =	sadd.s32 $0x5000, s20;
	s19 =	sadd.s32 $0x28000, s19  }
0x7e: {  	[tilespmem:s3], [sflag:$0x7] =	stream.linear.gather [hbm4b:s20+s3], $0x2800, $0x38;
	[tilespmem:$0x1FA00] =	vst v63  }
0x7f: {  	p2 =	seq.s32 s14, $0x1;
	s14 =	sadd.s32 $0xFFFFFFFF, s14;
	_ =	swait.ge [sflag:s24], $0x2800  }
.Ltmp8:
0x80: {  	[sflag:s24] =	ssyncset.done $0x0;
	(pc) =	sbr.rel @!p2 .LBB2_8-.Ltmp8, $4  }
0x81: {  	[sflag:s24] =	ssyncadd.s32 $0xFFFFD800  }
0x82: {  	[spmem:s19] =	stream.linear.scatter [tilespmem:s3], [sflag:$0x7], $0x2800, $0x38;
	[tilespmem:$0x1FA00] =	vst v63  }
0x83: {  	_ =	swait.ge [sflag:s24], $0x2800  }
0x84: {  	[sflag:s24] =	ssyncset.done $0x0  }
.LBB2_9:
0x85: {  	[sflag:s24] =	ssyncadd.s32 $0xFFFFD800  }
0x86: {  	[bflag:$0x0] =	sbarrier.arrive $0xFFFF  }
0x87: {  	s14 =	simm.s32 $0x0;
	s5 =	rddreg [dreg:$0x3]  }
0x88: {  	[tilespmem:s25], [sflag:$0x4] =	stream.linear.gather [hbm4b:s5+s14], $0x80, $0x38;
	[tilespmem:$0x1FA00] =	vst v63  }
0x89: {  	_ = 	snop  }
0x8a: {  	[tilespmem:s14], [sflag:$0x1] =	stream.linear.gather [hbm4b:s13+s14], $0x4000, $0x38;
	[tilespmem:$0x1FA00] =	vst v63  }
0x8b: {  	s7 =	simm.s32 $0xC080;
	s19 =	rddreg [dreg:$0x4]  }
0x8c: {  	[tilespmem:s7], [sflag:$0x5] =	stream.linear.gather [hbm4b:s19+s14], $0x80, $0x38;
	[tilespmem:$0x1FA00] =	vst v63  }
0x8d: {  	s26 =	simm.s32 $0x4000;
	s20 =	rddreg [dreg:$0x8]  }
0x8e: {  	[tilespmem:s26], [sflag:$0x2] =	stream.linear.gather [hbm4b:s20+s14], $0x4000, $0x38;
	[tilespmem:$0x1FA00] =	vst v63  }
0x8f: {  	_ = 	snop  }
0x90: {  	[tilespmem:s29], [sflag:$0x6] =	stream.linear.gather [hbm4b:s9+s14], $0x80, $0x38;
	[tilespmem:$0x1FA00] =	vst v63  }
0x91: {  	s28 =	rddreg [dreg:$0x9];
	s20 =	smov.u32 s15  }
0x92: {  	[tilespmem:s30], [sflag:$0x3] =	stream.linear.gather [hbm4b:s28+s14], $0x4000, $0x38;
	[tilespmem:$0x1FA00] =	vst v63  }
.LBB2_10:
0x93: {  	_ =	swait.ge [sflag:s31], $0x80  }
0x94: {  	[sflag:s31] =	ssyncset.done $0x0  }
0x95: {  	[sflag:s31] =	ssyncadd.s32 $0xFFFFFF80  }
0x96: {  	_ =	swait.ge [sflag:s0], $0x4000  }
0x97: {  	[sflag:s0] =	ssyncset.done $0x0  }
0x98: {  	[sflag:s0] =	ssyncadd.s32 $0xFFFFC000  }
0x99: {  	[spmem:s1] =	stream.indirect.scatter.add.f32 [tilespmem:s3], [sflag:$0x7], $0x80, s25, s2, $0xb8;
	[tilespmem:$0x1FA00] =	vst v63  }
0x9a: {  	_ =	swait.ge [sflag:s24], $0x4000  }
0x9b: {  	p2 =	seq.s32 s14, $0x27000;
	[sflag:s24] =	ssyncset.done $0x0  }
0x9c: {  	s5 =	simm.s32 @p2 $0x5;
	[sflag:s24] =	ssyncadd.s32 $0xFFFFC000  }
0x9d: {  	_ =	swait.ge @p2 [sflag:s5], $0x80  }
0x9e: {  	[sflag:s5] =	ssyncset.done @p2 $0x0  }
0x9f: {  	[sflag:s5] =	ssyncadd.s32 @p2 $0xFFFFFF80;
	s5 =	simm.s32 @p2 $0x2  }
0xa0: {  	_ =	swait.ge @p2 [sflag:s5], $0x4000  }
0xa1: {  	s7 =	simm.s32 @p2 $0xC080;
	[sflag:s5] =	ssyncset.done @p2 $0x0  }
0xa2: {  	s19 =	simm.s32 @p2 $0x4000;
	[sflag:s5] =	ssyncadd.s32 @p2 $0xFFFFC000;
	s5 =	simm.s32 @p2 $0x80  }
0xa3: {  	[spmem:s1] =	stream.indirect.scatter.add.f32 @p2 [tilespmem:s19], [sflag:$0x7], $0x80, s7, s5, $0xb8;
	[tilespmem:$0x1FA00] =	vst v63  }
0xa4: {  	s5 =	simm.s32 @p2 $0x7  }
0xa5: {  	_ =	swait.ge @p2 [sflag:s5], $0x4000  }
0xa6: {  	s7 =	simm.s32 @!p2 $0x0;
	[sflag:s5] =	ssyncset.done @p2 $0x0  }
0xa7: {  	s19 =	simm.s32 @!p2 $0xC000;
	[sflag:s5] =	ssyncadd.s32 @p2 $0xFFFFC000;
	s5 =	sadd.s32 @!p2 $0xFFFFFFE0, s20  }
0xa8: {  	[tilespmem:s19], [sflag:$0x4] =	stream.linear.gather @!p2 [hbm4b:s5+s7], $0x80, $0x38;
	[tilespmem:$0x1FA00] =	vst v63  }
0xa9: {  	s5 =	sadd.s32 @!p2 s14, s13  }
0xaa: {  	s19 =	sadd.s32 @!p2 $0x1800, s5  }
0xab: {  	[tilespmem:s7], [sflag:$0x1] =	stream.linear.gather @!p2 [hbm4b:s19+s7], $0x4000, $0x38;
	[tilespmem:$0x1FA00] =	vst v63  }
0xac: {  	s19 =	simm.s32 @!p2 $0x5  }
0xad: {  	_ =	swait.ge @!p2 [sflag:s19], $0x80  }
0xae: {  	[sflag:s19] =	ssyncset.done @!p2 $0x0  }
0xaf: {  	[sflag:s19] =	ssyncadd.s32 @!p2 $0xFFFFFF80;
	s19 =	simm.s32 @!p2 $0x2  }
0xb0: {  	_ =	swait.ge @!p2 [sflag:s19], $0x4000  }
0xb1: {  	s26 =	simm.s32 @!p2 $0xC080;
	[sflag:s19] =	ssyncset.done @!p2 $0x0  }
0xb2: {  	s28 =	simm.s32 @!p2 $0x4000;
	[sflag:s19] =	ssyncadd.s32 @!p2 $0xFFFFC000;
	s19 =	simm.s32 @!p2 $0x80  }
0xb3: {  	[spmem:s1] =	stream.indirect.scatter.add.f32 @!p2 [tilespmem:s28], [sflag:$0x7], $0x80, s26, s19, $0xb8;
	[tilespmem:$0x1FA00] =	vst v63  }
0xb4: {  	s19 =	simm.s32 @!p2 $0x7  }
0xb5: {  	_ =	swait.ge @!p2 [sflag:s19], $0x4000  }
0xb6: {  	[sflag:s19] =	ssyncset.done @!p2 $0x0  }
0xb7: {  	[sflag:s19] =	ssyncadd.s32 @!p2 $0xFFFFC000;
	s19 =	sadd.s32 @!p2 $0xFFFFFFF0, s20  }
0xb8: {  	[tilespmem:s26], [sflag:$0x5] =	stream.linear.gather @!p2 [hbm4b:s19+s7], $0x80, $0x38;
	[tilespmem:$0x1FA00] =	vst v63  }
0xb9: {  	s5 =	sadd.s32 @!p2 $0x2000, s5  }
0xba: {  	[tilespmem:s28], [sflag:$0x2] =	stream.linear.gather @!p2 [hbm4b:s5+s7], $0x4000, $0x38;
	[tilespmem:$0x1FA00] =	vst v63  }
0xbb: {  	_ =	swait.ge [sflag:s8], $0x80  }
0xbc: {  	[sflag:s8] =	ssyncset.done $0x0  }
0xbd: {  	[sflag:s8] =	ssyncadd.s32 $0xFFFFFF80  }
0xbe: {  	_ =	swait.ge [sflag:s10], $0x4000  }
0xbf: {  	[sflag:s10] =	ssyncset.done $0x0  }
.Ltmp9:
0xc0: {  	[sflag:s10] =	ssyncadd.s32 $0xFFFFC000;
	(pc) =	sbr.rel @p2 .LBB2_15-.Ltmp9, $4  }
0xc1: {  	[spmem:s1] =	stream.indirect.scatter.add.f32 [tilespmem:s30], [sflag:$0x7], $0x80, s29, s2, $0xb8;
	[tilespmem:$0x1FA00] =	vst v63  }
0xc2: {  	_ =	swait.ge [sflag:s24], $0x4000  }
0xc3: {  	[sflag:s24] =	ssyncset.done $0x0  }
0xc4: {  	[sflag:s24] =	ssyncadd.s32 $0xFFFFC000  }
.Ltmp10:
0xc5: {  	(pc) =	sbr.rel .LBB2_10-.Ltmp10, $4  }
0xc6: {  	[tilespmem:s29], [sflag:$0x6] =	stream.linear.gather [hbm4b:s20+s3], $0x80, $0x38;
	[tilespmem:$0x1FA00] =	vst v63  }
0xc7: {  	s5 =	sadd.s32 s14, s13  }
0xc8: {  	s14 =	sadd.s32 $0x1800, s14;
	s20 =	sadd.s32 $0x30, s20;
	s5 =	sadd.s32 $0x2800, s5  }
0xc9: {  	[tilespmem:s30], [sflag:$0x3] =	stream.linear.gather [hbm4b:s5+s3], $0x4000, $0x38;
	[tilespmem:$0x1FA00] =	vst v63  }
.LBB2_12:
0xca: {  	s5 =	simm.s32 @!p1 $0x0;
	s7 =	simm.s32 @!p1 $0xC000;
	s14 =	simm.s32 @!p1 $0x7  }
0xcb: {  	[tilespmem:s7], [sflag:$0x7] =	stream.linear.gather @!p1 [hbm4b:s11+s5], $0x80, $0x38;
	[tilespmem:$0x1FA00] =	vst v63  }
0xcc: {  	_ =	swait.ge @!p1 [sflag:s14], $0x80  }
0xcd: {  	[sflag:s14] =	ssyncset.done @!p1 $0x0  }
0xce: {  	s19 =	rddreg [dreg:$0x7];
	[sflag:s14] =	ssyncadd.s32 @!p1 $0xFFFFFF80  }
0xcf: {  	[tilespmem:s5], [sflag:$0x7] =	stream.linear.gather @!p1 [hbm4b:s19+s5], $0x4000, $0x38;
	[tilespmem:$0x1FA00] =	vst v63  }
0xd0: {  	_ =	swait.ge @!p1 [sflag:s14], $0x4000  }
0xd1: {  	[sflag:s14] =	ssyncset.done @!p1 $0x0  }
0xd2: {  	s19 =	simm.s32 @!p1 $0x80;
	[sflag:s14] =	ssyncadd.s32 @!p1 $0xFFFFC000  }
0xd3: {  	[spmem:s1] =	stream.indirect.scatter.add.f32 @!p1 [tilespmem:s5], [sflag:$0x7], $0x80, s7, s19, $0xb8;
	[tilespmem:$0x1FA00] =	vst v63  }
0xd4: {  	_ =	swait.ge @!p1 [sflag:s14], $0x4000  }
0xd5: {  	[sflag:s14] =	ssyncset.done @!p1 $0x0  }
0xd6: {  	[sflag:s14] =	ssyncadd.s32 @!p1 $0xFFFFC000  }
0xd7: {  	[bflag:$0x0] =	sbarrier.arrive $0xFFFF  }
0xd8: {  	[tilespmem:s3], [sflag:$0x7] =	stream.linear.gather [spmem:s16], $0x2800, $0x38;
	[tilespmem:$0x1FA00] =	vst v63  }
0xd9: {  	p2 =	seq.s32 s4, $0x1;
	_ =	swait.ge [sflag:s24], $0x2800  }
.Ltmp11:
0xda: {  	[sflag:s24] =	ssyncset.done $0x0;
	(pc) =	sbr.rel @p2 .LBB2_14-.Ltmp11, $4  }
0xdb: {  	[sflag:s24] =	ssyncadd.s32 $0xFFFFD800  }
0xdc: {  	[hbm4b:s23+s3] =	stream.linear.scatter [tilespmem:s3], [sflag:$0x7], $0x2800, $0x38;
	[tilespmem:$0x1FA00] =	vst v63  }
0xdd: {  	s20 =	smov.u32 s23;
	_ =	swait.ge [sflag:s24], $0x2800  }
0xde: {  	s19 =	smov.u32 s16;
	s14 =	sadd.s32 $0xFFFFFFFF, s4;
	[sflag:s24] =	ssyncset.done $0x0  }
.LBB2_13:
0xdf: {  	[sflag:s24] =	ssyncadd.s32 $0xFFFFD800;
	s20 =	sadd.s32 $0x5000, s20;
	s19 =	sadd.s32 $0x28000, s19  }
0xe0: {  	[tilespmem:s3], [sflag:$0x7] =	stream.linear.gather [spmem:s19], $0x2800, $0x38;
	[tilespmem:$0x1FA00] =	vst v63  }
0xe1: {  	p2 =	seq.s32 s14, $0x1;
	s14 =	sadd.s32 $0xFFFFFFFF, s14;
	_ =	swait.ge [sflag:s24], $0x2800  }
.Ltmp12:
0xe2: {  	[sflag:s24] =	ssyncset.done $0x0;
	(pc) =	sbr.rel @!p2 .LBB2_13-.Ltmp12, $4  }
0xe3: {  	[sflag:s24] =	ssyncadd.s32 $0xFFFFD800  }
0xe4: {  	[hbm4b:s20+s3] =	stream.linear.scatter [tilespmem:s3], [sflag:$0x7], $0x2800, $0x38;
	[tilespmem:$0x1FA00] =	vst v63  }
0xe5: {  	_ =	swait.ge [sflag:s24], $0x2800  }
0xe6: {  	[sflag:s24] =	ssyncset.done $0x0  }
.LBB2_14:
.Ltmp13:
0xe7: {  	(pc) =	sbr.rel .LBB2_18-.Ltmp13, $2  }
0xe8: {  	_ =	sdelay $0x2  }
0xe9: {  	[sflag:s24] =	ssyncadd.s32 $0xFFFFD800  }
.LBB2_15:
0xea: {  	s5 =	simm.s32 @!p1 $0x0;
	s7 =	simm.s32 @!p1 $0xC000;
	s14 =	simm.s32 @!p1 $0x7  }
0xeb: {  	[tilespmem:s7], [sflag:$0x7] =	stream.linear.gather @!p1 [hbm4b:s11+s5], $0x80, $0x38;
	[tilespmem:$0x1FA00] =	vst v63  }
0xec: {  	_ =	swait.ge @!p1 [sflag:s14], $0x80  }
0xed: {  	[sflag:s14] =	ssyncset.done @!p1 $0x0  }
0xee: {  	s19 =	rddreg [dreg:$0xa];
	[sflag:s14] =	ssyncadd.s32 @!p1 $0xFFFFFF80  }
0xef: {  	[tilespmem:s5], [sflag:$0x7] =	stream.linear.gather @!p1 [hbm4b:s19+s5], $0x4000, $0x38;
	[tilespmem:$0x1FA00] =	vst v63  }
0xf0: {  	_ =	swait.ge @!p1 [sflag:s14], $0x4000  }
0xf1: {  	[sflag:s14] =	ssyncset.done @!p1 $0x0  }
0xf2: {  	s19 =	simm.s32 @!p1 $0x80;
	[sflag:s14] =	ssyncadd.s32 @!p1 $0xFFFFC000  }
0xf3: {  	[spmem:s1] =	stream.indirect.scatter.add.f32 @!p1 [tilespmem:s5], [sflag:$0x7], $0x80, s7, s19, $0xb8;
	[tilespmem:$0x1FA00] =	vst v63  }
0xf4: {  	_ =	swait.ge @!p1 [sflag:s14], $0x4000  }
0xf5: {  	[sflag:s14] =	ssyncset.done @!p1 $0x0  }
0xf6: {  	[sflag:s14] =	ssyncadd.s32 @!p1 $0xFFFFC000  }
0xf7: {  	[bflag:$0x0] =	sbarrier.arrive $0xFFFF  }
0xf8: {  	[tilespmem:s3], [sflag:$0x7] =	stream.linear.gather [spmem:s16], $0x2800, $0x38;
	[tilespmem:$0x1FA00] =	vst v63  }
0xf9: {  	p2 =	sne.s32 s4, $0x1;
	_ =	swait.ge [sflag:s24], $0x2800  }
.Ltmp14:
0xfa: {  	[sflag:s24] =	ssyncset.done $0x0;
	(pc) =	sbr.rel @!p2 .LBB2_17-.Ltmp14, $4  }
0xfb: {  	[sflag:s24] =	ssyncadd.s32 $0xFFFFD800  }
0xfc: {  	[hbm4b:s21+s3] =	stream.linear.scatter [tilespmem:s3], [sflag:$0x7], $0x2800, $0x38;
	[tilespmem:$0x1FA00] =	vst v63  }
0xfd: {  	s20 =	smov.u32 s21;
	_ =	swait.ge [sflag:s24], $0x2800  }
0xfe: {  	s19 =	smov.u32 s16;
	s14 =	sadd.s32 $0xFFFFFFFF, s4;
	[sflag:s24] =	ssyncset.done $0x0  }
.LBB2_16:
0xff: {  	[sflag:s24] =	ssyncadd.s32 $0xFFFFD800;
	s20 =	sadd.s32 $0x5000, s20;
	s19 =	sadd.s32 $0x28000, s19  }
0x100: {  	[tilespmem:s3], [sflag:$0x7] =	stream.linear.gather [spmem:s19], $0x2800, $0x38;
	[tilespmem:$0x1FA00] =	vst v63  }
0x101: {  	p2 =	sne.s32 s14, $0x1;
	s14 =	sadd.s32 $0xFFFFFFFF, s14;
	_ =	swait.ge [sflag:s24], $0x2800  }
.Ltmp15:
0x102: {  	[sflag:s24] =	ssyncset.done $0x0;
	(pc) =	sbr.rel @p2 .LBB2_16-.Ltmp15, $4  }
0x103: {  	[sflag:s24] =	ssyncadd.s32 $0xFFFFD800  }
0x104: {  	[hbm4b:s20+s3] =	stream.linear.scatter [tilespmem:s3], [sflag:$0x7], $0x2800, $0x38;
	[tilespmem:$0x1FA00] =	vst v63  }
0x105: {  	_ =	swait.ge [sflag:s24], $0x2800  }
0x106: {  	[sflag:s24] =	ssyncset.done $0x0  }
.Ltmp16:
0x107: {  	_ = 	snop;
	(pc) =	sbr.rel .LBB2_17-.Ltmp16, $1  }
0x108: {  	_ =	sdelay $0x3  }
.LBB2_19:
0x109: {  	_ =	sfence.sel $0x180000  }
0x10a: {  	[bflag:$0x0] =	sbarrier.arrive $0xFFFF  }
0x10b: {  	_ =	strace $0x9000004D  }
0x10c: {  	s0 =	stileid.u32;
	[bflag:$0x2] =	sbarrier.arrive $0xFFFF  }
0x10d: {  	p0 =	sne.s32 s0, $0x0;
	s0 =	rddreg [dreg:$0x2]  }
0x10e: {  	s0 =	sadd.s32 @!p0 $0x100000, s0  }
0x10f: {  	[sflag:s0] =	ssyncadd.tile.s32 @!p0 $0x1;
	_ =	shalt  }
.Lfunc_end2:
_tile_overlayer_lowered:
.L_overlay_start_2:
0x110: {  	(tag) =	ssettag $0x2  }
0x111: {  	s0 =	rddreg [dreg:$0x0];
	s2 =	stileid.u32  }
0x112: {  	s1 =	rddreg [dreg:$0x1];
	p0 =	sne.s32 s2, $0x0  }
0x113: {  	s3 =	rddreg [dreg:$0x2];
	[bflag:$0x3] =	sbarrier.arrive $0xFFFF;
	s2 =	simm.s32 @!p0 $0x1C07  }
0x114: {  	[timem:s3], [sflag:s2] =	dma.local @!p0 [hbm:s0], s1  }
0x115: {  	s0 =	simm.s32 @!p0 $0x7  }
0x116: {  	_ =	swait.ge @!p0 [sflag:s0], s1  }
0x117: {  	s1 =	ssub.s32 @!p0 $0x0, s1;
	[sflag:s0] =	ssyncset.done @!p0 $0x0  }
0x118: {  	[sflag:s0] =	ssyncadd.s32 @!p0 s1  }
0x119: {  	[bflag:$0x3] =	sbarrier.arrive $0xFFFF  }
0x11a: {  	_ =	shalt  }

// kernel: kernel.8.cloned.1.call-start
scs
__scs_entry_jumppad:
0x0: {  	(pc) =	sbr.rel $0x88, $3  }
0x1: {  	(tag) =	ssettag $0x0;
	lr =	simm.s32 $0x1  }
0x2: {  	[smem:$0x3F86] =	sst lr;
	_ =	strace $0xD0000000  }
0x3: {  	_ = 	snop  }
0x4: {  	_ = 	snop  }
0x5: {  	_ = 	snop  }
0x6: {  	_ = 	snop  }
0x7: {  	_ = 	snop  }
__scs_overlays_trampoline_lowered:
0x8: {  	[smem:$0x3F95] =	sst s0  }
0x9: {  	[smem:$0x3F96] =	sst s1  }
0xa: {  	[smem:$0x3F97] =	sst s2  }
0xb: {  	[smem:$0x3F98] =	sst s3  }
0xc: {  	[smem:$0x3F99] =	sst s4  }
0xd: {  	[smem:$0x3F9A] =	sst s5  }
0xe: {  	[smem:$0x3F9B] =	sst s6  }
0xf: {  	[smem:$0x3F9C] =	sst s7  }
0x10: {  	[smem:$0x3F9D] =	sst s8  }
0x11: {  	[smem:$0x3F9E] =	sst s9;
	s0 =	simm.s32 @!p0 $0x0  }
0x12: {  	s1 =	sld [smem:$0x3F84];
	s0 =	simm.s32 @p0 $0x1  }
0x13: {  	[smem:$0x3F9F] =	sst s0;
	s0 =	simm.s32 @!p1 $0x0  }
0x14: {  	s2 =	sld [smem:$0x3F83];
	s0 =	simm.s32 @p1 $0x1  }
0x15: {  	[smem:$0x3FA0] =	sst s0;
	s0 =	simm.s32 @!p2 $0x0  }
0x16: {  	s3 =	sld [smem:$0x3FDB];
	s0 =	simm.s32 @p2 $0x1  }
0x17: {  	s4 =	simm.s32 $0x1BF5;
	[smem:$0x3FA2] =	sst s0  }
0x18: {  	s0 =	sld [smem:$0x3F85];
	_ =	swait.ge [sflag:s4], $0x0  }
0x19: {  	s7 =	sld [smem:$0x3F86]  }
0x1a: {  	s8 =	sadd.s32 $0xFFFFE003, lr  }
0x1b: {  	s9 =	sadd.s32 $0xFFFFFEF7, lr;
	s5 =	simm.s32 $0xFFFFFFFF;
	p2 =	slt.u32 s8, $0xFFFFF086  }
0x1c: {  	p1 =	slt.u32 s9, $0xF7A;
	s5 =	simm.s32 @!p2 $0x0  }
0x1d: {  	s5 =	simm.s32 @p1 $0x1;
	p0 =	seq.s32 s7, s2  }
0x1e: {  	s7 =	smul.u32 @!p0 $0xF7A, s2;
	p2 =	seq.s32 @!p0 s5, $0x0  }
0x1f: {  	s9 =	smul.u32 $0xF7A, s1;
	s8 =	simm.s32 @!p0 $0x1BF5;
	p2 =	por !p2, p0  }
0x20: {  	[sflag:s8] =	ssyncset.s32 @!p0 $0xFFFFF086;
	s6 =	sadd.s32 @!p0 s3, s7;
	s7 =	simm.s32 @!p0 $0x108  }
0x21: {  	s3 =	sadd.s32 s3, s9;
	s6 =	sadd.s32 @!p0 $0x88, s6;
	s7 =	simm.s32 @p2 $0x1082  }
0x22: {  	[simem:s7], [sflag:s8] =	dma.local @!p0 [hbm:s6], $0xF7A  }
0x23: {  	s9 =	sor.u32 $0xD0000000, s2;
	s6 =	simm.s32 $0x108;
	_ =	swait.ge @!p0 [sflag:s8], $0x0  }
0x24: {  	s3 =	sadd.s32 $0x88, s3;
	s6 =	simm.s32 @!p1 $0x1082;
	[sflag:s4] =	ssyncset.s32 $0xFFFFF086  }
0x25: {  	[simem:s6], [sflag:s4] =	dma.local [hbm:s3], $0xF7A  }
0x26: {  	[smem:$0x3F86] =	sst s1;
	(tag) =	ssettag s2;
	_ =	strace s9  }
0x27: {  	s1 =	sld [smem:$0x3F96]  }
0x28: {  	s2 =	sld [smem:$0x3F97]  }
0x29: {  	s4 =	sld [smem:$0x3F99]  }
0x2a: {  	p0 =	seq.s32 s5, $0x0;
	s5 =	sld [smem:$0x3F9A]  }
0x2b: {  	s6 =	sld [smem:$0x3F9B]  }
0x2c: {  	s7 =	sld [smem:$0x3F9C]  }
0x2d: {  	s3 =	simm.s32 $0x108;
	s8 =	sld [smem:$0x3F9D]  }
0x2e: {  	s3 =	simm.s32 @!p0 $0x1082;
	s9 =	sld [smem:$0x3F9E]  }
0x2f: {  	lr =	sadd.s32 s0, s3;
	s0 =	sld [smem:$0x3F95]  }
0x30: {  	s3 =	sld [smem:$0x3F98]  }
0x31: {  	[smem:$0x3FA1] =	sst s10  }
0x32: {  	s10 =	sld [smem:$0x3F9F];
	_ =	sdelay $0x3  }
0x33: {  	p0 =	seq.s32 s10, $0x1;
	s10 =	sld [smem:$0x3FA1];
	_ =	sdelay $0x3  }
0x34: {  	[smem:$0x3FA1] =	sst s10  }
0x35: {  	s10 =	sld [smem:$0x3FA0];
	_ =	sdelay $0x3  }
0x36: {  	p1 =	seq.s32 s10, $0x1;
	s10 =	sld [smem:$0x3FA1];
	_ =	sdelay $0x3  }
0x37: {  	[smem:$0x3FA1] =	sst s10  }
0x38: {  	s10 =	sld [smem:$0x3FA2]  }
0x39: {  	_ = 	snop;
	(pc) =	sbr.ind lr, $3  }
0x3a: {  	_ = 	snop  }
0x3b: {  	_ = 	snop  }
0x3c: {  	p2 =	seq.s32 s10, $0x1;
	s10 =	sld [smem:$0x3FA1]  }
0x3d: {  	_ =	shalt  }
0x3e: {  	_ =	shalt  }
0x3f: {  	_ =	shalt  }
0x40: {  	_ =	shalt  }
0x41: {  	_ =	shalt  }
0x42: {  	_ =	shalt  }
0x43: {  	_ =	shalt  }
0x44: {  	_ =	shalt  }
0x45: {  	_ =	shalt  }
0x46: {  	_ =	shalt  }
0x47: {  	_ =	shalt  }
0x48: {  	_ =	shalt  }
0x49: {  	_ =	shalt  }
0x4a: {  	_ =	shalt  }
0x4b: {  	_ =	shalt  }
0x4c: {  	_ =	shalt  }
0x4d: {  	_ =	shalt  }
0x4e: {  	_ =	shalt  }
0x4f: {  	_ =	shalt  }
0x50: {  	_ =	shalt  }
0x51: {  	_ =	shalt  }
0x52: {  	_ =	shalt  }
0x53: {  	_ =	shalt  }
0x54: {  	_ =	shalt  }
0x55: {  	_ =	shalt  }
0x56: {  	_ =	shalt  }
0x57: {  	_ =	shalt  }
0x58: {  	_ =	shalt  }
0x59: {  	_ =	shalt  }
0x5a: {  	_ =	shalt  }
0x5b: {  	_ =	shalt  }
0x5c: {  	_ =	shalt  }
0x5d: {  	_ =	shalt  }
0x5e: {  	_ =	shalt  }
0x5f: {  	_ =	shalt  }
0x60: {  	_ =	shalt  }
0x61: {  	_ =	shalt  }
0x62: {  	_ =	shalt  }
0x63: {  	_ =	shalt  }
0x64: {  	_ =	shalt  }
0x65: {  	_ =	shalt  }
0x66: {  	_ =	shalt  }
0x67: {  	_ =	shalt  }
0x68: {  	_ =	shalt  }
0x69: {  	_ =	shalt  }
0x6a: {  	_ =	shalt  }
0x6b: {  	_ =	shalt  }
0x6c: {  	_ =	shalt  }
0x6d: {  	_ =	shalt  }
0x6e: {  	_ =	shalt  }
0x6f: {  	_ =	shalt  }
0x70: {  	_ =	shalt  }
0x71: {  	_ =	shalt  }
0x72: {  	_ =	shalt  }
0x73: {  	_ =	shalt  }
0x74: {  	_ =	shalt  }
0x75: {  	_ =	shalt  }
0x76: {  	_ =	shalt  }
0x77: {  	_ =	shalt  }
0x78: {  	_ =	shalt  }
0x79: {  	_ =	shalt  }
0x7a: {  	_ =	shalt  }
0x7b: {  	_ =	shalt  }
0x7c: {  	_ =	shalt  }
0x7d: {  	_ =	shalt  }
0x7e: {  	_ =	shalt  }
0x7f: {  	_ =	shalt  }
0x80: {  	_ =	shalt  }
0x81: {  	_ =	shalt  }
0x82: {  	_ =	shalt  }
0x83: {  	_ =	shalt  }
0x84: {  	_ =	shalt  }
0x85: {  	_ =	shalt  }
0x86: {  	_ =	shalt  }
0x87: {  	_ =	shalt  }
.Lfunc_end0:
.L_simem_size_0:
called_computation_lowered:
.L_overlay_start_0:
0x88: {  	s2 =	sld [smem:$0x3FD9]  }
0x89: {  	s3 =	sld [smem:$0x3FFE];
	_ =	sdelay $0x1  }
0x8a: {  	s1 =	srdreg.scid  }
0x8b: {  	s0 =	sand.u32 $0x1, s1  }
0x8c: {  	s14 =	sshll.u32 s0, $0xA;
	s2 =	sadd.s32 s3, s2  }
0x8d: {  	s2 =	sadd.s32 s2, s14  }
0x8e: {  	[smem:$0x3FAD] =	sst s2  }
0x8f: {  	_ = 	snop  }
0x90: {  	s2 =	sld [smem:$0x3FD0];
	_ =	sdelay $0x2  }
0x91: {  	s15 =	simm.s32 $0xA;
	s4 =	simm.s32 $0x10  }
0x92: {  	[smem:s4], [sflag:s15] =	dma.local [hbm:s2], $0x1  }
0x93: {  	_ =	swait.eq [sflag:s15], $0x1  }
0x94: {  	[sflag:s15] =	ssyncset.done $0x0  }
0x95: {  	[sflag:s15] =	ssyncadd.s32 $0xFFFFFFFF  }
0x96: {  	s16 =	sld [smem:$0x10];
	(tm) =	ssettm $0x1  }
0x97: {  	s17 =	sld [smem:$0x3FFB];
	_ =	sdelay $0x3  }
0x98: {  	_ =	strace s17  }
0x99: {  	s3 =	sld [smem:$0x3FFC];
	_ =	sdelay $0x3  }
0x9a: {  	_ =	strace s3  }
0x9b: {  	s3 =	sld [smem:$0x3FFD];
	_ =	sdelay $0x3  }
0x9c: {  	_ =	strace s3  }
0x9d: {  	_ =	strace $0x8FFFFFFF  }
0x9e: {  	s18 =	sld [smem:$0x3FDB];
	_ =	sdelay $0x1  }
0x9f: {  	s19 =	simm.s32 $_scs_section_size  }
0xa0: {  	s5 =	simm.s32 $_size__tile_overlayer_lowered;
	s6 =	simm.s32 $_tile_overlayer_lowered  }
0xa1: {  	s22 =	simm.s32 $0x1BFF;
	s21 =	sshll.u32 s6, $0x1;
	s3 =	sadd.s32 s19, s18  }
0xa2: {  	s7 =	simm.s32 $0x0;
	s20 =	sshll.u32 s5, $0x1;
	s5 =	sadd.s32 s21, s3  }
0xa3: {  	[timem:s7], [sflag:s22] =	dma.local [hbm:s5], s20  }
0xa4: {  	_ =	swait.ge [sflag:s22], s20  }
0xa5: {  	s4 =	ssub.s32 $0x0, s20;
	[sflag:s22] =	ssyncset.done $0x0  }
0xa6: {  	[sflag:s22] =	ssyncadd.s32 s4;
	_ =	sdelay $0x1  }
0xa7: {  	s23 =	simm.s32 $0x1B8B  }
0xa8: {  	_ =	swait.ge [sflag:s23], $0x1  }
0xa9: {  	[sflag:s23] =	ssyncset.done $0x0  }
0xaa: {  	s25 =	simm.s32 $0x1B8E;
	s24 =	sld [smem:$0x3FFE];
	[sflag:s23] =	ssyncadd.s32 $0xFFFFFFFF  }
0xab: {  	s26 =	simm.s32 $execute0_lowered;
	[smem:$0x3FD2] =	sst s25  }
0xac: {  	s5 =	sshll.u32 s26, $0x1;
	_ =	strace $0x80000046;
	[dreg:$0x1] =	wrdreg $0xFFFFFFFF  }
0xad: {  	s28 =	simm.s32 $_size_execute0_lowered;
	s3 =	sadd.s32 s3, s5;
	[dreg:$0x0] =	wrdreg $0x0  }
0xae: {  	s5 =	sshll.u32 s28, $0x1;
	[dreg:$0x2] =	wrdreg s3  }
0xaf: {  	[dreg:$0x3] =	wrdreg s5  }
0xb0: {  	[dreg:$0x4] =	wrdreg $0xC0  }
0xb1: {  	_ =	task [dreg:s7], $0x5FFFF  }
0xb2: {  	[dreg:$0x1] =	wrdreg $0xFFFFFFFF  }
0xb3: {  	[dreg:$0x0] =	wrdreg $0x60  }
0xb4: {  	[dreg:$0x2] =	wrdreg s24  }
0xb5: {  	[dreg:$0x3] =	wrdreg s16  }
0xb6: {  	[dreg:$0x4] =	wrdreg $0x9  }
0xb7: {  	_ =	task.clear_ibuf [dreg:s7], $0x5FFFF;
	_ =	strace $0x90000046  }
0xb8: {  	s29 =	simm.s32 $0x9;
	_ =	strace $0x80000048  }
0xb9: {  	_ =	swait.ge [sflag:s29], $0x1  }
0xba: {  	[sflag:s29] =	ssyncadd.s32 $0xFFFFFFFF  }
0xbb: {  	_ =	strace $0x90000048  }
0xbc: {  	_ =	sfence  }
0xbd: {  	s30 =	sld [smem:$0x0];
	_ =	sdelay $0x2  }
0xbe: {  	s31 =	sshll.u32 s1, $0xD;
	s1 =	sshrl.u32 s1, $0x2  }
0xbf: {  	s3 =	sand.u32 $0x4000, s31;
	s1 =	sadd.s32 s1, s30  }
0xc0: {  	s0 =	sor.u32 s3, s0;
	s1 =	sshll.u32 s1, $0x11  }
0xc1: {  	s0 =	sor.u32 s1, s0  }
0xc2: {  	s0 =	sadd.s32 $0x8F2B, s0  }
0xc3: {  	[sflag:s0] =	ssyncadd.remote.s32 $0x1  }
0xc4: {  	_ =	sfence.sel $0xFFFF  }
0xc5: {  	[dreg:$0x0] =	wrdreg $0xFFFFFFFF;
	(pc) =	sbr.abs _section_cstart, $3  }
0xc6: {  	[dreg:$0x1] =	wrdreg $0xFFFFFFFF  }
0xc7: {  	_ =	task.clear_ibuf [dreg:s7], $0x2FFFF;
	_ =	strace $0x9FFFFFFF  }
0xc8: {  	(tm) =	ssettm $0x7FFFFFFF  }
0xc9: {  	_ =	shalt  }
tec
execute0_lowered:
.L_overlay_start_1:
0x0: {  	(tag) =	ssettag $0x1  }
0x1: {  	s7 =	rddreg [dreg:$0x0]  }
0x2: {  	s2 =	rddreg [dreg:$0x1]  }
0x3: {  	s0 =	rddreg [dreg:$0x2]  }
0x4: {  	s4 =	srdreg.scid;
	s1 =	stileid.u32;
	s3 =	simm.s32 $0x0  }
0x5: {  	s12 =	simm.s32 $0x1;
	s13 =	simm.s32 $0x2780;
	s14 =	simm.s32 $0x4F00  }
0x6: {  	s15 =	simm.s32 $0x7680;
	s16 =	simm.s32 $0x9E00;
	s17 =	simm.s32 $0xC580  }
0x7: {  	s18 =	simm.s32 $0xED00;
	s6 =	sand.u32 $0x1, s4;
	s30 =	sshll.u32 s1, $0x1  }
0x8: {  	s19 =	simm.s32 $0x11480;
	s20 =	simm.s32 $0x0;
	s4 =	sor.u32 s6, s30  }
0x9: {  	[smem:$0x7FF] =	sst s3;
	s9 =	ssub.s32 $0x2, s6;
	s8 =	smul.u32 $0x4E2, s4  }
0xa: {  	s5 =	sadd.s32 $0x18A00, s7;
	_ =	strace $0x80000047;
	s31 =	sshrl.u32 s9, $0x1  }
0xb: {  	s6 =	sadd.s32 $0x18400, s7;
	s11 =	ssub.s32 s9, s31;
	s10 =	sadd.s32 s8, s7  }
0xc: {  	s4 =	sadd.s32 $0x19000, s7;
	s11 =	smax.u32 s11, $0x1;
	s7 =	sadd.s32 $0x4800, s10  }
0xd: {  	s8 =	sadd.s32 $0xE600, s10;
	s9 =	sadd.s32 $0x19C00, s10;
	s10 =	sadd.s32 $0x23A00, s10  }
.LBB2_1:
0xe: {  	[tilespmem:s3], [sflag:$0x1] =	stream.linear.gather [hbm4b:s7+s3], $0x2710, $0x38;
	[tilespmem:$0x13C00] =	vst v63  }
0xf: {  	_ =	swait.ge [sflag:s12], $0x2710  }
0x10: {  	[sflag:s12] =	ssyncset.done $0x0  }
0x11: {  	[sflag:s12] =	ssyncadd.s32 $0xFFFFD8F0  }
0x12: {  	[tilespmem:s13], [sflag:$0x1] =	stream.linear.gather [hbm4b:s8+s3], $0x2710, $0x38;
	[tilespmem:$0x13C00] =	vst v63  }
0x13: {  	_ =	swait.ge [sflag:s12], $0x2710  }
0x14: {  	[sflag:s12] =	ssyncset.done $0x0  }
0x15: {  	[sflag:s12] =	ssyncadd.s32 $0xFFFFD8F0  }
0x16: {  	[tilespmem:s14], [sflag:$0x1] =	stream.linear.gather [hbm4b:s2+s3], $0x2780, $0x38;
	[tilespmem:$0x13C00] =	vst v63  }
0x17: {  	_ =	swait.ge [sflag:s12], $0x2780  }
0x18: {  	[sflag:s12] =	ssyncset.done $0x0  }
0x19: {  	[sflag:s12] =	ssyncadd.s32 $0xFFFFD880  }
0x1a: {  	[tilespmem:s15], [sflag:$0x1] =	stream.linear.gather [hbm4b:s4+s3], $0x2780, $0x38;
	[tilespmem:$0x13C00] =	vst v63  }
0x1b: {  	_ =	swait.ge [sflag:s12], $0x2780  }
0x1c: {  	[sflag:s12] =	ssyncset.done $0x0  }
0x1d: {  	[sflag:s12] =	ssyncadd.s32 $0xFFFFD880  }
0x1e: {  	[tilespmem:s16], [sflag:$0x1] =	stream.linear.gather [hbm4b:s5+s3], $0x2780, $0x38;
	[tilespmem:$0x13C00] =	vst v63  }
0x1f: {  	_ =	swait.ge [sflag:s12], $0x2780  }
0x20: {  	[sflag:s12] =	ssyncset.done $0x0  }
0x21: {  	[sflag:s12] =	ssyncadd.s32 $0xFFFFD880  }
0x22: {  	[tilespmem:s17], [sflag:$0x1] =	stream.linear.gather [hbm4b:s6+s3], $0x2780, $0x38;
	[tilespmem:$0x13C00] =	vst v63  }
0x23: {  	_ =	swait.ge [sflag:s12], $0x2780  }
0x24: {  	[sflag:s12] =	ssyncset.done $0x0  }
0x25: {  	s23 =	simm.s32 $0x0;
	[sflag:s12] =	ssyncadd.s32 $0xFFFFD880  }
0x26: {  	v0 =	vld [tilespmem:s23+$0x0];
	_ =	sdelay $0x2  }
0x27: {  	v5 =	vld [tilespmem:s23+$0x2780];
	_ =	sdelay $0x4  }
0x28: {  	v1 =	vld.idx.msk [tilespmem:v0+s17+$0x0], $0xffff  }
0x29: {  	v2 =	vld.idx.msk [tilespmem:v0+s15+$0x0], $0xffff  }
0x2a: {  	v3 =	vld.idx.msk [tilespmem:v0+s16+$0x0], $0xffff  }
0x2b: {  	v6 =	vld.idx.msk [tilespmem:v5+s15+$0x0], $0xffff  }
0x2c: {  	v4 =	vld.idx.msk [tilespmem:v5+s16+$0x0], $0xffff  }
0x2d: {  	s22 =	simm.s32 $0x10;
	s24 =	simm.s32 $0xC0;
	s21 =	simm.s32 $0x20;
	v5 =	vld.idx.msk [tilespmem:v5+s17+$0x0], $0xffff  }
.LBB2_2:
0x2e: {  	p0 =	sne.s32 s24, $0x9C00;
	s25 =	smov.u32 s24;
	s24 =	sadd.s32 $0x40, s24  }
0x2f: {  	_ =	sdelay $0x1  }
0x30: {  	v2 =	vsub.f32 v6, v2  }
0x31: {  	v3 =	vsub.f32 v4, v3;
	v6 =	vld [tilespmem:s22+$0x0]  }
0x32: {  	v4 =	vld.idx.msk [tilespmem:v0+s14+$0x0], $0xffff;
	v0 =	vsub.f32 v5, v1;
	v1 =	vmul.f32 v2, v2  }
0x33: {  	v2 =	vmul.f32 v3, v3  }
0x34: {  	v3 =	vmul.f32 v0, v0  }
0x35: {  	v1 =	vadd.f32 v2, v1;
	v5 =	vld [tilespmem:s22+$0x2780]  }
0x36: {  	v0 =	vmov v6  }
0x37: {  	v1 =	vadd.f32 v3, v1  }
0x38: {  	[tilespmem:s23+$0xED00] =	vst v4  }
0x39: {  	[tilespmem:s23+$0x11480] =	vst v1;
	s23 =	smov.u32 s22;
	s22 =	smov.u32 s21  }
0x3a: {  	v1 =	vld.idx.msk [tilespmem:v6+s17+$0x0], $0xffff  }
.Ltmp0:
0x3b: {  	v2 =	vld.idx.msk [tilespmem:v6+s15+$0x0], $0xffff;
	(pc) =	sbr.rel @p0 .LBB2_2-.Ltmp0, $4  }
0x3c: {  	s21 =	sshra.s32 s25, $0x2;
	v3 =	vld.idx.msk [tilespmem:v6+s16+$0x0], $0xffff  }
0x3d: {  	v6 =	vld.idx.msk [tilespmem:v5+s15+$0x0], $0xffff  }
0x3e: {  	v4 =	vld.idx.msk [tilespmem:v5+s16+$0x0], $0xffff  }
0x3f: {  	v5 =	vld.idx.msk [tilespmem:v5+s17+$0x0], $0xffff  }
0x40: {  	_ =	sdelay $0x2  }
0x41: {  	v2 =	vsub.f32 v6, v2;
	v3 =	vsub.f32 v4, v3  }
0x42: {  	v51 =	vld [tilespmem:s22+$0x0]  }
0x43: {  	v0 =	vld.idx.msk [tilespmem:v0+s14+$0x0], $0xffff;
	v1 =	vsub.f32 v5, v1;
	v2 =	vmul.f32 v2, v2;
	v3 =	vmul.f32 v3, v3  }
0x44: {  	v52 =	vld [tilespmem:s22+$0x2780]  }
0x45: {  	v1 =	vmul.f32 v1, v1;
	v2 =	vadd.f32 v3, v2;
	_ =	sdelay $0x1  }
0x46: {  	v1 =	vadd.f32 v1, v2  }
0x47: {  	[tilespmem:s23+$0xED00] =	vst v0  }
0x48: {  	[tilespmem:s23+$0x11480] =	vst v1  }
0x49: {  	v0 =	vld.idx.msk [tilespmem:v51+s15+$0x0], $0xffff  }
0x4a: {  	v1 =	vld.idx.msk [tilespmem:v51+s16+$0x0], $0xffff  }
0x4b: {  	v53 =	vld.idx.msk [tilespmem:v52+s15+$0x0], $0xffff  }
0x4c: {  	v54 =	vld.idx.msk [tilespmem:v52+s16+$0x0], $0xffff  }
0x4d: {  	v55 =	vld.idx.msk [tilespmem:v51+s17+$0x0], $0xffff  }
0x4e: {  	v5 =	vld.idx.msk [tilespmem:v52+s17+$0x0], $0xffff;
	_ =	sdelay $0x2  }
0x4f: {  	v0 =	vsub.f32 v53, v0;
	v1 =	vsub.f32 v54, v1  }
0x50: {  	v56 =	vld [tilespmem:s21+$0x0]  }
0x51: {  	v57 =	vld.idx.msk [tilespmem:v51+s14+$0x0], $0xffff;
	v58 =	vsub.f32 v5, v55;
	v0 =	vmul.f32 v0, v0;
	v1 =	vmul.f32 v1, v1  }
0x52: {  	v59 =	vld [tilespmem:s21+$0x2780]  }
0x53: {  	v4 =	vmul.f32 v58, v58;
	v0 =	vadd.f32 v1, v0;
	_ =	sdelay $0x1  }
0x54: {  	v0 =	vadd.f32 v4, v0  }
0x55: {  	[tilespmem:s22+$0xED00] =	vst v57  }
0x56: {  	[tilespmem:s22+$0x11480] =	vst v0  }
0x57: {  	v0 =	vld.idx.msk [tilespmem:v56+s15+$0x0], $0xffff  }
0x58: {  	v60 =	vld.idx.msk [tilespmem:v56+s16+$0x0], $0xffff  }
0x59: {  	v3 =	vld.idx.msk [tilespmem:v59+s15+$0x0], $0xffff  }
0x5a: {  	v61 =	vld.idx.msk [tilespmem:v59+s16+$0x0], $0xffff  }
0x5b: {  	v62 =	vld.idx.msk [tilespmem:v56+s17+$0x0], $0xffff  }
0x5c: {  	v5 =	vld.idx.msk [tilespmem:v59+s17+$0x0], $0xffff;
	_ =	sdelay $0x2  }
0x5d: {  	v0 =	vsub.f32 v3, v0;
	v1 =	vsub.f32 v61, v60;
	_ =	sdelay $0x1  }
0x5e: {  	v2 =	vld.idx.msk [tilespmem:v56+s14+$0x0], $0xffff;
	v63 =	vsub.f32 v5, v62;
	v0 =	vmul.f32 v0, v0;
	v1 =	vmul.f32 v1, v1;
	_ =	sdelay $0x1  }
0x5f: {  	v3 =	vmul.f32 v63, v63;
	v0 =	vadd.f32 v1, v0;
	_ =	sdelay $0x1  }
0x60: {  	v0 =	vadd.f32 v3, v0  }
0x61: {  	[tilespmem:s21+$0xED00] =	vst v2  }
0x62: {  	[tilespmem:s21+$0x11480] =	vst v0  }
0x63: {  	[hbm4b:s9+s3] =	stream.linear.scatter [tilespmem:s18], [sflag:$0x1], $0x2710, $0x38;
	[tilespmem:$0x13C00] =	vst v63  }
0x64: {  	s20 =	sadd.s32 $0x1, s20;
	_ =	swait.ge [sflag:s12], $0x2710  }
0x65: {  	p0 =	sne.s32 s20, s11;
	[sflag:s12] =	ssyncset.done $0x0  }
.Ltmp1:
0x66: {  	[sflag:s12] =	ssyncadd.s32 $0xFFFFD8F0;
	(pc) =	sbr.rel @p0 .LBB2_1-.Ltmp1, $4  }
0x67: {  	[hbm4b:s10+s3] =	stream.linear.scatter [tilespmem:s19], [sflag:$0x1], $0x2710, $0x38;
	[tilespmem:$0x13C00] =	vst v63  }
0x68: {  	_ =	swait.ge [sflag:s12], $0x2710  }
0x69: {  	[sflag:s12] =	ssyncset.done $0x0  }
0x6a: {  	[sflag:s12] =	ssyncadd.s32 $0xFFFFD8F0  }
0x6b: {  	_ =	sfence.sel $0x180000  }
0x6c: {  	[bflag:$0x0] =	sbarrier.arrive $0xFFFF  }
0x6d: {  	p0 =	sne.s32 s1, $0x0;
	_ =	strace $0x90000047  }
0x6e: {  	s0 =	sadd.s32 @!p0 $0x100000, s0;
	[bflag:$0x2] =	sbarrier.arrive $0xFFFF  }
0x6f: {  	[sflag:s0] =	ssyncadd.tile.s32 @!p0 $0x1;
	_ =	shalt  }
.Lfunc_end2:
_tile_overlayer_lowered:
.L_overlay_start_2:
0x70: {  	(tag) =	ssettag $0x2  }
0x71: {  	s0 =	rddreg [dreg:$0x0];
	s2 =	stileid.u32  }
0x72: {  	s1 =	rddreg [dreg:$0x1];
	p0 =	sne.s32 s2, $0x0  }
0x73: {  	s3 =	rddreg [dreg:$0x2];
	[bflag:$0x3] =	sbarrier.arrive $0xFFFF;
	s2 =	simm.s32 @!p0 $0x1C01  }
0x74: {  	[timem:s3], [sflag:s2] =	dma.local @!p0 [hbm:s0], s1  }
0x75: {  	s0 =	simm.s32 @!p0 $0x1  }
0x76: {  	_ =	swait.ge @!p0 [sflag:s0], s1  }
0x77: {  	s1 =	ssub.s32 @!p0 $0x0, s1;
	[sflag:s0] =	ssyncset.done @!p0 $0x0  }
0x78: {  	[sflag:s0] =	ssyncadd.s32 @!p0 s1  }
0x79: {  	[bflag:$0x3] =	sbarrier.arrive $0xFFFF  }
0x7a: {  	_ =	shalt  }

</sc_bundles>
